<compile_context>
chip_gen: v7x
topology: tpu7x:2x2x1
jax: 0.10.2.dev20260603
libtpu: 0.0.44.dev20260713+nightly
codegen_flags: <defaults>
</compile_context>

<pallas_src>
import jax
import jax.numpy as jnp
from jax import lax
from jax.experimental import pallas as pl
from jax.experimental.pallas import tpu as pltpu
from jax.experimental.pallas import tpu_sc as plsc

NC = 2
NS = 16
NW = NC * NS
CHUNK = 80
NBUF = 4
NIDX = 8
F_SLOW = 0.50
DEG_W = 32


def _pad_rows(n):
    return ((n + NS * 8 - 1) // (NS * 8)) * (NS * 8)


def _splits(e):
    chunks = e // CHUNK
    assert chunks * CHUNK == e
    per_pair = chunks // NS
    assert per_pair * NS == chunks
    n1 = max(int(round(per_pair * F_SLOW)), 2)
    n0 = per_pair - n1
    return n0, n1


def _make_spmm(n_pad, e, d):
    rows_per_tile = n_pad // NS
    n0, n1 = _splits(e)

    mesh = plsc.VectorSubcoreMesh(core_axis_name="c", subcore_axis_name="s")
    out_type = [jax.ShapeDtypeStruct((NC, n_pad, d), jnp.float32)]
    scratch = [
        pltpu.VMEM_SHARED((n_pad, d), jnp.float32),
        pltpu.VMEM((NIDX, 2, CHUNK), jnp.int32),
        pltpu.VMEM((NBUF, CHUNK, d), jnp.float32),
        pltpu.SemaphoreType.DMA((NIDX,)),
        pltpu.SemaphoreType.DMA((NBUF,)),
        pltpu.SemaphoreType.DMA((NBUF,)),
    ]

    def body(x_hbm, ei_hbm, z_hbm, out_hbm, acc, idx_v, rows_v, xs, gs, cs):
        c = lax.axis_index("c")
        s = lax.axis_index("s")
        row0 = s * rows_per_tile
        nb = jnp.where(c == 0, n0, n1)
        chunk0 = jnp.where(c == 0, s * n0, NS * n0 + s * n1)
        pltpu.sync_copy(z_hbm, acc.at[pl.ds(row0, rows_per_tile)])
        plsc.subcore_barrier()

        def idx_load(chunk, slot):
            base = (chunk0 + jnp.minimum(chunk, nb - 1)) * CHUNK
            pltpu.make_async_copy(
                ei_hbm.at[:, pl.ds(base, CHUNK)], idx_v.at[slot],
                xs.at[slot]).start()

        def idx_wait(slot):
            pltpu.make_async_copy(
                ei_hbm.at[:, pl.ds(0, CHUNK)], idx_v.at[slot],
                xs.at[slot]).wait()

        def gather_start(slot8, buf):
            pltpu.make_async_copy(
                x_hbm.at[idx_v.at[slot8, 0]], rows_v.at[buf],
                gs.at[buf]).start()

        def gather_wait(buf):
            pltpu.make_async_copy(
                x_hbm.at[idx_v.at[0, 0]], rows_v.at[buf], gs.at[buf]).wait()

        def scatter_start(slot8, buf):
            pltpu.make_async_copy(
                rows_v.at[buf], acc.at[idx_v.at[slot8, 1]],
                cs.at[buf]).start(add=True)

        def scatter_wait(buf):
            pltpu.make_async_copy(
                rows_v.at[buf], acc.at[idx_v.at[0, 1]], cs.at[buf]).wait()

        for k in range(6):
            idx_load(k, k)
        idx_wait(0)
        gather_start(0, 0)
        idx_wait(1)
        gather_start(1, 1)
        for i in (0, 1):
            gather_wait(i)
            scatter_start(i, i)
            idx_load(i + 6, i + 6)
            idx_wait(i + 2)
            gather_start(i + 2, i + 2)

        def step(i, carry):
            b = lax.rem(i, NBUF)
            gather_wait(b)
            scatter_start(lax.rem(i, NIDX), b)
            scatter_wait(lax.rem(i + 2, NBUF))
            idx_load(i + 6, lax.rem(i + 6, NIDX))
            idx_wait(lax.rem(i + 2, NIDX))
            gather_start(lax.rem(i + 2, NIDX), lax.rem(i + 2, NBUF))
            return carry

        lax.fori_loop(2, nb, step, 0)
        scatter_wait(lax.rem(nb - 2, NBUF))
        scatter_wait(lax.rem(nb - 1, NBUF))
        gather_wait(lax.rem(nb, NBUF))
        gather_wait(lax.rem(nb + 1, NBUF))
        for k in range(2, 6):
            idx_wait(lax.rem(nb + k, NIDX))
        plsc.subcore_barrier()
        pltpu.sync_copy(acc.at[pl.ds(row0, rows_per_tile)],
                        out_hbm.at[c, pl.ds(row0, rows_per_tile)])

    return pl.kernel(body, out_type=out_type, mesh=mesh, scratch_types=scratch,
                     compiler_params=pltpu.CompilerParams(use_tc_tiling_on_sc=False))


def _make_deg(n_pad, e, d):
    rows_per_tile = n_pad // NS
    nb = e // (CHUNK * NW)
    assert nb * CHUNK * NW == e and nb >= 2

    mesh = plsc.VectorSubcoreMesh(core_axis_name="c", subcore_axis_name="s")
    out_type = [jax.ShapeDtypeStruct((NC, n_pad, DEG_W), jnp.float32)]
    scratch = [
        pltpu.VMEM_SHARED((n_pad, DEG_W), jnp.float32),
        pltpu.VMEM((NIDX, 2, CHUNK), jnp.int32),
        pltpu.VMEM((CHUNK, DEG_W), jnp.float32),
        pltpu.SemaphoreType.DMA((NIDX,)),
        pltpu.SemaphoreType.DMA((NBUF,)),
    ]

    def body(ei_hbm, z_hbm, ones_hbm, out_hbm, dacc, idx_v, ones_v, xs, cs):
        c = lax.axis_index("c")
        s = lax.axis_index("s")
        wid = s * NC + c
        row0 = s * rows_per_tile
        chunk0 = wid * nb
        pltpu.sync_copy(z_hbm, dacc.at[pl.ds(row0, rows_per_tile)])
        pltpu.sync_copy(ones_hbm, ones_v)
        plsc.subcore_barrier()

        def idx_load(chunk, slot):
            base = (chunk0 + jnp.minimum(chunk, nb - 1)) * CHUNK
            pltpu.make_async_copy(
                ei_hbm.at[:, pl.ds(base, CHUNK)], idx_v.at[slot],
                xs.at[slot]).start()

        def idx_wait(slot):
            pltpu.make_async_copy(
                ei_hbm.at[:, pl.ds(0, CHUNK)], idx_v.at[slot],
                xs.at[slot]).wait()

        def scatter_start(slot8, buf):
            pltpu.make_async_copy(
                ones_v, dacc.at[idx_v.at[slot8, 1]],
                cs.at[buf]).start(add=True)

        def scatter_wait(buf):
            pltpu.make_async_copy(
                ones_v, dacc.at[idx_v.at[0, 1]], cs.at[buf]).wait()

        for k in range(6):
            idx_load(k, k)
        for i in (0, 1):
            idx_wait(i)
            scatter_start(i, i)
            idx_load(i + 6, i + 6)

        def step(i, carry):
            idx_wait(lax.rem(i, NIDX))
            scatter_start(lax.rem(i, NIDX), lax.rem(i, NBUF))
            scatter_wait(lax.rem(i + 2, NBUF))
            idx_load(i + 6, lax.rem(i + 6, NIDX))
            return carry

        lax.fori_loop(2, nb, step, 0)
        scatter_wait(lax.rem(nb - 2, NBUF))
        scatter_wait(lax.rem(nb - 1, NBUF))
        for k in range(0, 6):
            idx_wait(lax.rem(nb + k, NIDX))
        plsc.subcore_barrier()
        pltpu.sync_copy(dacc.at[pl.ds(row0, rows_per_tile)],
                        out_hbm.at[c, pl.ds(row0, rows_per_tile)])

    return pl.kernel(body, out_type=out_type, mesh=mesh, scratch_types=scratch,
                     compiler_params=pltpu.CompilerParams(use_tc_tiling_on_sc=False))


def _tc_layer1(p, dacc, w, n_out, bn=1000):
    d = p.shape[2]
    h = w.shape[1]
    n = n_out

    def body(p_ref, d_ref, w_ref, o_ref):
        agg = p_ref[0] + p_ref[1]
        deg = d_ref[0, :, 0] + d_ref[1, :, 0]
        inv = 1.0 / jnp.maximum(deg, 1.0)
        aggn = agg * inv[:, None]
        o_ref[...] = jnp.maximum(
            jnp.dot(aggn, w_ref[...], preferred_element_type=jnp.float32), 0.0)

    return pl.pallas_call(
        body,
        grid=(n // bn,),
        in_specs=[
            pl.BlockSpec((NC, bn, d), lambda i: (0, i, 0)),
            pl.BlockSpec((NC, bn, DEG_W), lambda i: (0, i, 0)),
            pl.BlockSpec((d, h), lambda i: (0, 0)),
        ],
        out_specs=pl.BlockSpec((bn, h), lambda i: (i, 0)),
        out_shape=jax.ShapeDtypeStruct((n, h), jnp.float32),
    )(p, dacc, w)


def _tc_layer2(p, dacc, w1, wl, n_out, bn=1000):
    d = p.shape[2]
    h = w1.shape[1]
    n = n_out
    c_out = wl.shape[1]

    def body(p_ref, d_ref, w1_ref, wl_ref, o_ref):
        agg = p_ref[0] + p_ref[1]
        deg = d_ref[0, :, 0] + d_ref[1, :, 0]
        inv = 1.0 / jnp.maximum(deg, 1.0)
        aggn = agg * inv[:, None]
        hid = jnp.maximum(
            jnp.dot(aggn, w1_ref[...], preferred_element_type=jnp.float32), 0.0)
        o_ref[...] = jnp.dot(hid, wl_ref[...], preferred_element_type=jnp.float32)

    return pl.pallas_call(
        body,
        grid=(n // bn,),
        in_specs=[
            pl.BlockSpec((NC, bn, d), lambda i: (0, i, 0)),
            pl.BlockSpec((NC, bn, DEG_W), lambda i: (0, i, 0)),
            pl.BlockSpec((d, h), lambda i: (0, 0)),
            pl.BlockSpec((h, c_out), lambda i: (0, 0)),
        ],
        out_specs=pl.BlockSpec((bn, c_out), lambda i: (i, 0)),
        out_shape=jax.ShapeDtypeStruct((n, c_out), jnp.float32),
    )(p, dacc, w1, wl)


def kernel(X, edge_index, W0, W1, W_last):
    n, d = X.shape
    e = edge_index.shape[1]
    n_pad = _pad_rows(n)
    rows_per_tile = n_pad // NS

    z128 = jnp.zeros((rows_per_tile, d), jnp.float32)
    zdeg = jnp.zeros((rows_per_tile, DEG_W), jnp.float32)
    ones = jnp.ones((CHUNK, DEG_W), jnp.float32)

    spmm = _make_spmm(n_pad, e, d)
    degk = _make_deg(n_pad, e, d)

    (dacc,) = degk(edge_index, zdeg, ones)
    (p1,) = spmm(X, edge_index, z128)
    h1 = _tc_layer1(p1, dacc, W0, n)
    (p2,) = spmm(h1, edge_index, z128)
    out = _tc_layer2(p2, dacc, W1, W_last, n)
    return out

# --- scband reference (transcript-rebuilt; emitter-appended) ---
"""Pipeline reference for scband-auto-gnn-51410758533761 (READ-ONLY COPY).

The authoritative reference and input builder live on the scoring server;
editing this copy changes nothing except your own understanding.
"""

import jax, jax.numpy as jnp
import numpy as np

N = 10000
E = 320000
D = 128
H = 128
C = 40


def _xavier(key, fan_in, fan_out):
    a = float(np.sqrt(6.0 / (fan_in + fan_out)))
    return jax.random.uniform(key, (fan_in, fan_out), dtype=jnp.float32, minval=-a, maxval=a)


def setup_inputs(seed: int = 0) -> dict:
    key = jax.random.key(seed)
    k1, k2, k3, k4, k5 = jax.random.split(key, 5)
    X = jax.random.normal(k1, (N, D), dtype=jnp.float32)
    edge_index = jax.random.randint(k2, (2, E), 0, N, dtype=jnp.int32)
    # learned parameters (stored as [in, out]; torch Linear applies x @ W.T with W [out, in])
    W0 = _xavier(k3, D, H)          # self.W[0]
    W1 = _xavier(k4, H, H)          # self.W[1] (step_num - 2 = 1 extra layer)
    W_last = _xavier(k5, H, C)      # self.lastW
    return {"X": X, "edge_index": edge_index, "W0": W0, "W1": W1, "W_last": W_last}


def reference(X, edge_index, W0, W1, W_last):
    src = edge_index[0]
    dst = edge_index[1]
    # mean-aggregation sparse adjacency (agg='mean'), applied as spmm
    deg = jax.ops.segment_sum(jnp.ones((E,), dtype=jnp.float32), dst, num_segments=N)
    deg = jnp.maximum(deg, 1.0)

    def spmm(x):
        msg = jnp.take(x, src, axis=0)                      # gather
        agg = jax.ops.segment_sum(msg, dst, num_segments=N)  # scatter-add
        return agg / deg[:, None]

    # forward loop over self.W (step_num - 1 = 2 layers): spmm -> linear -> relu
    h = spmm(X)
    h = h @ W0
    h = jax.nn.relu(h)
    h = spmm(h)
    h = h @ W1
    h = jax.nn.relu(h)
    # final projection (no spmm before lastW, per forward())
    out = h @ W_last
    return out

if __name__ == "__main__":
    import jax
    _d = setup_inputs()
    print(jax.jit(kernel)(*tuple(_d.values())))

</pallas_src>

<mosaic_0001>
#map = affine_map<(d0, d1) -> (0, 0)>
#map1 = affine_map<(d0, d1) -> (0, 0, 0)>
module attributes {stable_mosaic.version = 14 : i64} {
  func.func @body(%arg0: i32, %arg1: i32, %arg2: memref<10000x128xf32, #tpu.memory_space<hbm>>, %arg3: memref<2x320000xi32, #tpu.memory_space<hbm>>, %arg4: memref<632x128xf32, #tpu.memory_space<hbm>>, %arg5: memref<2x10112x128xf32, #tpu.memory_space<hbm>>, %arg6: memref<10112x128xf32, #tpu.memory_space<vmem_shared>>, %arg7: memref<8x2x80xi32, #tpu.memory_space<vmem>>, %arg8: memref<4x80x128xf32, #tpu.memory_space<vmem>>, %arg9: memref<8x!tpu.dma_semaphore, #tpu.memory_space<semaphore_mem>>, %arg10: memref<4x!tpu.dma_semaphore, #tpu.memory_space<semaphore_mem>>, %arg11: memref<4x!tpu.dma_semaphore, #tpu.memory_space<semaphore_mem>>) attributes {dimension_semantics = [#tpu.dimension_semantics<core_parallel>, #tpu.dimension_semantics<subcore_parallel>], iteration_bounds = array<i64: 2, 16>, scalar_prefetch = 0 : i64, scratch_operands = 6 : i64, tpu.core_type = #tpu.core_type<sc_vector_subcore>, window_params = [{transform_indices = #map}, {transform_indices = #map}, {transform_indices = #map}, {transform_indices = #map1}]} {
    %mul3A = arith.constant 632 : i32
    %mul3A_0 = arith.muli %arg1, %mul3A : i32
    %eq3A = arith.constant 0 : i32
    %eq3A_1 = arith.cmpi eq, %arg0, %eq3A : i32
    %jit3A = arith.constant 125 : i32
    %jit3A_2 = arith.constant 125 : i32
    %select_n3A = arith.select %eq3A_1, %jit3A, %jit3A_2 : i32
    %eq3A_3 = arith.constant 0 : i32
    %eq3A_4 = arith.cmpi eq, %arg0, %eq3A_3 : i32
    %mul3A_5 = arith.constant 125 : i32
    %mul3A_6 = arith.muli %arg1, %mul3A_5 : i32
    %mul3A_7 = arith.constant 125 : i32
    %mul3A_8 = arith.muli %arg1, %mul3A_7 : i32
    %add3A = arith.constant 2000 : i32
    %add3A_9 = arith.addi %add3A, %mul3A_8 : i32
    %select_n3A_10 = arith.select %eq3A_4, %mul3A_6, %add3A_9 : i32
    "tpu.region"() ({
      %run_scoped3A = tpu.sem_alloc : memref<!tpu.dma_semaphore, #tpu.memory_space<semaphore_mem>>
      %dma_start3A_550 = arith.constant 0 : i32
      %dma_start3A_551 = tpu.memref_slice %arg6[%mul3A_0, %dma_start3A_550] : memref<10112x128xf32, #tpu.memory_space<vmem_shared>> -> memref<632x128xf32, #tpu.memory_space<vmem_shared>>
      tpu.enqueue_dma source(%arg4 : memref<632x128xf32, #tpu.memory_space<hbm>>) target(%dma_start3A_551 : memref<632x128xf32, #tpu.memory_space<vmem_shared>>) target_semaphore(%run_scoped3A : memref<!tpu.dma_semaphore, #tpu.memory_space<semaphore_mem>>)
      %dma_wait3A_552 = arith.constant 0 : i32
      %dma_wait3A_553 = tpu.memref_slice %arg6[%mul3A_0, %dma_wait3A_552] : memref<10112x128xf32, #tpu.memory_space<vmem_shared>> -> memref<632x128xf32, #tpu.memory_space<vmem_shared>>
      tpu.wait_dma2 semaphore(%run_scoped3A : memref<!tpu.dma_semaphore, #tpu.memory_space<semaphore_mem>>) src(%arg4 : memref<632x128xf32, #tpu.memory_space<hbm>>) dst(%dma_wait3A_553 : memref<632x128xf32, #tpu.memory_space<vmem_shared>>)
      tpu.yield
    }) : () -> ()
    %barrier3A = arith.constant 0 : index
    tpu.barrier barrier_id(%barrier3A)
    %sub3A = arith.constant 1 : i32
    %sub3A_11 = arith.subi %select_n3A, %sub3A : i32
    %min3A = arith.constant 0 : i32
    %min3A_12 = arith.minsi %min3A, %sub3A_11 : i32
    %add3A_13 = arith.addi %select_n3A_10, %min3A_12 : i32
    %mul3A_14 = arith.constant 80 : i32
    %mul3A_15 = arith.muli %add3A_13, %mul3A_14 : i32
    %dma_start3A = arith.constant 0 : i32
    %dma_start3A_16 = arith.constant 0 : i32
    %dma_start3A_17 = arith.constant 0 : i32
    %dma_start3A_18 = arith.constant 0 : i32
    %dma_start3A_19 = tpu.memref_slice %arg7[%dma_start3A, %dma_start3A_17, %dma_start3A_18] : memref<8x2x80xi32, #tpu.memory_space<vmem>> -> memref<1x2x80xi32, #tpu.memory_space<vmem>>
    %dma_start3A_20 = tpu.memref_squeeze %dma_start3A_19 : memref<1x2x80xi32, #tpu.memory_space<vmem>> -> memref<2x80xi32, #tpu.memory_space<vmem>>
    %dma_start3A_21 = arith.constant 0 : i32
    %dma_start3A_22 = tpu.memref_slice %arg3[%dma_start3A_21, %mul3A_15] : memref<2x320000xi32, #tpu.memory_space<hbm>> -> memref<2x80xi32, #tpu.memory_space<hbm>>
    %dma_start3A_23 = tpu.memref_slice %arg9[%dma_start3A_16] : memref<8x!tpu.dma_semaphore, #tpu.memory_space<semaphore_mem>> -> memref<1x!tpu.dma_semaphore, #tpu.memory_space<semaphore_mem>>
    %dma_start3A_24 = tpu.memref_squeeze %dma_start3A_23 : memref<1x!tpu.dma_semaphore, #tpu.memory_space<semaphore_mem>> -> memref<!tpu.dma_semaphore, #tpu.memory_space<semaphore_mem>>
    %dma_start3A_25 = arith.constant 0 : i32
    %dma_start3A_26 = arith.constant 0 : i32
    %dma_start3A_27 = tpu.memref_slice %arg7[%dma_start3A, %dma_start3A_25, %dma_start3A_26] : memref<8x2x80xi32, #tpu.memory_space<vmem>> -> memref<1x2x80xi32, #tpu.memory_space<vmem>>
    %dma_start3A_28 = tpu.memref_squeeze %dma_start3A_27 : memref<1x2x80xi32, #tpu.memory_space<vmem>> -> memref<2x80xi32, #tpu.memory_space<vmem>>
    %dma_start3A_29 = arith.constant 0 : i32
    %dma_start3A_30 = tpu.memref_slice %arg3[%dma_start3A_29, %mul3A_15] : memref<2x320000xi32, #tpu.memory_space<hbm>> -> memref<2x80xi32, #tpu.memory_space<hbm>>
    tpu.enqueue_dma source(%dma_start3A_30 : memref<2x80xi32, #tpu.memory_space<hbm>>) target(%dma_start3A_28 : memref<2x80xi32, #tpu.memory_space<vmem>>) target_semaphore(%dma_start3A_24 : memref<!tpu.dma_semaphore, #tpu.memory_space<semaphore_mem>>)
    %sub3A_31 = arith.constant 1 : i32
    %sub3A_32 = arith.subi %select_n3A, %sub3A_31 : i32
    %min3A_33 = arith.constant 1 : i32
    %min3A_34 = arith.minsi %min3A_33, %sub3A_32 : i32
    %add3A_35 = arith.addi %select_n3A_10, %min3A_34 : i32
    %mul3A_36 = arith.constant 80 : i32
    %mul3A_37 = arith.muli %add3A_35, %mul3A_36 : i32
    %dma_start3A_38 = arith.constant 1 : i32
    %dma_start3A_39 = arith.constant 1 : i32
    %dma_start3A_40 = arith.constant 0 : i32
    %dma_start3A_41 = arith.constant 0 : i32
    %dma_start3A_42 = tpu.memref_slice %arg7[%dma_start3A_38, %dma_start3A_40, %dma_start3A_41] : memref<8x2x80xi32, #tpu.memory_space<vmem>> -> memref<1x2x80xi32, #tpu.memory_space<vmem>>
    %dma_start3A_43 = tpu.memref_squeeze %dma_start3A_42 : memref<1x2x80xi32, #tpu.memory_space<vmem>> -> memref<2x80xi32, #tpu.memory_space<vmem>>
    %dma_start3A_44 = arith.constant 0 : i32
    %dma_start3A_45 = tpu.memref_slice %arg3[%dma_start3A_44, %mul3A_37] : memref<2x320000xi32, #tpu.memory_space<hbm>> -> memref<2x80xi32, #tpu.memory_space<hbm>>
    %dma_start3A_46 = tpu.memref_slice %arg9[%dma_start3A_39] : memref<8x!tpu.dma_semaphore, #tpu.memory_space<semaphore_mem>> -> memref<1x!tpu.dma_semaphore, #tpu.memory_space<semaphore_mem>>
    %dma_start3A_47 = tpu.memref_squeeze %dma_start3A_46 : memref<1x!tpu.dma_semaphore, #tpu.memory_space<semaphore_mem>> -> memref<!tpu.dma_semaphore, #tpu.memory_space<semaphore_mem>>
    %dma_start3A_48 = arith.constant 0 : i32
    %dma_start3A_49 = arith.constant 0 : i32
    %dma_start3A_50 = tpu.memref_slice %arg7[%dma_start3A_38, %dma_start3A_48, %dma_start3A_49] : memref<8x2x80xi32, #tpu.memory_space<vmem>> -> memref<1x2x80xi32, #tpu.memory_space<vmem>>
    %dma_start3A_51 = tpu.memref_squeeze %dma_start3A_50 : memref<1x2x80xi32, #tpu.memory_space<vmem>> -> memref<2x80xi32, #tpu.memory_space<vmem>>
    %dma_start3A_52 = arith.constant 0 : i32
    %dma_start3A_53 = tpu.memref_slice %arg3[%dma_start3A_52, %mul3A_37] : memref<2x320000xi32, #tpu.memory_space<hbm>> -> memref<2x80xi32, #tpu.memory_space<hbm>>
    tpu.enqueue_dma source(%dma_start3A_53 : memref<2x80xi32, #tpu.memory_space<hbm>>) target(%dma_start3A_51 : memref<2x80xi32, #tpu.memory_space<vmem>>) target_semaphore(%dma_start3A_47 : memref<!tpu.dma_semaphore, #tpu.memory_space<semaphore_mem>>)
    %sub3A_54 = arith.constant 1 : i32
    %sub3A_55 = arith.subi %select_n3A, %sub3A_54 : i32
    %min3A_56 = arith.constant 2 : i32
    %min3A_57 = arith.minsi %min3A_56, %sub3A_55 : i32
    %add3A_58 = arith.addi %select_n3A_10, %min3A_57 : i32
    %mul3A_59 = arith.constant 80 : i32
    %mul3A_60 = arith.muli %add3A_58, %mul3A_59 : i32
    %dma_start3A_61 = arith.constant 2 : i32
    %dma_start3A_62 = arith.constant 2 : i32
    %dma_start3A_63 = arith.constant 0 : i32
    %dma_start3A_64 = arith.constant 0 : i32
    %dma_start3A_65 = tpu.memref_slice %arg7[%dma_start3A_61, %dma_start3A_63, %dma_start3A_64] : memref<8x2x80xi32, #tpu.memory_space<vmem>> -> memref<1x2x80xi32, #tpu.memory_space<vmem>>
    %dma_start3A_66 = tpu.memref_squeeze %dma_start3A_65 : memref<1x2x80xi32, #tpu.memory_space<vmem>> -> memref<2x80xi32, #tpu.memory_space<vmem>>
    %dma_start3A_67 = arith.constant 0 : i32
    %dma_start3A_68 = tpu.memref_slice %arg3[%dma_start3A_67, %mul3A_60] : memref<2x320000xi32, #tpu.memory_space<hbm>> -> memref<2x80xi32, #tpu.memory_space<hbm>>
    %dma_start3A_69 = tpu.memref_slice %arg9[%dma_start3A_62] : memref<8x!tpu.dma_semaphore, #tpu.memory_space<semaphore_mem>> -> memref<1x!tpu.dma_semaphore, #tpu.memory_space<semaphore_mem>>
    %dma_start3A_70 = tpu.memref_squeeze %dma_start3A_69 : memref<1x!tpu.dma_semaphore, #tpu.memory_space<semaphore_mem>> -> memref<!tpu.dma_semaphore, #tpu.memory_space<semaphore_mem>>
    %dma_start3A_71 = arith.constant 0 : i32
    %dma_start3A_72 = arith.constant 0 : i32
    %dma_start3A_73 = tpu.memref_slice %arg7[%dma_start3A_61, %dma_start3A_71, %dma_start3A_72] : memref<8x2x80xi32, #tpu.memory_space<vmem>> -> memref<1x2x80xi32, #tpu.memory_space<vmem>>
    %dma_start3A_74 = tpu.memref_squeeze %dma_start3A_73 : memref<1x2x80xi32, #tpu.memory_space<vmem>> -> memref<2x80xi32, #tpu.memory_space<vmem>>
    %dma_start3A_75 = arith.constant 0 : i32
    %dma_start3A_76 = tpu.memref_slice %arg3[%dma_start3A_75, %mul3A_60] : memref<2x320000xi32, #tpu.memory_space<hbm>> -> memref<2x80xi32, #tpu.memory_space<hbm>>
    tpu.enqueue_dma source(%dma_start3A_76 : memref<2x80xi32, #tpu.memory_space<hbm>>) target(%dma_start3A_74 : memref<2x80xi32, #tpu.memory_space<vmem>>) target_semaphore(%dma_start3A_70 : memref<!tpu.dma_semaphore, #tpu.memory_space<semaphore_mem>>)
    %sub3A_77 = arith.constant 1 : i32
    %sub3A_78 = arith.subi %select_n3A, %sub3A_77 : i32
    %min3A_79 = arith.constant 3 : i32
    %min3A_80 = arith.minsi %min3A_79, %sub3A_78 : i32
    %add3A_81 = arith.addi %select_n3A_10, %min3A_80 : i32
    %mul3A_82 = arith.constant 80 : i32
    %mul3A_83 = arith.muli %add3A_81, %mul3A_82 : i32
    %dma_start3A_84 = arith.constant 3 : i32
    %dma_start3A_85 = arith.constant 3 : i32
    %dma_start3A_86 = arith.constant 0 : i32
    %dma_start3A_87 = arith.constant 0 : i32
    %dma_start3A_88 = tpu.memref_slice %arg7[%dma_start3A_84, %dma_start3A_86, %dma_start3A_87] : memref<8x2x80xi32, #tpu.memory_space<vmem>> -> memref<1x2x80xi32, #tpu.memory_space<vmem>>
    %dma_start3A_89 = tpu.memref_squeeze %dma_start3A_88 : memref<1x2x80xi32, #tpu.memory_space<vmem>> -> memref<2x80xi32, #tpu.memory_space<vmem>>
    %dma_start3A_90 = arith.constant 0 : i32
    %dma_start3A_91 = tpu.memref_slice %arg3[%dma_start3A_90, %mul3A_83] : memref<2x320000xi32, #tpu.memory_space<hbm>> -> memref<2x80xi32, #tpu.memory_space<hbm>>
    %dma_start3A_92 = tpu.memref_slice %arg9[%dma_start3A_85] : memref<8x!tpu.dma_semaphore, #tpu.memory_space<semaphore_mem>> -> memref<1x!tpu.dma_semaphore, #tpu.memory_space<semaphore_mem>>
    %dma_start3A_93 = tpu.memref_squeeze %dma_start3A_92 : memref<1x!tpu.dma_semaphore, #tpu.memory_space<semaphore_mem>> -> memref<!tpu.dma_semaphore, #tpu.memory_space<semaphore_mem>>
    %dma_start3A_94 = arith.constant 0 : i32
    %dma_start3A_95 = arith.constant 0 : i32
    %dma_start3A_96 = tpu.memref_slice %arg7[%dma_start3A_84, %dma_start3A_94, %dma_start3A_95] : memref<8x2x80xi32, #tpu.memory_space<vmem>> -> memref<1x2x80xi32, #tpu.memory_space<vmem>>
    %dma_start3A_97 = tpu.memref_squeeze %dma_start3A_96 : memref<1x2x80xi32, #tpu.memory_space<vmem>> -> memref<2x80xi32, #tpu.memory_space<vmem>>
    %dma_start3A_98 = arith.constant 0 : i32
    %dma_start3A_99 = tpu.memref_slice %arg3[%dma_start3A_98, %mul3A_83] : memref<2x320000xi32, #tpu.memory_space<hbm>> -> memref<2x80xi32, #tpu.memory_space<hbm>>
    tpu.enqueue_dma source(%dma_start3A_99 : memref<2x80xi32, #tpu.memory_space<hbm>>) target(%dma_start3A_97 : memref<2x80xi32, #tpu.memory_space<vmem>>) target_semaphore(%dma_start3A_93 : memref<!tpu.dma_semaphore, #tpu.memory_space<semaphore_mem>>)
    %sub3A_100 = arith.constant 1 : i32
    %sub3A_101 = arith.subi %select_n3A, %sub3A_100 : i32
    %min3A_102 = arith.constant 4 : i32
    %min3A_103 = arith.minsi %min3A_102, %sub3A_101 : i32
    %add3A_104 = arith.addi %select_n3A_10, %min3A_103 : i32
    %mul3A_105 = arith.constant 80 : i32
    %mul3A_106 = arith.muli %add3A_104, %mul3A_105 : i32
    %dma_start3A_107 = arith.constant 4 : i32
    %dma_start3A_108 = arith.constant 4 : i32
    %dma_start3A_109 = arith.constant 0 : i32
    %dma_start3A_110 = arith.constant 0 : i32
    %dma_start3A_111 = tpu.memref_slice %arg7[%dma_start3A_107, %dma_start3A_109, %dma_start3A_110] : memref<8x2x80xi32, #tpu.memory_space<vmem>> -> memref<1x2x80xi32, #tpu.memory_space<vmem>>
    %dma_start3A_112 = tpu.memref_squeeze %dma_start3A_111 : memref<1x2x80xi32, #tpu.memory_space<vmem>> -> memref<2x80xi32, #tpu.memory_space<vmem>>
    %dma_start3A_113 = arith.constant 0 : i32
    %dma_start3A_114 = tpu.memref_slice %arg3[%dma_start3A_113, %mul3A_106] : memref<2x320000xi32, #tpu.memory_space<hbm>> -> memref<2x80xi32, #tpu.memory_space<hbm>>
    %dma_start3A_115 = tpu.memref_slice %arg9[%dma_start3A_108] : memref<8x!tpu.dma_semaphore, #tpu.memory_space<semaphore_mem>> -> memref<1x!tpu.dma_semaphore, #tpu.memory_space<semaphore_mem>>
    %dma_start3A_116 = tpu.memref_squeeze %dma_start3A_115 : memref<1x!tpu.dma_semaphore, #tpu.memory_space<semaphore_mem>> -> memref<!tpu.dma_semaphore, #tpu.memory_space<semaphore_mem>>
    %dma_start3A_117 = arith.constant 0 : i32
    %dma_start3A_118 = arith.constant 0 : i32
    %dma_start3A_119 = tpu.memref_slice %arg7[%dma_start3A_107, %dma_start3A_117, %dma_start3A_118] : memref<8x2x80xi32, #tpu.memory_space<vmem>> -> memref<1x2x80xi32, #tpu.memory_space<vmem>>
    %dma_start3A_120 = tpu.memref_squeeze %dma_start3A_119 : memref<1x2x80xi32, #tpu.memory_space<vmem>> -> memref<2x80xi32, #tpu.memory_space<vmem>>
    %dma_start3A_121 = arith.constant 0 : i32
    %dma_start3A_122 = tpu.memref_slice %arg3[%dma_start3A_121, %mul3A_106] : memref<2x320000xi32, #tpu.memory_space<hbm>> -> memref<2x80xi32, #tpu.memory_space<hbm>>
    tpu.enqueue_dma source(%dma_start3A_122 : memref<2x80xi32, #tpu.memory_space<hbm>>) target(%dma_start3A_120 : memref<2x80xi32, #tpu.memory_space<vmem>>) target_semaphore(%dma_start3A_116 : memref<!tpu.dma_semaphore, #tpu.memory_space<semaphore_mem>>)
    %sub3A_123 = arith.constant 1 : i32
    %sub3A_124 = arith.subi %select_n3A, %sub3A_123 : i32
    %min3A_125 = arith.constant 5 : i32
    %min3A_126 = arith.minsi %min3A_125, %sub3A_124 : i32
    %add3A_127 = arith.addi %select_n3A_10, %min3A_126 : i32
    %mul3A_128 = arith.constant 80 : i32
    %mul3A_129 = arith.muli %add3A_127, %mul3A_128 : i32
    %dma_start3A_130 = arith.constant 5 : i32
    %dma_start3A_131 = arith.constant 5 : i32
    %dma_start3A_132 = arith.constant 0 : i32
    %dma_start3A_133 = arith.constant 0 : i32
    %dma_start3A_134 = tpu.memref_slice %arg7[%dma_start3A_130, %dma_start3A_132, %dma_start3A_133] : memref<8x2x80xi32, #tpu.memory_space<vmem>> -> memref<1x2x80xi32, #tpu.memory_space<vmem>>
    %dma_start3A_135 = tpu.memref_squeeze %dma_start3A_134 : memref<1x2x80xi32, #tpu.memory_space<vmem>> -> memref<2x80xi32, #tpu.memory_space<vmem>>
    %dma_start3A_136 = arith.constant 0 : i32
    %dma_start3A_137 = tpu.memref_slice %arg3[%dma_start3A_136, %mul3A_129] : memref<2x320000xi32, #tpu.memory_space<hbm>> -> memref<2x80xi32, #tpu.memory_space<hbm>>
    %dma_start3A_138 = tpu.memref_slice %arg9[%dma_start3A_131] : memref<8x!tpu.dma_semaphore, #tpu.memory_space<semaphore_mem>> -> memref<1x!tpu.dma_semaphore, #tpu.memory_space<semaphore_mem>>
    %dma_start3A_139 = tpu.memref_squeeze %dma_start3A_138 : memref<1x!tpu.dma_semaphore, #tpu.memory_space<semaphore_mem>> -> memref<!tpu.dma_semaphore, #tpu.memory_space<semaphore_mem>>
    %dma_start3A_140 = arith.constant 0 : i32
    %dma_start3A_141 = arith.constant 0 : i32
    %dma_start3A_142 = tpu.memref_slice %arg7[%dma_start3A_130, %dma_start3A_140, %dma_start3A_141] : memref<8x2x80xi32, #tpu.memory_space<vmem>> -> memref<1x2x80xi32, #tpu.memory_space<vmem>>
    %dma_start3A_143 = tpu.memref_squeeze %dma_start3A_142 : memref<1x2x80xi32, #tpu.memory_space<vmem>> -> memref<2x80xi32, #tpu.memory_space<vmem>>
    %dma_start3A_144 = arith.constant 0 : i32
    %dma_start3A_145 = tpu.memref_slice %arg3[%dma_start3A_144, %mul3A_129] : memref<2x320000xi32, #tpu.memory_space<hbm>> -> memref<2x80xi32, #tpu.memory_space<hbm>>
    tpu.enqueue_dma source(%dma_start3A_145 : memref<2x80xi32, #tpu.memory_space<hbm>>) target(%dma_start3A_143 : memref<2x80xi32, #tpu.memory_space<vmem>>) target_semaphore(%dma_start3A_139 : memref<!tpu.dma_semaphore, #tpu.memory_space<semaphore_mem>>)
    %dma_wait3A = arith.constant 0 : i32
    %dma_wait3A_146 = arith.constant 0 : i32
    %dma_wait3A_147 = arith.constant 0 : i32
    %dma_wait3A_148 = arith.constant 0 : i32
    %dma_wait3A_149 = tpu.memref_slice %arg7[%dma_wait3A, %dma_wait3A_147, %dma_wait3A_148] : memref<8x2x80xi32, #tpu.memory_space<vmem>> -> memref<1x2x80xi32, #tpu.memory_space<vmem>>
    %dma_wait3A_150 = tpu.memref_squeeze %dma_wait3A_149 : memref<1x2x80xi32, #tpu.memory_space<vmem>> -> memref<2x80xi32, #tpu.memory_space<vmem>>
    %dma_wait3A_151 = arith.constant 0 : i32
    %dma_wait3A_152 = arith.constant 0 : i32
    %dma_wait3A_153 = tpu.memref_slice %arg3[%dma_wait3A_151, %dma_wait3A_152] : memref<2x320000xi32, #tpu.memory_space<hbm>> -> memref<2x80xi32, #tpu.memory_space<hbm>>
    %dma_wait3A_154 = tpu.memref_slice %arg9[%dma_wait3A_146] : memref<8x!tpu.dma_semaphore, #tpu.memory_space<semaphore_mem>> -> memref<1x!tpu.dma_semaphore, #tpu.memory_space<semaphore_mem>>
    %dma_wait3A_155 = tpu.memref_squeeze %dma_wait3A_154 : memref<1x!tpu.dma_semaphore, #tpu.memory_space<semaphore_mem>> -> memref<!tpu.dma_semaphore, #tpu.memory_space<semaphore_mem>>
    %dma_wait3A_156 = arith.constant 0 : i32
    %dma_wait3A_157 = arith.constant 0 : i32
    %dma_wait3A_158 = tpu.memref_slice %arg7[%dma_wait3A, %dma_wait3A_156, %dma_wait3A_157] : memref<8x2x80xi32, #tpu.memory_space<vmem>> -> memref<1x2x80xi32, #tpu.memory_space<vmem>>
    %dma_wait3A_159 = tpu.memref_squeeze %dma_wait3A_158 : memref<1x2x80xi32, #tpu.memory_space<vmem>> -> memref<2x80xi32, #tpu.memory_space<vmem>>
    %dma_wait3A_160 = arith.constant 0 : i32
    %dma_wait3A_161 = arith.constant 0 : i32
    %dma_wait3A_162 = tpu.memref_slice %arg3[%dma_wait3A_160, %dma_wait3A_161] : memref<2x320000xi32, #tpu.memory_space<hbm>> -> memref<2x80xi32, #tpu.memory_space<hbm>>
    tpu.wait_dma2 semaphore(%dma_wait3A_155 : memref<!tpu.dma_semaphore, #tpu.memory_space<semaphore_mem>>) src(%dma_wait3A_162 : memref<2x80xi32, #tpu.memory_space<hbm>>) dst(%dma_wait3A_159 : memref<2x80xi32, #tpu.memory_space<vmem>>)
    %dma_start3A_163 = arith.constant 0 : i32
    %dma_start3A_164 = arith.constant 0 : i32
    %dma_start3A_165 = arith.constant 0 : i32
    %dma_start3A_166 = arith.constant 0 : i32
    %dma_start3A_167 = arith.constant 0 : i32
    %dma_start3A_168 = arith.constant 0 : i32
    %dma_start3A_169 = tpu.memref_slice %arg8[%dma_start3A_165, %dma_start3A_167, %dma_start3A_168] : memref<4x80x128xf32, #tpu.memory_space<vmem>> -> memref<1x80x128xf32, #tpu.memory_space<vmem>>
    %dma_start3A_170 = tpu.memref_squeeze %dma_start3A_169 : memref<1x80x128xf32, #tpu.memory_space<vmem>> -> memref<80x128xf32, #tpu.memory_space<vmem>>
    %dma_start3A_171 = arith.constant 0 : i32
    %dma_start3A_172 = tpu.memref_slice %arg7[%dma_start3A_163, %dma_start3A_164, %dma_start3A_171] : memref<8x2x80xi32, #tpu.memory_space<vmem>> -> memref<1x1x80xi32, #tpu.memory_space<vmem>>
    %dma_start3A_173 = tpu.memref_squeeze %dma_start3A_172 : memref<1x1x80xi32, #tpu.memory_space<vmem>> -> memref<80xi32, #tpu.memory_space<vmem>>
    %dma_start3A_174 = arith.constant 0 : i32
    %dma_start3A_175 = arith.constant 0 : i32
    %dma_start3A_176 = tpu.memref_slice %arg2[%dma_start3A_174, %dma_start3A_175] : memref<10000x128xf32, #tpu.memory_space<hbm>> -> memref<10000x128xf32, #tpu.memory_space<hbm>>
    %dma_start3A_177 = tpu.memref_slice %arg10[%dma_start3A_166] : memref<4x!tpu.dma_semaphore, #tpu.memory_space<semaphore_mem>> -> memref<1x!tpu.dma_semaphore, #tpu.memory_space<semaphore_mem>>
    %dma_start3A_178 = tpu.memref_squeeze %dma_start3A_177 : memref<1x!tpu.dma_semaphore, #tpu.memory_space<semaphore_mem>> -> memref<!tpu.dma_semaphore, #tpu.memory_space<semaphore_mem>>
    tpu.enqueue_indirect_dma source(%dma_start3A_176 : memref<10000x128xf32, #tpu.memory_space<hbm>>) target(%dma_start3A_170 : memref<80x128xf32, #tpu.memory_space<vmem>>) offsets(%dma_start3A_173 : memref<80xi32, #tpu.memory_space<vmem>>) semaphore(%dma_start3A_178 : memref<!tpu.dma_semaphore, #tpu.memory_space<semaphore_mem>>)
    %dma_wait3A_179 = arith.constant 1 : i32
    %dma_wait3A_180 = arith.constant 1 : i32
    %dma_wait3A_181 = arith.constant 0 : i32
    %dma_wait3A_182 = arith.constant 0 : i32
    %dma_wait3A_183 = tpu.memref_slice %arg7[%dma_wait3A_179, %dma_wait3A_181, %dma_wait3A_182] : memref<8x2x80xi32, #tpu.memory_space<vmem>> -> memref<1x2x80xi32, #tpu.memory_space<vmem>>
    %dma_wait3A_184 = tpu.memref_squeeze %dma_wait3A_183 : memref<1x2x80xi32, #tpu.memory_space<vmem>> -> memref<2x80xi32, #tpu.memory_space<vmem>>
    %dma_wait3A_185 = arith.constant 0 : i32
    %dma_wait3A_186 = arith.constant 0 : i32
    %dma_wait3A_187 = tpu.memref_slice %arg3[%dma_wait3A_185, %dma_wait3A_186] : memref<2x320000xi32, #tpu.memory_space<hbm>> -> memref<2x80xi32, #tpu.memory_space<hbm>>
    %dma_wait3A_188 = tpu.memref_slice %arg9[%dma_wait3A_180] : memref<8x!tpu.dma_semaphore, #tpu.memory_space<semaphore_mem>> -> memref<1x!tpu.dma_semaphore, #tpu.memory_space<semaphore_mem>>
    %dma_wait3A_189 = tpu.memref_squeeze %dma_wait3A_188 : memref<1x!tpu.dma_semaphore, #tpu.memory_space<semaphore_mem>> -> memref<!tpu.dma_semaphore, #tpu.memory_space<semaphore_mem>>
    %dma_wait3A_190 = arith.constant 0 : i32
    %dma_wait3A_191 = arith.constant 0 : i32
    %dma_wait3A_192 = tpu.memref_slice %arg7[%dma_wait3A_179, %dma_wait3A_190, %dma_wait3A_191] : memref<8x2x80xi32, #tpu.memory_space<vmem>> -> memref<1x2x80xi32, #tpu.memory_space<vmem>>
    %dma_wait3A_193 = tpu.memref_squeeze %dma_wait3A_192 : memref<1x2x80xi32, #tpu.memory_space<vmem>> -> memref<2x80xi32, #tpu.memory_space<vmem>>
    %dma_wait3A_194 = arith.constant 0 : i32
    %dma_wait3A_195 = arith.constant 0 : i32
    %dma_wait3A_196 = tpu.memref_slice %arg3[%dma_wait3A_194, %dma_wait3A_195] : memref<2x320000xi32, #tpu.memory_space<hbm>> -> memref<2x80xi32, #tpu.memory_space<hbm>>
    tpu.wait_dma2 semaphore(%dma_wait3A_189 : memref<!tpu.dma_semaphore, #tpu.memory_space<semaphore_mem>>) src(%dma_wait3A_196 : memref<2x80xi32, #tpu.memory_space<hbm>>) dst(%dma_wait3A_193 : memref<2x80xi32, #tpu.memory_space<vmem>>)
    %dma_start3A_197 = arith.constant 1 : i32
    %dma_start3A_198 = arith.constant 0 : i32
    %dma_start3A_199 = arith.constant 1 : i32
    %dma_start3A_200 = arith.constant 1 : i32
    %dma_start3A_201 = arith.constant 0 : i32
    %dma_start3A_202 = arith.constant 0 : i32
    %dma_start3A_203 = tpu.memref_slice %arg8[%dma_start3A_199, %dma_start3A_201, %dma_start3A_202] : memref<4x80x128xf32, #tpu.memory_space<vmem>> -> memref<1x80x128xf32, #tpu.memory_space<vmem>>
    %dma_start3A_204 = tpu.memref_squeeze %dma_start3A_203 : memref<1x80x128xf32, #tpu.memory_space<vmem>> -> memref<80x128xf32, #tpu.memory_space<vmem>>
    %dma_start3A_205 = arith.constant 0 : i32
    %dma_start3A_206 = tpu.memref_slice %arg7[%dma_start3A_197, %dma_start3A_198, %dma_start3A_205] : memref<8x2x80xi32, #tpu.memory_space<vmem>> -> memref<1x1x80xi32, #tpu.memory_space<vmem>>
    %dma_start3A_207 = tpu.memref_squeeze %dma_start3A_206 : memref<1x1x80xi32, #tpu.memory_space<vmem>> -> memref<80xi32, #tpu.memory_space<vmem>>
    %dma_start3A_208 = arith.constant 0 : i32
    %dma_start3A_209 = arith.constant 0 : i32
    %dma_start3A_210 = tpu.memref_slice %arg2[%dma_start3A_208, %dma_start3A_209] : memref<10000x128xf32, #tpu.memory_space<hbm>> -> memref<10000x128xf32, #tpu.memory_space<hbm>>
    %dma_start3A_211 = tpu.memref_slice %arg10[%dma_start3A_200] : memref<4x!tpu.dma_semaphore, #tpu.memory_space<semaphore_mem>> -> memref<1x!tpu.dma_semaphore, #tpu.memory_space<semaphore_mem>>
    %dma_start3A_212 = tpu.memref_squeeze %dma_start3A_211 : memref<1x!tpu.dma_semaphore, #tpu.memory_space<semaphore_mem>> -> memref<!tpu.dma_semaphore, #tpu.memory_space<semaphore_mem>>
    tpu.enqueue_indirect_dma source(%dma_start3A_210 : memref<10000x128xf32, #tpu.memory_space<hbm>>) target(%dma_start3A_204 : memref<80x128xf32, #tpu.memory_space<vmem>>) offsets(%dma_start3A_207 : memref<80xi32, #tpu.memory_space<vmem>>) semaphore(%dma_start3A_212 : memref<!tpu.dma_semaphore, #tpu.memory_space<semaphore_mem>>)
    %dma_wait3A_213 = arith.constant 0 : i32
    %dma_wait3A_214 = arith.constant 0 : i32
    %dma_wait3A_215 = arith.constant 0 : i32
    %dma_wait3A_216 = arith.constant 0 : i32
    %dma_wait3A_217 = arith.constant 0 : i32
    %dma_wait3A_218 = arith.constant 0 : i32
    %dma_wait3A_219 = tpu.memref_slice %arg8[%dma_wait3A_215, %dma_wait3A_217, %dma_wait3A_218] : memref<4x80x128xf32, #tpu.memory_space<vmem>> -> memref<1x80x128xf32, #tpu.memory_space<vmem>>
    %dma_wait3A_220 = tpu.memref_squeeze %dma_wait3A_219 : memref<1x80x128xf32, #tpu.memory_space<vmem>> -> memref<80x128xf32, #tpu.memory_space<vmem>>
    %dma_wait3A_221 = arith.constant 0 : i32
    %dma_wait3A_222 = tpu.memref_slice %arg7[%dma_wait3A_213, %dma_wait3A_214, %dma_wait3A_221] : memref<8x2x80xi32, #tpu.memory_space<vmem>> -> memref<1x1x80xi32, #tpu.memory_space<vmem>>
    %dma_wait3A_223 = tpu.memref_squeeze %dma_wait3A_222 : memref<1x1x80xi32, #tpu.memory_space<vmem>> -> memref<80xi32, #tpu.memory_space<vmem>>
    %dma_wait3A_224 = arith.constant 0 : i32
    %dma_wait3A_225 = arith.constant 0 : i32
    %dma_wait3A_226 = tpu.memref_slice %arg2[%dma_wait3A_224, %dma_wait3A_225] : memref<10000x128xf32, #tpu.memory_space<hbm>> -> memref<10000x128xf32, #tpu.memory_space<hbm>>
    %dma_wait3A_227 = tpu.memref_slice %arg10[%dma_wait3A_216] : memref<4x!tpu.dma_semaphore, #tpu.memory_space<semaphore_mem>> -> memref<1x!tpu.dma_semaphore, #tpu.memory_space<semaphore_mem>>
    %dma_wait3A_228 = tpu.memref_squeeze %dma_wait3A_227 : memref<1x!tpu.dma_semaphore, #tpu.memory_space<semaphore_mem>> -> memref<!tpu.dma_semaphore, #tpu.memory_space<semaphore_mem>>
    tpu.wait_indirect_dma semaphore(%dma_wait3A_228 : memref<!tpu.dma_semaphore, #tpu.memory_space<semaphore_mem>>) src(%dma_wait3A_226 : memref<10000x128xf32, #tpu.memory_space<hbm>>) dst(%dma_wait3A_220 : memref<80x128xf32, #tpu.memory_space<vmem>>)
    %dma_start3A_229 = arith.constant 0 : i32
    %dma_start3A_230 = arith.constant 0 : i32
    %dma_start3A_231 = arith.constant 1 : i32
    %dma_start3A_232 = arith.constant 0 : i32
    %dma_start3A_233 = arith.constant 0 : i32
    %dma_start3A_234 = arith.constant 0 : i32
    %dma_start3A_235 = tpu.memref_slice %arg8[%dma_start3A_229, %dma_start3A_233, %dma_start3A_234] : memref<4x80x128xf32, #tpu.memory_space<vmem>> -> memref<1x80x128xf32, #tpu.memory_space<vmem>>
    %dma_start3A_236 = tpu.memref_squeeze %dma_start3A_235 : memref<1x80x128xf32, #tpu.memory_space<vmem>> -> memref<80x128xf32, #tpu.memory_space<vmem>>
    %dma_start3A_237 = arith.constant 0 : i32
    %dma_start3A_238 = tpu.memref_slice %arg7[%dma_start3A_230, %dma_start3A_231, %dma_start3A_237] : memref<8x2x80xi32, #tpu.memory_space<vmem>> -> memref<1x1x80xi32, #tpu.memory_space<vmem>>
    %dma_start3A_239 = tpu.memref_squeeze %dma_start3A_238 : memref<1x1x80xi32, #tpu.memory_space<vmem>> -> memref<80xi32, #tpu.memory_space<vmem>>
    %dma_start3A_240 = arith.constant 0 : i32
    %dma_start3A_241 = arith.constant 0 : i32
    %dma_start3A_242 = tpu.memref_slice %arg6[%dma_start3A_240, %dma_start3A_241] : memref<10112x128xf32, #tpu.memory_space<vmem_shared>> -> memref<10112x128xf32, #tpu.memory_space<vmem_shared>>
    %dma_start3A_243 = tpu.memref_slice %arg11[%dma_start3A_232] : memref<4x!tpu.dma_semaphore, #tpu.memory_space<semaphore_mem>> -> memref<1x!tpu.dma_semaphore, #tpu.memory_space<semaphore_mem>>
    %dma_start3A_244 = tpu.memref_squeeze %dma_start3A_243 : memref<1x!tpu.dma_semaphore, #tpu.memory_space<semaphore_mem>> -> memref<!tpu.dma_semaphore, #tpu.memory_space<semaphore_mem>>
    tpu.enqueue_indirect_dma source(%dma_start3A_236 : memref<80x128xf32, #tpu.memory_space<vmem>>) target(%dma_start3A_242 : memref<10112x128xf32, #tpu.memory_space<vmem_shared>>) offsets(%dma_start3A_239 : memref<80xi32, #tpu.memory_space<vmem>>) semaphore(%dma_start3A_244 : memref<!tpu.dma_semaphore, #tpu.memory_space<semaphore_mem>>) {add = true}
    %sub3A_245 = arith.constant 1 : i32
    %sub3A_246 = arith.subi %select_n3A, %sub3A_245 : i32
    %min3A_247 = arith.constant 6 : i32
    %min3A_248 = arith.minsi %min3A_247, %sub3A_246 : i32
    %add3A_249 = arith.addi %select_n3A_10, %min3A_248 : i32
    %mul3A_250 = arith.constant 80 : i32
    %mul3A_251 = arith.muli %add3A_249, %mul3A_250 : i32
    %dma_start3A_252 = arith.constant 6 : i32
    %dma_start3A_253 = arith.constant 6 : i32
    %dma_start3A_254 = arith.constant 0 : i32
    %dma_start3A_255 = arith.constant 0 : i32
    %dma_start3A_256 = tpu.memref_slice %arg7[%dma_start3A_252, %dma_start3A_254, %dma_start3A_255] : memref<8x2x80xi32, #tpu.memory_space<vmem>> -> memref<1x2x80xi32, #tpu.memory_space<vmem>>
    %dma_start3A_257 = tpu.memref_squeeze %dma_start3A_256 : memref<1x2x80xi32, #tpu.memory_space<vmem>> -> memref<2x80xi32, #tpu.memory_space<vmem>>
    %dma_start3A_258 = arith.constant 0 : i32
    %dma_start3A_259 = tpu.memref_slice %arg3[%dma_start3A_258, %mul3A_251] : memref<2x320000xi32, #tpu.memory_space<hbm>> -> memref<2x80xi32, #tpu.memory_space<hbm>>
    %dma_start3A_260 = tpu.memref_slice %arg9[%dma_start3A_253] : memref<8x!tpu.dma_semaphore, #tpu.memory_space<semaphore_mem>> -> memref<1x!tpu.dma_semaphore, #tpu.memory_space<semaphore_mem>>
    %dma_start3A_261 = tpu.memref_squeeze %dma_start3A_260 : memref<1x!tpu.dma_semaphore, #tpu.memory_space<semaphore_mem>> -> memref<!tpu.dma_semaphore, #tpu.memory_space<semaphore_mem>>
    %dma_start3A_262 = arith.constant 0 : i32
    %dma_start3A_263 = arith.constant 0 : i32
    %dma_start3A_264 = tpu.memref_slice %arg7[%dma_start3A_252, %dma_start3A_262, %dma_start3A_263] : memref<8x2x80xi32, #tpu.memory_space<vmem>> -> memref<1x2x80xi32, #tpu.memory_space<vmem>>
    %dma_start3A_265 = tpu.memref_squeeze %dma_start3A_264 : memref<1x2x80xi32, #tpu.memory_space<vmem>> -> memref<2x80xi32, #tpu.memory_space<vmem>>
    %dma_start3A_266 = arith.constant 0 : i32
    %dma_start3A_267 = tpu.memref_slice %arg3[%dma_start3A_266, %mul3A_251] : memref<2x320000xi32, #tpu.memory_space<hbm>> -> memref<2x80xi32, #tpu.memory_space<hbm>>
    tpu.enqueue_dma source(%dma_start3A_267 : memref<2x80xi32, #tpu.memory_space<hbm>>) target(%dma_start3A_265 : memref<2x80xi32, #tpu.memory_space<vmem>>) target_semaphore(%dma_start3A_261 : memref<!tpu.dma_semaphore, #tpu.memory_space<semaphore_mem>>)
    %dma_wait3A_268 = arith.constant 2 : i32
    %dma_wait3A_269 = arith.constant 2 : i32
    %dma_wait3A_270 = arith.constant 0 : i32
    %dma_wait3A_271 = arith.constant 0 : i32
    %dma_wait3A_272 = tpu.memref_slice %arg7[%dma_wait3A_268, %dma_wait3A_270, %dma_wait3A_271] : memref<8x2x80xi32, #tpu.memory_space<vmem>> -> memref<1x2x80xi32, #tpu.memory_space<vmem>>
    %dma_wait3A_273 = tpu.memref_squeeze %dma_wait3A_272 : memref<1x2x80xi32, #tpu.memory_space<vmem>> -> memref<2x80xi32, #tpu.memory_space<vmem>>
    %dma_wait3A_274 = arith.constant 0 : i32
    %dma_wait3A_275 = arith.constant 0 : i32
    %dma_wait3A_276 = tpu.memref_slice %arg3[%dma_wait3A_274, %dma_wait3A_275] : memref<2x320000xi32, #tpu.memory_space<hbm>> -> memref<2x80xi32, #tpu.memory_space<hbm>>
    %dma_wait3A_277 = tpu.memref_slice %arg9[%dma_wait3A_269] : memref<8x!tpu.dma_semaphore, #tpu.memory_space<semaphore_mem>> -> memref<1x!tpu.dma_semaphore, #tpu.memory_space<semaphore_mem>>
    %dma_wait3A_278 = tpu.memref_squeeze %dma_wait3A_277 : memref<1x!tpu.dma_semaphore, #tpu.memory_space<semaphore_mem>> -> memref<!tpu.dma_semaphore, #tpu.memory_space<semaphore_mem>>
    %dma_wait3A_279 = arith.constant 0 : i32
    %dma_wait3A_280 = arith.constant 0 : i32
    %dma_wait3A_281 = tpu.memref_slice %arg7[%dma_wait3A_268, %dma_wait3A_279, %dma_wait3A_280] : memref<8x2x80xi32, #tpu.memory_space<vmem>> -> memref<1x2x80xi32, #tpu.memory_space<vmem>>
    %dma_wait3A_282 = tpu.memref_squeeze %dma_wait3A_281 : memref<1x2x80xi32, #tpu.memory_space<vmem>> -> memref<2x80xi32, #tpu.memory_space<vmem>>
    %dma_wait3A_283 = arith.constant 0 : i32
    %dma_wait3A_284 = arith.constant 0 : i32
    %dma_wait3A_285 = tpu.memref_slice %arg3[%dma_wait3A_283, %dma_wait3A_284] : memref<2x320000xi32, #tpu.memory_space<hbm>> -> memref<2x80xi32, #tpu.memory_space<hbm>>
    tpu.wait_dma2 semaphore(%dma_wait3A_278 : memref<!tpu.dma_semaphore, #tpu.memory_space<semaphore_mem>>) src(%dma_wait3A_285 : memref<2x80xi32, #tpu.memory_space<hbm>>) dst(%dma_wait3A_282 : memref<2x80xi32, #tpu.memory_space<vmem>>)
    %dma_start3A_286 = arith.constant 2 : i32
    %dma_start3A_287 = arith.constant 0 : i32
    %dma_start3A_288 = arith.constant 2 : i32
    %dma_start3A_289 = arith.constant 2 : i32
    %dma_start3A_290 = arith.constant 0 : i32
    %dma_start3A_291 = arith.constant 0 : i32
    %dma_start3A_292 = tpu.memref_slice %arg8[%dma_start3A_288, %dma_start3A_290, %dma_start3A_291] : memref<4x80x128xf32, #tpu.memory_space<vmem>> -> memref<1x80x128xf32, #tpu.memory_space<vmem>>
    %dma_start3A_293 = tpu.memref_squeeze %dma_start3A_292 : memref<1x80x128xf32, #tpu.memory_space<vmem>> -> memref<80x128xf32, #tpu.memory_space<vmem>>
    %dma_start3A_294 = arith.constant 0 : i32
    %dma_start3A_295 = tpu.memref_slice %arg7[%dma_start3A_286, %dma_start3A_287, %dma_start3A_294] : memref<8x2x80xi32, #tpu.memory_space<vmem>> -> memref<1x1x80xi32, #tpu.memory_space<vmem>>
    %dma_start3A_296 = tpu.memref_squeeze %dma_start3A_295 : memref<1x1x80xi32, #tpu.memory_space<vmem>> -> memref<80xi32, #tpu.memory_space<vmem>>
    %dma_start3A_297 = arith.constant 0 : i32
    %dma_start3A_298 = arith.constant 0 : i32
    %dma_start3A_299 = tpu.memref_slice %arg2[%dma_start3A_297, %dma_start3A_298] : memref<10000x128xf32, #tpu.memory_space<hbm>> -> memref<10000x128xf32, #tpu.memory_space<hbm>>
    %dma_start3A_300 = tpu.memref_slice %arg10[%dma_start3A_289] : memref<4x!tpu.dma_semaphore, #tpu.memory_space<semaphore_mem>> -> memref<1x!tpu.dma_semaphore, #tpu.memory_space<semaphore_mem>>
    %dma_start3A_301 = tpu.memref_squeeze %dma_start3A_300 : memref<1x!tpu.dma_semaphore, #tpu.memory_space<semaphore_mem>> -> memref<!tpu.dma_semaphore, #tpu.memory_space<semaphore_mem>>
    tpu.enqueue_indirect_dma source(%dma_start3A_299 : memref<10000x128xf32, #tpu.memory_space<hbm>>) target(%dma_start3A_293 : memref<80x128xf32, #tpu.memory_space<vmem>>) offsets(%dma_start3A_296 : memref<80xi32, #tpu.memory_space<vmem>>) semaphore(%dma_start3A_301 : memref<!tpu.dma_semaphore, #tpu.memory_space<semaphore_mem>>)
    %dma_wait3A_302 = arith.constant 0 : i32
    %dma_wait3A_303 = arith.constant 0 : i32
    %dma_wait3A_304 = arith.constant 1 : i32
    %dma_wait3A_305 = arith.constant 1 : i32
    %dma_wait3A_306 = arith.constant 0 : i32
    %dma_wait3A_307 = arith.constant 0 : i32
    %dma_wait3A_308 = tpu.memref_slice %arg8[%dma_wait3A_304, %dma_wait3A_306, %dma_wait3A_307] : memref<4x80x128xf32, #tpu.memory_space<vmem>> -> memref<1x80x128xf32, #tpu.memory_space<vmem>>
    %dma_wait3A_309 = tpu.memref_squeeze %dma_wait3A_308 : memref<1x80x128xf32, #tpu.memory_space<vmem>> -> memref<80x128xf32, #tpu.memory_space<vmem>>
    %dma_wait3A_310 = arith.constant 0 : i32
    %dma_wait3A_311 = tpu.memref_slice %arg7[%dma_wait3A_302, %dma_wait3A_303, %dma_wait3A_310] : memref<8x2x80xi32, #tpu.memory_space<vmem>> -> memref<1x1x80xi32, #tpu.memory_space<vmem>>
    %dma_wait3A_312 = tpu.memref_squeeze %dma_wait3A_311 : memref<1x1x80xi32, #tpu.memory_space<vmem>> -> memref<80xi32, #tpu.memory_space<vmem>>
    %dma_wait3A_313 = arith.constant 0 : i32
    %dma_wait3A_314 = arith.constant 0 : i32
    %dma_wait3A_315 = tpu.memref_slice %arg2[%dma_wait3A_313, %dma_wait3A_314] : memref<10000x128xf32, #tpu.memory_space<hbm>> -> memref<10000x128xf32, #tpu.memory_space<hbm>>
    %dma_wait3A_316 = tpu.memref_slice %arg10[%dma_wait3A_305] : memref<4x!tpu.dma_semaphore, #tpu.memory_space<semaphore_mem>> -> memref<1x!tpu.dma_semaphore, #tpu.memory_space<semaphore_mem>>
    %dma_wait3A_317 = tpu.memref_squeeze %dma_wait3A_316 : memref<1x!tpu.dma_semaphore, #tpu.memory_space<semaphore_mem>> -> memref<!tpu.dma_semaphore, #tpu.memory_space<semaphore_mem>>
    tpu.wait_indirect_dma semaphore(%dma_wait3A_317 : memref<!tpu.dma_semaphore, #tpu.memory_space<semaphore_mem>>) src(%dma_wait3A_315 : memref<10000x128xf32, #tpu.memory_space<hbm>>) dst(%dma_wait3A_309 : memref<80x128xf32, #tpu.memory_space<vmem>>)
    %dma_start3A_318 = arith.constant 1 : i32
    %dma_start3A_319 = arith.constant 1 : i32
    %dma_start3A_320 = arith.constant 1 : i32
    %dma_start3A_321 = arith.constant 1 : i32
    %dma_start3A_322 = arith.constant 0 : i32
    %dma_start3A_323 = arith.constant 0 : i32
    %dma_start3A_324 = tpu.memref_slice %arg8[%dma_start3A_318, %dma_start3A_322, %dma_start3A_323] : memref<4x80x128xf32, #tpu.memory_space<vmem>> -> memref<1x80x128xf32, #tpu.memory_space<vmem>>
    %dma_start3A_325 = tpu.memref_squeeze %dma_start3A_324 : memref<1x80x128xf32, #tpu.memory_space<vmem>> -> memref<80x128xf32, #tpu.memory_space<vmem>>
    %dma_start3A_326 = arith.constant 0 : i32
    %dma_start3A_327 = tpu.memref_slice %arg7[%dma_start3A_319, %dma_start3A_320, %dma_start3A_326] : memref<8x2x80xi32, #tpu.memory_space<vmem>> -> memref<1x1x80xi32, #tpu.memory_space<vmem>>
    %dma_start3A_328 = tpu.memref_squeeze %dma_start3A_327 : memref<1x1x80xi32, #tpu.memory_space<vmem>> -> memref<80xi32, #tpu.memory_space<vmem>>
    %dma_start3A_329 = arith.constant 0 : i32
    %dma_start3A_330 = arith.constant 0 : i32
    %dma_start3A_331 = tpu.memref_slice %arg6[%dma_start3A_329, %dma_start3A_330] : memref<10112x128xf32, #tpu.memory_space<vmem_shared>> -> memref<10112x128xf32, #tpu.memory_space<vmem_shared>>
    %dma_start3A_332 = tpu.memref_slice %arg11[%dma_start3A_321] : memref<4x!tpu.dma_semaphore, #tpu.memory_space<semaphore_mem>> -> memref<1x!tpu.dma_semaphore, #tpu.memory_space<semaphore_mem>>
    %dma_start3A_333 = tpu.memref_squeeze %dma_start3A_332 : memref<1x!tpu.dma_semaphore, #tpu.memory_space<semaphore_mem>> -> memref<!tpu.dma_semaphore, #tpu.memory_space<semaphore_mem>>
    tpu.enqueue_indirect_dma source(%dma_start3A_325 : memref<80x128xf32, #tpu.memory_space<vmem>>) target(%dma_start3A_331 : memref<10112x128xf32, #tpu.memory_space<vmem_shared>>) offsets(%dma_start3A_328 : memref<80xi32, #tpu.memory_space<vmem>>) semaphore(%dma_start3A_333 : memref<!tpu.dma_semaphore, #tpu.memory_space<semaphore_mem>>) {add = true}
    %sub3A_334 = arith.constant 1 : i32
    %sub3A_335 = arith.subi %select_n3A, %sub3A_334 : i32
    %min3A_336 = arith.constant 7 : i32
    %min3A_337 = arith.minsi %min3A_336, %sub3A_335 : i32
    %add3A_338 = arith.addi %select_n3A_10, %min3A_337 : i32
    %mul3A_339 = arith.constant 80 : i32
    %mul3A_340 = arith.muli %add3A_338, %mul3A_339 : i32
    %dma_start3A_341 = arith.constant 7 : i32
    %dma_start3A_342 = arith.constant 7 : i32
    %dma_start3A_343 = arith.constant 0 : i32
    %dma_start3A_344 = arith.constant 0 : i32
    %dma_start3A_345 = tpu.memref_slice %arg7[%dma_start3A_341, %dma_start3A_343, %dma_start3A_344] : memref<8x2x80xi32, #tpu.memory_space<vmem>> -> memref<1x2x80xi32, #tpu.memory_space<vmem>>
    %dma_start3A_346 = tpu.memref_squeeze %dma_start3A_345 : memref<1x2x80xi32, #tpu.memory_space<vmem>> -> memref<2x80xi32, #tpu.memory_space<vmem>>
    %dma_start3A_347 = arith.constant 0 : i32
    %dma_start3A_348 = tpu.memref_slice %arg3[%dma_start3A_347, %mul3A_340] : memref<2x320000xi32, #tpu.memory_space<hbm>> -> memref<2x80xi32, #tpu.memory_space<hbm>>
    %dma_start3A_349 = tpu.memref_slice %arg9[%dma_start3A_342] : memref<8x!tpu.dma_semaphore, #tpu.memory_space<semaphore_mem>> -> memref<1x!tpu.dma_semaphore, #tpu.memory_space<semaphore_mem>>
    %dma_start3A_350 = tpu.memref_squeeze %dma_start3A_349 : memref<1x!tpu.dma_semaphore, #tpu.memory_space<semaphore_mem>> -> memref<!tpu.dma_semaphore, #tpu.memory_space<semaphore_mem>>
    %dma_start3A_351 = arith.constant 0 : i32
    %dma_start3A_352 = arith.constant 0 : i32
    %dma_start3A_353 = tpu.memref_slice %arg7[%dma_start3A_341, %dma_start3A_351, %dma_start3A_352] : memref<8x2x80xi32, #tpu.memory_space<vmem>> -> memref<1x2x80xi32, #tpu.memory_space<vmem>>
    %dma_start3A_354 = tpu.memref_squeeze %dma_start3A_353 : memref<1x2x80xi32, #tpu.memory_space<vmem>> -> memref<2x80xi32, #tpu.memory_space<vmem>>
    %dma_start3A_355 = arith.constant 0 : i32
    %dma_start3A_356 = tpu.memref_slice %arg3[%dma_start3A_355, %mul3A_340] : memref<2x320000xi32, #tpu.memory_space<hbm>> -> memref<2x80xi32, #tpu.memory_space<hbm>>
    tpu.enqueue_dma source(%dma_start3A_356 : memref<2x80xi32, #tpu.memory_space<hbm>>) target(%dma_start3A_354 : memref<2x80xi32, #tpu.memory_space<vmem>>) target_semaphore(%dma_start3A_350 : memref<!tpu.dma_semaphore, #tpu.memory_space<semaphore_mem>>)
    %dma_wait3A_357 = arith.constant 3 : i32
    %dma_wait3A_358 = arith.constant 3 : i32
    %dma_wait3A_359 = arith.constant 0 : i32
    %dma_wait3A_360 = arith.constant 0 : i32
    %dma_wait3A_361 = tpu.memref_slice %arg7[%dma_wait3A_357, %dma_wait3A_359, %dma_wait3A_360] : memref<8x2x80xi32, #tpu.memory_space<vmem>> -> memref<1x2x80xi32, #tpu.memory_space<vmem>>
    %dma_wait3A_362 = tpu.memref_squeeze %dma_wait3A_361 : memref<1x2x80xi32, #tpu.memory_space<vmem>> -> memref<2x80xi32, #tpu.memory_space<vmem>>
    %dma_wait3A_363 = arith.constant 0 : i32
    %dma_wait3A_364 = arith.constant 0 : i32
    %dma_wait3A_365 = tpu.memref_slice %arg3[%dma_wait3A_363, %dma_wait3A_364] : memref<2x320000xi32, #tpu.memory_space<hbm>> -> memref<2x80xi32, #tpu.memory_space<hbm>>
    %dma_wait3A_366 = tpu.memref_slice %arg9[%dma_wait3A_358] : memref<8x!tpu.dma_semaphore, #tpu.memory_space<semaphore_mem>> -> memref<1x!tpu.dma_semaphore, #tpu.memory_space<semaphore_mem>>
    %dma_wait3A_367 = tpu.memref_squeeze %dma_wait3A_366 : memref<1x!tpu.dma_semaphore, #tpu.memory_space<semaphore_mem>> -> memref<!tpu.dma_semaphore, #tpu.memory_space<semaphore_mem>>
    %dma_wait3A_368 = arith.constant 0 : i32
    %dma_wait3A_369 = arith.constant 0 : i32
    %dma_wait3A_370 = tpu.memref_slice %arg7[%dma_wait3A_357, %dma_wait3A_368, %dma_wait3A_369] : memref<8x2x80xi32, #tpu.memory_space<vmem>> -> memref<1x2x80xi32, #tpu.memory_space<vmem>>
    %dma_wait3A_371 = tpu.memref_squeeze %dma_wait3A_370 : memref<1x2x80xi32, #tpu.memory_space<vmem>> -> memref<2x80xi32, #tpu.memory_space<vmem>>
    %dma_wait3A_372 = arith.constant 0 : i32
    %dma_wait3A_373 = arith.constant 0 : i32
    %dma_wait3A_374 = tpu.memref_slice %arg3[%dma_wait3A_372, %dma_wait3A_373] : memref<2x320000xi32, #tpu.memory_space<hbm>> -> memref<2x80xi32, #tpu.memory_space<hbm>>
    tpu.wait_dma2 semaphore(%dma_wait3A_367 : memref<!tpu.dma_semaphore, #tpu.memory_space<semaphore_mem>>) src(%dma_wait3A_374 : memref<2x80xi32, #tpu.memory_space<hbm>>) dst(%dma_wait3A_371 : memref<2x80xi32, #tpu.memory_space<vmem>>)
    %dma_start3A_375 = arith.constant 3 : i32
    %dma_start3A_376 = arith.constant 0 : i32
    %dma_start3A_377 = arith.constant 3 : i32
    %dma_start3A_378 = arith.constant 3 : i32
    %dma_start3A_379 = arith.constant 0 : i32
    %dma_start3A_380 = arith.constant 0 : i32
    %dma_start3A_381 = tpu.memref_slice %arg8[%dma_start3A_377, %dma_start3A_379, %dma_start3A_380] : memref<4x80x128xf32, #tpu.memory_space<vmem>> -> memref<1x80x128xf32, #tpu.memory_space<vmem>>
    %dma_start3A_382 = tpu.memref_squeeze %dma_start3A_381 : memref<1x80x128xf32, #tpu.memory_space<vmem>> -> memref<80x128xf32, #tpu.memory_space<vmem>>
    %dma_start3A_383 = arith.constant 0 : i32
    %dma_start3A_384 = tpu.memref_slice %arg7[%dma_start3A_375, %dma_start3A_376, %dma_start3A_383] : memref<8x2x80xi32, #tpu.memory_space<vmem>> -> memref<1x1x80xi32, #tpu.memory_space<vmem>>
    %dma_start3A_385 = tpu.memref_squeeze %dma_start3A_384 : memref<1x1x80xi32, #tpu.memory_space<vmem>> -> memref<80xi32, #tpu.memory_space<vmem>>
    %dma_start3A_386 = arith.constant 0 : i32
    %dma_start3A_387 = arith.constant 0 : i32
    %dma_start3A_388 = tpu.memref_slice %arg2[%dma_start3A_386, %dma_start3A_387] : memref<10000x128xf32, #tpu.memory_space<hbm>> -> memref<10000x128xf32, #tpu.memory_space<hbm>>
    %dma_start3A_389 = tpu.memref_slice %arg10[%dma_start3A_378] : memref<4x!tpu.dma_semaphore, #tpu.memory_space<semaphore_mem>> -> memref<1x!tpu.dma_semaphore, #tpu.memory_space<semaphore_mem>>
    %dma_start3A_390 = tpu.memref_squeeze %dma_start3A_389 : memref<1x!tpu.dma_semaphore, #tpu.memory_space<semaphore_mem>> -> memref<!tpu.dma_semaphore, #tpu.memory_space<semaphore_mem>>
    tpu.enqueue_indirect_dma source(%dma_start3A_388 : memref<10000x128xf32, #tpu.memory_space<hbm>>) target(%dma_start3A_382 : memref<80x128xf32, #tpu.memory_space<vmem>>) offsets(%dma_start3A_385 : memref<80xi32, #tpu.memory_space<vmem>>) semaphore(%dma_start3A_390 : memref<!tpu.dma_semaphore, #tpu.memory_space<semaphore_mem>>)
    %while3A = arith.constant 0 : i32
    %while3A_391 = arith.constant 2 : i32
    %while3A_392 = arith.subi %select_n3A, %while3A_391 : i32
    %while3A_393 = arith.addi %while3A_391, %while3A_392 : i32
    %while3A_394 = arith.constant 1 : i32
    %while3A_395 = arith.divsi %while3A_392, %while3A_394 : i32
    %while3A_396 = arith.muli %while3A_395, %while3A_394 : i32
    %while3A_397 = arith.addi %while3A_391, %while3A_396 : i32
    %while3A_398 = arith.constant 1 : i32
    scf.for %while3A_550 = %while3A_391 to %while3A_397 step %while3A_398  : i32 {
      %rem3A_551 = arith.constant 4 : i32
      %rem3A_552 = arith.remsi %while3A_550, %rem3A_551 : i32
      %dma_wait3A_553 = arith.constant 0 : i32
      %dma_wait3A_554 = arith.constant 0 : i32
      %dma_wait3A_555 = arith.constant 0 : i32
      %dma_wait3A_556 = arith.constant 0 : i32
      %dma_wait3A_557 = tpu.memref_slice %arg8[%rem3A_552, %dma_wait3A_555, %dma_wait3A_556] : memref<4x80x128xf32, #tpu.memory_space<vmem>> -> memref<1x80x128xf32, #tpu.memory_space<vmem>>
      %dma_wait3A_558 = tpu.memref_squeeze %dma_wait3A_557 : memref<1x80x128xf32, #tpu.memory_space<vmem>> -> memref<80x128xf32, #tpu.memory_space<vmem>>
      %dma_wait3A_559 = arith.constant 0 : i32
      %dma_wait3A_560 = tpu.memref_slice %arg7[%dma_wait3A_553, %dma_wait3A_554, %dma_wait3A_559] : memref<8x2x80xi32, #tpu.memory_space<vmem>> -> memref<1x1x80xi32, #tpu.memory_space<vmem>>
      %dma_wait3A_561 = tpu.memref_squeeze %dma_wait3A_560 : memref<1x1x80xi32, #tpu.memory_space<vmem>> -> memref<80xi32, #tpu.memory_space<vmem>>
      %dma_wait3A_562 = arith.constant 0 : i32
      %dma_wait3A_563 = arith.constant 0 : i32
      %dma_wait3A_564 = tpu.memref_slice %arg2[%dma_wait3A_562, %dma_wait3A_563] : memref<10000x128xf32, #tpu.memory_space<hbm>> -> memref<10000x128xf32, #tpu.memory_space<hbm>>
      %dma_wait3A_565 = tpu.memref_slice %arg10[%rem3A_552] : memref<4x!tpu.dma_semaphore, #tpu.memory_space<semaphore_mem>> -> memref<1x!tpu.dma_semaphore, #tpu.memory_space<semaphore_mem>>
      %dma_wait3A_566 = tpu.memref_squeeze %dma_wait3A_565 : memref<1x!tpu.dma_semaphore, #tpu.memory_space<semaphore_mem>> -> memref<!tpu.dma_semaphore, #tpu.memory_space<semaphore_mem>>
      tpu.wait_indirect_dma semaphore(%dma_wait3A_566 : memref<!tpu.dma_semaphore, #tpu.memory_space<semaphore_mem>>) src(%dma_wait3A_564 : memref<10000x128xf32, #tpu.memory_space<hbm>>) dst(%dma_wait3A_558 : memref<80x128xf32, #tpu.memory_space<vmem>>)
      %rem3A_567 = arith.constant 8 : i32
      %rem3A_568 = arith.remsi %while3A_550, %rem3A_567 : i32
      %dma_start3A_569 = arith.constant 1 : i32
      %dma_start3A_570 = arith.constant 0 : i32
      %dma_start3A_571 = arith.constant 0 : i32
      %dma_start3A_572 = tpu.memref_slice %arg8[%rem3A_552, %dma_start3A_570, %dma_start3A_571] : memref<4x80x128xf32, #tpu.memory_space<vmem>> -> memref<1x80x128xf32, #tpu.memory_space<vmem>>
      %dma_start3A_573 = tpu.memref_squeeze %dma_start3A_572 : memref<1x80x128xf32, #tpu.memory_space<vmem>> -> memref<80x128xf32, #tpu.memory_space<vmem>>
      %dma_start3A_574 = arith.constant 0 : i32
      %dma_start3A_575 = tpu.memref_slice %arg7[%rem3A_568, %dma_start3A_569, %dma_start3A_574] : memref<8x2x80xi32, #tpu.memory_space<vmem>> -> memref<1x1x80xi32, #tpu.memory_space<vmem>>
      %dma_start3A_576 = tpu.memref_squeeze %dma_start3A_575 : memref<1x1x80xi32, #tpu.memory_space<vmem>> -> memref<80xi32, #tpu.memory_space<vmem>>
      %dma_start3A_577 = arith.constant 0 : i32
      %dma_start3A_578 = arith.constant 0 : i32
      %dma_start3A_579 = tpu.memref_slice %arg6[%dma_start3A_577, %dma_start3A_578] : memref<10112x128xf32, #tpu.memory_space<vmem_shared>> -> memref<10112x128xf32, #tpu.memory_space<vmem_shared>>
      %dma_start3A_580 = tpu.memref_slice %arg11[%rem3A_552] : memref<4x!tpu.dma_semaphore, #tpu.memory_space<semaphore_mem>> -> memref<1x!tpu.dma_semaphore, #tpu.memory_space<semaphore_mem>>
      %dma_start3A_581 = tpu.memref_squeeze %dma_start3A_580 : memref<1x!tpu.dma_semaphore, #tpu.memory_space<semaphore_mem>> -> memref<!tpu.dma_semaphore, #tpu.memory_space<semaphore_mem>>
      tpu.enqueue_indirect_dma source(%dma_start3A_573 : memref<80x128xf32, #tpu.memory_space<vmem>>) target(%dma_start3A_579 : memref<10112x128xf32, #tpu.memory_space<vmem_shared>>) offsets(%dma_start3A_576 : memref<80xi32, #tpu.memory_space<vmem>>) semaphore(%dma_start3A_581 : memref<!tpu.dma_semaphore, #tpu.memory_space<semaphore_mem>>) {add = true}
      %add3A_582 = arith.constant 2 : i32
      %add3A_583 = arith.addi %while3A_550, %add3A_582 : i32
      %rem3A_584 = arith.constant 4 : i32
      %rem3A_585 = arith.remsi %add3A_583, %rem3A_584 : i32
      %dma_wait3A_586 = arith.constant 0 : i32
      %dma_wait3A_587 = arith.constant 1 : i32
      %dma_wait3A_588 = arith.constant 0 : i32
      %dma_wait3A_589 = arith.constant 0 : i32
      %dma_wait3A_590 = tpu.memref_slice %arg8[%rem3A_585, %dma_wait3A_588, %dma_wait3A_589] : memref<4x80x128xf32, #tpu.memory_space<vmem>> -> memref<1x80x128xf32, #tpu.memory_space<vmem>>
      %dma_wait3A_591 = tpu.memref_squeeze %dma_wait3A_590 : memref<1x80x128xf32, #tpu.memory_space<vmem>> -> memref<80x128xf32, #tpu.memory_space<vmem>>
      %dma_wait3A_592 = arith.constant 0 : i32
      %dma_wait3A_593 = tpu.memref_slice %arg7[%dma_wait3A_586, %dma_wait3A_587, %dma_wait3A_592] : memref<8x2x80xi32, #tpu.memory_space<vmem>> -> memref<1x1x80xi32, #tpu.memory_space<vmem>>
      %dma_wait3A_594 = tpu.memref_squeeze %dma_wait3A_593 : memref<1x1x80xi32, #tpu.memory_space<vmem>> -> memref<80xi32, #tpu.memory_space<vmem>>
      %dma_wait3A_595 = arith.constant 0 : i32
      %dma_wait3A_596 = arith.constant 0 : i32
      %dma_wait3A_597 = tpu.memref_slice %arg6[%dma_wait3A_595, %dma_wait3A_596] : memref<10112x128xf32, #tpu.memory_space<vmem_shared>> -> memref<10112x128xf32, #tpu.memory_space<vmem_shared>>
      %dma_wait3A_598 = tpu.memref_slice %arg11[%rem3A_585] : memref<4x!tpu.dma_semaphore, #tpu.memory_space<semaphore_mem>> -> memref<1x!tpu.dma_semaphore, #tpu.memory_space<semaphore_mem>>
      %dma_wait3A_599 = tpu.memref_squeeze %dma_wait3A_598 : memref<1x!tpu.dma_semaphore, #tpu.memory_space<semaphore_mem>> -> memref<!tpu.dma_semaphore, #tpu.memory_space<semaphore_mem>>
      tpu.wait_indirect_dma semaphore(%dma_wait3A_599 : memref<!tpu.dma_semaphore, #tpu.memory_space<semaphore_mem>>) src(%dma_wait3A_591 : memref<80x128xf32, #tpu.memory_space<vmem>>) dst(%dma_wait3A_597 : memref<10112x128xf32, #tpu.memory_space<vmem_shared>>)
      %add3A_600 = arith.constant 6 : i32
      %add3A_601 = arith.addi %while3A_550, %add3A_600 : i32
      %add3A_602 = arith.constant 6 : i32
      %add3A_603 = arith.addi %while3A_550, %add3A_602 : i32
      %rem3A_604 = arith.constant 8 : i32
      %rem3A_605 = arith.remsi %add3A_603, %rem3A_604 : i32
      %sub3A_606 = arith.constant 1 : i32
      %sub3A_607 = arith.subi %select_n3A, %sub3A_606 : i32
      %min3A_608 = arith.minsi %add3A_601, %sub3A_607 : i32
      %add3A_609 = arith.addi %select_n3A_10, %min3A_608 : i32
      %mul3A_610 = arith.constant 80 : i32
      %mul3A_611 = arith.muli %add3A_609, %mul3A_610 : i32
      %dma_start3A_612 = arith.constant 0 : i32
      %dma_start3A_613 = arith.constant 0 : i32
      %dma_start3A_614 = tpu.memref_slice %arg7[%rem3A_605, %dma_start3A_612, %dma_start3A_613] : memref<8x2x80xi32, #tpu.memory_space<vmem>> -> memref<1x2x80xi32, #tpu.memory_space<vmem>>
      %dma_start3A_615 = tpu.memref_squeeze %dma_start3A_614 : memref<1x2x80xi32, #tpu.memory_space<vmem>> -> memref<2x80xi32, #tpu.memory_space<vmem>>
      %dma_start3A_616 = arith.constant 0 : i32
      %dma_start3A_617 = tpu.memref_slice %arg3[%dma_start3A_616, %mul3A_611] : memref<2x320000xi32, #tpu.memory_space<hbm>> -> memref<2x80xi32, #tpu.memory_space<hbm>>
      %dma_start3A_618 = tpu.memref_slice %arg9[%rem3A_605] : memref<8x!tpu.dma_semaphore, #tpu.memory_space<semaphore_mem>> -> memref<1x!tpu.dma_semaphore, #tpu.memory_space<semaphore_mem>>
      %dma_start3A_619 = tpu.memref_squeeze %dma_start3A_618 : memref<1x!tpu.dma_semaphore, #tpu.memory_space<semaphore_mem>> -> memref<!tpu.dma_semaphore, #tpu.memory_space<semaphore_mem>>
      %dma_start3A_620 = arith.constant 0 : i32
      %dma_start3A_621 = arith.constant 0 : i32
      %dma_start3A_622 = tpu.memref_slice %arg7[%rem3A_605, %dma_start3A_620, %dma_start3A_621] : memref<8x2x80xi32, #tpu.memory_space<vmem>> -> memref<1x2x80xi32, #tpu.memory_space<vmem>>
      %dma_start3A_623 = tpu.memref_squeeze %dma_start3A_622 : memref<1x2x80xi32, #tpu.memory_space<vmem>> -> memref<2x80xi32, #tpu.memory_space<vmem>>
      %dma_start3A_624 = arith.constant 0 : i32
      %dma_start3A_625 = tpu.memref_slice %arg3[%dma_start3A_624, %mul3A_611] : memref<2x320000xi32, #tpu.memory_space<hbm>> -> memref<2x80xi32, #tpu.memory_space<hbm>>
      tpu.enqueue_dma source(%dma_start3A_625 : memref<2x80xi32, #tpu.memory_space<hbm>>) target(%dma_start3A_623 : memref<2x80xi32, #tpu.memory_space<vmem>>) target_semaphore(%dma_start3A_619 : memref<!tpu.dma_semaphore, #tpu.memory_space<semaphore_mem>>)
      %add3A_626 = arith.constant 2 : i32
      %add3A_627 = arith.addi %while3A_550, %add3A_626 : i32
      %rem3A_628 = arith.constant 8 : i32
      %rem3A_629 = arith.remsi %add3A_627, %rem3A_628 : i32
      %dma_wait3A_630 = arith.constant 0 : i32
      %dma_wait3A_631 = arith.constant 0 : i32
      %dma_wait3A_632 = tpu.memref_slice %arg7[%rem3A_629, %dma_wait3A_630, %dma_wait3A_631] : memref<8x2x80xi32, #tpu.memory_space<vmem>> -> memref<1x2x80xi32, #tpu.memory_space<vmem>>
      %dma_wait3A_633 = tpu.memref_squeeze %dma_wait3A_632 : memref<1x2x80xi32, #tpu.memory_space<vmem>> -> memref<2x80xi32, #tpu.memory_space<vmem>>
      %dma_wait3A_634 = arith.constant 0 : i32
      %dma_wait3A_635 = arith.constant 0 : i32
      %dma_wait3A_636 = tpu.memref_slice %arg3[%dma_wait3A_634, %dma_wait3A_635] : memref<2x320000xi32, #tpu.memory_space<hbm>> -> memref<2x80xi32, #tpu.memory_space<hbm>>
      %dma_wait3A_637 = tpu.memref_slice %arg9[%rem3A_629] : memref<8x!tpu.dma_semaphore, #tpu.memory_space<semaphore_mem>> -> memref<1x!tpu.dma_semaphore, #tpu.memory_space<semaphore_mem>>
      %dma_wait3A_638 = tpu.memref_squeeze %dma_wait3A_637 : memref<1x!tpu.dma_semaphore, #tpu.memory_space<semaphore_mem>> -> memref<!tpu.dma_semaphore, #tpu.memory_space<semaphore_mem>>
      %dma_wait3A_639 = arith.constant 0 : i32
      %dma_wait3A_640 = arith.constant 0 : i32
      %dma_wait3A_641 = tpu.memref_slice %arg7[%rem3A_629, %dma_wait3A_639, %dma_wait3A_640] : memref<8x2x80xi32, #tpu.memory_space<vmem>> -> memref<1x2x80xi32, #tpu.memory_space<vmem>>
      %dma_wait3A_642 = tpu.memref_squeeze %dma_wait3A_641 : memref<1x2x80xi32, #tpu.memory_space<vmem>> -> memref<2x80xi32, #tpu.memory_space<vmem>>
      %dma_wait3A_643 = arith.constant 0 : i32
      %dma_wait3A_644 = arith.constant 0 : i32
      %dma_wait3A_645 = tpu.memref_slice %arg3[%dma_wait3A_643, %dma_wait3A_644] : memref<2x320000xi32, #tpu.memory_space<hbm>> -> memref<2x80xi32, #tpu.memory_space<hbm>>
      tpu.wait_dma2 semaphore(%dma_wait3A_638 : memref<!tpu.dma_semaphore, #tpu.memory_space<semaphore_mem>>) src(%dma_wait3A_645 : memref<2x80xi32, #tpu.memory_space<hbm>>) dst(%dma_wait3A_642 : memref<2x80xi32, #tpu.memory_space<vmem>>)
      %add3A_646 = arith.constant 2 : i32
      %add3A_647 = arith.addi %while3A_550, %add3A_646 : i32
      %rem3A_648 = arith.constant 8 : i32
      %rem3A_649 = arith.remsi %add3A_647, %rem3A_648 : i32
      %add3A_650 = arith.constant 2 : i32
      %add3A_651 = arith.addi %while3A_550, %add3A_650 : i32
      %rem3A_652 = arith.constant 4 : i32
      %rem3A_653 = arith.remsi %add3A_651, %rem3A_652 : i32
      %dma_start3A_654 = arith.constant 0 : i32
      %dma_start3A_655 = arith.constant 0 : i32
      %dma_start3A_656 = arith.constant 0 : i32
      %dma_start3A_657 = tpu.memref_slice %arg8[%rem3A_653, %dma_start3A_655, %dma_start3A_656] : memref<4x80x128xf32, #tpu.memory_space<vmem>> -> memref<1x80x128xf32, #tpu.memory_space<vmem>>
      %dma_start3A_658 = tpu.memref_squeeze %dma_start3A_657 : memref<1x80x128xf32, #tpu.memory_space<vmem>> -> memref<80x128xf32, #tpu.memory_space<vmem>>
      %dma_start3A_659 = arith.constant 0 : i32
      %dma_start3A_660 = tpu.memref_slice %arg7[%rem3A_649, %dma_start3A_654, %dma_start3A_659] : memref<8x2x80xi32, #tpu.memory_space<vmem>> -> memref<1x1x80xi32, #tpu.memory_space<vmem>>
      %dma_start3A_661 = tpu.memref_squeeze %dma_start3A_660 : memref<1x1x80xi32, #tpu.memory_space<vmem>> -> memref<80xi32, #tpu.memory_space<vmem>>
      %dma_start3A_662 = arith.constant 0 : i32
      %dma_start3A_663 = arith.constant 0 : i32
      %dma_start3A_664 = tpu.memref_slice %arg2[%dma_start3A_662, %dma_start3A_663] : memref<10000x128xf32, #tpu.memory_space<hbm>> -> memref<10000x128xf32, #tpu.memory_space<hbm>>
      %dma_start3A_665 = tpu.memref_slice %arg10[%rem3A_653] : memref<4x!tpu.dma_semaphore, #tpu.memory_space<semaphore_mem>> -> memref<1x!tpu.dma_semaphore, #tpu.memory_space<semaphore_mem>>
      %dma_start3A_666 = tpu.memref_squeeze %dma_start3A_665 : memref<1x!tpu.dma_semaphore, #tpu.memory_space<semaphore_mem>> -> memref<!tpu.dma_semaphore, #tpu.memory_space<semaphore_mem>>
      tpu.enqueue_indirect_dma source(%dma_start3A_664 : memref<10000x128xf32, #tpu.memory_space<hbm>>) target(%dma_start3A_658 : memref<80x128xf32, #tpu.memory_space<vmem>>) offsets(%dma_start3A_661 : memref<80xi32, #tpu.memory_space<vmem>>) semaphore(%dma_start3A_666 : memref<!tpu.dma_semaphore, #tpu.memory_space<semaphore_mem>>)
    }
    %while3A_399 = arith.constant 1 : i32
    scf.for %while3A_550 = %while3A_397 to %while3A_393 step %while3A_399  : i32 {
      %rem3A_551 = arith.constant 4 : i32
      %rem3A_552 = arith.remsi %while3A_550, %rem3A_551 : i32
      %dma_wait3A_553 = arith.constant 0 : i32
      %dma_wait3A_554 = arith.constant 0 : i32
      %dma_wait3A_555 = arith.constant 0 : i32
      %dma_wait3A_556 = arith.constant 0 : i32
      %dma_wait3A_557 = tpu.memref_slice %arg8[%rem3A_552, %dma_wait3A_555, %dma_wait3A_556] : memref<4x80x128xf32, #tpu.memory_space<vmem>> -> memref<1x80x128xf32, #tpu.memory_space<vmem>>
      %dma_wait3A_558 = tpu.memref_squeeze %dma_wait3A_557 : memref<1x80x128xf32, #tpu.memory_space<vmem>> -> memref<80x128xf32, #tpu.memory_space<vmem>>
      %dma_wait3A_559 = arith.constant 0 : i32
      %dma_wait3A_560 = tpu.memref_slice %arg7[%dma_wait3A_553, %dma_wait3A_554, %dma_wait3A_559] : memref<8x2x80xi32, #tpu.memory_space<vmem>> -> memref<1x1x80xi32, #tpu.memory_space<vmem>>
      %dma_wait3A_561 = tpu.memref_squeeze %dma_wait3A_560 : memref<1x1x80xi32, #tpu.memory_space<vmem>> -> memref<80xi32, #tpu.memory_space<vmem>>
      %dma_wait3A_562 = arith.constant 0 : i32
      %dma_wait3A_563 = arith.constant 0 : i32
      %dma_wait3A_564 = tpu.memref_slice %arg2[%dma_wait3A_562, %dma_wait3A_563] : memref<10000x128xf32, #tpu.memory_space<hbm>> -> memref<10000x128xf32, #tpu.memory_space<hbm>>
      %dma_wait3A_565 = tpu.memref_slice %arg10[%rem3A_552] : memref<4x!tpu.dma_semaphore, #tpu.memory_space<semaphore_mem>> -> memref<1x!tpu.dma_semaphore, #tpu.memory_space<semaphore_mem>>
      %dma_wait3A_566 = tpu.memref_squeeze %dma_wait3A_565 : memref<1x!tpu.dma_semaphore, #tpu.memory_space<semaphore_mem>> -> memref<!tpu.dma_semaphore, #tpu.memory_space<semaphore_mem>>
      tpu.wait_indirect_dma semaphore(%dma_wait3A_566 : memref<!tpu.dma_semaphore, #tpu.memory_space<semaphore_mem>>) src(%dma_wait3A_564 : memref<10000x128xf32, #tpu.memory_space<hbm>>) dst(%dma_wait3A_558 : memref<80x128xf32, #tpu.memory_space<vmem>>)
      %rem3A_567 = arith.constant 8 : i32
      %rem3A_568 = arith.remsi %while3A_550, %rem3A_567 : i32
      %dma_start3A_569 = arith.constant 1 : i32
      %dma_start3A_570 = arith.constant 0 : i32
      %dma_start3A_571 = arith.constant 0 : i32
      %dma_start3A_572 = tpu.memref_slice %arg8[%rem3A_552, %dma_start3A_570, %dma_start3A_571] : memref<4x80x128xf32, #tpu.memory_space<vmem>> -> memref<1x80x128xf32, #tpu.memory_space<vmem>>
      %dma_start3A_573 = tpu.memref_squeeze %dma_start3A_572 : memref<1x80x128xf32, #tpu.memory_space<vmem>> -> memref<80x128xf32, #tpu.memory_space<vmem>>
      %dma_start3A_574 = arith.constant 0 : i32
      %dma_start3A_575 = tpu.memref_slice %arg7[%rem3A_568, %dma_start3A_569, %dma_start3A_574] : memref<8x2x80xi32, #tpu.memory_space<vmem>> -> memref<1x1x80xi32, #tpu.memory_space<vmem>>
      %dma_start3A_576 = tpu.memref_squeeze %dma_start3A_575 : memref<1x1x80xi32, #tpu.memory_space<vmem>> -> memref<80xi32, #tpu.memory_space<vmem>>
      %dma_start3A_577 = arith.constant 0 : i32
      %dma_start3A_578 = arith.constant 0 : i32
      %dma_start3A_579 = tpu.memref_slice %arg6[%dma_start3A_577, %dma_start3A_578] : memref<10112x128xf32, #tpu.memory_space<vmem_shared>> -> memref<10112x128xf32, #tpu.memory_space<vmem_shared>>
      %dma_start3A_580 = tpu.memref_slice %arg11[%rem3A_552] : memref<4x!tpu.dma_semaphore, #tpu.memory_space<semaphore_mem>> -> memref<1x!tpu.dma_semaphore, #tpu.memory_space<semaphore_mem>>
      %dma_start3A_581 = tpu.memref_squeeze %dma_start3A_580 : memref<1x!tpu.dma_semaphore, #tpu.memory_space<semaphore_mem>> -> memref<!tpu.dma_semaphore, #tpu.memory_space<semaphore_mem>>
      tpu.enqueue_indirect_dma source(%dma_start3A_573 : memref<80x128xf32, #tpu.memory_space<vmem>>) target(%dma_start3A_579 : memref<10112x128xf32, #tpu.memory_space<vmem_shared>>) offsets(%dma_start3A_576 : memref<80xi32, #tpu.memory_space<vmem>>) semaphore(%dma_start3A_581 : memref<!tpu.dma_semaphore, #tpu.memory_space<semaphore_mem>>) {add = true}
      %add3A_582 = arith.constant 2 : i32
      %add3A_583 = arith.addi %while3A_550, %add3A_582 : i32
      %rem3A_584 = arith.constant 4 : i32
      %rem3A_585 = arith.remsi %add3A_583, %rem3A_584 : i32
      %dma_wait3A_586 = arith.constant 0 : i32
      %dma_wait3A_587 = arith.constant 1 : i32
      %dma_wait3A_588 = arith.constant 0 : i32
      %dma_wait3A_589 = arith.constant 0 : i32
      %dma_wait3A_590 = tpu.memref_slice %arg8[%rem3A_585, %dma_wait3A_588, %dma_wait3A_589] : memref<4x80x128xf32, #tpu.memory_space<vmem>> -> memref<1x80x128xf32, #tpu.memory_space<vmem>>
      %dma_wait3A_591 = tpu.memref_squeeze %dma_wait3A_590 : memref<1x80x128xf32, #tpu.memory_space<vmem>> -> memref<80x128xf32, #tpu.memory_space<vmem>>
      %dma_wait3A_592 = arith.constant 0 : i32
      %dma_wait3A_593 = tpu.memref_slice %arg7[%dma_wait3A_586, %dma_wait3A_587, %dma_wait3A_592] : memref<8x2x80xi32, #tpu.memory_space<vmem>> -> memref<1x1x80xi32, #tpu.memory_space<vmem>>
      %dma_wait3A_594 = tpu.memref_squeeze %dma_wait3A_593 : memref<1x1x80xi32, #tpu.memory_space<vmem>> -> memref<80xi32, #tpu.memory_space<vmem>>
      %dma_wait3A_595 = arith.constant 0 : i32
      %dma_wait3A_596 = arith.constant 0 : i32
      %dma_wait3A_597 = tpu.memref_slice %arg6[%dma_wait3A_595, %dma_wait3A_596] : memref<10112x128xf32, #tpu.memory_space<vmem_shared>> -> memref<10112x128xf32, #tpu.memory_space<vmem_shared>>
      %dma_wait3A_598 = tpu.memref_slice %arg11[%rem3A_585] : memref<4x!tpu.dma_semaphore, #tpu.memory_space<semaphore_mem>> -> memref<1x!tpu.dma_semaphore, #tpu.memory_space<semaphore_mem>>
      %dma_wait3A_599 = tpu.memref_squeeze %dma_wait3A_598 : memref<1x!tpu.dma_semaphore, #tpu.memory_space<semaphore_mem>> -> memref<!tpu.dma_semaphore, #tpu.memory_space<semaphore_mem>>
      tpu.wait_indirect_dma semaphore(%dma_wait3A_599 : memref<!tpu.dma_semaphore, #tpu.memory_space<semaphore_mem>>) src(%dma_wait3A_591 : memref<80x128xf32, #tpu.memory_space<vmem>>) dst(%dma_wait3A_597 : memref<10112x128xf32, #tpu.memory_space<vmem_shared>>)
      %add3A_600 = arith.constant 6 : i32
      %add3A_601 = arith.addi %while3A_550, %add3A_600 : i32
      %add3A_602 = arith.constant 6 : i32
      %add3A_603 = arith.addi %while3A_550, %add3A_602 : i32
      %rem3A_604 = arith.constant 8 : i32
      %rem3A_605 = arith.remsi %add3A_603, %rem3A_604 : i32
      %sub3A_606 = arith.constant 1 : i32
      %sub3A_607 = arith.subi %select_n3A, %sub3A_606 : i32
      %min3A_608 = arith.minsi %add3A_601, %sub3A_607 : i32
      %add3A_609 = arith.addi %select_n3A_10, %min3A_608 : i32
      %mul3A_610 = arith.constant 80 : i32
      %mul3A_611 = arith.muli %add3A_609, %mul3A_610 : i32
      %dma_start3A_612 = arith.constant 0 : i32
      %dma_start3A_613 = arith.constant 0 : i32
      %dma_start3A_614 = tpu.memref_slice %arg7[%rem3A_605, %dma_start3A_612, %dma_start3A_613] : memref<8x2x80xi32, #tpu.memory_space<vmem>> -> memref<1x2x80xi32, #tpu.memory_space<vmem>>
      %dma_start3A_615 = tpu.memref_squeeze %dma_start3A_614 : memref<1x2x80xi32, #tpu.memory_space<vmem>> -> memref<2x80xi32, #tpu.memory_space<vmem>>
      %dma_start3A_616 = arith.constant 0 : i32
      %dma_start3A_617 = tpu.memref_slice %arg3[%dma_start3A_616, %mul3A_611] : memref<2x320000xi32, #tpu.memory_space<hbm>> -> memref<2x80xi32, #tpu.memory_space<hbm>>
      %dma_start3A_618 = tpu.memref_slice %arg9[%rem3A_605] : memref<8x!tpu.dma_semaphore, #tpu.memory_space<semaphore_mem>> -> memref<1x!tpu.dma_semaphore, #tpu.memory_space<semaphore_mem>>
      %dma_start3A_619 = tpu.memref_squeeze %dma_start3A_618 : memref<1x!tpu.dma_semaphore, #tpu.memory_space<semaphore_mem>> -> memref<!tpu.dma_semaphore, #tpu.memory_space<semaphore_mem>>
      %dma_start3A_620 = arith.constant 0 : i32
      %dma_start3A_621 = arith.constant 0 : i32
      %dma_start3A_622 = tpu.memref_slice %arg7[%rem3A_605, %dma_start3A_620, %dma_start3A_621] : memref<8x2x80xi32, #tpu.memory_space<vmem>> -> memref<1x2x80xi32, #tpu.memory_space<vmem>>
      %dma_start3A_623 = tpu.memref_squeeze %dma_start3A_622 : memref<1x2x80xi32, #tpu.memory_space<vmem>> -> memref<2x80xi32, #tpu.memory_space<vmem>>
      %dma_start3A_624 = arith.constant 0 : i32
      %dma_start3A_625 = tpu.memref_slice %arg3[%dma_start3A_624, %mul3A_611] : memref<2x320000xi32, #tpu.memory_space<hbm>> -> memref<2x80xi32, #tpu.memory_space<hbm>>
      tpu.enqueue_dma source(%dma_start3A_625 : memref<2x80xi32, #tpu.memory_space<hbm>>) target(%dma_start3A_623 : memref<2x80xi32, #tpu.memory_space<vmem>>) target_semaphore(%dma_start3A_619 : memref<!tpu.dma_semaphore, #tpu.memory_space<semaphore_mem>>)
      %add3A_626 = arith.constant 2 : i32
      %add3A_627 = arith.addi %while3A_550, %add3A_626 : i32
      %rem3A_628 = arith.constant 8 : i32
      %rem3A_629 = arith.remsi %add3A_627, %rem3A_628 : i32
      %dma_wait3A_630 = arith.constant 0 : i32
      %dma_wait3A_631 = arith.constant 0 : i32
      %dma_wait3A_632 = tpu.memref_slice %arg7[%rem3A_629, %dma_wait3A_630, %dma_wait3A_631] : memref<8x2x80xi32, #tpu.memory_space<vmem>> -> memref<1x2x80xi32, #tpu.memory_space<vmem>>
      %dma_wait3A_633 = tpu.memref_squeeze %dma_wait3A_632 : memref<1x2x80xi32, #tpu.memory_space<vmem>> -> memref<2x80xi32, #tpu.memory_space<vmem>>
      %dma_wait3A_634 = arith.constant 0 : i32
      %dma_wait3A_635 = arith.constant 0 : i32
      %dma_wait3A_636 = tpu.memref_slice %arg3[%dma_wait3A_634, %dma_wait3A_635] : memref<2x320000xi32, #tpu.memory_space<hbm>> -> memref<2x80xi32, #tpu.memory_space<hbm>>
      %dma_wait3A_637 = tpu.memref_slice %arg9[%rem3A_629] : memref<8x!tpu.dma_semaphore, #tpu.memory_space<semaphore_mem>> -> memref<1x!tpu.dma_semaphore, #tpu.memory_space<semaphore_mem>>
      %dma_wait3A_638 = tpu.memref_squeeze %dma_wait3A_637 : memref<1x!tpu.dma_semaphore, #tpu.memory_space<semaphore_mem>> -> memref<!tpu.dma_semaphore, #tpu.memory_space<semaphore_mem>>
      %dma_wait3A_639 = arith.constant 0 : i32
      %dma_wait3A_640 = arith.constant 0 : i32
      %dma_wait3A_641 = tpu.memref_slice %arg7[%rem3A_629, %dma_wait3A_639, %dma_wait3A_640] : memref<8x2x80xi32, #tpu.memory_space<vmem>> -> memref<1x2x80xi32, #tpu.memory_space<vmem>>
      %dma_wait3A_642 = tpu.memref_squeeze %dma_wait3A_641 : memref<1x2x80xi32, #tpu.memory_space<vmem>> -> memref<2x80xi32, #tpu.memory_space<vmem>>
      %dma_wait3A_643 = arith.constant 0 : i32
      %dma_wait3A_644 = arith.constant 0 : i32
      %dma_wait3A_645 = tpu.memref_slice %arg3[%dma_wait3A_643, %dma_wait3A_644] : memref<2x320000xi32, #tpu.memory_space<hbm>> -> memref<2x80xi32, #tpu.memory_space<hbm>>
      tpu.wait_dma2 semaphore(%dma_wait3A_638 : memref<!tpu.dma_semaphore, #tpu.memory_space<semaphore_mem>>) src(%dma_wait3A_645 : memref<2x80xi32, #tpu.memory_space<hbm>>) dst(%dma_wait3A_642 : memref<2x80xi32, #tpu.memory_space<vmem>>)
      %add3A_646 = arith.constant 2 : i32
      %add3A_647 = arith.addi %while3A_550, %add3A_646 : i32
      %rem3A_648 = arith.constant 8 : i32
      %rem3A_649 = arith.remsi %add3A_647, %rem3A_648 : i32
      %add3A_650 = arith.constant 2 : i32
      %add3A_651 = arith.addi %while3A_550, %add3A_650 : i32
      %rem3A_652 = arith.constant 4 : i32
      %rem3A_653 = arith.remsi %add3A_651, %rem3A_652 : i32
      %dma_start3A_654 = arith.constant 0 : i32
      %dma_start3A_655 = arith.constant 0 : i32
      %dma_start3A_656 = arith.constant 0 : i32
      %dma_start3A_657 = tpu.memref_slice %arg8[%rem3A_653, %dma_start3A_655, %dma_start3A_656] : memref<4x80x128xf32, #tpu.memory_space<vmem>> -> memref<1x80x128xf32, #tpu.memory_space<vmem>>
      %dma_start3A_658 = tpu.memref_squeeze %dma_start3A_657 : memref<1x80x128xf32, #tpu.memory_space<vmem>> -> memref<80x128xf32, #tpu.memory_space<vmem>>
      %dma_start3A_659 = arith.constant 0 : i32
      %dma_start3A_660 = tpu.memref_slice %arg7[%rem3A_649, %dma_start3A_654, %dma_start3A_659] : memref<8x2x80xi32, #tpu.memory_space<vmem>> -> memref<1x1x80xi32, #tpu.memory_space<vmem>>
      %dma_start3A_661 = tpu.memref_squeeze %dma_start3A_660 : memref<1x1x80xi32, #tpu.memory_space<vmem>> -> memref<80xi32, #tpu.memory_space<vmem>>
      %dma_start3A_662 = arith.constant 0 : i32
      %dma_start3A_663 = arith.constant 0 : i32
      %dma_start3A_664 = tpu.memref_slice %arg2[%dma_start3A_662, %dma_start3A_663] : memref<10000x128xf32, #tpu.memory_space<hbm>> -> memref<10000x128xf32, #tpu.memory_space<hbm>>
      %dma_start3A_665 = tpu.memref_slice %arg10[%rem3A_653] : memref<4x!tpu.dma_semaphore, #tpu.memory_space<semaphore_mem>> -> memref<1x!tpu.dma_semaphore, #tpu.memory_space<semaphore_mem>>
      %dma_start3A_666 = tpu.memref_squeeze %dma_start3A_665 : memref<1x!tpu.dma_semaphore, #tpu.memory_space<semaphore_mem>> -> memref<!tpu.dma_semaphore, #tpu.memory_space<semaphore_mem>>
      tpu.enqueue_indirect_dma source(%dma_start3A_664 : memref<10000x128xf32, #tpu.memory_space<hbm>>) target(%dma_start3A_658 : memref<80x128xf32, #tpu.memory_space<vmem>>) offsets(%dma_start3A_661 : memref<80xi32, #tpu.memory_space<vmem>>) semaphore(%dma_start3A_666 : memref<!tpu.dma_semaphore, #tpu.memory_space<semaphore_mem>>)
    }
    %sub3A_400 = arith.constant 2 : i32
    %sub3A_401 = arith.subi %select_n3A, %sub3A_400 : i32
    %rem3A = arith.constant 4 : i32
    %rem3A_402 = arith.remsi %sub3A_401, %rem3A : i32
    %dma_wait3A_403 = arith.constant 0 : i32
    %dma_wait3A_404 = arith.constant 1 : i32
    %dma_wait3A_405 = arith.constant 0 : i32
    %dma_wait3A_406 = arith.constant 0 : i32
    %dma_wait3A_407 = tpu.memref_slice %arg8[%rem3A_402, %dma_wait3A_405, %dma_wait3A_406] : memref<4x80x128xf32, #tpu.memory_space<vmem>> -> memref<1x80x128xf32, #tpu.memory_space<vmem>>
    %dma_wait3A_408 = tpu.memref_squeeze %dma_wait3A_407 : memref<1x80x128xf32, #tpu.memory_space<vmem>> -> memref<80x128xf32, #tpu.memory_space<vmem>>
    %dma_wait3A_409 = arith.constant 0 : i32
    %dma_wait3A_410 = tpu.memref_slice %arg7[%dma_wait3A_403, %dma_wait3A_404, %dma_wait3A_409] : memref<8x2x80xi32, #tpu.memory_space<vmem>> -> memref<1x1x80xi32, #tpu.memory_space<vmem>>
    %dma_wait3A_411 = tpu.memref_squeeze %dma_wait3A_410 : memref<1x1x80xi32, #tpu.memory_space<vmem>> -> memref<80xi32, #tpu.memory_space<vmem>>
    %dma_wait3A_412 = arith.constant 0 : i32
    %dma_wait3A_413 = arith.constant 0 : i32
    %dma_wait3A_414 = tpu.memref_slice %arg6[%dma_wait3A_412, %dma_wait3A_413] : memref<10112x128xf32, #tpu.memory_space<vmem_shared>> -> memref<10112x128xf32, #tpu.memory_space<vmem_shared>>
    %dma_wait3A_415 = tpu.memref_slice %arg11[%rem3A_402] : memref<4x!tpu.dma_semaphore, #tpu.memory_space<semaphore_mem>> -> memref<1x!tpu.dma_semaphore, #tpu.memory_space<semaphore_mem>>
    %dma_wait3A_416 = tpu.memref_squeeze %dma_wait3A_415 : memref<1x!tpu.dma_semaphore, #tpu.memory_space<semaphore_mem>> -> memref<!tpu.dma_semaphore, #tpu.memory_space<semaphore_mem>>
    tpu.wait_indirect_dma semaphore(%dma_wait3A_416 : memref<!tpu.dma_semaphore, #tpu.memory_space<semaphore_mem>>) src(%dma_wait3A_408 : memref<80x128xf32, #tpu.memory_space<vmem>>) dst(%dma_wait3A_414 : memref<10112x128xf32, #tpu.memory_space<vmem_shared>>)
    %sub3A_417 = arith.constant 1 : i32
    %sub3A_418 = arith.subi %select_n3A, %sub3A_417 : i32
    %rem3A_419 = arith.constant 4 : i32
    %rem3A_420 = arith.remsi %sub3A_418, %rem3A_419 : i32
    %dma_wait3A_421 = arith.constant 0 : i32
    %dma_wait3A_422 = arith.constant 1 : i32
    %dma_wait3A_423 = arith.constant 0 : i32
    %dma_wait3A_424 = arith.constant 0 : i32
    %dma_wait3A_425 = tpu.memref_slice %arg8[%rem3A_420, %dma_wait3A_423, %dma_wait3A_424] : memref<4x80x128xf32, #tpu.memory_space<vmem>> -> memref<1x80x128xf32, #tpu.memory_space<vmem>>
    %dma_wait3A_426 = tpu.memref_squeeze %dma_wait3A_425 : memref<1x80x128xf32, #tpu.memory_space<vmem>> -> memref<80x128xf32, #tpu.memory_space<vmem>>
    %dma_wait3A_427 = arith.constant 0 : i32
    %dma_wait3A_428 = tpu.memref_slice %arg7[%dma_wait3A_421, %dma_wait3A_422, %dma_wait3A_427] : memref<8x2x80xi32, #tpu.memory_space<vmem>> -> memref<1x1x80xi32, #tpu.memory_space<vmem>>
    %dma_wait3A_429 = tpu.memref_squeeze %dma_wait3A_428 : memref<1x1x80xi32, #tpu.memory_space<vmem>> -> memref<80xi32, #tpu.memory_space<vmem>>
    %dma_wait3A_430 = arith.constant 0 : i32
    %dma_wait3A_431 = arith.constant 0 : i32
    %dma_wait3A_432 = tpu.memref_slice %arg6[%dma_wait3A_430, %dma_wait3A_431] : memref<10112x128xf32, #tpu.memory_space<vmem_shared>> -> memref<10112x128xf32, #tpu.memory_space<vmem_shared>>
    %dma_wait3A_433 = tpu.memref_slice %arg11[%rem3A_420] : memref<4x!tpu.dma_semaphore, #tpu.memory_space<semaphore_mem>> -> memref<1x!tpu.dma_semaphore, #tpu.memory_space<semaphore_mem>>
    %dma_wait3A_434 = tpu.memref_squeeze %dma_wait3A_433 : memref<1x!tpu.dma_semaphore, #tpu.memory_space<semaphore_mem>> -> memref<!tpu.dma_semaphore, #tpu.memory_space<semaphore_mem>>
    tpu.wait_indirect_dma semaphore(%dma_wait3A_434 : memref<!tpu.dma_semaphore, #tpu.memory_space<semaphore_mem>>) src(%dma_wait3A_426 : memref<80x128xf32, #tpu.memory_space<vmem>>) dst(%dma_wait3A_432 : memref<10112x128xf32, #tpu.memory_space<vmem_shared>>)
    %rem3A_435 = arith.constant 4 : i32
    %rem3A_436 = arith.remsi %select_n3A, %rem3A_435 : i32
    %dma_wait3A_437 = arith.constant 0 : i32
    %dma_wait3A_438 = arith.constant 0 : i32
    %dma_wait3A_439 = arith.constant 0 : i32
    %dma_wait3A_440 = arith.constant 0 : i32
    %dma_wait3A_441 = tpu.memref_slice %arg8[%rem3A_436, %dma_wait3A_439, %dma_wait3A_440] : memref<4x80x128xf32, #tpu.memory_space<vmem>> -> memref<1x80x128xf32, #tpu.memory_space<vmem>>
    %dma_wait3A_442 = tpu.memref_squeeze %dma_wait3A_441 : memref<1x80x128xf32, #tpu.memory_space<vmem>> -> memref<80x128xf32, #tpu.memory_space<vmem>>
    %dma_wait3A_443 = arith.constant 0 : i32
    %dma_wait3A_444 = tpu.memref_slice %arg7[%dma_wait3A_437, %dma_wait3A_438, %dma_wait3A_443] : memref<8x2x80xi32, #tpu.memory_space<vmem>> -> memref<1x1x80xi32, #tpu.memory_space<vmem>>
    %dma_wait3A_445 = tpu.memref_squeeze %dma_wait3A_444 : memref<1x1x80xi32, #tpu.memory_space<vmem>> -> memref<80xi32, #tpu.memory_space<vmem>>
    %dma_wait3A_446 = arith.constant 0 : i32
    %dma_wait3A_447 = arith.constant 0 : i32
    %dma_wait3A_448 = tpu.memref_slice %arg2[%dma_wait3A_446, %dma_wait3A_447] : memref<10000x128xf32, #tpu.memory_space<hbm>> -> memref<10000x128xf32, #tpu.memory_space<hbm>>
    %dma_wait3A_449 = tpu.memref_slice %arg10[%rem3A_436] : memref<4x!tpu.dma_semaphore, #tpu.memory_space<semaphore_mem>> -> memref<1x!tpu.dma_semaphore, #tpu.memory_space<semaphore_mem>>
    %dma_wait3A_450 = tpu.memref_squeeze %dma_wait3A_449 : memref<1x!tpu.dma_semaphore, #tpu.memory_space<semaphore_mem>> -> memref<!tpu.dma_semaphore, #tpu.memory_space<semaphore_mem>>
    tpu.wait_indirect_dma semaphore(%dma_wait3A_450 : memref<!tpu.dma_semaphore, #tpu.memory_space<semaphore_mem>>) src(%dma_wait3A_448 : memref<10000x128xf32, #tpu.memory_space<hbm>>) dst(%dma_wait3A_442 : memref<80x128xf32, #tpu.memory_space<vmem>>)
    %add3A_451 = arith.constant 1 : i32
    %add3A_452 = arith.addi %select_n3A, %add3A_451 : i32
    %rem3A_453 = arith.constant 4 : i32
    %rem3A_454 = arith.remsi %add3A_452, %rem3A_453 : i32
    %dma_wait3A_455 = arith.constant 0 : i32
    %dma_wait3A_456 = arith.constant 0 : i32
    %dma_wait3A_457 = arith.constant 0 : i32
    %dma_wait3A_458 = arith.constant 0 : i32
    %dma_wait3A_459 = tpu.memref_slice %arg8[%rem3A_454, %dma_wait3A_457, %dma_wait3A_458] : memref<4x80x128xf32, #tpu.memory_space<vmem>> -> memref<1x80x128xf32, #tpu.memory_space<vmem>>
    %dma_wait3A_460 = tpu.memref_squeeze %dma_wait3A_459 : memref<1x80x128xf32, #tpu.memory_space<vmem>> -> memref<80x128xf32, #tpu.memory_space<vmem>>
    %dma_wait3A_461 = arith.constant 0 : i32
    %dma_wait3A_462 = tpu.memref_slice %arg7[%dma_wait3A_455, %dma_wait3A_456, %dma_wait3A_461] : memref<8x2x80xi32, #tpu.memory_space<vmem>> -> memref<1x1x80xi32, #tpu.memory_space<vmem>>
    %dma_wait3A_463 = tpu.memref_squeeze %dma_wait3A_462 : memref<1x1x80xi32, #tpu.memory_space<vmem>> -> memref<80xi32, #tpu.memory_space<vmem>>
    %dma_wait3A_464 = arith.constant 0 : i32
    %dma_wait3A_465 = arith.constant 0 : i32
    %dma_wait3A_466 = tpu.memref_slice %arg2[%dma_wait3A_464, %dma_wait3A_465] : memref<10000x128xf32, #tpu.memory_space<hbm>> -> memref<10000x128xf32, #tpu.memory_space<hbm>>
    %dma_wait3A_467 = tpu.memref_slice %arg10[%rem3A_454] : memref<4x!tpu.dma_semaphore, #tpu.memory_space<semaphore_mem>> -> memref<1x!tpu.dma_semaphore, #tpu.memory_space<semaphore_mem>>
    %dma_wait3A_468 = tpu.memref_squeeze %dma_wait3A_467 : memref<1x!tpu.dma_semaphore, #tpu.memory_space<semaphore_mem>> -> memref<!tpu.dma_semaphore, #tpu.memory_space<semaphore_mem>>
    tpu.wait_indirect_dma semaphore(%dma_wait3A_468 : memref<!tpu.dma_semaphore, #tpu.memory_space<semaphore_mem>>) src(%dma_wait3A_466 : memref<10000x128xf32, #tpu.memory_space<hbm>>) dst(%dma_wait3A_460 : memref<80x128xf32, #tpu.memory_space<vmem>>)
    %add3A_469 = arith.constant 2 : i32
    %add3A_470 = arith.addi %select_n3A, %add3A_469 : i32
    %rem3A_471 = arith.constant 8 : i32
    %rem3A_472 = arith.remsi %add3A_470, %rem3A_471 : i32
    %dma_wait3A_473 = arith.constant 0 : i32
    %dma_wait3A_474 = arith.constant 0 : i32
    %dma_wait3A_475 = tpu.memref_slice %arg7[%rem3A_472, %dma_wait3A_473, %dma_wait3A_474] : memref<8x2x80xi32, #tpu.memory_space<vmem>> -> memref<1x2x80xi32, #tpu.memory_space<vmem>>
    %dma_wait3A_476 = tpu.memref_squeeze %dma_wait3A_475 : memref<1x2x80xi32, #tpu.memory_space<vmem>> -> memref<2x80xi32, #tpu.memory_space<vmem>>
    %dma_wait3A_477 = arith.constant 0 : i32
    %dma_wait3A_478 = arith.constant 0 : i32
    %dma_wait3A_479 = tpu.memref_slice %arg3[%dma_wait3A_477, %dma_wait3A_478] : memref<2x320000xi32, #tpu.memory_space<hbm>> -> memref<2x80xi32, #tpu.memory_space<hbm>>
    %dma_wait3A_480 = tpu.memref_slice %arg9[%rem3A_472] : memref<8x!tpu.dma_semaphore, #tpu.memory_space<semaphore_mem>> -> memref<1x!tpu.dma_semaphore, #tpu.memory_space<semaphore_mem>>
    %dma_wait3A_481 = tpu.memref_squeeze %dma_wait3A_480 : memref<1x!tpu.dma_semaphore, #tpu.memory_space<semaphore_mem>> -> memref<!tpu.dma_semaphore, #tpu.memory_space<semaphore_mem>>
    %dma_wait3A_482 = arith.constant 0 : i32
    %dma_wait3A_483 = arith.constant 0 : i32
    %dma_wait3A_484 = tpu.memref_slice %arg7[%rem3A_472, %dma_wait3A_482, %dma_wait3A_483] : memref<8x2x80xi32, #tpu.memory_space<vmem>> -> memref<1x2x80xi32, #tpu.memory_space<vmem>>
    %dma_wait3A_485 = tpu.memref_squeeze %dma_wait3A_484 : memref<1x2x80xi32, #tpu.memory_space<vmem>> -> memref<2x80xi32, #tpu.memory_space<vmem>>
    %dma_wait3A_486 = arith.constant 0 : i32
    %dma_wait3A_487 = arith.constant 0 : i32
    %dma_wait3A_488 = tpu.memref_slice %arg3[%dma_wait3A_486, %dma_wait3A_487] : memref<2x320000xi32, #tpu.memory_space<hbm>> -> memref<2x80xi32, #tpu.memory_space<hbm>>
    tpu.wait_dma2 semaphore(%dma_wait3A_481 : memref<!tpu.dma_semaphore, #tpu.memory_space<semaphore_mem>>) src(%dma_wait3A_488 : memref<2x80xi32, #tpu.memory_space<hbm>>) dst(%dma_wait3A_485 : memref<2x80xi32, #tpu.memory_space<vmem>>)
    %add3A_489 = arith.constant 3 : i32
    %add3A_490 = arith.addi %select_n3A, %add3A_489 : i32
    %rem3A_491 = arith.constant 8 : i32
    %rem3A_492 = arith.remsi %add3A_490, %rem3A_491 : i32
    %dma_wait3A_493 = arith.constant 0 : i32
    %dma_wait3A_494 = arith.constant 0 : i32
    %dma_wait3A_495 = tpu.memref_slice %arg7[%rem3A_492, %dma_wait3A_493, %dma_wait3A_494] : memref<8x2x80xi32, #tpu.memory_space<vmem>> -> memref<1x2x80xi32, #tpu.memory_space<vmem>>
    %dma_wait3A_496 = tpu.memref_squeeze %dma_wait3A_495 : memref<1x2x80xi32, #tpu.memory_space<vmem>> -> memref<2x80xi32, #tpu.memory_space<vmem>>
    %dma_wait3A_497 = arith.constant 0 : i32
    %dma_wait3A_498 = arith.constant 0 : i32
    %dma_wait3A_499 = tpu.memref_slice %arg3[%dma_wait3A_497, %dma_wait3A_498] : memref<2x320000xi32, #tpu.memory_space<hbm>> -> memref<2x80xi32, #tpu.memory_space<hbm>>
    %dma_wait3A_500 = tpu.memref_slice %arg9[%rem3A_492] : memref<8x!tpu.dma_semaphore, #tpu.memory_space<semaphore_mem>> -> memref<1x!tpu.dma_semaphore, #tpu.memory_space<semaphore_mem>>
    %dma_wait3A_501 = tpu.memref_squeeze %dma_wait3A_500 : memref<1x!tpu.dma_semaphore, #tpu.memory_space<semaphore_mem>> -> memref<!tpu.dma_semaphore, #tpu.memory_space<semaphore_mem>>
    %dma_wait3A_502 = arith.constant 0 : i32
    %dma_wait3A_503 = arith.constant 0 : i32
    %dma_wait3A_504 = tpu.memref_slice %arg7[%rem3A_492, %dma_wait3A_502, %dma_wait3A_503] : memref<8x2x80xi32, #tpu.memory_space<vmem>> -> memref<1x2x80xi32, #tpu.memory_space<vmem>>
    %dma_wait3A_505 = tpu.memref_squeeze %dma_wait3A_504 : memref<1x2x80xi32, #tpu.memory_space<vmem>> -> memref<2x80xi32, #tpu.memory_space<vmem>>
    %dma_wait3A_506 = arith.constant 0 : i32
    %dma_wait3A_507 = arith.constant 0 : i32
    %dma_wait3A_508 = tpu.memref_slice %arg3[%dma_wait3A_506, %dma_wait3A_507] : memref<2x320000xi32, #tpu.memory_space<hbm>> -> memref<2x80xi32, #tpu.memory_space<hbm>>
    tpu.wait_dma2 semaphore(%dma_wait3A_501 : memref<!tpu.dma_semaphore, #tpu.memory_space<semaphore_mem>>) src(%dma_wait3A_508 : memref<2x80xi32, #tpu.memory_space<hbm>>) dst(%dma_wait3A_505 : memref<2x80xi32, #tpu.memory_space<vmem>>)
    %add3A_509 = arith.constant 4 : i32
    %add3A_510 = arith.addi %select_n3A, %add3A_509 : i32
    %rem3A_511 = arith.constant 8 : i32
    %rem3A_512 = arith.remsi %add3A_510, %rem3A_511 : i32
    %dma_wait3A_513 = arith.constant 0 : i32
    %dma_wait3A_514 = arith.constant 0 : i32
    %dma_wait3A_515 = tpu.memref_slice %arg7[%rem3A_512, %dma_wait3A_513, %dma_wait3A_514] : memref<8x2x80xi32, #tpu.memory_space<vmem>> -> memref<1x2x80xi32, #tpu.memory_space<vmem>>
    %dma_wait3A_516 = tpu.memref_squeeze %dma_wait3A_515 : memref<1x2x80xi32, #tpu.memory_space<vmem>> -> memref<2x80xi32, #tpu.memory_space<vmem>>
    %dma_wait3A_517 = arith.constant 0 : i32
    %dma_wait3A_518 = arith.constant 0 : i32
    %dma_wait3A_519 = tpu.memref_slice %arg3[%dma_wait3A_517, %dma_wait3A_518] : memref<2x320000xi32, #tpu.memory_space<hbm>> -> memref<2x80xi32, #tpu.memory_space<hbm>>
    %dma_wait3A_520 = tpu.memref_slice %arg9[%rem3A_512] : memref<8x!tpu.dma_semaphore, #tpu.memory_space<semaphore_mem>> -> memref<1x!tpu.dma_semaphore, #tpu.memory_space<semaphore_mem>>
    %dma_wait3A_521 = tpu.memref_squeeze %dma_wait3A_520 : memref<1x!tpu.dma_semaphore, #tpu.memory_space<semaphore_mem>> -> memref<!tpu.dma_semaphore, #tpu.memory_space<semaphore_mem>>
    %dma_wait3A_522 = arith.constant 0 : i32
    %dma_wait3A_523 = arith.constant 0 : i32
    %dma_wait3A_524 = tpu.memref_slice %arg7[%rem3A_512, %dma_wait3A_522, %dma_wait3A_523] : memref<8x2x80xi32, #tpu.memory_space<vmem>> -> memref<1x2x80xi32, #tpu.memory_space<vmem>>
    %dma_wait3A_525 = tpu.memref_squeeze %dma_wait3A_524 : memref<1x2x80xi32, #tpu.memory_space<vmem>> -> memref<2x80xi32, #tpu.memory_space<vmem>>
    %dma_wait3A_526 = arith.constant 0 : i32
    %dma_wait3A_527 = arith.constant 0 : i32
    %dma_wait3A_528 = tpu.memref_slice %arg3[%dma_wait3A_526, %dma_wait3A_527] : memref<2x320000xi32, #tpu.memory_space<hbm>> -> memref<2x80xi32, #tpu.memory_space<hbm>>
    tpu.wait_dma2 semaphore(%dma_wait3A_521 : memref<!tpu.dma_semaphore, #tpu.memory_space<semaphore_mem>>) src(%dma_wait3A_528 : memref<2x80xi32, #tpu.memory_space<hbm>>) dst(%dma_wait3A_525 : memref<2x80xi32, #tpu.memory_space<vmem>>)
    %add3A_529 = arith.constant 5 : i32
    %add3A_530 = arith.addi %select_n3A, %add3A_529 : i32
    %rem3A_531 = arith.constant 8 : i32
    %rem3A_532 = arith.remsi %add3A_530, %rem3A_531 : i32
    %dma_wait3A_533 = arith.constant 0 : i32
    %dma_wait3A_534 = arith.constant 0 : i32
    %dma_wait3A_535 = tpu.memref_slice %arg7[%rem3A_532, %dma_wait3A_533, %dma_wait3A_534] : memref<8x2x80xi32, #tpu.memory_space<vmem>> -> memref<1x2x80xi32, #tpu.memory_space<vmem>>
    %dma_wait3A_536 = tpu.memref_squeeze %dma_wait3A_535 : memref<1x2x80xi32, #tpu.memory_space<vmem>> -> memref<2x80xi32, #tpu.memory_space<vmem>>
    %dma_wait3A_537 = arith.constant 0 : i32
    %dma_wait3A_538 = arith.constant 0 : i32
    %dma_wait3A_539 = tpu.memref_slice %arg3[%dma_wait3A_537, %dma_wait3A_538] : memref<2x320000xi32, #tpu.memory_space<hbm>> -> memref<2x80xi32, #tpu.memory_space<hbm>>
    %dma_wait3A_540 = tpu.memref_slice %arg9[%rem3A_532] : memref<8x!tpu.dma_semaphore, #tpu.memory_space<semaphore_mem>> -> memref<1x!tpu.dma_semaphore, #tpu.memory_space<semaphore_mem>>
    %dma_wait3A_541 = tpu.memref_squeeze %dma_wait3A_540 : memref<1x!tpu.dma_semaphore, #tpu.memory_space<semaphore_mem>> -> memref<!tpu.dma_semaphore, #tpu.memory_space<semaphore_mem>>
    %dma_wait3A_542 = arith.constant 0 : i32
    %dma_wait3A_543 = arith.constant 0 : i32
    %dma_wait3A_544 = tpu.memref_slice %arg7[%rem3A_532, %dma_wait3A_542, %dma_wait3A_543] : memref<8x2x80xi32, #tpu.memory_space<vmem>> -> memref<1x2x80xi32, #tpu.memory_space<vmem>>
    %dma_wait3A_545 = tpu.memref_squeeze %dma_wait3A_544 : memref<1x2x80xi32, #tpu.memory_space<vmem>> -> memref<2x80xi32, #tpu.memory_space<vmem>>
    %dma_wait3A_546 = arith.constant 0 : i32
    %dma_wait3A_547 = arith.constant 0 : i32
    %dma_wait3A_548 = tpu.memref_slice %arg3[%dma_wait3A_546, %dma_wait3A_547] : memref<2x320000xi32, #tpu.memory_space<hbm>> -> memref<2x80xi32, #tpu.memory_space<hbm>>
    tpu.wait_dma2 semaphore(%dma_wait3A_541 : memref<!tpu.dma_semaphore, #tpu.memory_space<semaphore_mem>>) src(%dma_wait3A_548 : memref<2x80xi32, #tpu.memory_space<hbm>>) dst(%dma_wait3A_545 : memref<2x80xi32, #tpu.memory_space<vmem>>)
    %barrier3A_549 = arith.constant 0 : index
    tpu.barrier barrier_id(%barrier3A_549)
    "tpu.region"() ({
      %run_scoped3A = tpu.sem_alloc : memref<!tpu.dma_semaphore, #tpu.memory_space<semaphore_mem>>
      %dma_start3A_550 = arith.constant 0 : i32
      %dma_start3A_551 = tpu.memref_slice %arg5[%arg0, %mul3A_0, %dma_start3A_550] : memref<2x10112x128xf32, #tpu.memory_space<hbm>> -> memref<1x632x128xf32, #tpu.memory_space<hbm>>
      %dma_start3A_552 = tpu.memref_squeeze %dma_start3A_551 : memref<1x632x128xf32, #tpu.memory_space<hbm>> -> memref<632x128xf32, #tpu.memory_space<hbm>>
      %dma_start3A_553 = arith.constant 0 : i32
      %dma_start3A_554 = tpu.memref_slice %arg6[%mul3A_0, %dma_start3A_553] : memref<10112x128xf32, #tpu.memory_space<vmem_shared>> -> memref<632x128xf32, #tpu.memory_space<vmem_shared>>
      tpu.enqueue_dma source(%dma_start3A_554 : memref<632x128xf32, #tpu.memory_space<vmem_shared>>) target(%dma_start3A_552 : memref<632x128xf32, #tpu.memory_space<hbm>>) target_semaphore(%run_scoped3A : memref<!tpu.dma_semaphore, #tpu.memory_space<semaphore_mem>>)
      %dma_wait3A_555 = arith.constant 0 : i32
      %dma_wait3A_556 = tpu.memref_slice %arg5[%arg0, %mul3A_0, %dma_wait3A_555] : memref<2x10112x128xf32, #tpu.memory_space<hbm>> -> memref<1x632x128xf32, #tpu.memory_space<hbm>>
      %dma_wait3A_557 = tpu.memref_squeeze %dma_wait3A_556 : memref<1x632x128xf32, #tpu.memory_space<hbm>> -> memref<632x128xf32, #tpu.memory_space<hbm>>
      %dma_wait3A_558 = arith.constant 0 : i32
      %dma_wait3A_559 = tpu.memref_slice %arg6[%mul3A_0, %dma_wait3A_558] : memref<10112x128xf32, #tpu.memory_space<vmem_shared>> -> memref<632x128xf32, #tpu.memory_space<vmem_shared>>
      tpu.wait_dma2 semaphore(%run_scoped3A : memref<!tpu.dma_semaphore, #tpu.memory_space<semaphore_mem>>) src(%dma_wait3A_559 : memref<632x128xf32, #tpu.memory_space<vmem_shared>>) dst(%dma_wait3A_557 : memref<632x128xf32, #tpu.memory_space<hbm>>)
      tpu.yield
    }) : () -> ()
    return
  }
}

#map = affine_map<(d0, d1) -> (0, 0)>
#map1 = affine_map<(d0, d1) -> (0, 0, 0)>
module attributes {stable_mosaic.version = 14 : i64} {
  func.func @body(%arg0: i32, %arg1: i32, %arg2: memref<2x320000xi32, #tpu.memory_space<hbm>>, %arg3: memref<632x32xf32, #tpu.memory_space<hbm>>, %arg4: memref<80x32xf32, #tpu.memory_space<hbm>>, %arg5: memref<2x10112x32xf32, #tpu.memory_space<hbm>>, %arg6: memref<10112x32xf32, #tpu.memory_space<vmem_shared>>, %arg7: memref<8x2x80xi32, #tpu.memory_space<vmem>>, %arg8: memref<80x32xf32, #tpu.memory_space<vmem>>, %arg9: memref<8x!tpu.dma_semaphore, #tpu.memory_space<semaphore_mem>>, %arg10: memref<4x!tpu.dma_semaphore, #tpu.memory_space<semaphore_mem>>) attributes {dimension_semantics = [#tpu.dimension_semantics<core_parallel>, #tpu.dimension_semantics<subcore_parallel>], iteration_bounds = array<i64: 2, 16>, scalar_prefetch = 0 : i64, scratch_operands = 5 : i64, tpu.core_type = #tpu.core_type<sc_vector_subcore>, window_params = [{transform_indices = #map}, {transform_indices = #map}, {transform_indices = #map}, {transform_indices = #map1}]} {
    %mul3A = arith.constant 2 : i32
    %mul3A_0 = arith.muli %arg1, %mul3A : i32
    %add3A = arith.addi %mul3A_0, %arg0 : i32
    %mul3A_1 = arith.constant 632 : i32
    %mul3A_2 = arith.muli %arg1, %mul3A_1 : i32
    %mul3A_3 = arith.constant 125 : i32
    %mul3A_4 = arith.muli %add3A, %mul3A_3 : i32
    "tpu.region"() ({
      %run_scoped3A = tpu.sem_alloc : memref<!tpu.dma_semaphore, #tpu.memory_space<semaphore_mem>>
      %dma_start3A_381 = arith.constant 0 : i32
      %dma_start3A_382 = tpu.memref_slice %arg6[%mul3A_2, %dma_start3A_381] : memref<10112x32xf32, #tpu.memory_space<vmem_shared>> -> memref<632x32xf32, #tpu.memory_space<vmem_shared>>
      tpu.enqueue_dma source(%arg3 : memref<632x32xf32, #tpu.memory_space<hbm>>) target(%dma_start3A_382 : memref<632x32xf32, #tpu.memory_space<vmem_shared>>) target_semaphore(%run_scoped3A : memref<!tpu.dma_semaphore, #tpu.memory_space<semaphore_mem>>)
      %dma_wait3A_383 = arith.constant 0 : i32
      %dma_wait3A_384 = tpu.memref_slice %arg6[%mul3A_2, %dma_wait3A_383] : memref<10112x32xf32, #tpu.memory_space<vmem_shared>> -> memref<632x32xf32, #tpu.memory_space<vmem_shared>>
      tpu.wait_dma2 semaphore(%run_scoped3A : memref<!tpu.dma_semaphore, #tpu.memory_space<semaphore_mem>>) src(%arg3 : memref<632x32xf32, #tpu.memory_space<hbm>>) dst(%dma_wait3A_384 : memref<632x32xf32, #tpu.memory_space<vmem_shared>>)
      tpu.yield
    }) : () -> ()
    "tpu.region"() ({
      %run_scoped3A = tpu.sem_alloc : memref<!tpu.dma_semaphore, #tpu.memory_space<semaphore_mem>>
      tpu.enqueue_dma source(%arg4 : memref<80x32xf32, #tpu.memory_space<hbm>>) target(%arg8 : memref<80x32xf32, #tpu.memory_space<vmem>>) target_semaphore(%run_scoped3A : memref<!tpu.dma_semaphore, #tpu.memory_space<semaphore_mem>>)
      tpu.wait_dma2 semaphore(%run_scoped3A : memref<!tpu.dma_semaphore, #tpu.memory_space<semaphore_mem>>) src(%arg4 : memref<80x32xf32, #tpu.memory_space<hbm>>) dst(%arg8 : memref<80x32xf32, #tpu.memory_space<vmem>>)
      tpu.yield
    }) : () -> ()
    %barrier3A = arith.constant 0 : index
    tpu.barrier barrier_id(%barrier3A)
    %min3A = arith.constant 0 : i32
    %min3A_5 = arith.constant 124 : i32
    %min3A_6 = arith.minsi %min3A, %min3A_5 : i32
    %add3A_7 = arith.addi %mul3A_4, %min3A_6 : i32
    %mul3A_8 = arith.constant 80 : i32
    %mul3A_9 = arith.muli %add3A_7, %mul3A_8 : i32
    %dma_start3A = arith.constant 0 : i32
    %dma_start3A_10 = arith.constant 0 : i32
    %dma_start3A_11 = arith.constant 0 : i32
    %dma_start3A_12 = arith.constant 0 : i32
    %dma_start3A_13 = tpu.memref_slice %arg7[%dma_start3A, %dma_start3A_11, %dma_start3A_12] : memref<8x2x80xi32, #tpu.memory_space<vmem>> -> memref<1x2x80xi32, #tpu.memory_space<vmem>>
    %dma_start3A_14 = tpu.memref_squeeze %dma_start3A_13 : memref<1x2x80xi32, #tpu.memory_space<vmem>> -> memref<2x80xi32, #tpu.memory_space<vmem>>
    %dma_start3A_15 = arith.constant 0 : i32
    %dma_start3A_16 = tpu.memref_slice %arg2[%dma_start3A_15, %mul3A_9] : memref<2x320000xi32, #tpu.memory_space<hbm>> -> memref<2x80xi32, #tpu.memory_space<hbm>>
    %dma_start3A_17 = tpu.memref_slice %arg9[%dma_start3A_10] : memref<8x!tpu.dma_semaphore, #tpu.memory_space<semaphore_mem>> -> memref<1x!tpu.dma_semaphore, #tpu.memory_space<semaphore_mem>>
    %dma_start3A_18 = tpu.memref_squeeze %dma_start3A_17 : memref<1x!tpu.dma_semaphore, #tpu.memory_space<semaphore_mem>> -> memref<!tpu.dma_semaphore, #tpu.memory_space<semaphore_mem>>
    %dma_start3A_19 = arith.constant 0 : i32
    %dma_start3A_20 = arith.constant 0 : i32
    %dma_start3A_21 = tpu.memref_slice %arg7[%dma_start3A, %dma_start3A_19, %dma_start3A_20] : memref<8x2x80xi32, #tpu.memory_space<vmem>> -> memref<1x2x80xi32, #tpu.memory_space<vmem>>
    %dma_start3A_22 = tpu.memref_squeeze %dma_start3A_21 : memref<1x2x80xi32, #tpu.memory_space<vmem>> -> memref<2x80xi32, #tpu.memory_space<vmem>>
    %dma_start3A_23 = arith.constant 0 : i32
    %dma_start3A_24 = tpu.memref_slice %arg2[%dma_start3A_23, %mul3A_9] : memref<2x320000xi32, #tpu.memory_space<hbm>> -> memref<2x80xi32, #tpu.memory_space<hbm>>
    tpu.enqueue_dma source(%dma_start3A_24 : memref<2x80xi32, #tpu.memory_space<hbm>>) target(%dma_start3A_22 : memref<2x80xi32, #tpu.memory_space<vmem>>) target_semaphore(%dma_start3A_18 : memref<!tpu.dma_semaphore, #tpu.memory_space<semaphore_mem>>)
    %min3A_25 = arith.constant 1 : i32
    %min3A_26 = arith.constant 124 : i32
    %min3A_27 = arith.minsi %min3A_25, %min3A_26 : i32
    %add3A_28 = arith.addi %mul3A_4, %min3A_27 : i32
    %mul3A_29 = arith.constant 80 : i32
    %mul3A_30 = arith.muli %add3A_28, %mul3A_29 : i32
    %dma_start3A_31 = arith.constant 1 : i32
    %dma_start3A_32 = arith.constant 1 : i32
    %dma_start3A_33 = arith.constant 0 : i32
    %dma_start3A_34 = arith.constant 0 : i32
    %dma_start3A_35 = tpu.memref_slice %arg7[%dma_start3A_31, %dma_start3A_33, %dma_start3A_34] : memref<8x2x80xi32, #tpu.memory_space<vmem>> -> memref<1x2x80xi32, #tpu.memory_space<vmem>>
    %dma_start3A_36 = tpu.memref_squeeze %dma_start3A_35 : memref<1x2x80xi32, #tpu.memory_space<vmem>> -> memref<2x80xi32, #tpu.memory_space<vmem>>
    %dma_start3A_37 = arith.constant 0 : i32
    %dma_start3A_38 = tpu.memref_slice %arg2[%dma_start3A_37, %mul3A_30] : memref<2x320000xi32, #tpu.memory_space<hbm>> -> memref<2x80xi32, #tpu.memory_space<hbm>>
    %dma_start3A_39 = tpu.memref_slice %arg9[%dma_start3A_32] : memref<8x!tpu.dma_semaphore, #tpu.memory_space<semaphore_mem>> -> memref<1x!tpu.dma_semaphore, #tpu.memory_space<semaphore_mem>>
    %dma_start3A_40 = tpu.memref_squeeze %dma_start3A_39 : memref<1x!tpu.dma_semaphore, #tpu.memory_space<semaphore_mem>> -> memref<!tpu.dma_semaphore, #tpu.memory_space<semaphore_mem>>
    %dma_start3A_41 = arith.constant 0 : i32
    %dma_start3A_42 = arith.constant 0 : i32
    %dma_start3A_43 = tpu.memref_slice %arg7[%dma_start3A_31, %dma_start3A_41, %dma_start3A_42] : memref<8x2x80xi32, #tpu.memory_space<vmem>> -> memref<1x2x80xi32, #tpu.memory_space<vmem>>
    %dma_start3A_44 = tpu.memref_squeeze %dma_start3A_43 : memref<1x2x80xi32, #tpu.memory_space<vmem>> -> memref<2x80xi32, #tpu.memory_space<vmem>>
    %dma_start3A_45 = arith.constant 0 : i32
    %dma_start3A_46 = tpu.memref_slice %arg2[%dma_start3A_45, %mul3A_30] : memref<2x320000xi32, #tpu.memory_space<hbm>> -> memref<2x80xi32, #tpu.memory_space<hbm>>
    tpu.enqueue_dma source(%dma_start3A_46 : memref<2x80xi32, #tpu.memory_space<hbm>>) target(%dma_start3A_44 : memref<2x80xi32, #tpu.memory_space<vmem>>) target_semaphore(%dma_start3A_40 : memref<!tpu.dma_semaphore, #tpu.memory_space<semaphore_mem>>)
    %min3A_47 = arith.constant 2 : i32
    %min3A_48 = arith.constant 124 : i32
    %min3A_49 = arith.minsi %min3A_47, %min3A_48 : i32
    %add3A_50 = arith.addi %mul3A_4, %min3A_49 : i32
    %mul3A_51 = arith.constant 80 : i32
    %mul3A_52 = arith.muli %add3A_50, %mul3A_51 : i32
    %dma_start3A_53 = arith.constant 2 : i32
    %dma_start3A_54 = arith.constant 2 : i32
    %dma_start3A_55 = arith.constant 0 : i32
    %dma_start3A_56 = arith.constant 0 : i32
    %dma_start3A_57 = tpu.memref_slice %arg7[%dma_start3A_53, %dma_start3A_55, %dma_start3A_56] : memref<8x2x80xi32, #tpu.memory_space<vmem>> -> memref<1x2x80xi32, #tpu.memory_space<vmem>>
    %dma_start3A_58 = tpu.memref_squeeze %dma_start3A_57 : memref<1x2x80xi32, #tpu.memory_space<vmem>> -> memref<2x80xi32, #tpu.memory_space<vmem>>
    %dma_start3A_59 = arith.constant 0 : i32
    %dma_start3A_60 = tpu.memref_slice %arg2[%dma_start3A_59, %mul3A_52] : memref<2x320000xi32, #tpu.memory_space<hbm>> -> memref<2x80xi32, #tpu.memory_space<hbm>>
    %dma_start3A_61 = tpu.memref_slice %arg9[%dma_start3A_54] : memref<8x!tpu.dma_semaphore, #tpu.memory_space<semaphore_mem>> -> memref<1x!tpu.dma_semaphore, #tpu.memory_space<semaphore_mem>>
    %dma_start3A_62 = tpu.memref_squeeze %dma_start3A_61 : memref<1x!tpu.dma_semaphore, #tpu.memory_space<semaphore_mem>> -> memref<!tpu.dma_semaphore, #tpu.memory_space<semaphore_mem>>
    %dma_start3A_63 = arith.constant 0 : i32
    %dma_start3A_64 = arith.constant 0 : i32
    %dma_start3A_65 = tpu.memref_slice %arg7[%dma_start3A_53, %dma_start3A_63, %dma_start3A_64] : memref<8x2x80xi32, #tpu.memory_space<vmem>> -> memref<1x2x80xi32, #tpu.memory_space<vmem>>
    %dma_start3A_66 = tpu.memref_squeeze %dma_start3A_65 : memref<1x2x80xi32, #tpu.memory_space<vmem>> -> memref<2x80xi32, #tpu.memory_space<vmem>>
    %dma_start3A_67 = arith.constant 0 : i32
    %dma_start3A_68 = tpu.memref_slice %arg2[%dma_start3A_67, %mul3A_52] : memref<2x320000xi32, #tpu.memory_space<hbm>> -> memref<2x80xi32, #tpu.memory_space<hbm>>
    tpu.enqueue_dma source(%dma_start3A_68 : memref<2x80xi32, #tpu.memory_space<hbm>>) target(%dma_start3A_66 : memref<2x80xi32, #tpu.memory_space<vmem>>) target_semaphore(%dma_start3A_62 : memref<!tpu.dma_semaphore, #tpu.memory_space<semaphore_mem>>)
    %min3A_69 = arith.constant 3 : i32
    %min3A_70 = arith.constant 124 : i32
    %min3A_71 = arith.minsi %min3A_69, %min3A_70 : i32
    %add3A_72 = arith.addi %mul3A_4, %min3A_71 : i32
    %mul3A_73 = arith.constant 80 : i32
    %mul3A_74 = arith.muli %add3A_72, %mul3A_73 : i32
    %dma_start3A_75 = arith.constant 3 : i32
    %dma_start3A_76 = arith.constant 3 : i32
    %dma_start3A_77 = arith.constant 0 : i32
    %dma_start3A_78 = arith.constant 0 : i32
    %dma_start3A_79 = tpu.memref_slice %arg7[%dma_start3A_75, %dma_start3A_77, %dma_start3A_78] : memref<8x2x80xi32, #tpu.memory_space<vmem>> -> memref<1x2x80xi32, #tpu.memory_space<vmem>>
    %dma_start3A_80 = tpu.memref_squeeze %dma_start3A_79 : memref<1x2x80xi32, #tpu.memory_space<vmem>> -> memref<2x80xi32, #tpu.memory_space<vmem>>
    %dma_start3A_81 = arith.constant 0 : i32
    %dma_start3A_82 = tpu.memref_slice %arg2[%dma_start3A_81, %mul3A_74] : memref<2x320000xi32, #tpu.memory_space<hbm>> -> memref<2x80xi32, #tpu.memory_space<hbm>>
    %dma_start3A_83 = tpu.memref_slice %arg9[%dma_start3A_76] : memref<8x!tpu.dma_semaphore, #tpu.memory_space<semaphore_mem>> -> memref<1x!tpu.dma_semaphore, #tpu.memory_space<semaphore_mem>>
    %dma_start3A_84 = tpu.memref_squeeze %dma_start3A_83 : memref<1x!tpu.dma_semaphore, #tpu.memory_space<semaphore_mem>> -> memref<!tpu.dma_semaphore, #tpu.memory_space<semaphore_mem>>
    %dma_start3A_85 = arith.constant 0 : i32
    %dma_start3A_86 = arith.constant 0 : i32
    %dma_start3A_87 = tpu.memref_slice %arg7[%dma_start3A_75, %dma_start3A_85, %dma_start3A_86] : memref<8x2x80xi32, #tpu.memory_space<vmem>> -> memref<1x2x80xi32, #tpu.memory_space<vmem>>
    %dma_start3A_88 = tpu.memref_squeeze %dma_start3A_87 : memref<1x2x80xi32, #tpu.memory_space<vmem>> -> memref<2x80xi32, #tpu.memory_space<vmem>>
    %dma_start3A_89 = arith.constant 0 : i32
    %dma_start3A_90 = tpu.memref_slice %arg2[%dma_start3A_89, %mul3A_74] : memref<2x320000xi32, #tpu.memory_space<hbm>> -> memref<2x80xi32, #tpu.memory_space<hbm>>
    tpu.enqueue_dma source(%dma_start3A_90 : memref<2x80xi32, #tpu.memory_space<hbm>>) target(%dma_start3A_88 : memref<2x80xi32, #tpu.memory_space<vmem>>) target_semaphore(%dma_start3A_84 : memref<!tpu.dma_semaphore, #tpu.memory_space<semaphore_mem>>)
    %min3A_91 = arith.constant 4 : i32
    %min3A_92 = arith.constant 124 : i32
    %min3A_93 = arith.minsi %min3A_91, %min3A_92 : i32
    %add3A_94 = arith.addi %mul3A_4, %min3A_93 : i32
    %mul3A_95 = arith.constant 80 : i32
    %mul3A_96 = arith.muli %add3A_94, %mul3A_95 : i32
    %dma_start3A_97 = arith.constant 4 : i32
    %dma_start3A_98 = arith.constant 4 : i32
    %dma_start3A_99 = arith.constant 0 : i32
    %dma_start3A_100 = arith.constant 0 : i32
    %dma_start3A_101 = tpu.memref_slice %arg7[%dma_start3A_97, %dma_start3A_99, %dma_start3A_100] : memref<8x2x80xi32, #tpu.memory_space<vmem>> -> memref<1x2x80xi32, #tpu.memory_space<vmem>>
    %dma_start3A_102 = tpu.memref_squeeze %dma_start3A_101 : memref<1x2x80xi32, #tpu.memory_space<vmem>> -> memref<2x80xi32, #tpu.memory_space<vmem>>
    %dma_start3A_103 = arith.constant 0 : i32
    %dma_start3A_104 = tpu.memref_slice %arg2[%dma_start3A_103, %mul3A_96] : memref<2x320000xi32, #tpu.memory_space<hbm>> -> memref<2x80xi32, #tpu.memory_space<hbm>>
    %dma_start3A_105 = tpu.memref_slice %arg9[%dma_start3A_98] : memref<8x!tpu.dma_semaphore, #tpu.memory_space<semaphore_mem>> -> memref<1x!tpu.dma_semaphore, #tpu.memory_space<semaphore_mem>>
    %dma_start3A_106 = tpu.memref_squeeze %dma_start3A_105 : memref<1x!tpu.dma_semaphore, #tpu.memory_space<semaphore_mem>> -> memref<!tpu.dma_semaphore, #tpu.memory_space<semaphore_mem>>
    %dma_start3A_107 = arith.constant 0 : i32
    %dma_start3A_108 = arith.constant 0 : i32
    %dma_start3A_109 = tpu.memref_slice %arg7[%dma_start3A_97, %dma_start3A_107, %dma_start3A_108] : memref<8x2x80xi32, #tpu.memory_space<vmem>> -> memref<1x2x80xi32, #tpu.memory_space<vmem>>
    %dma_start3A_110 = tpu.memref_squeeze %dma_start3A_109 : memref<1x2x80xi32, #tpu.memory_space<vmem>> -> memref<2x80xi32, #tpu.memory_space<vmem>>
    %dma_start3A_111 = arith.constant 0 : i32
    %dma_start3A_112 = tpu.memref_slice %arg2[%dma_start3A_111, %mul3A_96] : memref<2x320000xi32, #tpu.memory_space<hbm>> -> memref<2x80xi32, #tpu.memory_space<hbm>>
    tpu.enqueue_dma source(%dma_start3A_112 : memref<2x80xi32, #tpu.memory_space<hbm>>) target(%dma_start3A_110 : memref<2x80xi32, #tpu.memory_space<vmem>>) target_semaphore(%dma_start3A_106 : memref<!tpu.dma_semaphore, #tpu.memory_space<semaphore_mem>>)
    %min3A_113 = arith.constant 5 : i32
    %min3A_114 = arith.constant 124 : i32
    %min3A_115 = arith.minsi %min3A_113, %min3A_114 : i32
    %add3A_116 = arith.addi %mul3A_4, %min3A_115 : i32
    %mul3A_117 = arith.constant 80 : i32
    %mul3A_118 = arith.muli %add3A_116, %mul3A_117 : i32
    %dma_start3A_119 = arith.constant 5 : i32
    %dma_start3A_120 = arith.constant 5 : i32
    %dma_start3A_121 = arith.constant 0 : i32
    %dma_start3A_122 = arith.constant 0 : i32
    %dma_start3A_123 = tpu.memref_slice %arg7[%dma_start3A_119, %dma_start3A_121, %dma_start3A_122] : memref<8x2x80xi32, #tpu.memory_space<vmem>> -> memref<1x2x80xi32, #tpu.memory_space<vmem>>
    %dma_start3A_124 = tpu.memref_squeeze %dma_start3A_123 : memref<1x2x80xi32, #tpu.memory_space<vmem>> -> memref<2x80xi32, #tpu.memory_space<vmem>>
    %dma_start3A_125 = arith.constant 0 : i32
    %dma_start3A_126 = tpu.memref_slice %arg2[%dma_start3A_125, %mul3A_118] : memref<2x320000xi32, #tpu.memory_space<hbm>> -> memref<2x80xi32, #tpu.memory_space<hbm>>
    %dma_start3A_127 = tpu.memref_slice %arg9[%dma_start3A_120] : memref<8x!tpu.dma_semaphore, #tpu.memory_space<semaphore_mem>> -> memref<1x!tpu.dma_semaphore, #tpu.memory_space<semaphore_mem>>
    %dma_start3A_128 = tpu.memref_squeeze %dma_start3A_127 : memref<1x!tpu.dma_semaphore, #tpu.memory_space<semaphore_mem>> -> memref<!tpu.dma_semaphore, #tpu.memory_space<semaphore_mem>>
    %dma_start3A_129 = arith.constant 0 : i32
    %dma_start3A_130 = arith.constant 0 : i32
    %dma_start3A_131 = tpu.memref_slice %arg7[%dma_start3A_119, %dma_start3A_129, %dma_start3A_130] : memref<8x2x80xi32, #tpu.memory_space<vmem>> -> memref<1x2x80xi32, #tpu.memory_space<vmem>>
    %dma_start3A_132 = tpu.memref_squeeze %dma_start3A_131 : memref<1x2x80xi32, #tpu.memory_space<vmem>> -> memref<2x80xi32, #tpu.memory_space<vmem>>
    %dma_start3A_133 = arith.constant 0 : i32
    %dma_start3A_134 = tpu.memref_slice %arg2[%dma_start3A_133, %mul3A_118] : memref<2x320000xi32, #tpu.memory_space<hbm>> -> memref<2x80xi32, #tpu.memory_space<hbm>>
    tpu.enqueue_dma source(%dma_start3A_134 : memref<2x80xi32, #tpu.memory_space<hbm>>) target(%dma_start3A_132 : memref<2x80xi32, #tpu.memory_space<vmem>>) target_semaphore(%dma_start3A_128 : memref<!tpu.dma_semaphore, #tpu.memory_space<semaphore_mem>>)
    %dma_wait3A = arith.constant 0 : i32
    %dma_wait3A_135 = arith.constant 0 : i32
    %dma_wait3A_136 = arith.constant 0 : i32
    %dma_wait3A_137 = arith.constant 0 : i32
    %dma_wait3A_138 = tpu.memref_slice %arg7[%dma_wait3A, %dma_wait3A_136, %dma_wait3A_137] : memref<8x2x80xi32, #tpu.memory_space<vmem>> -> memref<1x2x80xi32, #tpu.memory_space<vmem>>
    %dma_wait3A_139 = tpu.memref_squeeze %dma_wait3A_138 : memref<1x2x80xi32, #tpu.memory_space<vmem>> -> memref<2x80xi32, #tpu.memory_space<vmem>>
    %dma_wait3A_140 = arith.constant 0 : i32
    %dma_wait3A_141 = arith.constant 0 : i32
    %dma_wait3A_142 = tpu.memref_slice %arg2[%dma_wait3A_140, %dma_wait3A_141] : memref<2x320000xi32, #tpu.memory_space<hbm>> -> memref<2x80xi32, #tpu.memory_space<hbm>>
    %dma_wait3A_143 = tpu.memref_slice %arg9[%dma_wait3A_135] : memref<8x!tpu.dma_semaphore, #tpu.memory_space<semaphore_mem>> -> memref<1x!tpu.dma_semaphore, #tpu.memory_space<semaphore_mem>>
    %dma_wait3A_144 = tpu.memref_squeeze %dma_wait3A_143 : memref<1x!tpu.dma_semaphore, #tpu.memory_space<semaphore_mem>> -> memref<!tpu.dma_semaphore, #tpu.memory_space<semaphore_mem>>
    %dma_wait3A_145 = arith.constant 0 : i32
    %dma_wait3A_146 = arith.constant 0 : i32
    %dma_wait3A_147 = tpu.memref_slice %arg7[%dma_wait3A, %dma_wait3A_145, %dma_wait3A_146] : memref<8x2x80xi32, #tpu.memory_space<vmem>> -> memref<1x2x80xi32, #tpu.memory_space<vmem>>
    %dma_wait3A_148 = tpu.memref_squeeze %dma_wait3A_147 : memref<1x2x80xi32, #tpu.memory_space<vmem>> -> memref<2x80xi32, #tpu.memory_space<vmem>>
    %dma_wait3A_149 = arith.constant 0 : i32
    %dma_wait3A_150 = arith.constant 0 : i32
    %dma_wait3A_151 = tpu.memref_slice %arg2[%dma_wait3A_149, %dma_wait3A_150] : memref<2x320000xi32, #tpu.memory_space<hbm>> -> memref<2x80xi32, #tpu.memory_space<hbm>>
    tpu.wait_dma2 semaphore(%dma_wait3A_144 : memref<!tpu.dma_semaphore, #tpu.memory_space<semaphore_mem>>) src(%dma_wait3A_151 : memref<2x80xi32, #tpu.memory_space<hbm>>) dst(%dma_wait3A_148 : memref<2x80xi32, #tpu.memory_space<vmem>>)
    %dma_start3A_152 = arith.constant 0 : i32
    %dma_start3A_153 = arith.constant 1 : i32
    %dma_start3A_154 = arith.constant 0 : i32
    %dma_start3A_155 = arith.constant 0 : i32
    %dma_start3A_156 = tpu.memref_slice %arg7[%dma_start3A_152, %dma_start3A_153, %dma_start3A_155] : memref<8x2x80xi32, #tpu.memory_space<vmem>> -> memref<1x1x80xi32, #tpu.memory_space<vmem>>
    %dma_start3A_157 = tpu.memref_squeeze %dma_start3A_156 : memref<1x1x80xi32, #tpu.memory_space<vmem>> -> memref<80xi32, #tpu.memory_space<vmem>>
    %dma_start3A_158 = arith.constant 0 : i32
    %dma_start3A_159 = arith.constant 0 : i32
    %dma_start3A_160 = tpu.memref_slice %arg6[%dma_start3A_158, %dma_start3A_159] : memref<10112x32xf32, #tpu.memory_space<vmem_shared>> -> memref<10112x32xf32, #tpu.memory_space<vmem_shared>>
    %dma_start3A_161 = tpu.memref_slice %arg10[%dma_start3A_154] : memref<4x!tpu.dma_semaphore, #tpu.memory_space<semaphore_mem>> -> memref<1x!tpu.dma_semaphore, #tpu.memory_space<semaphore_mem>>
    %dma_start3A_162 = tpu.memref_squeeze %dma_start3A_161 : memref<1x!tpu.dma_semaphore, #tpu.memory_space<semaphore_mem>> -> memref<!tpu.dma_semaphore, #tpu.memory_space<semaphore_mem>>
    tpu.enqueue_indirect_dma source(%arg8 : memref<80x32xf32, #tpu.memory_space<vmem>>) target(%dma_start3A_160 : memref<10112x32xf32, #tpu.memory_space<vmem_shared>>) offsets(%dma_start3A_157 : memref<80xi32, #tpu.memory_space<vmem>>) semaphore(%dma_start3A_162 : memref<!tpu.dma_semaphore, #tpu.memory_space<semaphore_mem>>) {add = true}
    %min3A_163 = arith.constant 6 : i32
    %min3A_164 = arith.constant 124 : i32
    %min3A_165 = arith.minsi %min3A_163, %min3A_164 : i32
    %add3A_166 = arith.addi %mul3A_4, %min3A_165 : i32
    %mul3A_167 = arith.constant 80 : i32
    %mul3A_168 = arith.muli %add3A_166, %mul3A_167 : i32
    %dma_start3A_169 = arith.constant 6 : i32
    %dma_start3A_170 = arith.constant 6 : i32
    %dma_start3A_171 = arith.constant 0 : i32
    %dma_start3A_172 = arith.constant 0 : i32
    %dma_start3A_173 = tpu.memref_slice %arg7[%dma_start3A_169, %dma_start3A_171, %dma_start3A_172] : memref<8x2x80xi32, #tpu.memory_space<vmem>> -> memref<1x2x80xi32, #tpu.memory_space<vmem>>
    %dma_start3A_174 = tpu.memref_squeeze %dma_start3A_173 : memref<1x2x80xi32, #tpu.memory_space<vmem>> -> memref<2x80xi32, #tpu.memory_space<vmem>>
    %dma_start3A_175 = arith.constant 0 : i32
    %dma_start3A_176 = tpu.memref_slice %arg2[%dma_start3A_175, %mul3A_168] : memref<2x320000xi32, #tpu.memory_space<hbm>> -> memref<2x80xi32, #tpu.memory_space<hbm>>
    %dma_start3A_177 = tpu.memref_slice %arg9[%dma_start3A_170] : memref<8x!tpu.dma_semaphore, #tpu.memory_space<semaphore_mem>> -> memref<1x!tpu.dma_semaphore, #tpu.memory_space<semaphore_mem>>
    %dma_start3A_178 = tpu.memref_squeeze %dma_start3A_177 : memref<1x!tpu.dma_semaphore, #tpu.memory_space<semaphore_mem>> -> memref<!tpu.dma_semaphore, #tpu.memory_space<semaphore_mem>>
    %dma_start3A_179 = arith.constant 0 : i32
    %dma_start3A_180 = arith.constant 0 : i32
    %dma_start3A_181 = tpu.memref_slice %arg7[%dma_start3A_169, %dma_start3A_179, %dma_start3A_180] : memref<8x2x80xi32, #tpu.memory_space<vmem>> -> memref<1x2x80xi32, #tpu.memory_space<vmem>>
    %dma_start3A_182 = tpu.memref_squeeze %dma_start3A_181 : memref<1x2x80xi32, #tpu.memory_space<vmem>> -> memref<2x80xi32, #tpu.memory_space<vmem>>
    %dma_start3A_183 = arith.constant 0 : i32
    %dma_start3A_184 = tpu.memref_slice %arg2[%dma_start3A_183, %mul3A_168] : memref<2x320000xi32, #tpu.memory_space<hbm>> -> memref<2x80xi32, #tpu.memory_space<hbm>>
    tpu.enqueue_dma source(%dma_start3A_184 : memref<2x80xi32, #tpu.memory_space<hbm>>) target(%dma_start3A_182 : memref<2x80xi32, #tpu.memory_space<vmem>>) target_semaphore(%dma_start3A_178 : memref<!tpu.dma_semaphore, #tpu.memory_space<semaphore_mem>>)
    %dma_wait3A_185 = arith.constant 1 : i32
    %dma_wait3A_186 = arith.constant 1 : i32
    %dma_wait3A_187 = arith.constant 0 : i32
    %dma_wait3A_188 = arith.constant 0 : i32
    %dma_wait3A_189 = tpu.memref_slice %arg7[%dma_wait3A_185, %dma_wait3A_187, %dma_wait3A_188] : memref<8x2x80xi32, #tpu.memory_space<vmem>> -> memref<1x2x80xi32, #tpu.memory_space<vmem>>
    %dma_wait3A_190 = tpu.memref_squeeze %dma_wait3A_189 : memref<1x2x80xi32, #tpu.memory_space<vmem>> -> memref<2x80xi32, #tpu.memory_space<vmem>>
    %dma_wait3A_191 = arith.constant 0 : i32
    %dma_wait3A_192 = arith.constant 0 : i32
    %dma_wait3A_193 = tpu.memref_slice %arg2[%dma_wait3A_191, %dma_wait3A_192] : memref<2x320000xi32, #tpu.memory_space<hbm>> -> memref<2x80xi32, #tpu.memory_space<hbm>>
    %dma_wait3A_194 = tpu.memref_slice %arg9[%dma_wait3A_186] : memref<8x!tpu.dma_semaphore, #tpu.memory_space<semaphore_mem>> -> memref<1x!tpu.dma_semaphore, #tpu.memory_space<semaphore_mem>>
    %dma_wait3A_195 = tpu.memref_squeeze %dma_wait3A_194 : memref<1x!tpu.dma_semaphore, #tpu.memory_space<semaphore_mem>> -> memref<!tpu.dma_semaphore, #tpu.memory_space<semaphore_mem>>
    %dma_wait3A_196 = arith.constant 0 : i32
    %dma_wait3A_197 = arith.constant 0 : i32
    %dma_wait3A_198 = tpu.memref_slice %arg7[%dma_wait3A_185, %dma_wait3A_196, %dma_wait3A_197] : memref<8x2x80xi32, #tpu.memory_space<vmem>> -> memref<1x2x80xi32, #tpu.memory_space<vmem>>
    %dma_wait3A_199 = tpu.memref_squeeze %dma_wait3A_198 : memref<1x2x80xi32, #tpu.memory_space<vmem>> -> memref<2x80xi32, #tpu.memory_space<vmem>>
    %dma_wait3A_200 = arith.constant 0 : i32
    %dma_wait3A_201 = arith.constant 0 : i32
    %dma_wait3A_202 = tpu.memref_slice %arg2[%dma_wait3A_200, %dma_wait3A_201] : memref<2x320000xi32, #tpu.memory_space<hbm>> -> memref<2x80xi32, #tpu.memory_space<hbm>>
    tpu.wait_dma2 semaphore(%dma_wait3A_195 : memref<!tpu.dma_semaphore, #tpu.memory_space<semaphore_mem>>) src(%dma_wait3A_202 : memref<2x80xi32, #tpu.memory_space<hbm>>) dst(%dma_wait3A_199 : memref<2x80xi32, #tpu.memory_space<vmem>>)
    %dma_start3A_203 = arith.constant 1 : i32
    %dma_start3A_204 = arith.constant 1 : i32
    %dma_start3A_205 = arith.constant 1 : i32
    %dma_start3A_206 = arith.constant 0 : i32
    %dma_start3A_207 = tpu.memref_slice %arg7[%dma_start3A_203, %dma_start3A_204, %dma_start3A_206] : memref<8x2x80xi32, #tpu.memory_space<vmem>> -> memref<1x1x80xi32, #tpu.memory_space<vmem>>
    %dma_start3A_208 = tpu.memref_squeeze %dma_start3A_207 : memref<1x1x80xi32, #tpu.memory_space<vmem>> -> memref<80xi32, #tpu.memory_space<vmem>>
    %dma_start3A_209 = arith.constant 0 : i32
    %dma_start3A_210 = arith.constant 0 : i32
    %dma_start3A_211 = tpu.memref_slice %arg6[%dma_start3A_209, %dma_start3A_210] : memref<10112x32xf32, #tpu.memory_space<vmem_shared>> -> memref<10112x32xf32, #tpu.memory_space<vmem_shared>>
    %dma_start3A_212 = tpu.memref_slice %arg10[%dma_start3A_205] : memref<4x!tpu.dma_semaphore, #tpu.memory_space<semaphore_mem>> -> memref<1x!tpu.dma_semaphore, #tpu.memory_space<semaphore_mem>>
    %dma_start3A_213 = tpu.memref_squeeze %dma_start3A_212 : memref<1x!tpu.dma_semaphore, #tpu.memory_space<semaphore_mem>> -> memref<!tpu.dma_semaphore, #tpu.memory_space<semaphore_mem>>
    tpu.enqueue_indirect_dma source(%arg8 : memref<80x32xf32, #tpu.memory_space<vmem>>) target(%dma_start3A_211 : memref<10112x32xf32, #tpu.memory_space<vmem_shared>>) offsets(%dma_start3A_208 : memref<80xi32, #tpu.memory_space<vmem>>) semaphore(%dma_start3A_213 : memref<!tpu.dma_semaphore, #tpu.memory_space<semaphore_mem>>) {add = true}
    %min3A_214 = arith.constant 7 : i32
    %min3A_215 = arith.constant 124 : i32
    %min3A_216 = arith.minsi %min3A_214, %min3A_215 : i32
    %add3A_217 = arith.addi %mul3A_4, %min3A_216 : i32
    %mul3A_218 = arith.constant 80 : i32
    %mul3A_219 = arith.muli %add3A_217, %mul3A_218 : i32
    %dma_start3A_220 = arith.constant 7 : i32
    %dma_start3A_221 = arith.constant 7 : i32
    %dma_start3A_222 = arith.constant 0 : i32
    %dma_start3A_223 = arith.constant 0 : i32
    %dma_start3A_224 = tpu.memref_slice %arg7[%dma_start3A_220, %dma_start3A_222, %dma_start3A_223] : memref<8x2x80xi32, #tpu.memory_space<vmem>> -> memref<1x2x80xi32, #tpu.memory_space<vmem>>
    %dma_start3A_225 = tpu.memref_squeeze %dma_start3A_224 : memref<1x2x80xi32, #tpu.memory_space<vmem>> -> memref<2x80xi32, #tpu.memory_space<vmem>>
    %dma_start3A_226 = arith.constant 0 : i32
    %dma_start3A_227 = tpu.memref_slice %arg2[%dma_start3A_226, %mul3A_219] : memref<2x320000xi32, #tpu.memory_space<hbm>> -> memref<2x80xi32, #tpu.memory_space<hbm>>
    %dma_start3A_228 = tpu.memref_slice %arg9[%dma_start3A_221] : memref<8x!tpu.dma_semaphore, #tpu.memory_space<semaphore_mem>> -> memref<1x!tpu.dma_semaphore, #tpu.memory_space<semaphore_mem>>
    %dma_start3A_229 = tpu.memref_squeeze %dma_start3A_228 : memref<1x!tpu.dma_semaphore, #tpu.memory_space<semaphore_mem>> -> memref<!tpu.dma_semaphore, #tpu.memory_space<semaphore_mem>>
    %dma_start3A_230 = arith.constant 0 : i32
    %dma_start3A_231 = arith.constant 0 : i32
    %dma_start3A_232 = tpu.memref_slice %arg7[%dma_start3A_220, %dma_start3A_230, %dma_start3A_231] : memref<8x2x80xi32, #tpu.memory_space<vmem>> -> memref<1x2x80xi32, #tpu.memory_space<vmem>>
    %dma_start3A_233 = tpu.memref_squeeze %dma_start3A_232 : memref<1x2x80xi32, #tpu.memory_space<vmem>> -> memref<2x80xi32, #tpu.memory_space<vmem>>
    %dma_start3A_234 = arith.constant 0 : i32
    %dma_start3A_235 = tpu.memref_slice %arg2[%dma_start3A_234, %mul3A_219] : memref<2x320000xi32, #tpu.memory_space<hbm>> -> memref<2x80xi32, #tpu.memory_space<hbm>>
    tpu.enqueue_dma source(%dma_start3A_235 : memref<2x80xi32, #tpu.memory_space<hbm>>) target(%dma_start3A_233 : memref<2x80xi32, #tpu.memory_space<vmem>>) target_semaphore(%dma_start3A_229 : memref<!tpu.dma_semaphore, #tpu.memory_space<semaphore_mem>>)
    %scan3A = arith.constant 0 : i32
    %scan3A_236 = arith.constant 2 : i32
    %scan3A_237 = arith.constant 123 : i32
    %scan3A_238 = arith.addi %scan3A_236, %scan3A_237 : i32
    %scan3A_239 = arith.constant 1 : i32
    scf.for %scan3A_381 = %scan3A_236 to %scan3A_238 step %scan3A_239  : i32 {
      %rem3A_382 = arith.constant 8 : i32
      %rem3A_383 = arith.remsi %scan3A_381, %rem3A_382 : i32
      %dma_wait3A_384 = arith.constant 0 : i32
      %dma_wait3A_385 = arith.constant 0 : i32
      %dma_wait3A_386 = tpu.memref_slice %arg7[%rem3A_383, %dma_wait3A_384, %dma_wait3A_385] : memref<8x2x80xi32, #tpu.memory_space<vmem>> -> memref<1x2x80xi32, #tpu.memory_space<vmem>>
      %dma_wait3A_387 = tpu.memref_squeeze %dma_wait3A_386 : memref<1x2x80xi32, #tpu.memory_space<vmem>> -> memref<2x80xi32, #tpu.memory_space<vmem>>
      %dma_wait3A_388 = arith.constant 0 : i32
      %dma_wait3A_389 = arith.constant 0 : i32
      %dma_wait3A_390 = tpu.memref_slice %arg2[%dma_wait3A_388, %dma_wait3A_389] : memref<2x320000xi32, #tpu.memory_space<hbm>> -> memref<2x80xi32, #tpu.memory_space<hbm>>
      %dma_wait3A_391 = tpu.memref_slice %arg9[%rem3A_383] : memref<8x!tpu.dma_semaphore, #tpu.memory_space<semaphore_mem>> -> memref<1x!tpu.dma_semaphore, #tpu.memory_space<semaphore_mem>>
      %dma_wait3A_392 = tpu.memref_squeeze %dma_wait3A_391 : memref<1x!tpu.dma_semaphore, #tpu.memory_space<semaphore_mem>> -> memref<!tpu.dma_semaphore, #tpu.memory_space<semaphore_mem>>
      %dma_wait3A_393 = arith.constant 0 : i32
      %dma_wait3A_394 = arith.constant 0 : i32
      %dma_wait3A_395 = tpu.memref_slice %arg7[%rem3A_383, %dma_wait3A_393, %dma_wait3A_394] : memref<8x2x80xi32, #tpu.memory_space<vmem>> -> memref<1x2x80xi32, #tpu.memory_space<vmem>>
      %dma_wait3A_396 = tpu.memref_squeeze %dma_wait3A_395 : memref<1x2x80xi32, #tpu.memory_space<vmem>> -> memref<2x80xi32, #tpu.memory_space<vmem>>
      %dma_wait3A_397 = arith.constant 0 : i32
      %dma_wait3A_398 = arith.constant 0 : i32
      %dma_wait3A_399 = tpu.memref_slice %arg2[%dma_wait3A_397, %dma_wait3A_398] : memref<2x320000xi32, #tpu.memory_space<hbm>> -> memref<2x80xi32, #tpu.memory_space<hbm>>
      tpu.wait_dma2 semaphore(%dma_wait3A_392 : memref<!tpu.dma_semaphore, #tpu.memory_space<semaphore_mem>>) src(%dma_wait3A_399 : memref<2x80xi32, #tpu.memory_space<hbm>>) dst(%dma_wait3A_396 : memref<2x80xi32, #tpu.memory_space<vmem>>)
      %rem3A_400 = arith.constant 8 : i32
      %rem3A_401 = arith.remsi %scan3A_381, %rem3A_400 : i32
      %rem3A_402 = arith.constant 4 : i32
      %rem3A_403 = arith.remsi %scan3A_381, %rem3A_402 : i32
      %dma_start3A_404 = arith.constant 1 : i32
      %dma_start3A_405 = arith.constant 0 : i32
      %dma_start3A_406 = tpu.memref_slice %arg7[%rem3A_401, %dma_start3A_404, %dma_start3A_405] : memref<8x2x80xi32, #tpu.memory_space<vmem>> -> memref<1x1x80xi32, #tpu.memory_space<vmem>>
      %dma_start3A_407 = tpu.memref_squeeze %dma_start3A_406 : memref<1x1x80xi32, #tpu.memory_space<vmem>> -> memref<80xi32, #tpu.memory_space<vmem>>
      %dma_start3A_408 = arith.constant 0 : i32
      %dma_start3A_409 = arith.constant 0 : i32
      %dma_start3A_410 = tpu.memref_slice %arg6[%dma_start3A_408, %dma_start3A_409] : memref<10112x32xf32, #tpu.memory_space<vmem_shared>> -> memref<10112x32xf32, #tpu.memory_space<vmem_shared>>
      %dma_start3A_411 = tpu.memref_slice %arg10[%rem3A_403] : memref<4x!tpu.dma_semaphore, #tpu.memory_space<semaphore_mem>> -> memref<1x!tpu.dma_semaphore, #tpu.memory_space<semaphore_mem>>
      %dma_start3A_412 = tpu.memref_squeeze %dma_start3A_411 : memref<1x!tpu.dma_semaphore, #tpu.memory_space<semaphore_mem>> -> memref<!tpu.dma_semaphore, #tpu.memory_space<semaphore_mem>>
      tpu.enqueue_indirect_dma source(%arg8 : memref<80x32xf32, #tpu.memory_space<vmem>>) target(%dma_start3A_410 : memref<10112x32xf32, #tpu.memory_space<vmem_shared>>) offsets(%dma_start3A_407 : memref<80xi32, #tpu.memory_space<vmem>>) semaphore(%dma_start3A_412 : memref<!tpu.dma_semaphore, #tpu.memory_space<semaphore_mem>>) {add = true}
      %add3A_413 = arith.constant 2 : i32
      %add3A_414 = arith.addi %scan3A_381, %add3A_413 : i32
      %rem3A_415 = arith.constant 4 : i32
      %rem3A_416 = arith.remsi %add3A_414, %rem3A_415 : i32
      %dma_wait3A_417 = arith.constant 0 : i32
      %dma_wait3A_418 = arith.constant 1 : i32
      %dma_wait3A_419 = arith.constant 0 : i32
      %dma_wait3A_420 = tpu.memref_slice %arg7[%dma_wait3A_417, %dma_wait3A_418, %dma_wait3A_419] : memref<8x2x80xi32, #tpu.memory_space<vmem>> -> memref<1x1x80xi32, #tpu.memory_space<vmem>>
      %dma_wait3A_421 = tpu.memref_squeeze %dma_wait3A_420 : memref<1x1x80xi32, #tpu.memory_space<vmem>> -> memref<80xi32, #tpu.memory_space<vmem>>
      %dma_wait3A_422 = arith.constant 0 : i32
      %dma_wait3A_423 = arith.constant 0 : i32
      %dma_wait3A_424 = tpu.memref_slice %arg6[%dma_wait3A_422, %dma_wait3A_423] : memref<10112x32xf32, #tpu.memory_space<vmem_shared>> -> memref<10112x32xf32, #tpu.memory_space<vmem_shared>>
      %dma_wait3A_425 = tpu.memref_slice %arg10[%rem3A_416] : memref<4x!tpu.dma_semaphore, #tpu.memory_space<semaphore_mem>> -> memref<1x!tpu.dma_semaphore, #tpu.memory_space<semaphore_mem>>
      %dma_wait3A_426 = tpu.memref_squeeze %dma_wait3A_425 : memref<1x!tpu.dma_semaphore, #tpu.memory_space<semaphore_mem>> -> memref<!tpu.dma_semaphore, #tpu.memory_space<semaphore_mem>>
      tpu.wait_indirect_dma semaphore(%dma_wait3A_426 : memref<!tpu.dma_semaphore, #tpu.memory_space<semaphore_mem>>) src(%arg8 : memref<80x32xf32, #tpu.memory_space<vmem>>) dst(%dma_wait3A_424 : memref<10112x32xf32, #tpu.memory_space<vmem_shared>>)
      %add3A_427 = arith.constant 6 : i32
      %add3A_428 = arith.addi %scan3A_381, %add3A_427 : i32
      %add3A_429 = arith.constant 6 : i32
      %add3A_430 = arith.addi %scan3A_381, %add3A_429 : i32
      %rem3A_431 = arith.constant 8 : i32
      %rem3A_432 = arith.remsi %add3A_430, %rem3A_431 : i32
      %min3A_433 = arith.constant 124 : i32
      %min3A_434 = arith.minsi %add3A_428, %min3A_433 : i32
      %add3A_435 = arith.addi %mul3A_4, %min3A_434 : i32
      %mul3A_436 = arith.constant 80 : i32
      %mul3A_437 = arith.muli %add3A_435, %mul3A_436 : i32
      %dma_start3A_438 = arith.constant 0 : i32
      %dma_start3A_439 = arith.constant 0 : i32
      %dma_start3A_440 = tpu.memref_slice %arg7[%rem3A_432, %dma_start3A_438, %dma_start3A_439] : memref<8x2x80xi32, #tpu.memory_space<vmem>> -> memref<1x2x80xi32, #tpu.memory_space<vmem>>
      %dma_start3A_441 = tpu.memref_squeeze %dma_start3A_440 : memref<1x2x80xi32, #tpu.memory_space<vmem>> -> memref<2x80xi32, #tpu.memory_space<vmem>>
      %dma_start3A_442 = arith.constant 0 : i32
      %dma_start3A_443 = tpu.memref_slice %arg2[%dma_start3A_442, %mul3A_437] : memref<2x320000xi32, #tpu.memory_space<hbm>> -> memref<2x80xi32, #tpu.memory_space<hbm>>
      %dma_start3A_444 = tpu.memref_slice %arg9[%rem3A_432] : memref<8x!tpu.dma_semaphore, #tpu.memory_space<semaphore_mem>> -> memref<1x!tpu.dma_semaphore, #tpu.memory_space<semaphore_mem>>
      %dma_start3A_445 = tpu.memref_squeeze %dma_start3A_444 : memref<1x!tpu.dma_semaphore, #tpu.memory_space<semaphore_mem>> -> memref<!tpu.dma_semaphore, #tpu.memory_space<semaphore_mem>>
      %dma_start3A_446 = arith.constant 0 : i32
      %dma_start3A_447 = arith.constant 0 : i32
      %dma_start3A_448 = tpu.memref_slice %arg7[%rem3A_432, %dma_start3A_446, %dma_start3A_447] : memref<8x2x80xi32, #tpu.memory_space<vmem>> -> memref<1x2x80xi32, #tpu.memory_space<vmem>>
      %dma_start3A_449 = tpu.memref_squeeze %dma_start3A_448 : memref<1x2x80xi32, #tpu.memory_space<vmem>> -> memref<2x80xi32, #tpu.memory_space<vmem>>
      %dma_start3A_450 = arith.constant 0 : i32
      %dma_start3A_451 = tpu.memref_slice %arg2[%dma_start3A_450, %mul3A_437] : memref<2x320000xi32, #tpu.memory_space<hbm>> -> memref<2x80xi32, #tpu.memory_space<hbm>>
      tpu.enqueue_dma source(%dma_start3A_451 : memref<2x80xi32, #tpu.memory_space<hbm>>) target(%dma_start3A_449 : memref<2x80xi32, #tpu.memory_space<vmem>>) target_semaphore(%dma_start3A_445 : memref<!tpu.dma_semaphore, #tpu.memory_space<semaphore_mem>>)
    }
    %scan3A_240 = arith.constant 123 : i32
    %rem3A = arith.constant 123 : i32
    %rem3A_241 = arith.constant 4 : i32
    %rem3A_242 = arith.remsi %rem3A, %rem3A_241 : i32
    %dma_wait3A_243 = arith.constant 0 : i32
    %dma_wait3A_244 = arith.constant 1 : i32
    %dma_wait3A_245 = arith.constant 0 : i32
    %dma_wait3A_246 = tpu.memref_slice %arg7[%dma_wait3A_243, %dma_wait3A_244, %dma_wait3A_245] : memref<8x2x80xi32, #tpu.memory_space<vmem>> -> memref<1x1x80xi32, #tpu.memory_space<vmem>>
    %dma_wait3A_247 = tpu.memref_squeeze %dma_wait3A_246 : memref<1x1x80xi32, #tpu.memory_space<vmem>> -> memref<80xi32, #tpu.memory_space<vmem>>
    %dma_wait3A_248 = arith.constant 0 : i32
    %dma_wait3A_249 = arith.constant 0 : i32
    %dma_wait3A_250 = tpu.memref_slice %arg6[%dma_wait3A_248, %dma_wait3A_249] : memref<10112x32xf32, #tpu.memory_space<vmem_shared>> -> memref<10112x32xf32, #tpu.memory_space<vmem_shared>>
    %dma_wait3A_251 = tpu.memref_slice %arg10[%rem3A_242] : memref<4x!tpu.dma_semaphore, #tpu.memory_space<semaphore_mem>> -> memref<1x!tpu.dma_semaphore, #tpu.memory_space<semaphore_mem>>
    %dma_wait3A_252 = tpu.memref_squeeze %dma_wait3A_251 : memref<1x!tpu.dma_semaphore, #tpu.memory_space<semaphore_mem>> -> memref<!tpu.dma_semaphore, #tpu.memory_space<semaphore_mem>>
    tpu.wait_indirect_dma semaphore(%dma_wait3A_252 : memref<!tpu.dma_semaphore, #tpu.memory_space<semaphore_mem>>) src(%arg8 : memref<80x32xf32, #tpu.memory_space<vmem>>) dst(%dma_wait3A_250 : memref<10112x32xf32, #tpu.memory_space<vmem_shared>>)
    %rem3A_253 = arith.constant 124 : i32
    %rem3A_254 = arith.constant 4 : i32
    %rem3A_255 = arith.remsi %rem3A_253, %rem3A_254 : i32
    %dma_wait3A_256 = arith.constant 0 : i32
    %dma_wait3A_257 = arith.constant 1 : i32
    %dma_wait3A_258 = arith.constant 0 : i32
    %dma_wait3A_259 = tpu.memref_slice %arg7[%dma_wait3A_256, %dma_wait3A_257, %dma_wait3A_258] : memref<8x2x80xi32, #tpu.memory_space<vmem>> -> memref<1x1x80xi32, #tpu.memory_space<vmem>>
    %dma_wait3A_260 = tpu.memref_squeeze %dma_wait3A_259 : memref<1x1x80xi32, #tpu.memory_space<vmem>> -> memref<80xi32, #tpu.memory_space<vmem>>
    %dma_wait3A_261 = arith.constant 0 : i32
    %dma_wait3A_262 = arith.constant 0 : i32
    %dma_wait3A_263 = tpu.memref_slice %arg6[%dma_wait3A_261, %dma_wait3A_262] : memref<10112x32xf32, #tpu.memory_space<vmem_shared>> -> memref<10112x32xf32, #tpu.memory_space<vmem_shared>>
    %dma_wait3A_264 = tpu.memref_slice %arg10[%rem3A_255] : memref<4x!tpu.dma_semaphore, #tpu.memory_space<semaphore_mem>> -> memref<1x!tpu.dma_semaphore, #tpu.memory_space<semaphore_mem>>
    %dma_wait3A_265 = tpu.memref_squeeze %dma_wait3A_264 : memref<1x!tpu.dma_semaphore, #tpu.memory_space<semaphore_mem>> -> memref<!tpu.dma_semaphore, #tpu.memory_space<semaphore_mem>>
    tpu.wait_indirect_dma semaphore(%dma_wait3A_265 : memref<!tpu.dma_semaphore, #tpu.memory_space<semaphore_mem>>) src(%arg8 : memref<80x32xf32, #tpu.memory_space<vmem>>) dst(%dma_wait3A_263 : memref<10112x32xf32, #tpu.memory_space<vmem_shared>>)
    %rem3A_266 = arith.constant 125 : i32
    %rem3A_267 = arith.constant 8 : i32
    %rem3A_268 = arith.remsi %rem3A_266, %rem3A_267 : i32
    %dma_wait3A_269 = arith.constant 0 : i32
    %dma_wait3A_270 = arith.constant 0 : i32
    %dma_wait3A_271 = tpu.memref_slice %arg7[%rem3A_268, %dma_wait3A_269, %dma_wait3A_270] : memref<8x2x80xi32, #tpu.memory_space<vmem>> -> memref<1x2x80xi32, #tpu.memory_space<vmem>>
    %dma_wait3A_272 = tpu.memref_squeeze %dma_wait3A_271 : memref<1x2x80xi32, #tpu.memory_space<vmem>> -> memref<2x80xi32, #tpu.memory_space<vmem>>
    %dma_wait3A_273 = arith.constant 0 : i32
    %dma_wait3A_274 = arith.constant 0 : i32
    %dma_wait3A_275 = tpu.memref_slice %arg2[%dma_wait3A_273, %dma_wait3A_274] : memref<2x320000xi32, #tpu.memory_space<hbm>> -> memref<2x80xi32, #tpu.memory_space<hbm>>
    %dma_wait3A_276 = tpu.memref_slice %arg9[%rem3A_268] : memref<8x!tpu.dma_semaphore, #tpu.memory_space<semaphore_mem>> -> memref<1x!tpu.dma_semaphore, #tpu.memory_space<semaphore_mem>>
    %dma_wait3A_277 = tpu.memref_squeeze %dma_wait3A_276 : memref<1x!tpu.dma_semaphore, #tpu.memory_space<semaphore_mem>> -> memref<!tpu.dma_semaphore, #tpu.memory_space<semaphore_mem>>
    %dma_wait3A_278 = arith.constant 0 : i32
    %dma_wait3A_279 = arith.constant 0 : i32
    %dma_wait3A_280 = tpu.memref_slice %arg7[%rem3A_268, %dma_wait3A_278, %dma_wait3A_279] : memref<8x2x80xi32, #tpu.memory_space<vmem>> -> memref<1x2x80xi32, #tpu.memory_space<vmem>>
    %dma_wait3A_281 = tpu.memref_squeeze %dma_wait3A_280 : memref<1x2x80xi32, #tpu.memory_space<vmem>> -> memref<2x80xi32, #tpu.memory_space<vmem>>
    %dma_wait3A_282 = arith.constant 0 : i32
    %dma_wait3A_283 = arith.constant 0 : i32
    %dma_wait3A_284 = tpu.memref_slice %arg2[%dma_wait3A_282, %dma_wait3A_283] : memref<2x320000xi32, #tpu.memory_space<hbm>> -> memref<2x80xi32, #tpu.memory_space<hbm>>
    tpu.wait_dma2 semaphore(%dma_wait3A_277 : memref<!tpu.dma_semaphore, #tpu.memory_space<semaphore_mem>>) src(%dma_wait3A_284 : memref<2x80xi32, #tpu.memory_space<hbm>>) dst(%dma_wait3A_281 : memref<2x80xi32, #tpu.memory_space<vmem>>)
    %rem3A_285 = arith.constant 126 : i32
    %rem3A_286 = arith.constant 8 : i32
    %rem3A_287 = arith.remsi %rem3A_285, %rem3A_286 : i32
    %dma_wait3A_288 = arith.constant 0 : i32
    %dma_wait3A_289 = arith.constant 0 : i32
    %dma_wait3A_290 = tpu.memref_slice %arg7[%rem3A_287, %dma_wait3A_288, %dma_wait3A_289] : memref<8x2x80xi32, #tpu.memory_space<vmem>> -> memref<1x2x80xi32, #tpu.memory_space<vmem>>
    %dma_wait3A_291 = tpu.memref_squeeze %dma_wait3A_290 : memref<1x2x80xi32, #tpu.memory_space<vmem>> -> memref<2x80xi32, #tpu.memory_space<vmem>>
    %dma_wait3A_292 = arith.constant 0 : i32
    %dma_wait3A_293 = arith.constant 0 : i32
    %dma_wait3A_294 = tpu.memref_slice %arg2[%dma_wait3A_292, %dma_wait3A_293] : memref<2x320000xi32, #tpu.memory_space<hbm>> -> memref<2x80xi32, #tpu.memory_space<hbm>>
    %dma_wait3A_295 = tpu.memref_slice %arg9[%rem3A_287] : memref<8x!tpu.dma_semaphore, #tpu.memory_space<semaphore_mem>> -> memref<1x!tpu.dma_semaphore, #tpu.memory_space<semaphore_mem>>
    %dma_wait3A_296 = tpu.memref_squeeze %dma_wait3A_295 : memref<1x!tpu.dma_semaphore, #tpu.memory_space<semaphore_mem>> -> memref<!tpu.dma_semaphore, #tpu.memory_space<semaphore_mem>>
    %dma_wait3A_297 = arith.constant 0 : i32
    %dma_wait3A_298 = arith.constant 0 : i32
    %dma_wait3A_299 = tpu.memref_slice %arg7[%rem3A_287, %dma_wait3A_297, %dma_wait3A_298] : memref<8x2x80xi32, #tpu.memory_space<vmem>> -> memref<1x2x80xi32, #tpu.memory_space<vmem>>
    %dma_wait3A_300 = tpu.memref_squeeze %dma_wait3A_299 : memref<1x2x80xi32, #tpu.memory_space<vmem>> -> memref<2x80xi32, #tpu.memory_space<vmem>>
    %dma_wait3A_301 = arith.constant 0 : i32
    %dma_wait3A_302 = arith.constant 0 : i32
    %dma_wait3A_303 = tpu.memref_slice %arg2[%dma_wait3A_301, %dma_wait3A_302] : memref<2x320000xi32, #tpu.memory_space<hbm>> -> memref<2x80xi32, #tpu.memory_space<hbm>>
    tpu.wait_dma2 semaphore(%dma_wait3A_296 : memref<!tpu.dma_semaphore, #tpu.memory_space<semaphore_mem>>) src(%dma_wait3A_303 : memref<2x80xi32, #tpu.memory_space<hbm>>) dst(%dma_wait3A_300 : memref<2x80xi32, #tpu.memory_space<vmem>>)
    %rem3A_304 = arith.constant 127 : i32
    %rem3A_305 = arith.constant 8 : i32
    %rem3A_306 = arith.remsi %rem3A_304, %rem3A_305 : i32
    %dma_wait3A_307 = arith.constant 0 : i32
    %dma_wait3A_308 = arith.constant 0 : i32
    %dma_wait3A_309 = tpu.memref_slice %arg7[%rem3A_306, %dma_wait3A_307, %dma_wait3A_308] : memref<8x2x80xi32, #tpu.memory_space<vmem>> -> memref<1x2x80xi32, #tpu.memory_space<vmem>>
    %dma_wait3A_310 = tpu.memref_squeeze %dma_wait3A_309 : memref<1x2x80xi32, #tpu.memory_space<vmem>> -> memref<2x80xi32, #tpu.memory_space<vmem>>
    %dma_wait3A_311 = arith.constant 0 : i32
    %dma_wait3A_312 = arith.constant 0 : i32
    %dma_wait3A_313 = tpu.memref_slice %arg2[%dma_wait3A_311, %dma_wait3A_312] : memref<2x320000xi32, #tpu.memory_space<hbm>> -> memref<2x80xi32, #tpu.memory_space<hbm>>
    %dma_wait3A_314 = tpu.memref_slice %arg9[%rem3A_306] : memref<8x!tpu.dma_semaphore, #tpu.memory_space<semaphore_mem>> -> memref<1x!tpu.dma_semaphore, #tpu.memory_space<semaphore_mem>>
    %dma_wait3A_315 = tpu.memref_squeeze %dma_wait3A_314 : memref<1x!tpu.dma_semaphore, #tpu.memory_space<semaphore_mem>> -> memref<!tpu.dma_semaphore, #tpu.memory_space<semaphore_mem>>
    %dma_wait3A_316 = arith.constant 0 : i32
    %dma_wait3A_317 = arith.constant 0 : i32
    %dma_wait3A_318 = tpu.memref_slice %arg7[%rem3A_306, %dma_wait3A_316, %dma_wait3A_317] : memref<8x2x80xi32, #tpu.memory_space<vmem>> -> memref<1x2x80xi32, #tpu.memory_space<vmem>>
    %dma_wait3A_319 = tpu.memref_squeeze %dma_wait3A_318 : memref<1x2x80xi32, #tpu.memory_space<vmem>> -> memref<2x80xi32, #tpu.memory_space<vmem>>
    %dma_wait3A_320 = arith.constant 0 : i32
    %dma_wait3A_321 = arith.constant 0 : i32
    %dma_wait3A_322 = tpu.memref_slice %arg2[%dma_wait3A_320, %dma_wait3A_321] : memref<2x320000xi32, #tpu.memory_space<hbm>> -> memref<2x80xi32, #tpu.memory_space<hbm>>
    tpu.wait_dma2 semaphore(%dma_wait3A_315 : memref<!tpu.dma_semaphore, #tpu.memory_space<semaphore_mem>>) src(%dma_wait3A_322 : memref<2x80xi32, #tpu.memory_space<hbm>>) dst(%dma_wait3A_319 : memref<2x80xi32, #tpu.memory_space<vmem>>)
    %rem3A_323 = arith.constant 128 : i32
    %rem3A_324 = arith.constant 8 : i32
    %rem3A_325 = arith.remsi %rem3A_323, %rem3A_324 : i32
    %dma_wait3A_326 = arith.constant 0 : i32
    %dma_wait3A_327 = arith.constant 0 : i32
    %dma_wait3A_328 = tpu.memref_slice %arg7[%rem3A_325, %dma_wait3A_326, %dma_wait3A_327] : memref<8x2x80xi32, #tpu.memory_space<vmem>> -> memref<1x2x80xi32, #tpu.memory_space<vmem>>
    %dma_wait3A_329 = tpu.memref_squeeze %dma_wait3A_328 : memref<1x2x80xi32, #tpu.memory_space<vmem>> -> memref<2x80xi32, #tpu.memory_space<vmem>>
    %dma_wait3A_330 = arith.constant 0 : i32
    %dma_wait3A_331 = arith.constant 0 : i32
    %dma_wait3A_332 = tpu.memref_slice %arg2[%dma_wait3A_330, %dma_wait3A_331] : memref<2x320000xi32, #tpu.memory_space<hbm>> -> memref<2x80xi32, #tpu.memory_space<hbm>>
    %dma_wait3A_333 = tpu.memref_slice %arg9[%rem3A_325] : memref<8x!tpu.dma_semaphore, #tpu.memory_space<semaphore_mem>> -> memref<1x!tpu.dma_semaphore, #tpu.memory_space<semaphore_mem>>
    %dma_wait3A_334 = tpu.memref_squeeze %dma_wait3A_333 : memref<1x!tpu.dma_semaphore, #tpu.memory_space<semaphore_mem>> -> memref<!tpu.dma_semaphore, #tpu.memory_space<semaphore_mem>>
    %dma_wait3A_335 = arith.constant 0 : i32
    %dma_wait3A_336 = arith.constant 0 : i32
    %dma_wait3A_337 = tpu.memref_slice %arg7[%rem3A_325, %dma_wait3A_335, %dma_wait3A_336] : memref<8x2x80xi32, #tpu.memory_space<vmem>> -> memref<1x2x80xi32, #tpu.memory_space<vmem>>
    %dma_wait3A_338 = tpu.memref_squeeze %dma_wait3A_337 : memref<1x2x80xi32, #tpu.memory_space<vmem>> -> memref<2x80xi32, #tpu.memory_space<vmem>>
    %dma_wait3A_339 = arith.constant 0 : i32
    %dma_wait3A_340 = arith.constant 0 : i32
    %dma_wait3A_341 = tpu.memref_slice %arg2[%dma_wait3A_339, %dma_wait3A_340] : memref<2x320000xi32, #tpu.memory_space<hbm>> -> memref<2x80xi32, #tpu.memory_space<hbm>>
    tpu.wait_dma2 semaphore(%dma_wait3A_334 : memref<!tpu.dma_semaphore, #tpu.memory_space<semaphore_mem>>) src(%dma_wait3A_341 : memref<2x80xi32, #tpu.memory_space<hbm>>) dst(%dma_wait3A_338 : memref<2x80xi32, #tpu.memory_space<vmem>>)
    %rem3A_342 = arith.constant 129 : i32
    %rem3A_343 = arith.constant 8 : i32
    %rem3A_344 = arith.remsi %rem3A_342, %rem3A_343 : i32
    %dma_wait3A_345 = arith.constant 0 : i32
    %dma_wait3A_346 = arith.constant 0 : i32
    %dma_wait3A_347 = tpu.memref_slice %arg7[%rem3A_344, %dma_wait3A_345, %dma_wait3A_346] : memref<8x2x80xi32, #tpu.memory_space<vmem>> -> memref<1x2x80xi32, #tpu.memory_space<vmem>>
    %dma_wait3A_348 = tpu.memref_squeeze %dma_wait3A_347 : memref<1x2x80xi32, #tpu.memory_space<vmem>> -> memref<2x80xi32, #tpu.memory_space<vmem>>
    %dma_wait3A_349 = arith.constant 0 : i32
    %dma_wait3A_350 = arith.constant 0 : i32
    %dma_wait3A_351 = tpu.memref_slice %arg2[%dma_wait3A_349, %dma_wait3A_350] : memref<2x320000xi32, #tpu.memory_space<hbm>> -> memref<2x80xi32, #tpu.memory_space<hbm>>
    %dma_wait3A_352 = tpu.memref_slice %arg9[%rem3A_344] : memref<8x!tpu.dma_semaphore, #tpu.memory_space<semaphore_mem>> -> memref<1x!tpu.dma_semaphore, #tpu.memory_space<semaphore_mem>>
    %dma_wait3A_353 = tpu.memref_squeeze %dma_wait3A_352 : memref<1x!tpu.dma_semaphore, #tpu.memory_space<semaphore_mem>> -> memref<!tpu.dma_semaphore, #tpu.memory_space<semaphore_mem>>
    %dma_wait3A_354 = arith.constant 0 : i32
    %dma_wait3A_355 = arith.constant 0 : i32
    %dma_wait3A_356 = tpu.memref_slice %arg7[%rem3A_344, %dma_wait3A_354, %dma_wait3A_355] : memref<8x2x80xi32, #tpu.memory_space<vmem>> -> memref<1x2x80xi32, #tpu.memory_space<vmem>>
    %dma_wait3A_357 = tpu.memref_squeeze %dma_wait3A_356 : memref<1x2x80xi32, #tpu.memory_space<vmem>> -> memref<2x80xi32, #tpu.memory_space<vmem>>
    %dma_wait3A_358 = arith.constant 0 : i32
    %dma_wait3A_359 = arith.constant 0 : i32
    %dma_wait3A_360 = tpu.memref_slice %arg2[%dma_wait3A_358, %dma_wait3A_359] : memref<2x320000xi32, #tpu.memory_space<hbm>> -> memref<2x80xi32, #tpu.memory_space<hbm>>
    tpu.wait_dma2 semaphore(%dma_wait3A_353 : memref<!tpu.dma_semaphore, #tpu.memory_space<semaphore_mem>>) src(%dma_wait3A_360 : memref<2x80xi32, #tpu.memory_space<hbm>>) dst(%dma_wait3A_357 : memref<2x80xi32, #tpu.memory_space<vmem>>)
    %rem3A_361 = arith.constant 130 : i32
    %rem3A_362 = arith.constant 8 : i32
    %rem3A_363 = arith.remsi %rem3A_361, %rem3A_362 : i32
    %dma_wait3A_364 = arith.constant 0 : i32
    %dma_wait3A_365 = arith.constant 0 : i32
    %dma_wait3A_366 = tpu.memref_slice %arg7[%rem3A_363, %dma_wait3A_364, %dma_wait3A_365] : memref<8x2x80xi32, #tpu.memory_space<vmem>> -> memref<1x2x80xi32, #tpu.memory_space<vmem>>
    %dma_wait3A_367 = tpu.memref_squeeze %dma_wait3A_366 : memref<1x2x80xi32, #tpu.memory_space<vmem>> -> memref<2x80xi32, #tpu.memory_space<vmem>>
    %dma_wait3A_368 = arith.constant 0 : i32
    %dma_wait3A_369 = arith.constant 0 : i32
    %dma_wait3A_370 = tpu.memref_slice %arg2[%dma_wait3A_368, %dma_wait3A_369] : memref<2x320000xi32, #tpu.memory_space<hbm>> -> memref<2x80xi32, #tpu.memory_space<hbm>>
    %dma_wait3A_371 = tpu.memref_slice %arg9[%rem3A_363] : memref<8x!tpu.dma_semaphore, #tpu.memory_space<semaphore_mem>> -> memref<1x!tpu.dma_semaphore, #tpu.memory_space<semaphore_mem>>
    %dma_wait3A_372 = tpu.memref_squeeze %dma_wait3A_371 : memref<1x!tpu.dma_semaphore, #tpu.memory_space<semaphore_mem>> -> memref<!tpu.dma_semaphore, #tpu.memory_space<semaphore_mem>>
    %dma_wait3A_373 = arith.constant 0 : i32
    %dma_wait3A_374 = arith.constant 0 : i32
    %dma_wait3A_375 = tpu.memref_slice %arg7[%rem3A_363, %dma_wait3A_373, %dma_wait3A_374] : memref<8x2x80xi32, #tpu.memory_space<vmem>> -> memref<1x2x80xi32, #tpu.memory_space<vmem>>
    %dma_wait3A_376 = tpu.memref_squeeze %dma_wait3A_375 : memref<1x2x80xi32, #tpu.memory_space<vmem>> -> memref<2x80xi32, #tpu.memory_space<vmem>>
    %dma_wait3A_377 = arith.constant 0 : i32
    %dma_wait3A_378 = arith.constant 0 : i32
    %dma_wait3A_379 = tpu.memref_slice %arg2[%dma_wait3A_377, %dma_wait3A_378] : memref<2x320000xi32, #tpu.memory_space<hbm>> -> memref<2x80xi32, #tpu.memory_space<hbm>>
    tpu.wait_dma2 semaphore(%dma_wait3A_372 : memref<!tpu.dma_semaphore, #tpu.memory_space<semaphore_mem>>) src(%dma_wait3A_379 : memref<2x80xi32, #tpu.memory_space<hbm>>) dst(%dma_wait3A_376 : memref<2x80xi32, #tpu.memory_space<vmem>>)
    %barrier3A_380 = arith.constant 0 : index
    tpu.barrier barrier_id(%barrier3A_380)
    "tpu.region"() ({
      %run_scoped3A = tpu.sem_alloc : memref<!tpu.dma_semaphore, #tpu.memory_space<semaphore_mem>>
      %dma_start3A_381 = arith.constant 0 : i32
      %dma_start3A_382 = tpu.memref_slice %arg5[%arg0, %mul3A_2, %dma_start3A_381] : memref<2x10112x32xf32, #tpu.memory_space<hbm>> -> memref<1x632x32xf32, #tpu.memory_space<hbm>>
      %dma_start3A_383 = tpu.memref_squeeze %dma_start3A_382 : memref<1x632x32xf32, #tpu.memory_space<hbm>> -> memref<632x32xf32, #tpu.memory_space<hbm>>
      %dma_start3A_384 = arith.constant 0 : i32
      %dma_start3A_385 = tpu.memref_slice %arg6[%mul3A_2, %dma_start3A_384] : memref<10112x32xf32, #tpu.memory_space<vmem_shared>> -> memref<632x32xf32, #tpu.memory_space<vmem_shared>>
      tpu.enqueue_dma source(%dma_start3A_385 : memref<632x32xf32, #tpu.memory_space<vmem_shared>>) target(%dma_start3A_383 : memref<632x32xf32, #tpu.memory_space<hbm>>) target_semaphore(%run_scoped3A : memref<!tpu.dma_semaphore, #tpu.memory_space<semaphore_mem>>)
      %dma_wait3A_386 = arith.constant 0 : i32
      %dma_wait3A_387 = tpu.memref_slice %arg5[%arg0, %mul3A_2, %dma_wait3A_386] : memref<2x10112x32xf32, #tpu.memory_space<hbm>> -> memref<1x632x32xf32, #tpu.memory_space<hbm>>
      %dma_wait3A_388 = tpu.memref_squeeze %dma_wait3A_387 : memref<1x632x32xf32, #tpu.memory_space<hbm>> -> memref<632x32xf32, #tpu.memory_space<hbm>>
      %dma_wait3A_389 = arith.constant 0 : i32
      %dma_wait3A_390 = tpu.memref_slice %arg6[%mul3A_2, %dma_wait3A_389] : memref<10112x32xf32, #tpu.memory_space<vmem_shared>> -> memref<632x32xf32, #tpu.memory_space<vmem_shared>>
      tpu.wait_dma2 semaphore(%run_scoped3A : memref<!tpu.dma_semaphore, #tpu.memory_space<semaphore_mem>>) src(%dma_wait3A_390 : memref<632x32xf32, #tpu.memory_space<vmem_shared>>) dst(%dma_wait3A_388 : memref<632x32xf32, #tpu.memory_space<hbm>>)
      tpu.yield
    }) : () -> ()
    return
  }
}

#map = affine_map<(d0, d1) -> (0, 0)>
#map1 = affine_map<(d0, d1) -> (0, 0, 0)>
module attributes {stable_mosaic.version = 14 : i64} {
  func.func @body(%arg0: i32, %arg1: i32, %arg2: memref<10000x128xf32, #tpu.memory_space<hbm>>, %arg3: memref<2x320000xi32, #tpu.memory_space<hbm>>, %arg4: memref<632x128xf32, #tpu.memory_space<hbm>>, %arg5: memref<2x10112x128xf32, #tpu.memory_space<hbm>>, %arg6: memref<10112x128xf32, #tpu.memory_space<vmem_shared>>, %arg7: memref<8x2x80xi32, #tpu.memory_space<vmem>>, %arg8: memref<4x80x128xf32, #tpu.memory_space<vmem>>, %arg9: memref<8x!tpu.dma_semaphore, #tpu.memory_space<semaphore_mem>>, %arg10: memref<4x!tpu.dma_semaphore, #tpu.memory_space<semaphore_mem>>, %arg11: memref<4x!tpu.dma_semaphore, #tpu.memory_space<semaphore_mem>>) attributes {dimension_semantics = [#tpu.dimension_semantics<core_parallel>, #tpu.dimension_semantics<subcore_parallel>], iteration_bounds = array<i64: 2, 16>, scalar_prefetch = 0 : i64, scratch_operands = 6 : i64, tpu.core_type = #tpu.core_type<sc_vector_subcore>, window_params = [{transform_indices = #map}, {transform_indices = #map}, {transform_indices = #map}, {transform_indices = #map1}]} {
    %mul3A = arith.constant 632 : i32
    %mul3A_0 = arith.muli %arg1, %mul3A : i32
    %eq3A = arith.constant 0 : i32
    %eq3A_1 = arith.cmpi eq, %arg0, %eq3A : i32
    %jit3A = arith.constant 125 : i32
    %jit3A_2 = arith.constant 125 : i32
    %select_n3A = arith.select %eq3A_1, %jit3A, %jit3A_2 : i32
    %eq3A_3 = arith.constant 0 : i32
    %eq3A_4 = arith.cmpi eq, %arg0, %eq3A_3 : i32
    %mul3A_5 = arith.constant 125 : i32
    %mul3A_6 = arith.muli %arg1, %mul3A_5 : i32
    %mul3A_7 = arith.constant 125 : i32
    %mul3A_8 = arith.muli %arg1, %mul3A_7 : i32
    %add3A = arith.constant 2000 : i32
    %add3A_9 = arith.addi %add3A, %mul3A_8 : i32
    %select_n3A_10 = arith.select %eq3A_4, %mul3A_6, %add3A_9 : i32
    "tpu.region"() ({
      %run_scoped3A = tpu.sem_alloc : memref<!tpu.dma_semaphore, #tpu.memory_space<semaphore_mem>>
      %dma_start3A_550 = arith.constant 0 : i32
      %dma_start3A_551 = tpu.memref_slice %arg6[%mul3A_0, %dma_start3A_550] : memref<10112x128xf32, #tpu.memory_space<vmem_shared>> -> memref<632x128xf32, #tpu.memory_space<vmem_shared>>
      tpu.enqueue_dma source(%arg4 : memref<632x128xf32, #tpu.memory_space<hbm>>) target(%dma_start3A_551 : memref<632x128xf32, #tpu.memory_space<vmem_shared>>) target_semaphore(%run_scoped3A : memref<!tpu.dma_semaphore, #tpu.memory_space<semaphore_mem>>)
      %dma_wait3A_552 = arith.constant 0 : i32
      %dma_wait3A_553 = tpu.memref_slice %arg6[%mul3A_0, %dma_wait3A_552] : memref<10112x128xf32, #tpu.memory_space<vmem_shared>> -> memref<632x128xf32, #tpu.memory_space<vmem_shared>>
      tpu.wait_dma2 semaphore(%run_scoped3A : memref<!tpu.dma_semaphore, #tpu.memory_space<semaphore_mem>>) src(%arg4 : memref<632x128xf32, #tpu.memory_space<hbm>>) dst(%dma_wait3A_553 : memref<632x128xf32, #tpu.memory_space<vmem_shared>>)
      tpu.yield
    }) : () -> ()
    %barrier3A = arith.constant 0 : index
    tpu.barrier barrier_id(%barrier3A)
    %sub3A = arith.constant 1 : i32
    %sub3A_11 = arith.subi %select_n3A, %sub3A : i32
    %min3A = arith.constant 0 : i32
    %min3A_12 = arith.minsi %min3A, %sub3A_11 : i32
    %add3A_13 = arith.addi %select_n3A_10, %min3A_12 : i32
    %mul3A_14 = arith.constant 80 : i32
    %mul3A_15 = arith.muli %add3A_13, %mul3A_14 : i32
    %dma_start3A = arith.constant 0 : i32
    %dma_start3A_16 = arith.constant 0 : i32
    %dma_start3A_17 = arith.constant 0 : i32
    %dma_start3A_18 = arith.constant 0 : i32
    %dma_start3A_19 = tpu.memref_slice %arg7[%dma_start3A, %dma_start3A_17, %dma_start3A_18] : memref<8x2x80xi32, #tpu.memory_space<vmem>> -> memref<1x2x80xi32, #tpu.memory_space<vmem>>
    %dma_start3A_20 = tpu.memref_squeeze %dma_start3A_19 : memref<1x2x80xi32, #tpu.memory_space<vmem>> -> memref<2x80xi32, #tpu.memory_space<vmem>>
    %dma_start3A_21 = arith.constant 0 : i32
    %dma_start3A_22 = tpu.memref_slice %arg3[%dma_start3A_21, %mul3A_15] : memref<2x320000xi32, #tpu.memory_space<hbm>> -> memref<2x80xi32, #tpu.memory_space<hbm>>
    %dma_start3A_23 = tpu.memref_slice %arg9[%dma_start3A_16] : memref<8x!tpu.dma_semaphore, #tpu.memory_space<semaphore_mem>> -> memref<1x!tpu.dma_semaphore, #tpu.memory_space<semaphore_mem>>
    %dma_start3A_24 = tpu.memref_squeeze %dma_start3A_23 : memref<1x!tpu.dma_semaphore, #tpu.memory_space<semaphore_mem>> -> memref<!tpu.dma_semaphore, #tpu.memory_space<semaphore_mem>>
    %dma_start3A_25 = arith.constant 0 : i32
    %dma_start3A_26 = arith.constant 0 : i32
    %dma_start3A_27 = tpu.memref_slice %arg7[%dma_start3A, %dma_start3A_25, %dma_start3A_26] : memref<8x2x80xi32, #tpu.memory_space<vmem>> -> memref<1x2x80xi32, #tpu.memory_space<vmem>>
    %dma_start3A_28 = tpu.memref_squeeze %dma_start3A_27 : memref<1x2x80xi32, #tpu.memory_space<vmem>> -> memref<2x80xi32, #tpu.memory_space<vmem>>
    %dma_start3A_29 = arith.constant 0 : i32
    %dma_start3A_30 = tpu.memref_slice %arg3[%dma_start3A_29, %mul3A_15] : memref<2x320000xi32, #tpu.memory_space<hbm>> -> memref<2x80xi32, #tpu.memory_space<hbm>>
    tpu.enqueue_dma source(%dma_start3A_30 : memref<2x80xi32, #tpu.memory_space<hbm>>) target(%dma_start3A_28 : memref<2x80xi32, #tpu.memory_space<vmem>>) target_semaphore(%dma_start3A_24 : memref<!tpu.dma_semaphore, #tpu.memory_space<semaphore_mem>>)
    %sub3A_31 = arith.constant 1 : i32
    %sub3A_32 = arith.subi %select_n3A, %sub3A_31 : i32
    %min3A_33 = arith.constant 1 : i32
    %min3A_34 = arith.minsi %min3A_33, %sub3A_32 : i32
    %add3A_35 = arith.addi %select_n3A_10, %min3A_34 : i32
    %mul3A_36 = arith.constant 80 : i32
    %mul3A_37 = arith.muli %add3A_35, %mul3A_36 : i32
    %dma_start3A_38 = arith.constant 1 : i32
    %dma_start3A_39 = arith.constant 1 : i32
    %dma_start3A_40 = arith.constant 0 : i32
    %dma_start3A_41 = arith.constant 0 : i32
    %dma_start3A_42 = tpu.memref_slice %arg7[%dma_start3A_38, %dma_start3A_40, %dma_start3A_41] : memref<8x2x80xi32, #tpu.memory_space<vmem>> -> memref<1x2x80xi32, #tpu.memory_space<vmem>>
    %dma_start3A_43 = tpu.memref_squeeze %dma_start3A_42 : memref<1x2x80xi32, #tpu.memory_space<vmem>> -> memref<2x80xi32, #tpu.memory_space<vmem>>
    %dma_start3A_44 = arith.constant 0 : i32
    %dma_start3A_45 = tpu.memref_slice %arg3[%dma_start3A_44, %mul3A_37] : memref<2x320000xi32, #tpu.memory_space<hbm>> -> memref<2x80xi32, #tpu.memory_space<hbm>>
    %dma_start3A_46 = tpu.memref_slice %arg9[%dma_start3A_39] : memref<8x!tpu.dma_semaphore, #tpu.memory_space<semaphore_mem>> -> memref<1x!tpu.dma_semaphore, #tpu.memory_space<semaphore_mem>>
    %dma_start3A_47 = tpu.memref_squeeze %dma_start3A_46 : memref<1x!tpu.dma_semaphore, #tpu.memory_space<semaphore_mem>> -> memref<!tpu.dma_semaphore, #tpu.memory_space<semaphore_mem>>
    %dma_start3A_48 = arith.constant 0 : i32
    %dma_start3A_49 = arith.constant 0 : i32
    %dma_start3A_50 = tpu.memref_slice %arg7[%dma_start3A_38, %dma_start3A_48, %dma_start3A_49] : memref<8x2x80xi32, #tpu.memory_space<vmem>> -> memref<1x2x80xi32, #tpu.memory_space<vmem>>
    %dma_start3A_51 = tpu.memref_squeeze %dma_start3A_50 : memref<1x2x80xi32, #tpu.memory_space<vmem>> -> memref<2x80xi32, #tpu.memory_space<vmem>>
    %dma_start3A_52 = arith.constant 0 : i32
    %dma_start3A_53 = tpu.memref_slice %arg3[%dma_start3A_52, %mul3A_37] : memref<2x320000xi32, #tpu.memory_space<hbm>> -> memref<2x80xi32, #tpu.memory_space<hbm>>
    tpu.enqueue_dma source(%dma_start3A_53 : memref<2x80xi32, #tpu.memory_space<hbm>>) target(%dma_start3A_51 : memref<2x80xi32, #tpu.memory_space<vmem>>) target_semaphore(%dma_start3A_47 : memref<!tpu.dma_semaphore, #tpu.memory_space<semaphore_mem>>)
    %sub3A_54 = arith.constant 1 : i32
    %sub3A_55 = arith.subi %select_n3A, %sub3A_54 : i32
    %min3A_56 = arith.constant 2 : i32
    %min3A_57 = arith.minsi %min3A_56, %sub3A_55 : i32
    %add3A_58 = arith.addi %select_n3A_10, %min3A_57 : i32
    %mul3A_59 = arith.constant 80 : i32
    %mul3A_60 = arith.muli %add3A_58, %mul3A_59 : i32
    %dma_start3A_61 = arith.constant 2 : i32
    %dma_start3A_62 = arith.constant 2 : i32
    %dma_start3A_63 = arith.constant 0 : i32
    %dma_start3A_64 = arith.constant 0 : i32
    %dma_start3A_65 = tpu.memref_slice %arg7[%dma_start3A_61, %dma_start3A_63, %dma_start3A_64] : memref<8x2x80xi32, #tpu.memory_space<vmem>> -> memref<1x2x80xi32, #tpu.memory_space<vmem>>
    %dma_start3A_66 = tpu.memref_squeeze %dma_start3A_65 : memref<1x2x80xi32, #tpu.memory_space<vmem>> -> memref<2x80xi32, #tpu.memory_space<vmem>>
    %dma_start3A_67 = arith.constant 0 : i32
    %dma_start3A_68 = tpu.memref_slice %arg3[%dma_start3A_67, %mul3A_60] : memref<2x320000xi32, #tpu.memory_space<hbm>> -> memref<2x80xi32, #tpu.memory_space<hbm>>
    %dma_start3A_69 = tpu.memref_slice %arg9[%dma_start3A_62] : memref<8x!tpu.dma_semaphore, #tpu.memory_space<semaphore_mem>> -> memref<1x!tpu.dma_semaphore, #tpu.memory_space<semaphore_mem>>
    %dma_start3A_70 = tpu.memref_squeeze %dma_start3A_69 : memref<1x!tpu.dma_semaphore, #tpu.memory_space<semaphore_mem>> -> memref<!tpu.dma_semaphore, #tpu.memory_space<semaphore_mem>>
    %dma_start3A_71 = arith.constant 0 : i32
    %dma_start3A_72 = arith.constant 0 : i32
    %dma_start3A_73 = tpu.memref_slice %arg7[%dma_start3A_61, %dma_start3A_71, %dma_start3A_72] : memref<8x2x80xi32, #tpu.memory_space<vmem>> -> memref<1x2x80xi32, #tpu.memory_space<vmem>>
    %dma_start3A_74 = tpu.memref_squeeze %dma_start3A_73 : memref<1x2x80xi32, #tpu.memory_space<vmem>> -> memref<2x80xi32, #tpu.memory_space<vmem>>
    %dma_start3A_75 = arith.constant 0 : i32
    %dma_start3A_76 = tpu.memref_slice %arg3[%dma_start3A_75, %mul3A_60] : memref<2x320000xi32, #tpu.memory_space<hbm>> -> memref<2x80xi32, #tpu.memory_space<hbm>>
    tpu.enqueue_dma source(%dma_start3A_76 : memref<2x80xi32, #tpu.memory_space<hbm>>) target(%dma_start3A_74 : memref<2x80xi32, #tpu.memory_space<vmem>>) target_semaphore(%dma_start3A_70 : memref<!tpu.dma_semaphore, #tpu.memory_space<semaphore_mem>>)
    %sub3A_77 = arith.constant 1 : i32
    %sub3A_78 = arith.subi %select_n3A, %sub3A_77 : i32
    %min3A_79 = arith.constant 3 : i32
    %min3A_80 = arith.minsi %min3A_79, %sub3A_78 : i32
    %add3A_81 = arith.addi %select_n3A_10, %min3A_80 : i32
    %mul3A_82 = arith.constant 80 : i32
    %mul3A_83 = arith.muli %add3A_81, %mul3A_82 : i32
    %dma_start3A_84 = arith.constant 3 : i32
    %dma_start3A_85 = arith.constant 3 : i32
    %dma_start3A_86 = arith.constant 0 : i32
    %dma_start3A_87 = arith.constant 0 : i32
    %dma_start3A_88 = tpu.memref_slice %arg7[%dma_start3A_84, %dma_start3A_86, %dma_start3A_87] : memref<8x2x80xi32, #tpu.memory_space<vmem>> -> memref<1x2x80xi32, #tpu.memory_space<vmem>>
    %dma_start3A_89 = tpu.memref_squeeze %dma_start3A_88 : memref<1x2x80xi32, #tpu.memory_space<vmem>> -> memref<2x80xi32, #tpu.memory_space<vmem>>
    %dma_start3A_90 = arith.constant 0 : i32
    %dma_start3A_91 = tpu.memref_slice %arg3[%dma_start3A_90, %mul3A_83] : memref<2x320000xi32, #tpu.memory_space<hbm>> -> memref<2x80xi32, #tpu.memory_space<hbm>>
    %dma_start3A_92 = tpu.memref_slice %arg9[%dma_start3A_85] : memref<8x!tpu.dma_semaphore, #tpu.memory_space<semaphore_mem>> -> memref<1x!tpu.dma_semaphore, #tpu.memory_space<semaphore_mem>>
    %dma_start3A_93 = tpu.memref_squeeze %dma_start3A_92 : memref<1x!tpu.dma_semaphore, #tpu.memory_space<semaphore_mem>> -> memref<!tpu.dma_semaphore, #tpu.memory_space<semaphore_mem>>
    %dma_start3A_94 = arith.constant 0 : i32
    %dma_start3A_95 = arith.constant 0 : i32
    %dma_start3A_96 = tpu.memref_slice %arg7[%dma_start3A_84, %dma_start3A_94, %dma_start3A_95] : memref<8x2x80xi32, #tpu.memory_space<vmem>> -> memref<1x2x80xi32, #tpu.memory_space<vmem>>
    %dma_start3A_97 = tpu.memref_squeeze %dma_start3A_96 : memref<1x2x80xi32, #tpu.memory_space<vmem>> -> memref<2x80xi32, #tpu.memory_space<vmem>>
    %dma_start3A_98 = arith.constant 0 : i32
    %dma_start3A_99 = tpu.memref_slice %arg3[%dma_start3A_98, %mul3A_83] : memref<2x320000xi32, #tpu.memory_space<hbm>> -> memref<2x80xi32, #tpu.memory_space<hbm>>
    tpu.enqueue_dma source(%dma_start3A_99 : memref<2x80xi32, #tpu.memory_space<hbm>>) target(%dma_start3A_97 : memref<2x80xi32, #tpu.memory_space<vmem>>) target_semaphore(%dma_start3A_93 : memref<!tpu.dma_semaphore, #tpu.memory_space<semaphore_mem>>)
    %sub3A_100 = arith.constant 1 : i32
    %sub3A_101 = arith.subi %select_n3A, %sub3A_100 : i32
    %min3A_102 = arith.constant 4 : i32
    %min3A_103 = arith.minsi %min3A_102, %sub3A_101 : i32
    %add3A_104 = arith.addi %select_n3A_10, %min3A_103 : i32
    %mul3A_105 = arith.constant 80 : i32
    %mul3A_106 = arith.muli %add3A_104, %mul3A_105 : i32
    %dma_start3A_107 = arith.constant 4 : i32
    %dma_start3A_108 = arith.constant 4 : i32
    %dma_start3A_109 = arith.constant 0 : i32
    %dma_start3A_110 = arith.constant 0 : i32
    %dma_start3A_111 = tpu.memref_slice %arg7[%dma_start3A_107, %dma_start3A_109, %dma_start3A_110] : memref<8x2x80xi32, #tpu.memory_space<vmem>> -> memref<1x2x80xi32, #tpu.memory_space<vmem>>
    %dma_start3A_112 = tpu.memref_squeeze %dma_start3A_111 : memref<1x2x80xi32, #tpu.memory_space<vmem>> -> memref<2x80xi32, #tpu.memory_space<vmem>>
    %dma_start3A_113 = arith.constant 0 : i32
    %dma_start3A_114 = tpu.memref_slice %arg3[%dma_start3A_113, %mul3A_106] : memref<2x320000xi32, #tpu.memory_space<hbm>> -> memref<2x80xi32, #tpu.memory_space<hbm>>
    %dma_start3A_115 = tpu.memref_slice %arg9[%dma_start3A_108] : memref<8x!tpu.dma_semaphore, #tpu.memory_space<semaphore_mem>> -> memref<1x!tpu.dma_semaphore, #tpu.memory_space<semaphore_mem>>
    %dma_start3A_116 = tpu.memref_squeeze %dma_start3A_115 : memref<1x!tpu.dma_semaphore, #tpu.memory_space<semaphore_mem>> -> memref<!tpu.dma_semaphore, #tpu.memory_space<semaphore_mem>>
    %dma_start3A_117 = arith.constant 0 : i32
    %dma_start3A_118 = arith.constant 0 : i32
    %dma_start3A_119 = tpu.memref_slice %arg7[%dma_start3A_107, %dma_start3A_117, %dma_start3A_118] : memref<8x2x80xi32, #tpu.memory_space<vmem>> -> memref<1x2x80xi32, #tpu.memory_space<vmem>>
    %dma_start3A_120 = tpu.memref_squeeze %dma_start3A_119 : memref<1x2x80xi32, #tpu.memory_space<vmem>> -> memref<2x80xi32, #tpu.memory_space<vmem>>
    %dma_start3A_121 = arith.constant 0 : i32
    %dma_start3A_122 = tpu.memref_slice %arg3[%dma_start3A_121, %mul3A_106] : memref<2x320000xi32, #tpu.memory_space<hbm>> -> memref<2x80xi32, #tpu.memory_space<hbm>>
    tpu.enqueue_dma source(%dma_start3A_122 : memref<2x80xi32, #tpu.memory_space<hbm>>) target(%dma_start3A_120 : memref<2x80xi32, #tpu.memory_space<vmem>>) target_semaphore(%dma_start3A_116 : memref<!tpu.dma_semaphore, #tpu.memory_space<semaphore_mem>>)
    %sub3A_123 = arith.constant 1 : i32
    %sub3A_124 = arith.subi %select_n3A, %sub3A_123 : i32
    %min3A_125 = arith.constant 5 : i32
    %min3A_126 = arith.minsi %min3A_125, %sub3A_124 : i32
    %add3A_127 = arith.addi %select_n3A_10, %min3A_126 : i32
    %mul3A_128 = arith.constant 80 : i32
    %mul3A_129 = arith.muli %add3A_127, %mul3A_128 : i32
    %dma_start3A_130 = arith.constant 5 : i32
    %dma_start3A_131 = arith.constant 5 : i32
    %dma_start3A_132 = arith.constant 0 : i32
    %dma_start3A_133 = arith.constant 0 : i32
    %dma_start3A_134 = tpu.memref_slice %arg7[%dma_start3A_130, %dma_start3A_132, %dma_start3A_133] : memref<8x2x80xi32, #tpu.memory_space<vmem>> -> memref<1x2x80xi32, #tpu.memory_space<vmem>>
    %dma_start3A_135 = tpu.memref_squeeze %dma_start3A_134 : memref<1x2x80xi32, #tpu.memory_space<vmem>> -> memref<2x80xi32, #tpu.memory_space<vmem>>
    %dma_start3A_136 = arith.constant 0 : i32
    %dma_start3A_137 = tpu.memref_slice %arg3[%dma_start3A_136, %mul3A_129] : memref<2x320000xi32, #tpu.memory_space<hbm>> -> memref<2x80xi32, #tpu.memory_space<hbm>>
    %dma_start3A_138 = tpu.memref_slice %arg9[%dma_start3A_131] : memref<8x!tpu.dma_semaphore, #tpu.memory_space<semaphore_mem>> -> memref<1x!tpu.dma_semaphore, #tpu.memory_space<semaphore_mem>>
    %dma_start3A_139 = tpu.memref_squeeze %dma_start3A_138 : memref<1x!tpu.dma_semaphore, #tpu.memory_space<semaphore_mem>> -> memref<!tpu.dma_semaphore, #tpu.memory_space<semaphore_mem>>
    %dma_start3A_140 = arith.constant 0 : i32
    %dma_start3A_141 = arith.constant 0 : i32
    %dma_start3A_142 = tpu.memref_slice %arg7[%dma_start3A_130, %dma_start3A_140, %dma_start3A_141] : memref<8x2x80xi32, #tpu.memory_space<vmem>> -> memref<1x2x80xi32, #tpu.memory_space<vmem>>
    %dma_start3A_143 = tpu.memref_squeeze %dma_start3A_142 : memref<1x2x80xi32, #tpu.memory_space<vmem>> -> memref<2x80xi32, #tpu.memory_space<vmem>>
    %dma_start3A_144 = arith.constant 0 : i32
    %dma_start3A_145 = tpu.memref_slice %arg3[%dma_start3A_144, %mul3A_129] : memref<2x320000xi32, #tpu.memory_space<hbm>> -> memref<2x80xi32, #tpu.memory_space<hbm>>
    tpu.enqueue_dma source(%dma_start3A_145 : memref<2x80xi32, #tpu.memory_space<hbm>>) target(%dma_start3A_143 : memref<2x80xi32, #tpu.memory_space<vmem>>) target_semaphore(%dma_start3A_139 : memref<!tpu.dma_semaphore, #tpu.memory_space<semaphore_mem>>)
    %dma_wait3A = arith.constant 0 : i32
    %dma_wait3A_146 = arith.constant 0 : i32
    %dma_wait3A_147 = arith.constant 0 : i32
    %dma_wait3A_148 = arith.constant 0 : i32
    %dma_wait3A_149 = tpu.memref_slice %arg7[%dma_wait3A, %dma_wait3A_147, %dma_wait3A_148] : memref<8x2x80xi32, #tpu.memory_space<vmem>> -> memref<1x2x80xi32, #tpu.memory_space<vmem>>
    %dma_wait3A_150 = tpu.memref_squeeze %dma_wait3A_149 : memref<1x2x80xi32, #tpu.memory_space<vmem>> -> memref<2x80xi32, #tpu.memory_space<vmem>>
    %dma_wait3A_151 = arith.constant 0 : i32
    %dma_wait3A_152 = arith.constant 0 : i32
    %dma_wait3A_153 = tpu.memref_slice %arg3[%dma_wait3A_151, %dma_wait3A_152] : memref<2x320000xi32, #tpu.memory_space<hbm>> -> memref<2x80xi32, #tpu.memory_space<hbm>>
    %dma_wait3A_154 = tpu.memref_slice %arg9[%dma_wait3A_146] : memref<8x!tpu.dma_semaphore, #tpu.memory_space<semaphore_mem>> -> memref<1x!tpu.dma_semaphore, #tpu.memory_space<semaphore_mem>>
    %dma_wait3A_155 = tpu.memref_squeeze %dma_wait3A_154 : memref<1x!tpu.dma_semaphore, #tpu.memory_space<semaphore_mem>> -> memref<!tpu.dma_semaphore, #tpu.memory_space<semaphore_mem>>
    %dma_wait3A_156 = arith.constant 0 : i32
    %dma_wait3A_157 = arith.constant 0 : i32
    %dma_wait3A_158 = tpu.memref_slice %arg7[%dma_wait3A, %dma_wait3A_156, %dma_wait3A_157] : memref<8x2x80xi32, #tpu.memory_space<vmem>> -> memref<1x2x80xi32, #tpu.memory_space<vmem>>
    %dma_wait3A_159 = tpu.memref_squeeze %dma_wait3A_158 : memref<1x2x80xi32, #tpu.memory_space<vmem>> -> memref<2x80xi32, #tpu.memory_space<vmem>>
    %dma_wait3A_160 = arith.constant 0 : i32
    %dma_wait3A_161 = arith.constant 0 : i32
    %dma_wait3A_162 = tpu.memref_slice %arg3[%dma_wait3A_160, %dma_wait3A_161] : memref<2x320000xi32, #tpu.memory_space<hbm>> -> memref<2x80xi32, #tpu.memory_space<hbm>>
    tpu.wait_dma2 semaphore(%dma_wait3A_155 : memref<!tpu.dma_semaphore, #tpu.memory_space<semaphore_mem>>) src(%dma_wait3A_162 : memref<2x80xi32, #tpu.memory_space<hbm>>) dst(%dma_wait3A_159 : memref<2x80xi32, #tpu.memory_space<vmem>>)
    %dma_start3A_163 = arith.constant 0 : i32
    %dma_start3A_164 = arith.constant 0 : i32
    %dma_start3A_165 = arith.constant 0 : i32
    %dma_start3A_166 = arith.constant 0 : i32
    %dma_start3A_167 = arith.constant 0 : i32
    %dma_start3A_168 = arith.constant 0 : i32
    %dma_start3A_169 = tpu.memref_slice %arg8[%dma_start3A_165, %dma_start3A_167, %dma_start3A_168] : memref<4x80x128xf32, #tpu.memory_space<vmem>> -> memref<1x80x128xf32, #tpu.memory_space<vmem>>
    %dma_start3A_170 = tpu.memref_squeeze %dma_start3A_169 : memref<1x80x128xf32, #tpu.memory_space<vmem>> -> memref<80x128xf32, #tpu.memory_space<vmem>>
    %dma_start3A_171 = arith.constant 0 : i32
    %dma_start3A_172 = tpu.memref_slice %arg7[%dma_start3A_163, %dma_start3A_164, %dma_start3A_171] : memref<8x2x80xi32, #tpu.memory_space<vmem>> -> memref<1x1x80xi32, #tpu.memory_space<vmem>>
    %dma_start3A_173 = tpu.memref_squeeze %dma_start3A_172 : memref<1x1x80xi32, #tpu.memory_space<vmem>> -> memref<80xi32, #tpu.memory_space<vmem>>
    %dma_start3A_174 = arith.constant 0 : i32
    %dma_start3A_175 = arith.constant 0 : i32
    %dma_start3A_176 = tpu.memref_slice %arg2[%dma_start3A_174, %dma_start3A_175] : memref<10000x128xf32, #tpu.memory_space<hbm>> -> memref<10000x128xf32, #tpu.memory_space<hbm>>
    %dma_start3A_177 = tpu.memref_slice %arg10[%dma_start3A_166] : memref<4x!tpu.dma_semaphore, #tpu.memory_space<semaphore_mem>> -> memref<1x!tpu.dma_semaphore, #tpu.memory_space<semaphore_mem>>
    %dma_start3A_178 = tpu.memref_squeeze %dma_start3A_177 : memref<1x!tpu.dma_semaphore, #tpu.memory_space<semaphore_mem>> -> memref<!tpu.dma_semaphore, #tpu.memory_space<semaphore_mem>>
    tpu.enqueue_indirect_dma source(%dma_start3A_176 : memref<10000x128xf32, #tpu.memory_space<hbm>>) target(%dma_start3A_170 : memref<80x128xf32, #tpu.memory_space<vmem>>) offsets(%dma_start3A_173 : memref<80xi32, #tpu.memory_space<vmem>>) semaphore(%dma_start3A_178 : memref<!tpu.dma_semaphore, #tpu.memory_space<semaphore_mem>>)
    %dma_wait3A_179 = arith.constant 1 : i32
    %dma_wait3A_180 = arith.constant 1 : i32
    %dma_wait3A_181 = arith.constant 0 : i32
    %dma_wait3A_182 = arith.constant 0 : i32
    %dma_wait3A_183 = tpu.memref_slice %arg7[%dma_wait3A_179, %dma_wait3A_181, %dma_wait3A_182] : memref<8x2x80xi32, #tpu.memory_space<vmem>> -> memref<1x2x80xi32, #tpu.memory_space<vmem>>
    %dma_wait3A_184 = tpu.memref_squeeze %dma_wait3A_183 : memref<1x2x80xi32, #tpu.memory_space<vmem>> -> memref<2x80xi32, #tpu.memory_space<vmem>>
    %dma_wait3A_185 = arith.constant 0 : i32
    %dma_wait3A_186 = arith.constant 0 : i32
    %dma_wait3A_187 = tpu.memref_slice %arg3[%dma_wait3A_185, %dma_wait3A_186] : memref<2x320000xi32, #tpu.memory_space<hbm>> -> memref<2x80xi32, #tpu.memory_space<hbm>>
    %dma_wait3A_188 = tpu.memref_slice %arg9[%dma_wait3A_180] : memref<8x!tpu.dma_semaphore, #tpu.memory_space<semaphore_mem>> -> memref<1x!tpu.dma_semaphore, #tpu.memory_space<semaphore_mem>>
    %dma_wait3A_189 = tpu.memref_squeeze %dma_wait3A_188 : memref<1x!tpu.dma_semaphore, #tpu.memory_space<semaphore_mem>> -> memref<!tpu.dma_semaphore, #tpu.memory_space<semaphore_mem>>
    %dma_wait3A_190 = arith.constant 0 : i32
    %dma_wait3A_191 = arith.constant 0 : i32
    %dma_wait3A_192 = tpu.memref_slice %arg7[%dma_wait3A_179, %dma_wait3A_190, %dma_wait3A_191] : memref<8x2x80xi32, #tpu.memory_space<vmem>> -> memref<1x2x80xi32, #tpu.memory_space<vmem>>
    %dma_wait3A_193 = tpu.memref_squeeze %dma_wait3A_192 : memref<1x2x80xi32, #tpu.memory_space<vmem>> -> memref<2x80xi32, #tpu.memory_space<vmem>>
    %dma_wait3A_194 = arith.constant 0 : i32
    %dma_wait3A_195 = arith.constant 0 : i32
    %dma_wait3A_196 = tpu.memref_slice %arg3[%dma_wait3A_194, %dma_wait3A_195] : memref<2x320000xi32, #tpu.memory_space<hbm>> -> memref<2x80xi32, #tpu.memory_space<hbm>>
    tpu.wait_dma2 semaphore(%dma_wait3A_189 : memref<!tpu.dma_semaphore, #tpu.memory_space<semaphore_mem>>) src(%dma_wait3A_196 : memref<2x80xi32, #tpu.memory_space<hbm>>) dst(%dma_wait3A_193 : memref<2x80xi32, #tpu.memory_space<vmem>>)
    %dma_start3A_197 = arith.constant 1 : i32
    %dma_start3A_198 = arith.constant 0 : i32
    %dma_start3A_199 = arith.constant 1 : i32
    %dma_start3A_200 = arith.constant 1 : i32
    %dma_start3A_201 = arith.constant 0 : i32
    %dma_start3A_202 = arith.constant 0 : i32
    %dma_start3A_203 = tpu.memref_slice %arg8[%dma_start3A_199, %dma_start3A_201, %dma_start3A_202] : memref<4x80x128xf32, #tpu.memory_space<vmem>> -> memref<1x80x128xf32, #tpu.memory_space<vmem>>
    %dma_start3A_204 = tpu.memref_squeeze %dma_start3A_203 : memref<1x80x128xf32, #tpu.memory_space<vmem>> -> memref<80x128xf32, #tpu.memory_space<vmem>>
    %dma_start3A_205 = arith.constant 0 : i32
    %dma_start3A_206 = tpu.memref_slice %arg7[%dma_start3A_197, %dma_start3A_198, %dma_start3A_205] : memref<8x2x80xi32, #tpu.memory_space<vmem>> -> memref<1x1x80xi32, #tpu.memory_space<vmem>>
    %dma_start3A_207 = tpu.memref_squeeze %dma_start3A_206 : memref<1x1x80xi32, #tpu.memory_space<vmem>> -> memref<80xi32, #tpu.memory_space<vmem>>
    %dma_start3A_208 = arith.constant 0 : i32
    %dma_start3A_209 = arith.constant 0 : i32
    %dma_start3A_210 = tpu.memref_slice %arg2[%dma_start3A_208, %dma_start3A_209] : memref<10000x128xf32, #tpu.memory_space<hbm>> -> memref<10000x128xf32, #tpu.memory_space<hbm>>
    %dma_start3A_211 = tpu.memref_slice %arg10[%dma_start3A_200] : memref<4x!tpu.dma_semaphore, #tpu.memory_space<semaphore_mem>> -> memref<1x!tpu.dma_semaphore, #tpu.memory_space<semaphore_mem>>
    %dma_start3A_212 = tpu.memref_squeeze %dma_start3A_211 : memref<1x!tpu.dma_semaphore, #tpu.memory_space<semaphore_mem>> -> memref<!tpu.dma_semaphore, #tpu.memory_space<semaphore_mem>>
    tpu.enqueue_indirect_dma source(%dma_start3A_210 : memref<10000x128xf32, #tpu.memory_space<hbm>>) target(%dma_start3A_204 : memref<80x128xf32, #tpu.memory_space<vmem>>) offsets(%dma_start3A_207 : memref<80xi32, #tpu.memory_space<vmem>>) semaphore(%dma_start3A_212 : memref<!tpu.dma_semaphore, #tpu.memory_space<semaphore_mem>>)
    %dma_wait3A_213 = arith.constant 0 : i32
    %dma_wait3A_214 = arith.constant 0 : i32
    %dma_wait3A_215 = arith.constant 0 : i32
    %dma_wait3A_216 = arith.constant 0 : i32
    %dma_wait3A_217 = arith.constant 0 : i32
    %dma_wait3A_218 = arith.constant 0 : i32
    %dma_wait3A_219 = tpu.memref_slice %arg8[%dma_wait3A_215, %dma_wait3A_217, %dma_wait3A_218] : memref<4x80x128xf32, #tpu.memory_space<vmem>> -> memref<1x80x128xf32, #tpu.memory_space<vmem>>
    %dma_wait3A_220 = tpu.memref_squeeze %dma_wait3A_219 : memref<1x80x128xf32, #tpu.memory_space<vmem>> -> memref<80x128xf32, #tpu.memory_space<vmem>>
    %dma_wait3A_221 = arith.constant 0 : i32
    %dma_wait3A_222 = tpu.memref_slice %arg7[%dma_wait3A_213, %dma_wait3A_214, %dma_wait3A_221] : memref<8x2x80xi32, #tpu.memory_space<vmem>> -> memref<1x1x80xi32, #tpu.memory_space<vmem>>
    %dma_wait3A_223 = tpu.memref_squeeze %dma_wait3A_222 : memref<1x1x80xi32, #tpu.memory_space<vmem>> -> memref<80xi32, #tpu.memory_space<vmem>>
    %dma_wait3A_224 = arith.constant 0 : i32
    %dma_wait3A_225 = arith.constant 0 : i32
    %dma_wait3A_226 = tpu.memref_slice %arg2[%dma_wait3A_224, %dma_wait3A_225] : memref<10000x128xf32, #tpu.memory_space<hbm>> -> memref<10000x128xf32, #tpu.memory_space<hbm>>
    %dma_wait3A_227 = tpu.memref_slice %arg10[%dma_wait3A_216] : memref<4x!tpu.dma_semaphore, #tpu.memory_space<semaphore_mem>> -> memref<1x!tpu.dma_semaphore, #tpu.memory_space<semaphore_mem>>
    %dma_wait3A_228 = tpu.memref_squeeze %dma_wait3A_227 : memref<1x!tpu.dma_semaphore, #tpu.memory_space<semaphore_mem>> -> memref<!tpu.dma_semaphore, #tpu.memory_space<semaphore_mem>>
    tpu.wait_indirect_dma semaphore(%dma_wait3A_228 : memref<!tpu.dma_semaphore, #tpu.memory_space<semaphore_mem>>) src(%dma_wait3A_226 : memref<10000x128xf32, #tpu.memory_space<hbm>>) dst(%dma_wait3A_220 : memref<80x128xf32, #tpu.memory_space<vmem>>)
    %dma_start3A_229 = arith.constant 0 : i32
    %dma_start3A_230 = arith.constant 0 : i32
    %dma_start3A_231 = arith.constant 1 : i32
    %dma_start3A_232 = arith.constant 0 : i32
    %dma_start3A_233 = arith.constant 0 : i32
    %dma_start3A_234 = arith.constant 0 : i32
    %dma_start3A_235 = tpu.memref_slice %arg8[%dma_start3A_229, %dma_start3A_233, %dma_start3A_234] : memref<4x80x128xf32, #tpu.memory_space<vmem>> -> memref<1x80x128xf32, #tpu.memory_space<vmem>>
    %dma_start3A_236 = tpu.memref_squeeze %dma_start3A_235 : memref<1x80x128xf32, #tpu.memory_space<vmem>> -> memref<80x128xf32, #tpu.memory_space<vmem>>
    %dma_start3A_237 = arith.constant 0 : i32
    %dma_start3A_238 = tpu.memref_slice %arg7[%dma_start3A_230, %dma_start3A_231, %dma_start3A_237] : memref<8x2x80xi32, #tpu.memory_space<vmem>> -> memref<1x1x80xi32, #tpu.memory_space<vmem>>
    %dma_start3A_239 = tpu.memref_squeeze %dma_start3A_238 : memref<1x1x80xi32, #tpu.memory_space<vmem>> -> memref<80xi32, #tpu.memory_space<vmem>>
    %dma_start3A_240 = arith.constant 0 : i32
    %dma_start3A_241 = arith.constant 0 : i32
    %dma_start3A_242 = tpu.memref_slice %arg6[%dma_start3A_240, %dma_start3A_241] : memref<10112x128xf32, #tpu.memory_space<vmem_shared>> -> memref<10112x128xf32, #tpu.memory_space<vmem_shared>>
    %dma_start3A_243 = tpu.memref_slice %arg11[%dma_start3A_232] : memref<4x!tpu.dma_semaphore, #tpu.memory_space<semaphore_mem>> -> memref<1x!tpu.dma_semaphore, #tpu.memory_space<semaphore_mem>>
    %dma_start3A_244 = tpu.memref_squeeze %dma_start3A_243 : memref<1x!tpu.dma_semaphore, #tpu.memory_space<semaphore_mem>> -> memref<!tpu.dma_semaphore, #tpu.memory_space<semaphore_mem>>
    tpu.enqueue_indirect_dma source(%dma_start3A_236 : memref<80x128xf32, #tpu.memory_space<vmem>>) target(%dma_start3A_242 : memref<10112x128xf32, #tpu.memory_space<vmem_shared>>) offsets(%dma_start3A_239 : memref<80xi32, #tpu.memory_space<vmem>>) semaphore(%dma_start3A_244 : memref<!tpu.dma_semaphore, #tpu.memory_space<semaphore_mem>>) {add = true}
    %sub3A_245 = arith.constant 1 : i32
    %sub3A_246 = arith.subi %select_n3A, %sub3A_245 : i32
    %min3A_247 = arith.constant 6 : i32
    %min3A_248 = arith.minsi %min3A_247, %sub3A_246 : i32
    %add3A_249 = arith.addi %select_n3A_10, %min3A_248 : i32
    %mul3A_250 = arith.constant 80 : i32
    %mul3A_251 = arith.muli %add3A_249, %mul3A_250 : i32
    %dma_start3A_252 = arith.constant 6 : i32
    %dma_start3A_253 = arith.constant 6 : i32
    %dma_start3A_254 = arith.constant 0 : i32
    %dma_start3A_255 = arith.constant 0 : i32
    %dma_start3A_256 = tpu.memref_slice %arg7[%dma_start3A_252, %dma_start3A_254, %dma_start3A_255] : memref<8x2x80xi32, #tpu.memory_space<vmem>> -> memref<1x2x80xi32, #tpu.memory_space<vmem>>
    %dma_start3A_257 = tpu.memref_squeeze %dma_start3A_256 : memref<1x2x80xi32, #tpu.memory_space<vmem>> -> memref<2x80xi32, #tpu.memory_space<vmem>>
    %dma_start3A_258 = arith.constant 0 : i32
    %dma_start3A_259 = tpu.memref_slice %arg3[%dma_start3A_258, %mul3A_251] : memref<2x320000xi32, #tpu.memory_space<hbm>> -> memref<2x80xi32, #tpu.memory_space<hbm>>
    %dma_start3A_260 = tpu.memref_slice %arg9[%dma_start3A_253] : memref<8x!tpu.dma_semaphore, #tpu.memory_space<semaphore_mem>> -> memref<1x!tpu.dma_semaphore, #tpu.memory_space<semaphore_mem>>
    %dma_start3A_261 = tpu.memref_squeeze %dma_start3A_260 : memref<1x!tpu.dma_semaphore, #tpu.memory_space<semaphore_mem>> -> memref<!tpu.dma_semaphore, #tpu.memory_space<semaphore_mem>>
    %dma_start3A_262 = arith.constant 0 : i32
    %dma_start3A_263 = arith.constant 0 : i32
    %dma_start3A_264 = tpu.memref_slice %arg7[%dma_start3A_252, %dma_start3A_262, %dma_start3A_263] : memref<8x2x80xi32, #tpu.memory_space<vmem>> -> memref<1x2x80xi32, #tpu.memory_space<vmem>>
    %dma_start3A_265 = tpu.memref_squeeze %dma_start3A_264 : memref<1x2x80xi32, #tpu.memory_space<vmem>> -> memref<2x80xi32, #tpu.memory_space<vmem>>
    %dma_start3A_266 = arith.constant 0 : i32
    %dma_start3A_267 = tpu.memref_slice %arg3[%dma_start3A_266, %mul3A_251] : memref<2x320000xi32, #tpu.memory_space<hbm>> -> memref<2x80xi32, #tpu.memory_space<hbm>>
    tpu.enqueue_dma source(%dma_start3A_267 : memref<2x80xi32, #tpu.memory_space<hbm>>) target(%dma_start3A_265 : memref<2x80xi32, #tpu.memory_space<vmem>>) target_semaphore(%dma_start3A_261 : memref<!tpu.dma_semaphore, #tpu.memory_space<semaphore_mem>>)
    %dma_wait3A_268 = arith.constant 2 : i32
    %dma_wait3A_269 = arith.constant 2 : i32
    %dma_wait3A_270 = arith.constant 0 : i32
    %dma_wait3A_271 = arith.constant 0 : i32
    %dma_wait3A_272 = tpu.memref_slice %arg7[%dma_wait3A_268, %dma_wait3A_270, %dma_wait3A_271] : memref<8x2x80xi32, #tpu.memory_space<vmem>> -> memref<1x2x80xi32, #tpu.memory_space<vmem>>
    %dma_wait3A_273 = tpu.memref_squeeze %dma_wait3A_272 : memref<1x2x80xi32, #tpu.memory_space<vmem>> -> memref<2x80xi32, #tpu.memory_space<vmem>>
    %dma_wait3A_274 = arith.constant 0 : i32
    %dma_wait3A_275 = arith.constant 0 : i32
    %dma_wait3A_276 = tpu.memref_slice %arg3[%dma_wait3A_274, %dma_wait3A_275] : memref<2x320000xi32, #tpu.memory_space<hbm>> -> memref<2x80xi32, #tpu.memory_space<hbm>>
    %dma_wait3A_277 = tpu.memref_slice %arg9[%dma_wait3A_269] : memref<8x!tpu.dma_semaphore, #tpu.memory_space<semaphore_mem>> -> memref<1x!tpu.dma_semaphore, #tpu.memory_space<semaphore_mem>>
    %dma_wait3A_278 = tpu.memref_squeeze %dma_wait3A_277 : memref<1x!tpu.dma_semaphore, #tpu.memory_space<semaphore_mem>> -> memref<!tpu.dma_semaphore, #tpu.memory_space<semaphore_mem>>
    %dma_wait3A_279 = arith.constant 0 : i32
    %dma_wait3A_280 = arith.constant 0 : i32
    %dma_wait3A_281 = tpu.memref_slice %arg7[%dma_wait3A_268, %dma_wait3A_279, %dma_wait3A_280] : memref<8x2x80xi32, #tpu.memory_space<vmem>> -> memref<1x2x80xi32, #tpu.memory_space<vmem>>
    %dma_wait3A_282 = tpu.memref_squeeze %dma_wait3A_281 : memref<1x2x80xi32, #tpu.memory_space<vmem>> -> memref<2x80xi32, #tpu.memory_space<vmem>>
    %dma_wait3A_283 = arith.constant 0 : i32
    %dma_wait3A_284 = arith.constant 0 : i32
    %dma_wait3A_285 = tpu.memref_slice %arg3[%dma_wait3A_283, %dma_wait3A_284] : memref<2x320000xi32, #tpu.memory_space<hbm>> -> memref<2x80xi32, #tpu.memory_space<hbm>>
    tpu.wait_dma2 semaphore(%dma_wait3A_278 : memref<!tpu.dma_semaphore, #tpu.memory_space<semaphore_mem>>) src(%dma_wait3A_285 : memref<2x80xi32, #tpu.memory_space<hbm>>) dst(%dma_wait3A_282 : memref<2x80xi32, #tpu.memory_space<vmem>>)
    %dma_start3A_286 = arith.constant 2 : i32
    %dma_start3A_287 = arith.constant 0 : i32
    %dma_start3A_288 = arith.constant 2 : i32
    %dma_start3A_289 = arith.constant 2 : i32
    %dma_start3A_290 = arith.constant 0 : i32
    %dma_start3A_291 = arith.constant 0 : i32
    %dma_start3A_292 = tpu.memref_slice %arg8[%dma_start3A_288, %dma_start3A_290, %dma_start3A_291] : memref<4x80x128xf32, #tpu.memory_space<vmem>> -> memref<1x80x128xf32, #tpu.memory_space<vmem>>
    %dma_start3A_293 = tpu.memref_squeeze %dma_start3A_292 : memref<1x80x128xf32, #tpu.memory_space<vmem>> -> memref<80x128xf32, #tpu.memory_space<vmem>>
    %dma_start3A_294 = arith.constant 0 : i32
    %dma_start3A_295 = tpu.memref_slice %arg7[%dma_start3A_286, %dma_start3A_287, %dma_start3A_294] : memref<8x2x80xi32, #tpu.memory_space<vmem>> -> memref<1x1x80xi32, #tpu.memory_space<vmem>>
    %dma_start3A_296 = tpu.memref_squeeze %dma_start3A_295 : memref<1x1x80xi32, #tpu.memory_space<vmem>> -> memref<80xi32, #tpu.memory_space<vmem>>
    %dma_start3A_297 = arith.constant 0 : i32
    %dma_start3A_298 = arith.constant 0 : i32
    %dma_start3A_299 = tpu.memref_slice %arg2[%dma_start3A_297, %dma_start3A_298] : memref<10000x128xf32, #tpu.memory_space<hbm>> -> memref<10000x128xf32, #tpu.memory_space<hbm>>
    %dma_start3A_300 = tpu.memref_slice %arg10[%dma_start3A_289] : memref<4x!tpu.dma_semaphore, #tpu.memory_space<semaphore_mem>> -> memref<1x!tpu.dma_semaphore, #tpu.memory_space<semaphore_mem>>
    %dma_start3A_301 = tpu.memref_squeeze %dma_start3A_300 : memref<1x!tpu.dma_semaphore, #tpu.memory_space<semaphore_mem>> -> memref<!tpu.dma_semaphore, #tpu.memory_space<semaphore_mem>>
    tpu.enqueue_indirect_dma source(%dma_start3A_299 : memref<10000x128xf32, #tpu.memory_space<hbm>>) target(%dma_start3A_293 : memref<80x128xf32, #tpu.memory_space<vmem>>) offsets(%dma_start3A_296 : memref<80xi32, #tpu.memory_space<vmem>>) semaphore(%dma_start3A_301 : memref<!tpu.dma_semaphore, #tpu.memory_space<semaphore_mem>>)
    %dma_wait3A_302 = arith.constant 0 : i32
    %dma_wait3A_303 = arith.constant 0 : i32
    %dma_wait3A_304 = arith.constant 1 : i32
    %dma_wait3A_305 = arith.constant 1 : i32
    %dma_wait3A_306 = arith.constant 0 : i32
    %dma_wait3A_307 = arith.constant 0 : i32
    %dma_wait3A_308 = tpu.memref_slice %arg8[%dma_wait3A_304, %dma_wait3A_306, %dma_wait3A_307] : memref<4x80x128xf32, #tpu.memory_space<vmem>> -> memref<1x80x128xf32, #tpu.memory_space<vmem>>
    %dma_wait3A_309 = tpu.memref_squeeze %dma_wait3A_308 : memref<1x80x128xf32, #tpu.memory_space<vmem>> -> memref<80x128xf32, #tpu.memory_space<vmem>>
    %dma_wait3A_310 = arith.constant 0 : i32
    %dma_wait3A_311 = tpu.memref_slice %arg7[%dma_wait3A_302, %dma_wait3A_303, %dma_wait3A_310] : memref<8x2x80xi32, #tpu.memory_space<vmem>> -> memref<1x1x80xi32, #tpu.memory_space<vmem>>
    %dma_wait3A_312 = tpu.memref_squeeze %dma_wait3A_311 : memref<1x1x80xi32, #tpu.memory_space<vmem>> -> memref<80xi32, #tpu.memory_space<vmem>>
    %dma_wait3A_313 = arith.constant 0 : i32
    %dma_wait3A_314 = arith.constant 0 : i32
    %dma_wait3A_315 = tpu.memref_slice %arg2[%dma_wait3A_313, %dma_wait3A_314] : memref<10000x128xf32, #tpu.memory_space<hbm>> -> memref<10000x128xf32, #tpu.memory_space<hbm>>
    %dma_wait3A_316 = tpu.memref_slice %arg10[%dma_wait3A_305] : memref<4x!tpu.dma_semaphore, #tpu.memory_space<semaphore_mem>> -> memref<1x!tpu.dma_semaphore, #tpu.memory_space<semaphore_mem>>
    %dma_wait3A_317 = tpu.memref_squeeze %dma_wait3A_316 : memref<1x!tpu.dma_semaphore, #tpu.memory_space<semaphore_mem>> -> memref<!tpu.dma_semaphore, #tpu.memory_space<semaphore_mem>>
    tpu.wait_indirect_dma semaphore(%dma_wait3A_317 : memref<!tpu.dma_semaphore, #tpu.memory_space<semaphore_mem>>) src(%dma_wait3A_315 : memref<10000x128xf32, #tpu.memory_space<hbm>>) dst(%dma_wait3A_309 : memref<80x128xf32, #tpu.memory_space<vmem>>)
    %dma_start3A_318 = arith.constant 1 : i32
    %dma_start3A_319 = arith.constant 1 : i32
    %dma_start3A_320 = arith.constant 1 : i32
    %dma_start3A_321 = arith.constant 1 : i32
    %dma_start3A_322 = arith.constant 0 : i32
    %dma_start3A_323 = arith.constant 0 : i32
    %dma_start3A_324 = tpu.memref_slice %arg8[%dma_start3A_318, %dma_start3A_322, %dma_start3A_323] : memref<4x80x128xf32, #tpu.memory_space<vmem>> -> memref<1x80x128xf32, #tpu.memory_space<vmem>>
    %dma_start3A_325 = tpu.memref_squeeze %dma_start3A_324 : memref<1x80x128xf32, #tpu.memory_space<vmem>> -> memref<80x128xf32, #tpu.memory_space<vmem>>
    %dma_start3A_326 = arith.constant 0 : i32
    %dma_start3A_327 = tpu.memref_slice %arg7[%dma_start3A_319, %dma_start3A_320, %dma_start3A_326] : memref<8x2x80xi32, #tpu.memory_space<vmem>> -> memref<1x1x80xi32, #tpu.memory_space<vmem>>
    %dma_start3A_328 = tpu.memref_squeeze %dma_start3A_327 : memref<1x1x80xi32, #tpu.memory_space<vmem>> -> memref<80xi32, #tpu.memory_space<vmem>>
    %dma_start3A_329 = arith.constant 0 : i32
    %dma_start3A_330 = arith.constant 0 : i32
    %dma_start3A_331 = tpu.memref_slice %arg6[%dma_start3A_329, %dma_start3A_330] : memref<10112x128xf32, #tpu.memory_space<vmem_shared>> -> memref<10112x128xf32, #tpu.memory_space<vmem_shared>>
    %dma_start3A_332 = tpu.memref_slice %arg11[%dma_start3A_321] : memref<4x!tpu.dma_semaphore, #tpu.memory_space<semaphore_mem>> -> memref<1x!tpu.dma_semaphore, #tpu.memory_space<semaphore_mem>>
    %dma_start3A_333 = tpu.memref_squeeze %dma_start3A_332 : memref<1x!tpu.dma_semaphore, #tpu.memory_space<semaphore_mem>> -> memref<!tpu.dma_semaphore, #tpu.memory_space<semaphore_mem>>
    tpu.enqueue_indirect_dma source(%dma_start3A_325 : memref<80x128xf32, #tpu.memory_space<vmem>>) target(%dma_start3A_331 : memref<10112x128xf32, #tpu.memory_space<vmem_shared>>) offsets(%dma_start3A_328 : memref<80xi32, #tpu.memory_space<vmem>>) semaphore(%dma_start3A_333 : memref<!tpu.dma_semaphore, #tpu.memory_space<semaphore_mem>>) {add = true}
    %sub3A_334 = arith.constant 1 : i32
    %sub3A_335 = arith.subi %select_n3A, %sub3A_334 : i32
    %min3A_336 = arith.constant 7 : i32
    %min3A_337 = arith.minsi %min3A_336, %sub3A_335 : i32
    %add3A_338 = arith.addi %select_n3A_10, %min3A_337 : i32
    %mul3A_339 = arith.constant 80 : i32
    %mul3A_340 = arith.muli %add3A_338, %mul3A_339 : i32
    %dma_start3A_341 = arith.constant 7 : i32
    %dma_start3A_342 = arith.constant 7 : i32
    %dma_start3A_343 = arith.constant 0 : i32
    %dma_start3A_344 = arith.constant 0 : i32
    %dma_start3A_345 = tpu.memref_slice %arg7[%dma_start3A_341, %dma_start3A_343, %dma_start3A_344] : memref<8x2x80xi32, #tpu.memory_space<vmem>> -> memref<1x2x80xi32, #tpu.memory_space<vmem>>
    %dma_start3A_346 = tpu.memref_squeeze %dma_start3A_345 : memref<1x2x80xi32, #tpu.memory_space<vmem>> -> memref<2x80xi32, #tpu.memory_space<vmem>>
    %dma_start3A_347 = arith.constant 0 : i32
    %dma_start3A_348 = tpu.memref_slice %arg3[%dma_start3A_347, %mul3A_340] : memref<2x320000xi32, #tpu.memory_space<hbm>> -> memref<2x80xi32, #tpu.memory_space<hbm>>
    %dma_start3A_349 = tpu.memref_slice %arg9[%dma_start3A_342] : memref<8x!tpu.dma_semaphore, #tpu.memory_space<semaphore_mem>> -> memref<1x!tpu.dma_semaphore, #tpu.memory_space<semaphore_mem>>
    %dma_start3A_350 = tpu.memref_squeeze %dma_start3A_349 : memref<1x!tpu.dma_semaphore, #tpu.memory_space<semaphore_mem>> -> memref<!tpu.dma_semaphore, #tpu.memory_space<semaphore_mem>>
    %dma_start3A_351 = arith.constant 0 : i32
    %dma_start3A_352 = arith.constant 0 : i32
    %dma_start3A_353 = tpu.memref_slice %arg7[%dma_start3A_341, %dma_start3A_351, %dma_start3A_352] : memref<8x2x80xi32, #tpu.memory_space<vmem>> -> memref<1x2x80xi32, #tpu.memory_space<vmem>>
    %dma_start3A_354 = tpu.memref_squeeze %dma_start3A_353 : memref<1x2x80xi32, #tpu.memory_space<vmem>> -> memref<2x80xi32, #tpu.memory_space<vmem>>
    %dma_start3A_355 = arith.constant 0 : i32
    %dma_start3A_356 = tpu.memref_slice %arg3[%dma_start3A_355, %mul3A_340] : memref<2x320000xi32, #tpu.memory_space<hbm>> -> memref<2x80xi32, #tpu.memory_space<hbm>>
    tpu.enqueue_dma source(%dma_start3A_356 : memref<2x80xi32, #tpu.memory_space<hbm>>) target(%dma_start3A_354 : memref<2x80xi32, #tpu.memory_space<vmem>>) target_semaphore(%dma_start3A_350 : memref<!tpu.dma_semaphore, #tpu.memory_space<semaphore_mem>>)
    %dma_wait3A_357 = arith.constant 3 : i32
    %dma_wait3A_358 = arith.constant 3 : i32
    %dma_wait3A_359 = arith.constant 0 : i32
    %dma_wait3A_360 = arith.constant 0 : i32
    %dma_wait3A_361 = tpu.memref_slice %arg7[%dma_wait3A_357, %dma_wait3A_359, %dma_wait3A_360] : memref<8x2x80xi32, #tpu.memory_space<vmem>> -> memref<1x2x80xi32, #tpu.memory_space<vmem>>
    %dma_wait3A_362 = tpu.memref_squeeze %dma_wait3A_361 : memref<1x2x80xi32, #tpu.memory_space<vmem>> -> memref<2x80xi32, #tpu.memory_space<vmem>>
    %dma_wait3A_363 = arith.constant 0 : i32
    %dma_wait3A_364 = arith.constant 0 : i32
    %dma_wait3A_365 = tpu.memref_slice %arg3[%dma_wait3A_363, %dma_wait3A_364] : memref<2x320000xi32, #tpu.memory_space<hbm>> -> memref<2x80xi32, #tpu.memory_space<hbm>>
    %dma_wait3A_366 = tpu.memref_slice %arg9[%dma_wait3A_358] : memref<8x!tpu.dma_semaphore, #tpu.memory_space<semaphore_mem>> -> memref<1x!tpu.dma_semaphore, #tpu.memory_space<semaphore_mem>>
    %dma_wait3A_367 = tpu.memref_squeeze %dma_wait3A_366 : memref<1x!tpu.dma_semaphore, #tpu.memory_space<semaphore_mem>> -> memref<!tpu.dma_semaphore, #tpu.memory_space<semaphore_mem>>
    %dma_wait3A_368 = arith.constant 0 : i32
    %dma_wait3A_369 = arith.constant 0 : i32
    %dma_wait3A_370 = tpu.memref_slice %arg7[%dma_wait3A_357, %dma_wait3A_368, %dma_wait3A_369] : memref<8x2x80xi32, #tpu.memory_space<vmem>> -> memref<1x2x80xi32, #tpu.memory_space<vmem>>
    %dma_wait3A_371 = tpu.memref_squeeze %dma_wait3A_370 : memref<1x2x80xi32, #tpu.memory_space<vmem>> -> memref<2x80xi32, #tpu.memory_space<vmem>>
    %dma_wait3A_372 = arith.constant 0 : i32
    %dma_wait3A_373 = arith.constant 0 : i32
    %dma_wait3A_374 = tpu.memref_slice %arg3[%dma_wait3A_372, %dma_wait3A_373] : memref<2x320000xi32, #tpu.memory_space<hbm>> -> memref<2x80xi32, #tpu.memory_space<hbm>>
    tpu.wait_dma2 semaphore(%dma_wait3A_367 : memref<!tpu.dma_semaphore, #tpu.memory_space<semaphore_mem>>) src(%dma_wait3A_374 : memref<2x80xi32, #tpu.memory_space<hbm>>) dst(%dma_wait3A_371 : memref<2x80xi32, #tpu.memory_space<vmem>>)
    %dma_start3A_375 = arith.constant 3 : i32
    %dma_start3A_376 = arith.constant 0 : i32
    %dma_start3A_377 = arith.constant 3 : i32
    %dma_start3A_378 = arith.constant 3 : i32
    %dma_start3A_379 = arith.constant 0 : i32
    %dma_start3A_380 = arith.constant 0 : i32
    %dma_start3A_381 = tpu.memref_slice %arg8[%dma_start3A_377, %dma_start3A_379, %dma_start3A_380] : memref<4x80x128xf32, #tpu.memory_space<vmem>> -> memref<1x80x128xf32, #tpu.memory_space<vmem>>
    %dma_start3A_382 = tpu.memref_squeeze %dma_start3A_381 : memref<1x80x128xf32, #tpu.memory_space<vmem>> -> memref<80x128xf32, #tpu.memory_space<vmem>>
    %dma_start3A_383 = arith.constant 0 : i32
    %dma_start3A_384 = tpu.memref_slice %arg7[%dma_start3A_375, %dma_start3A_376, %dma_start3A_383] : memref<8x2x80xi32, #tpu.memory_space<vmem>> -> memref<1x1x80xi32, #tpu.memory_space<vmem>>
    %dma_start3A_385 = tpu.memref_squeeze %dma_start3A_384 : memref<1x1x80xi32, #tpu.memory_space<vmem>> -> memref<80xi32, #tpu.memory_space<vmem>>
    %dma_start3A_386 = arith.constant 0 : i32
    %dma_start3A_387 = arith.constant 0 : i32
    %dma_start3A_388 = tpu.memref_slice %arg2[%dma_start3A_386, %dma_start3A_387] : memref<10000x128xf32, #tpu.memory_space<hbm>> -> memref<10000x128xf32, #tpu.memory_space<hbm>>
    %dma_start3A_389 = tpu.memref_slice %arg10[%dma_start3A_378] : memref<4x!tpu.dma_semaphore, #tpu.memory_space<semaphore_mem>> -> memref<1x!tpu.dma_semaphore, #tpu.memory_space<semaphore_mem>>
    %dma_start3A_390 = tpu.memref_squeeze %dma_start3A_389 : memref<1x!tpu.dma_semaphore, #tpu.memory_space<semaphore_mem>> -> memref<!tpu.dma_semaphore, #tpu.memory_space<semaphore_mem>>
    tpu.enqueue_indirect_dma source(%dma_start3A_388 : memref<10000x128xf32, #tpu.memory_space<hbm>>) target(%dma_start3A_382 : memref<80x128xf32, #tpu.memory_space<vmem>>) offsets(%dma_start3A_385 : memref<80xi32, #tpu.memory_space<vmem>>) semaphore(%dma_start3A_390 : memref<!tpu.dma_semaphore, #tpu.memory_space<semaphore_mem>>)
    %while3A = arith.constant 0 : i32
    %while3A_391 = arith.constant 2 : i32
    %while3A_392 = arith.subi %select_n3A, %while3A_391 : i32
    %while3A_393 = arith.addi %while3A_391, %while3A_392 : i32
    %while3A_394 = arith.constant 1 : i32
    %while3A_395 = arith.divsi %while3A_392, %while3A_394 : i32
    %while3A_396 = arith.muli %while3A_395, %while3A_394 : i32
    %while3A_397 = arith.addi %while3A_391, %while3A_396 : i32
    %while3A_398 = arith.constant 1 : i32
    scf.for %while3A_550 = %while3A_391 to %while3A_397 step %while3A_398  : i32 {
      %rem3A_551 = arith.constant 4 : i32
      %rem3A_552 = arith.remsi %while3A_550, %rem3A_551 : i32
      %dma_wait3A_553 = arith.constant 0 : i32
      %dma_wait3A_554 = arith.constant 0 : i32
      %dma_wait3A_555 = arith.constant 0 : i32
      %dma_wait3A_556 = arith.constant 0 : i32
      %dma_wait3A_557 = tpu.memref_slice %arg8[%rem3A_552, %dma_wait3A_555, %dma_wait3A_556] : memref<4x80x128xf32, #tpu.memory_space<vmem>> -> memref<1x80x128xf32, #tpu.memory_space<vmem>>
      %dma_wait3A_558 = tpu.memref_squeeze %dma_wait3A_557 : memref<1x80x128xf32, #tpu.memory_space<vmem>> -> memref<80x128xf32, #tpu.memory_space<vmem>>
      %dma_wait3A_559 = arith.constant 0 : i32
      %dma_wait3A_560 = tpu.memref_slice %arg7[%dma_wait3A_553, %dma_wait3A_554, %dma_wait3A_559] : memref<8x2x80xi32, #tpu.memory_space<vmem>> -> memref<1x1x80xi32, #tpu.memory_space<vmem>>
      %dma_wait3A_561 = tpu.memref_squeeze %dma_wait3A_560 : memref<1x1x80xi32, #tpu.memory_space<vmem>> -> memref<80xi32, #tpu.memory_space<vmem>>
      %dma_wait3A_562 = arith.constant 0 : i32
      %dma_wait3A_563 = arith.constant 0 : i32
      %dma_wait3A_564 = tpu.memref_slice %arg2[%dma_wait3A_562, %dma_wait3A_563] : memref<10000x128xf32, #tpu.memory_space<hbm>> -> memref<10000x128xf32, #tpu.memory_space<hbm>>
      %dma_wait3A_565 = tpu.memref_slice %arg10[%rem3A_552] : memref<4x!tpu.dma_semaphore, #tpu.memory_space<semaphore_mem>> -> memref<1x!tpu.dma_semaphore, #tpu.memory_space<semaphore_mem>>
      %dma_wait3A_566 = tpu.memref_squeeze %dma_wait3A_565 : memref<1x!tpu.dma_semaphore, #tpu.memory_space<semaphore_mem>> -> memref<!tpu.dma_semaphore, #tpu.memory_space<semaphore_mem>>
      tpu.wait_indirect_dma semaphore(%dma_wait3A_566 : memref<!tpu.dma_semaphore, #tpu.memory_space<semaphore_mem>>) src(%dma_wait3A_564 : memref<10000x128xf32, #tpu.memory_space<hbm>>) dst(%dma_wait3A_558 : memref<80x128xf32, #tpu.memory_space<vmem>>)
      %rem3A_567 = arith.constant 8 : i32
      %rem3A_568 = arith.remsi %while3A_550, %rem3A_567 : i32
      %dma_start3A_569 = arith.constant 1 : i32
      %dma_start3A_570 = arith.constant 0 : i32
      %dma_start3A_571 = arith.constant 0 : i32
      %dma_start3A_572 = tpu.memref_slice %arg8[%rem3A_552, %dma_start3A_570, %dma_start3A_571] : memref<4x80x128xf32, #tpu.memory_space<vmem>> -> memref<1x80x128xf32, #tpu.memory_space<vmem>>
      %dma_start3A_573 = tpu.memref_squeeze %dma_start3A_572 : memref<1x80x128xf32, #tpu.memory_space<vmem>> -> memref<80x128xf32, #tpu.memory_space<vmem>>
      %dma_start3A_574 = arith.constant 0 : i32
      %dma_start3A_575 = tpu.memref_slice %arg7[%rem3A_568, %dma_start3A_569, %dma_start3A_574] : memref<8x2x80xi32, #tpu.memory_space<vmem>> -> memref<1x1x80xi32, #tpu.memory_space<vmem>>
      %dma_start3A_576 = tpu.memref_squeeze %dma_start3A_575 : memref<1x1x80xi32, #tpu.memory_space<vmem>> -> memref<80xi32, #tpu.memory_space<vmem>>
      %dma_start3A_577 = arith.constant 0 : i32
      %dma_start3A_578 = arith.constant 0 : i32
      %dma_start3A_579 = tpu.memref_slice %arg6[%dma_start3A_577, %dma_start3A_578] : memref<10112x128xf32, #tpu.memory_space<vmem_shared>> -> memref<10112x128xf32, #tpu.memory_space<vmem_shared>>
      %dma_start3A_580 = tpu.memref_slice %arg11[%rem3A_552] : memref<4x!tpu.dma_semaphore, #tpu.memory_space<semaphore_mem>> -> memref<1x!tpu.dma_semaphore, #tpu.memory_space<semaphore_mem>>
      %dma_start3A_581 = tpu.memref_squeeze %dma_start3A_580 : memref<1x!tpu.dma_semaphore, #tpu.memory_space<semaphore_mem>> -> memref<!tpu.dma_semaphore, #tpu.memory_space<semaphore_mem>>
      tpu.enqueue_indirect_dma source(%dma_start3A_573 : memref<80x128xf32, #tpu.memory_space<vmem>>) target(%dma_start3A_579 : memref<10112x128xf32, #tpu.memory_space<vmem_shared>>) offsets(%dma_start3A_576 : memref<80xi32, #tpu.memory_space<vmem>>) semaphore(%dma_start3A_581 : memref<!tpu.dma_semaphore, #tpu.memory_space<semaphore_mem>>) {add = true}
      %add3A_582 = arith.constant 2 : i32
      %add3A_583 = arith.addi %while3A_550, %add3A_582 : i32
      %rem3A_584 = arith.constant 4 : i32
      %rem3A_585 = arith.remsi %add3A_583, %rem3A_584 : i32
      %dma_wait3A_586 = arith.constant 0 : i32
      %dma_wait3A_587 = arith.constant 1 : i32
      %dma_wait3A_588 = arith.constant 0 : i32
      %dma_wait3A_589 = arith.constant 0 : i32
      %dma_wait3A_590 = tpu.memref_slice %arg8[%rem3A_585, %dma_wait3A_588, %dma_wait3A_589] : memref<4x80x128xf32, #tpu.memory_space<vmem>> -> memref<1x80x128xf32, #tpu.memory_space<vmem>>
      %dma_wait3A_591 = tpu.memref_squeeze %dma_wait3A_590 : memref<1x80x128xf32, #tpu.memory_space<vmem>> -> memref<80x128xf32, #tpu.memory_space<vmem>>
      %dma_wait3A_592 = arith.constant 0 : i32
      %dma_wait3A_593 = tpu.memref_slice %arg7[%dma_wait3A_586, %dma_wait3A_587, %dma_wait3A_592] : memref<8x2x80xi32, #tpu.memory_space<vmem>> -> memref<1x1x80xi32, #tpu.memory_space<vmem>>
      %dma_wait3A_594 = tpu.memref_squeeze %dma_wait3A_593 : memref<1x1x80xi32, #tpu.memory_space<vmem>> -> memref<80xi32, #tpu.memory_space<vmem>>
      %dma_wait3A_595 = arith.constant 0 : i32
      %dma_wait3A_596 = arith.constant 0 : i32
      %dma_wait3A_597 = tpu.memref_slice %arg6[%dma_wait3A_595, %dma_wait3A_596] : memref<10112x128xf32, #tpu.memory_space<vmem_shared>> -> memref<10112x128xf32, #tpu.memory_space<vmem_shared>>
      %dma_wait3A_598 = tpu.memref_slice %arg11[%rem3A_585] : memref<4x!tpu.dma_semaphore, #tpu.memory_space<semaphore_mem>> -> memref<1x!tpu.dma_semaphore, #tpu.memory_space<semaphore_mem>>
      %dma_wait3A_599 = tpu.memref_squeeze %dma_wait3A_598 : memref<1x!tpu.dma_semaphore, #tpu.memory_space<semaphore_mem>> -> memref<!tpu.dma_semaphore, #tpu.memory_space<semaphore_mem>>
      tpu.wait_indirect_dma semaphore(%dma_wait3A_599 : memref<!tpu.dma_semaphore, #tpu.memory_space<semaphore_mem>>) src(%dma_wait3A_591 : memref<80x128xf32, #tpu.memory_space<vmem>>) dst(%dma_wait3A_597 : memref<10112x128xf32, #tpu.memory_space<vmem_shared>>)
      %add3A_600 = arith.constant 6 : i32
      %add3A_601 = arith.addi %while3A_550, %add3A_600 : i32
      %add3A_602 = arith.constant 6 : i32
      %add3A_603 = arith.addi %while3A_550, %add3A_602 : i32
      %rem3A_604 = arith.constant 8 : i32
      %rem3A_605 = arith.remsi %add3A_603, %rem3A_604 : i32
      %sub3A_606 = arith.constant 1 : i32
      %sub3A_607 = arith.subi %select_n3A, %sub3A_606 : i32
      %min3A_608 = arith.minsi %add3A_601, %sub3A_607 : i32
      %add3A_609 = arith.addi %select_n3A_10, %min3A_608 : i32
      %mul3A_610 = arith.constant 80 : i32
      %mul3A_611 = arith.muli %add3A_609, %mul3A_610 : i32
      %dma_start3A_612 = arith.constant 0 : i32
      %dma_start3A_613 = arith.constant 0 : i32
      %dma_start3A_614 = tpu.memref_slice %arg7[%rem3A_605, %dma_start3A_612, %dma_start3A_613] : memref<8x2x80xi32, #tpu.memory_space<vmem>> -> memref<1x2x80xi32, #tpu.memory_space<vmem>>
      %dma_start3A_615 = tpu.memref_squeeze %dma_start3A_614 : memref<1x2x80xi32, #tpu.memory_space<vmem>> -> memref<2x80xi32, #tpu.memory_space<vmem>>
      %dma_start3A_616 = arith.constant 0 : i32
      %dma_start3A_617 = tpu.memref_slice %arg3[%dma_start3A_616, %mul3A_611] : memref<2x320000xi32, #tpu.memory_space<hbm>> -> memref<2x80xi32, #tpu.memory_space<hbm>>
      %dma_start3A_618 = tpu.memref_slice %arg9[%rem3A_605] : memref<8x!tpu.dma_semaphore, #tpu.memory_space<semaphore_mem>> -> memref<1x!tpu.dma_semaphore, #tpu.memory_space<semaphore_mem>>
      %dma_start3A_619 = tpu.memref_squeeze %dma_start3A_618 : memref<1x!tpu.dma_semaphore, #tpu.memory_space<semaphore_mem>> -> memref<!tpu.dma_semaphore, #tpu.memory_space<semaphore_mem>>
      %dma_start3A_620 = arith.constant 0 : i32
      %dma_start3A_621 = arith.constant 0 : i32
      %dma_start3A_622 = tpu.memref_slice %arg7[%rem3A_605, %dma_start3A_620, %dma_start3A_621] : memref<8x2x80xi32, #tpu.memory_space<vmem>> -> memref<1x2x80xi32, #tpu.memory_space<vmem>>
      %dma_start3A_623 = tpu.memref_squeeze %dma_start3A_622 : memref<1x2x80xi32, #tpu.memory_space<vmem>> -> memref<2x80xi32, #tpu.memory_space<vmem>>
      %dma_start3A_624 = arith.constant 0 : i32
      %dma_start3A_625 = tpu.memref_slice %arg3[%dma_start3A_624, %mul3A_611] : memref<2x320000xi32, #tpu.memory_space<hbm>> -> memref<2x80xi32, #tpu.memory_space<hbm>>
      tpu.enqueue_dma source(%dma_start3A_625 : memref<2x80xi32, #tpu.memory_space<hbm>>) target(%dma_start3A_623 : memref<2x80xi32, #tpu.memory_space<vmem>>) target_semaphore(%dma_start3A_619 : memref<!tpu.dma_semaphore, #tpu.memory_space<semaphore_mem>>)
      %add3A_626 = arith.constant 2 : i32
      %add3A_627 = arith.addi %while3A_550, %add3A_626 : i32
      %rem3A_628 = arith.constant 8 : i32
      %rem3A_629 = arith.remsi %add3A_627, %rem3A_628 : i32
      %dma_wait3A_630 = arith.constant 0 : i32
      %dma_wait3A_631 = arith.constant 0 : i32
      %dma_wait3A_632 = tpu.memref_slice %arg7[%rem3A_629, %dma_wait3A_630, %dma_wait3A_631] : memref<8x2x80xi32, #tpu.memory_space<vmem>> -> memref<1x2x80xi32, #tpu.memory_space<vmem>>
      %dma_wait3A_633 = tpu.memref_squeeze %dma_wait3A_632 : memref<1x2x80xi32, #tpu.memory_space<vmem>> -> memref<2x80xi32, #tpu.memory_space<vmem>>
      %dma_wait3A_634 = arith.constant 0 : i32
      %dma_wait3A_635 = arith.constant 0 : i32
      %dma_wait3A_636 = tpu.memref_slice %arg3[%dma_wait3A_634, %dma_wait3A_635] : memref<2x320000xi32, #tpu.memory_space<hbm>> -> memref<2x80xi32, #tpu.memory_space<hbm>>
      %dma_wait3A_637 = tpu.memref_slice %arg9[%rem3A_629] : memref<8x!tpu.dma_semaphore, #tpu.memory_space<semaphore_mem>> -> memref<1x!tpu.dma_semaphore, #tpu.memory_space<semaphore_mem>>
      %dma_wait3A_638 = tpu.memref_squeeze %dma_wait3A_637 : memref<1x!tpu.dma_semaphore, #tpu.memory_space<semaphore_mem>> -> memref<!tpu.dma_semaphore, #tpu.memory_space<semaphore_mem>>
      %dma_wait3A_639 = arith.constant 0 : i32
      %dma_wait3A_640 = arith.constant 0 : i32
      %dma_wait3A_641 = tpu.memref_slice %arg7[%rem3A_629, %dma_wait3A_639, %dma_wait3A_640] : memref<8x2x80xi32, #tpu.memory_space<vmem>> -> memref<1x2x80xi32, #tpu.memory_space<vmem>>
      %dma_wait3A_642 = tpu.memref_squeeze %dma_wait3A_641 : memref<1x2x80xi32, #tpu.memory_space<vmem>> -> memref<2x80xi32, #tpu.memory_space<vmem>>
      %dma_wait3A_643 = arith.constant 0 : i32
      %dma_wait3A_644 = arith.constant 0 : i32
      %dma_wait3A_645 = tpu.memref_slice %arg3[%dma_wait3A_643, %dma_wait3A_644] : memref<2x320000xi32, #tpu.memory_space<hbm>> -> memref<2x80xi32, #tpu.memory_space<hbm>>
      tpu.wait_dma2 semaphore(%dma_wait3A_638 : memref<!tpu.dma_semaphore, #tpu.memory_space<semaphore_mem>>) src(%dma_wait3A_645 : memref<2x80xi32, #tpu.memory_space<hbm>>) dst(%dma_wait3A_642 : memref<2x80xi32, #tpu.memory_space<vmem>>)
      %add3A_646 = arith.constant 2 : i32
      %add3A_647 = arith.addi %while3A_550, %add3A_646 : i32
      %rem3A_648 = arith.constant 8 : i32
      %rem3A_649 = arith.remsi %add3A_647, %rem3A_648 : i32
      %add3A_650 = arith.constant 2 : i32
      %add3A_651 = arith.addi %while3A_550, %add3A_650 : i32
      %rem3A_652 = arith.constant 4 : i32
      %rem3A_653 = arith.remsi %add3A_651, %rem3A_652 : i32
      %dma_start3A_654 = arith.constant 0 : i32
      %dma_start3A_655 = arith.constant 0 : i32
      %dma_start3A_656 = arith.constant 0 : i32
      %dma_start3A_657 = tpu.memref_slice %arg8[%rem3A_653, %dma_start3A_655, %dma_start3A_656] : memref<4x80x128xf32, #tpu.memory_space<vmem>> -> memref<1x80x128xf32, #tpu.memory_space<vmem>>
      %dma_start3A_658 = tpu.memref_squeeze %dma_start3A_657 : memref<1x80x128xf32, #tpu.memory_space<vmem>> -> memref<80x128xf32, #tpu.memory_space<vmem>>
      %dma_start3A_659 = arith.constant 0 : i32
      %dma_start3A_660 = tpu.memref_slice %arg7[%rem3A_649, %dma_start3A_654, %dma_start3A_659] : memref<8x2x80xi32, #tpu.memory_space<vmem>> -> memref<1x1x80xi32, #tpu.memory_space<vmem>>
      %dma_start3A_661 = tpu.memref_squeeze %dma_start3A_660 : memref<1x1x80xi32, #tpu.memory_space<vmem>> -> memref<80xi32, #tpu.memory_space<vmem>>
      %dma_start3A_662 = arith.constant 0 : i32
      %dma_start3A_663 = arith.constant 0 : i32
      %dma_start3A_664 = tpu.memref_slice %arg2[%dma_start3A_662, %dma_start3A_663] : memref<10000x128xf32, #tpu.memory_space<hbm>> -> memref<10000x128xf32, #tpu.memory_space<hbm>>
      %dma_start3A_665 = tpu.memref_slice %arg10[%rem3A_653] : memref<4x!tpu.dma_semaphore, #tpu.memory_space<semaphore_mem>> -> memref<1x!tpu.dma_semaphore, #tpu.memory_space<semaphore_mem>>
      %dma_start3A_666 = tpu.memref_squeeze %dma_start3A_665 : memref<1x!tpu.dma_semaphore, #tpu.memory_space<semaphore_mem>> -> memref<!tpu.dma_semaphore, #tpu.memory_space<semaphore_mem>>
      tpu.enqueue_indirect_dma source(%dma_start3A_664 : memref<10000x128xf32, #tpu.memory_space<hbm>>) target(%dma_start3A_658 : memref<80x128xf32, #tpu.memory_space<vmem>>) offsets(%dma_start3A_661 : memref<80xi32, #tpu.memory_space<vmem>>) semaphore(%dma_start3A_666 : memref<!tpu.dma_semaphore, #tpu.memory_space<semaphore_mem>>)
    }
    %while3A_399 = arith.constant 1 : i32
    scf.for %while3A_550 = %while3A_397 to %while3A_393 step %while3A_399  : i32 {
      %rem3A_551 = arith.constant 4 : i32
      %rem3A_552 = arith.remsi %while3A_550, %rem3A_551 : i32
      %dma_wait3A_553 = arith.constant 0 : i32
      %dma_wait3A_554 = arith.constant 0 : i32
      %dma_wait3A_555 = arith.constant 0 : i32
      %dma_wait3A_556 = arith.constant 0 : i32
      %dma_wait3A_557 = tpu.memref_slice %arg8[%rem3A_552, %dma_wait3A_555, %dma_wait3A_556] : memref<4x80x128xf32, #tpu.memory_space<vmem>> -> memref<1x80x128xf32, #tpu.memory_space<vmem>>
      %dma_wait3A_558 = tpu.memref_squeeze %dma_wait3A_557 : memref<1x80x128xf32, #tpu.memory_space<vmem>> -> memref<80x128xf32, #tpu.memory_space<vmem>>
      %dma_wait3A_559 = arith.constant 0 : i32
      %dma_wait3A_560 = tpu.memref_slice %arg7[%dma_wait3A_553, %dma_wait3A_554, %dma_wait3A_559] : memref<8x2x80xi32, #tpu.memory_space<vmem>> -> memref<1x1x80xi32, #tpu.memory_space<vmem>>
      %dma_wait3A_561 = tpu.memref_squeeze %dma_wait3A_560 : memref<1x1x80xi32, #tpu.memory_space<vmem>> -> memref<80xi32, #tpu.memory_space<vmem>>
      %dma_wait3A_562 = arith.constant 0 : i32
      %dma_wait3A_563 = arith.constant 0 : i32
      %dma_wait3A_564 = tpu.memref_slice %arg2[%dma_wait3A_562, %dma_wait3A_563] : memref<10000x128xf32, #tpu.memory_space<hbm>> -> memref<10000x128xf32, #tpu.memory_space<hbm>>
      %dma_wait3A_565 = tpu.memref_slice %arg10[%rem3A_552] : memref<4x!tpu.dma_semaphore, #tpu.memory_space<semaphore_mem>> -> memref<1x!tpu.dma_semaphore, #tpu.memory_space<semaphore_mem>>
      %dma_wait3A_566 = tpu.memref_squeeze %dma_wait3A_565 : memref<1x!tpu.dma_semaphore, #tpu.memory_space<semaphore_mem>> -> memref<!tpu.dma_semaphore, #tpu.memory_space<semaphore_mem>>
      tpu.wait_indirect_dma semaphore(%dma_wait3A_566 : memref<!tpu.dma_semaphore, #tpu.memory_space<semaphore_mem>>) src(%dma_wait3A_564 : memref<10000x128xf32, #tpu.memory_space<hbm>>) dst(%dma_wait3A_558 : memref<80x128xf32, #tpu.memory_space<vmem>>)
      %rem3A_567 = arith.constant 8 : i32
      %rem3A_568 = arith.remsi %while3A_550, %rem3A_567 : i32
      %dma_start3A_569 = arith.constant 1 : i32
      %dma_start3A_570 = arith.constant 0 : i32
      %dma_start3A_571 = arith.constant 0 : i32
      %dma_start3A_572 = tpu.memref_slice %arg8[%rem3A_552, %dma_start3A_570, %dma_start3A_571] : memref<4x80x128xf32, #tpu.memory_space<vmem>> -> memref<1x80x128xf32, #tpu.memory_space<vmem>>
      %dma_start3A_573 = tpu.memref_squeeze %dma_start3A_572 : memref<1x80x128xf32, #tpu.memory_space<vmem>> -> memref<80x128xf32, #tpu.memory_space<vmem>>
      %dma_start3A_574 = arith.constant 0 : i32
      %dma_start3A_575 = tpu.memref_slice %arg7[%rem3A_568, %dma_start3A_569, %dma_start3A_574] : memref<8x2x80xi32, #tpu.memory_space<vmem>> -> memref<1x1x80xi32, #tpu.memory_space<vmem>>
      %dma_start3A_576 = tpu.memref_squeeze %dma_start3A_575 : memref<1x1x80xi32, #tpu.memory_space<vmem>> -> memref<80xi32, #tpu.memory_space<vmem>>
      %dma_start3A_577 = arith.constant 0 : i32
      %dma_start3A_578 = arith.constant 0 : i32
      %dma_start3A_579 = tpu.memref_slice %arg6[%dma_start3A_577, %dma_start3A_578] : memref<10112x128xf32, #tpu.memory_space<vmem_shared>> -> memref<10112x128xf32, #tpu.memory_space<vmem_shared>>
      %dma_start3A_580 = tpu.memref_slice %arg11[%rem3A_552] : memref<4x!tpu.dma_semaphore, #tpu.memory_space<semaphore_mem>> -> memref<1x!tpu.dma_semaphore, #tpu.memory_space<semaphore_mem>>
      %dma_start3A_581 = tpu.memref_squeeze %dma_start3A_580 : memref<1x!tpu.dma_semaphore, #tpu.memory_space<semaphore_mem>> -> memref<!tpu.dma_semaphore, #tpu.memory_space<semaphore_mem>>
      tpu.enqueue_indirect_dma source(%dma_start3A_573 : memref<80x128xf32, #tpu.memory_space<vmem>>) target(%dma_start3A_579 : memref<10112x128xf32, #tpu.memory_space<vmem_shared>>) offsets(%dma_start3A_576 : memref<80xi32, #tpu.memory_space<vmem>>) semaphore(%dma_start3A_581 : memref<!tpu.dma_semaphore, #tpu.memory_space<semaphore_mem>>) {add = true}
      %add3A_582 = arith.constant 2 : i32
      %add3A_583 = arith.addi %while3A_550, %add3A_582 : i32
      %rem3A_584 = arith.constant 4 : i32
      %rem3A_585 = arith.remsi %add3A_583, %rem3A_584 : i32
      %dma_wait3A_586 = arith.constant 0 : i32
      %dma_wait3A_587 = arith.constant 1 : i32
      %dma_wait3A_588 = arith.constant 0 : i32
      %dma_wait3A_589 = arith.constant 0 : i32
      %dma_wait3A_590 = tpu.memref_slice %arg8[%rem3A_585, %dma_wait3A_588, %dma_wait3A_589] : memref<4x80x128xf32, #tpu.memory_space<vmem>> -> memref<1x80x128xf32, #tpu.memory_space<vmem>>
      %dma_wait3A_591 = tpu.memref_squeeze %dma_wait3A_590 : memref<1x80x128xf32, #tpu.memory_space<vmem>> -> memref<80x128xf32, #tpu.memory_space<vmem>>
      %dma_wait3A_592 = arith.constant 0 : i32
      %dma_wait3A_593 = tpu.memref_slice %arg7[%dma_wait3A_586, %dma_wait3A_587, %dma_wait3A_592] : memref<8x2x80xi32, #tpu.memory_space<vmem>> -> memref<1x1x80xi32, #tpu.memory_space<vmem>>
      %dma_wait3A_594 = tpu.memref_squeeze %dma_wait3A_593 : memref<1x1x80xi32, #tpu.memory_space<vmem>> -> memref<80xi32, #tpu.memory_space<vmem>>
      %dma_wait3A_595 = arith.constant 0 : i32
      %dma_wait3A_596 = arith.constant 0 : i32
      %dma_wait3A_597 = tpu.memref_slice %arg6[%dma_wait3A_595, %dma_wait3A_596] : memref<10112x128xf32, #tpu.memory_space<vmem_shared>> -> memref<10112x128xf32, #tpu.memory_space<vmem_shared>>
      %dma_wait3A_598 = tpu.memref_slice %arg11[%rem3A_585] : memref<4x!tpu.dma_semaphore, #tpu.memory_space<semaphore_mem>> -> memref<1x!tpu.dma_semaphore, #tpu.memory_space<semaphore_mem>>
      %dma_wait3A_599 = tpu.memref_squeeze %dma_wait3A_598 : memref<1x!tpu.dma_semaphore, #tpu.memory_space<semaphore_mem>> -> memref<!tpu.dma_semaphore, #tpu.memory_space<semaphore_mem>>
      tpu.wait_indirect_dma semaphore(%dma_wait3A_599 : memref<!tpu.dma_semaphore, #tpu.memory_space<semaphore_mem>>) src(%dma_wait3A_591 : memref<80x128xf32, #tpu.memory_space<vmem>>) dst(%dma_wait3A_597 : memref<10112x128xf32, #tpu.memory_space<vmem_shared>>)
      %add3A_600 = arith.constant 6 : i32
      %add3A_601 = arith.addi %while3A_550, %add3A_600 : i32
      %add3A_602 = arith.constant 6 : i32
      %add3A_603 = arith.addi %while3A_550, %add3A_602 : i32
      %rem3A_604 = arith.constant 8 : i32
      %rem3A_605 = arith.remsi %add3A_603, %rem3A_604 : i32
      %sub3A_606 = arith.constant 1 : i32
      %sub3A_607 = arith.subi %select_n3A, %sub3A_606 : i32
      %min3A_608 = arith.minsi %add3A_601, %sub3A_607 : i32
      %add3A_609 = arith.addi %select_n3A_10, %min3A_608 : i32
      %mul3A_610 = arith.constant 80 : i32
      %mul3A_611 = arith.muli %add3A_609, %mul3A_610 : i32
      %dma_start3A_612 = arith.constant 0 : i32
      %dma_start3A_613 = arith.constant 0 : i32
      %dma_start3A_614 = tpu.memref_slice %arg7[%rem3A_605, %dma_start3A_612, %dma_start3A_613] : memref<8x2x80xi32, #tpu.memory_space<vmem>> -> memref<1x2x80xi32, #tpu.memory_space<vmem>>
      %dma_start3A_615 = tpu.memref_squeeze %dma_start3A_614 : memref<1x2x80xi32, #tpu.memory_space<vmem>> -> memref<2x80xi32, #tpu.memory_space<vmem>>
      %dma_start3A_616 = arith.constant 0 : i32
      %dma_start3A_617 = tpu.memref_slice %arg3[%dma_start3A_616, %mul3A_611] : memref<2x320000xi32, #tpu.memory_space<hbm>> -> memref<2x80xi32, #tpu.memory_space<hbm>>
      %dma_start3A_618 = tpu.memref_slice %arg9[%rem3A_605] : memref<8x!tpu.dma_semaphore, #tpu.memory_space<semaphore_mem>> -> memref<1x!tpu.dma_semaphore, #tpu.memory_space<semaphore_mem>>
      %dma_start3A_619 = tpu.memref_squeeze %dma_start3A_618 : memref<1x!tpu.dma_semaphore, #tpu.memory_space<semaphore_mem>> -> memref<!tpu.dma_semaphore, #tpu.memory_space<semaphore_mem>>
      %dma_start3A_620 = arith.constant 0 : i32
      %dma_start3A_621 = arith.constant 0 : i32
      %dma_start3A_622 = tpu.memref_slice %arg7[%rem3A_605, %dma_start3A_620, %dma_start3A_621] : memref<8x2x80xi32, #tpu.memory_space<vmem>> -> memref<1x2x80xi32, #tpu.memory_space<vmem>>
      %dma_start3A_623 = tpu.memref_squeeze %dma_start3A_622 : memref<1x2x80xi32, #tpu.memory_space<vmem>> -> memref<2x80xi32, #tpu.memory_space<vmem>>
      %dma_start3A_624 = arith.constant 0 : i32
      %dma_start3A_625 = tpu.memref_slice %arg3[%dma_start3A_624, %mul3A_611] : memref<2x320000xi32, #tpu.memory_space<hbm>> -> memref<2x80xi32, #tpu.memory_space<hbm>>
      tpu.enqueue_dma source(%dma_start3A_625 : memref<2x80xi32, #tpu.memory_space<hbm>>) target(%dma_start3A_623 : memref<2x80xi32, #tpu.memory_space<vmem>>) target_semaphore(%dma_start3A_619 : memref<!tpu.dma_semaphore, #tpu.memory_space<semaphore_mem>>)
      %add3A_626 = arith.constant 2 : i32
      %add3A_627 = arith.addi %while3A_550, %add3A_626 : i32
      %rem3A_628 = arith.constant 8 : i32
      %rem3A_629 = arith.remsi %add3A_627, %rem3A_628 : i32
      %dma_wait3A_630 = arith.constant 0 : i32
      %dma_wait3A_631 = arith.constant 0 : i32
      %dma_wait3A_632 = tpu.memref_slice %arg7[%rem3A_629, %dma_wait3A_630, %dma_wait3A_631] : memref<8x2x80xi32, #tpu.memory_space<vmem>> -> memref<1x2x80xi32, #tpu.memory_space<vmem>>
      %dma_wait3A_633 = tpu.memref_squeeze %dma_wait3A_632 : memref<1x2x80xi32, #tpu.memory_space<vmem>> -> memref<2x80xi32, #tpu.memory_space<vmem>>
      %dma_wait3A_634 = arith.constant 0 : i32
      %dma_wait3A_635 = arith.constant 0 : i32
      %dma_wait3A_636 = tpu.memref_slice %arg3[%dma_wait3A_634, %dma_wait3A_635] : memref<2x320000xi32, #tpu.memory_space<hbm>> -> memref<2x80xi32, #tpu.memory_space<hbm>>
      %dma_wait3A_637 = tpu.memref_slice %arg9[%rem3A_629] : memref<8x!tpu.dma_semaphore, #tpu.memory_space<semaphore_mem>> -> memref<1x!tpu.dma_semaphore, #tpu.memory_space<semaphore_mem>>
      %dma_wait3A_638 = tpu.memref_squeeze %dma_wait3A_637 : memref<1x!tpu.dma_semaphore, #tpu.memory_space<semaphore_mem>> -> memref<!tpu.dma_semaphore, #tpu.memory_space<semaphore_mem>>
      %dma_wait3A_639 = arith.constant 0 : i32
      %dma_wait3A_640 = arith.constant 0 : i32
      %dma_wait3A_641 = tpu.memref_slice %arg7[%rem3A_629, %dma_wait3A_639, %dma_wait3A_640] : memref<8x2x80xi32, #tpu.memory_space<vmem>> -> memref<1x2x80xi32, #tpu.memory_space<vmem>>
      %dma_wait3A_642 = tpu.memref_squeeze %dma_wait3A_641 : memref<1x2x80xi32, #tpu.memory_space<vmem>> -> memref<2x80xi32, #tpu.memory_space<vmem>>
      %dma_wait3A_643 = arith.constant 0 : i32
      %dma_wait3A_644 = arith.constant 0 : i32
      %dma_wait3A_645 = tpu.memref_slice %arg3[%dma_wait3A_643, %dma_wait3A_644] : memref<2x320000xi32, #tpu.memory_space<hbm>> -> memref<2x80xi32, #tpu.memory_space<hbm>>
      tpu.wait_dma2 semaphore(%dma_wait3A_638 : memref<!tpu.dma_semaphore, #tpu.memory_space<semaphore_mem>>) src(%dma_wait3A_645 : memref<2x80xi32, #tpu.memory_space<hbm>>) dst(%dma_wait3A_642 : memref<2x80xi32, #tpu.memory_space<vmem>>)
      %add3A_646 = arith.constant 2 : i32
      %add3A_647 = arith.addi %while3A_550, %add3A_646 : i32
      %rem3A_648 = arith.constant 8 : i32
      %rem3A_649 = arith.remsi %add3A_647, %rem3A_648 : i32
      %add3A_650 = arith.constant 2 : i32
      %add3A_651 = arith.addi %while3A_550, %add3A_650 : i32
      %rem3A_652 = arith.constant 4 : i32
      %rem3A_653 = arith.remsi %add3A_651, %rem3A_652 : i32
      %dma_start3A_654 = arith.constant 0 : i32
      %dma_start3A_655 = arith.constant 0 : i32
      %dma_start3A_656 = arith.constant 0 : i32
      %dma_start3A_657 = tpu.memref_slice %arg8[%rem3A_653, %dma_start3A_655, %dma_start3A_656] : memref<4x80x128xf32, #tpu.memory_space<vmem>> -> memref<1x80x128xf32, #tpu.memory_space<vmem>>
      %dma_start3A_658 = tpu.memref_squeeze %dma_start3A_657 : memref<1x80x128xf32, #tpu.memory_space<vmem>> -> memref<80x128xf32, #tpu.memory_space<vmem>>
      %dma_start3A_659 = arith.constant 0 : i32
      %dma_start3A_660 = tpu.memref_slice %arg7[%rem3A_649, %dma_start3A_654, %dma_start3A_659] : memref<8x2x80xi32, #tpu.memory_space<vmem>> -> memref<1x1x80xi32, #tpu.memory_space<vmem>>
      %dma_start3A_661 = tpu.memref_squeeze %dma_start3A_660 : memref<1x1x80xi32, #tpu.memory_space<vmem>> -> memref<80xi32, #tpu.memory_space<vmem>>
      %dma_start3A_662 = arith.constant 0 : i32
      %dma_start3A_663 = arith.constant 0 : i32
      %dma_start3A_664 = tpu.memref_slice %arg2[%dma_start3A_662, %dma_start3A_663] : memref<10000x128xf32, #tpu.memory_space<hbm>> -> memref<10000x128xf32, #tpu.memory_space<hbm>>
      %dma_start3A_665 = tpu.memref_slice %arg10[%rem3A_653] : memref<4x!tpu.dma_semaphore, #tpu.memory_space<semaphore_mem>> -> memref<1x!tpu.dma_semaphore, #tpu.memory_space<semaphore_mem>>
      %dma_start3A_666 = tpu.memref_squeeze %dma_start3A_665 : memref<1x!tpu.dma_semaphore, #tpu.memory_space<semaphore_mem>> -> memref<!tpu.dma_semaphore, #tpu.memory_space<semaphore_mem>>
      tpu.enqueue_indirect_dma source(%dma_start3A_664 : memref<10000x128xf32, #tpu.memory_space<hbm>>) target(%dma_start3A_658 : memref<80x128xf32, #tpu.memory_space<vmem>>) offsets(%dma_start3A_661 : memref<80xi32, #tpu.memory_space<vmem>>) semaphore(%dma_start3A_666 : memref<!tpu.dma_semaphore, #tpu.memory_space<semaphore_mem>>)
    }
    %sub3A_400 = arith.constant 2 : i32
    %sub3A_401 = arith.subi %select_n3A, %sub3A_400 : i32
    %rem3A = arith.constant 4 : i32
    %rem3A_402 = arith.remsi %sub3A_401, %rem3A : i32
    %dma_wait3A_403 = arith.constant 0 : i32
    %dma_wait3A_404 = arith.constant 1 : i32
    %dma_wait3A_405 = arith.constant 0 : i32
    %dma_wait3A_406 = arith.constant 0 : i32
    %dma_wait3A_407 = tpu.memref_slice %arg8[%rem3A_402, %dma_wait3A_405, %dma_wait3A_406] : memref<4x80x128xf32, #tpu.memory_space<vmem>> -> memref<1x80x128xf32, #tpu.memory_space<vmem>>
    %dma_wait3A_408 = tpu.memref_squeeze %dma_wait3A_407 : memref<1x80x128xf32, #tpu.memory_space<vmem>> -> memref<80x128xf32, #tpu.memory_space<vmem>>
    %dma_wait3A_409 = arith.constant 0 : i32
    %dma_wait3A_410 = tpu.memref_slice %arg7[%dma_wait3A_403, %dma_wait3A_404, %dma_wait3A_409] : memref<8x2x80xi32, #tpu.memory_space<vmem>> -> memref<1x1x80xi32, #tpu.memory_space<vmem>>
    %dma_wait3A_411 = tpu.memref_squeeze %dma_wait3A_410 : memref<1x1x80xi32, #tpu.memory_space<vmem>> -> memref<80xi32, #tpu.memory_space<vmem>>
    %dma_wait3A_412 = arith.constant 0 : i32
    %dma_wait3A_413 = arith.constant 0 : i32
    %dma_wait3A_414 = tpu.memref_slice %arg6[%dma_wait3A_412, %dma_wait3A_413] : memref<10112x128xf32, #tpu.memory_space<vmem_shared>> -> memref<10112x128xf32, #tpu.memory_space<vmem_shared>>
    %dma_wait3A_415 = tpu.memref_slice %arg11[%rem3A_402] : memref<4x!tpu.dma_semaphore, #tpu.memory_space<semaphore_mem>> -> memref<1x!tpu.dma_semaphore, #tpu.memory_space<semaphore_mem>>
    %dma_wait3A_416 = tpu.memref_squeeze %dma_wait3A_415 : memref<1x!tpu.dma_semaphore, #tpu.memory_space<semaphore_mem>> -> memref<!tpu.dma_semaphore, #tpu.memory_space<semaphore_mem>>
    tpu.wait_indirect_dma semaphore(%dma_wait3A_416 : memref<!tpu.dma_semaphore, #tpu.memory_space<semaphore_mem>>) src(%dma_wait3A_408 : memref<80x128xf32, #tpu.memory_space<vmem>>) dst(%dma_wait3A_414 : memref<10112x128xf32, #tpu.memory_space<vmem_shared>>)
    %sub3A_417 = arith.constant 1 : i32
    %sub3A_418 = arith.subi %select_n3A, %sub3A_417 : i32
    %rem3A_419 = arith.constant 4 : i32
    %rem3A_420 = arith.remsi %sub3A_418, %rem3A_419 : i32
    %dma_wait3A_421 = arith.constant 0 : i32
    %dma_wait3A_422 = arith.constant 1 : i32
    %dma_wait3A_423 = arith.constant 0 : i32
    %dma_wait3A_424 = arith.constant 0 : i32
    %dma_wait3A_425 = tpu.memref_slice %arg8[%rem3A_420, %dma_wait3A_423, %dma_wait3A_424] : memref<4x80x128xf32, #tpu.memory_space<vmem>> -> memref<1x80x128xf32, #tpu.memory_space<vmem>>
    %dma_wait3A_426 = tpu.memref_squeeze %dma_wait3A_425 : memref<1x80x128xf32, #tpu.memory_space<vmem>> -> memref<80x128xf32, #tpu.memory_space<vmem>>
    %dma_wait3A_427 = arith.constant 0 : i32
    %dma_wait3A_428 = tpu.memref_slice %arg7[%dma_wait3A_421, %dma_wait3A_422, %dma_wait3A_427] : memref<8x2x80xi32, #tpu.memory_space<vmem>> -> memref<1x1x80xi32, #tpu.memory_space<vmem>>
    %dma_wait3A_429 = tpu.memref_squeeze %dma_wait3A_428 : memref<1x1x80xi32, #tpu.memory_space<vmem>> -> memref<80xi32, #tpu.memory_space<vmem>>
    %dma_wait3A_430 = arith.constant 0 : i32
    %dma_wait3A_431 = arith.constant 0 : i32
    %dma_wait3A_432 = tpu.memref_slice %arg6[%dma_wait3A_430, %dma_wait3A_431] : memref<10112x128xf32, #tpu.memory_space<vmem_shared>> -> memref<10112x128xf32, #tpu.memory_space<vmem_shared>>
    %dma_wait3A_433 = tpu.memref_slice %arg11[%rem3A_420] : memref<4x!tpu.dma_semaphore, #tpu.memory_space<semaphore_mem>> -> memref<1x!tpu.dma_semaphore, #tpu.memory_space<semaphore_mem>>
    %dma_wait3A_434 = tpu.memref_squeeze %dma_wait3A_433 : memref<1x!tpu.dma_semaphore, #tpu.memory_space<semaphore_mem>> -> memref<!tpu.dma_semaphore, #tpu.memory_space<semaphore_mem>>
    tpu.wait_indirect_dma semaphore(%dma_wait3A_434 : memref<!tpu.dma_semaphore, #tpu.memory_space<semaphore_mem>>) src(%dma_wait3A_426 : memref<80x128xf32, #tpu.memory_space<vmem>>) dst(%dma_wait3A_432 : memref<10112x128xf32, #tpu.memory_space<vmem_shared>>)
    %rem3A_435 = arith.constant 4 : i32
    %rem3A_436 = arith.remsi %select_n3A, %rem3A_435 : i32
    %dma_wait3A_437 = arith.constant 0 : i32
    %dma_wait3A_438 = arith.constant 0 : i32
    %dma_wait3A_439 = arith.constant 0 : i32
    %dma_wait3A_440 = arith.constant 0 : i32
    %dma_wait3A_441 = tpu.memref_slice %arg8[%rem3A_436, %dma_wait3A_439, %dma_wait3A_440] : memref<4x80x128xf32, #tpu.memory_space<vmem>> -> memref<1x80x128xf32, #tpu.memory_space<vmem>>
    %dma_wait3A_442 = tpu.memref_squeeze %dma_wait3A_441 : memref<1x80x128xf32, #tpu.memory_space<vmem>> -> memref<80x128xf32, #tpu.memory_space<vmem>>
    %dma_wait3A_443 = arith.constant 0 : i32
    %dma_wait3A_444 = tpu.memref_slice %arg7[%dma_wait3A_437, %dma_wait3A_438, %dma_wait3A_443] : memref<8x2x80xi32, #tpu.memory_space<vmem>> -> memref<1x1x80xi32, #tpu.memory_space<vmem>>
    %dma_wait3A_445 = tpu.memref_squeeze %dma_wait3A_444 : memref<1x1x80xi32, #tpu.memory_space<vmem>> -> memref<80xi32, #tpu.memory_space<vmem>>
    %dma_wait3A_446 = arith.constant 0 : i32
    %dma_wait3A_447 = arith.constant 0 : i32
    %dma_wait3A_448 = tpu.memref_slice %arg2[%dma_wait3A_446, %dma_wait3A_447] : memref<10000x128xf32, #tpu.memory_space<hbm>> -> memref<10000x128xf32, #tpu.memory_space<hbm>>
    %dma_wait3A_449 = tpu.memref_slice %arg10[%rem3A_436] : memref<4x!tpu.dma_semaphore, #tpu.memory_space<semaphore_mem>> -> memref<1x!tpu.dma_semaphore, #tpu.memory_space<semaphore_mem>>
    %dma_wait3A_450 = tpu.memref_squeeze %dma_wait3A_449 : memref<1x!tpu.dma_semaphore, #tpu.memory_space<semaphore_mem>> -> memref<!tpu.dma_semaphore, #tpu.memory_space<semaphore_mem>>
    tpu.wait_indirect_dma semaphore(%dma_wait3A_450 : memref<!tpu.dma_semaphore, #tpu.memory_space<semaphore_mem>>) src(%dma_wait3A_448 : memref<10000x128xf32, #tpu.memory_space<hbm>>) dst(%dma_wait3A_442 : memref<80x128xf32, #tpu.memory_space<vmem>>)
    %add3A_451 = arith.constant 1 : i32
    %add3A_452 = arith.addi %select_n3A, %add3A_451 : i32
    %rem3A_453 = arith.constant 4 : i32
    %rem3A_454 = arith.remsi %add3A_452, %rem3A_453 : i32
    %dma_wait3A_455 = arith.constant 0 : i32
    %dma_wait3A_456 = arith.constant 0 : i32
    %dma_wait3A_457 = arith.constant 0 : i32
    %dma_wait3A_458 = arith.constant 0 : i32
    %dma_wait3A_459 = tpu.memref_slice %arg8[%rem3A_454, %dma_wait3A_457, %dma_wait3A_458] : memref<4x80x128xf32, #tpu.memory_space<vmem>> -> memref<1x80x128xf32, #tpu.memory_space<vmem>>
    %dma_wait3A_460 = tpu.memref_squeeze %dma_wait3A_459 : memref<1x80x128xf32, #tpu.memory_space<vmem>> -> memref<80x128xf32, #tpu.memory_space<vmem>>
    %dma_wait3A_461 = arith.constant 0 : i32
    %dma_wait3A_462 = tpu.memref_slice %arg7[%dma_wait3A_455, %dma_wait3A_456, %dma_wait3A_461] : memref<8x2x80xi32, #tpu.memory_space<vmem>> -> memref<1x1x80xi32, #tpu.memory_space<vmem>>
    %dma_wait3A_463 = tpu.memref_squeeze %dma_wait3A_462 : memref<1x1x80xi32, #tpu.memory_space<vmem>> -> memref<80xi32, #tpu.memory_space<vmem>>
    %dma_wait3A_464 = arith.constant 0 : i32
    %dma_wait3A_465 = arith.constant 0 : i32
    %dma_wait3A_466 = tpu.memref_slice %arg2[%dma_wait3A_464, %dma_wait3A_465] : memref<10000x128xf32, #tpu.memory_space<hbm>> -> memref<10000x128xf32, #tpu.memory_space<hbm>>
    %dma_wait3A_467 = tpu.memref_slice %arg10[%rem3A_454] : memref<4x!tpu.dma_semaphore, #tpu.memory_space<semaphore_mem>> -> memref<1x!tpu.dma_semaphore, #tpu.memory_space<semaphore_mem>>
    %dma_wait3A_468 = tpu.memref_squeeze %dma_wait3A_467 : memref<1x!tpu.dma_semaphore, #tpu.memory_space<semaphore_mem>> -> memref<!tpu.dma_semaphore, #tpu.memory_space<semaphore_mem>>
    tpu.wait_indirect_dma semaphore(%dma_wait3A_468 : memref<!tpu.dma_semaphore, #tpu.memory_space<semaphore_mem>>) src(%dma_wait3A_466 : memref<10000x128xf32, #tpu.memory_space<hbm>>) dst(%dma_wait3A_460 : memref<80x128xf32, #tpu.memory_space<vmem>>)
    %add3A_469 = arith.constant 2 : i32
    %add3A_470 = arith.addi %select_n3A, %add3A_469 : i32
    %rem3A_471 = arith.constant 8 : i32
    %rem3A_472 = arith.remsi %add3A_470, %rem3A_471 : i32
    %dma_wait3A_473 = arith.constant 0 : i32
    %dma_wait3A_474 = arith.constant 0 : i32
    %dma_wait3A_475 = tpu.memref_slice %arg7[%rem3A_472, %dma_wait3A_473, %dma_wait3A_474] : memref<8x2x80xi32, #tpu.memory_space<vmem>> -> memref<1x2x80xi32, #tpu.memory_space<vmem>>
    %dma_wait3A_476 = tpu.memref_squeeze %dma_wait3A_475 : memref<1x2x80xi32, #tpu.memory_space<vmem>> -> memref<2x80xi32, #tpu.memory_space<vmem>>
    %dma_wait3A_477 = arith.constant 0 : i32
    %dma_wait3A_478 = arith.constant 0 : i32
    %dma_wait3A_479 = tpu.memref_slice %arg3[%dma_wait3A_477, %dma_wait3A_478] : memref<2x320000xi32, #tpu.memory_space<hbm>> -> memref<2x80xi32, #tpu.memory_space<hbm>>
    %dma_wait3A_480 = tpu.memref_slice %arg9[%rem3A_472] : memref<8x!tpu.dma_semaphore, #tpu.memory_space<semaphore_mem>> -> memref<1x!tpu.dma_semaphore, #tpu.memory_space<semaphore_mem>>
    %dma_wait3A_481 = tpu.memref_squeeze %dma_wait3A_480 : memref<1x!tpu.dma_semaphore, #tpu.memory_space<semaphore_mem>> -> memref<!tpu.dma_semaphore, #tpu.memory_space<semaphore_mem>>
    %dma_wait3A_482 = arith.constant 0 : i32
    %dma_wait3A_483 = arith.constant 0 : i32
    %dma_wait3A_484 = tpu.memref_slice %arg7[%rem3A_472, %dma_wait3A_482, %dma_wait3A_483] : memref<8x2x80xi32, #tpu.memory_space<vmem>> -> memref<1x2x80xi32, #tpu.memory_space<vmem>>
    %dma_wait3A_485 = tpu.memref_squeeze %dma_wait3A_484 : memref<1x2x80xi32, #tpu.memory_space<vmem>> -> memref<2x80xi32, #tpu.memory_space<vmem>>
    %dma_wait3A_486 = arith.constant 0 : i32
    %dma_wait3A_487 = arith.constant 0 : i32
    %dma_wait3A_488 = tpu.memref_slice %arg3[%dma_wait3A_486, %dma_wait3A_487] : memref<2x320000xi32, #tpu.memory_space<hbm>> -> memref<2x80xi32, #tpu.memory_space<hbm>>
    tpu.wait_dma2 semaphore(%dma_wait3A_481 : memref<!tpu.dma_semaphore, #tpu.memory_space<semaphore_mem>>) src(%dma_wait3A_488 : memref<2x80xi32, #tpu.memory_space<hbm>>) dst(%dma_wait3A_485 : memref<2x80xi32, #tpu.memory_space<vmem>>)
    %add3A_489 = arith.constant 3 : i32
    %add3A_490 = arith.addi %select_n3A, %add3A_489 : i32
    %rem3A_491 = arith.constant 8 : i32
    %rem3A_492 = arith.remsi %add3A_490, %rem3A_491 : i32
    %dma_wait3A_493 = arith.constant 0 : i32
    %dma_wait3A_494 = arith.constant 0 : i32
    %dma_wait3A_495 = tpu.memref_slice %arg7[%rem3A_492, %dma_wait3A_493, %dma_wait3A_494] : memref<8x2x80xi32, #tpu.memory_space<vmem>> -> memref<1x2x80xi32, #tpu.memory_space<vmem>>
    %dma_wait3A_496 = tpu.memref_squeeze %dma_wait3A_495 : memref<1x2x80xi32, #tpu.memory_space<vmem>> -> memref<2x80xi32, #tpu.memory_space<vmem>>
    %dma_wait3A_497 = arith.constant 0 : i32
    %dma_wait3A_498 = arith.constant 0 : i32
    %dma_wait3A_499 = tpu.memref_slice %arg3[%dma_wait3A_497, %dma_wait3A_498] : memref<2x320000xi32, #tpu.memory_space<hbm>> -> memref<2x80xi32, #tpu.memory_space<hbm>>
    %dma_wait3A_500 = tpu.memref_slice %arg9[%rem3A_492] : memref<8x!tpu.dma_semaphore, #tpu.memory_space<semaphore_mem>> -> memref<1x!tpu.dma_semaphore, #tpu.memory_space<semaphore_mem>>
    %dma_wait3A_501 = tpu.memref_squeeze %dma_wait3A_500 : memref<1x!tpu.dma_semaphore, #tpu.memory_space<semaphore_mem>> -> memref<!tpu.dma_semaphore, #tpu.memory_space<semaphore_mem>>
    %dma_wait3A_502 = arith.constant 0 : i32
    %dma_wait3A_503 = arith.constant 0 : i32
    %dma_wait3A_504 = tpu.memref_slice %arg7[%rem3A_492, %dma_wait3A_502, %dma_wait3A_503] : memref<8x2x80xi32, #tpu.memory_space<vmem>> -> memref<1x2x80xi32, #tpu.memory_space<vmem>>
    %dma_wait3A_505 = tpu.memref_squeeze %dma_wait3A_504 : memref<1x2x80xi32, #tpu.memory_space<vmem>> -> memref<2x80xi32, #tpu.memory_space<vmem>>
    %dma_wait3A_506 = arith.constant 0 : i32
    %dma_wait3A_507 = arith.constant 0 : i32
    %dma_wait3A_508 = tpu.memref_slice %arg3[%dma_wait3A_506, %dma_wait3A_507] : memref<2x320000xi32, #tpu.memory_space<hbm>> -> memref<2x80xi32, #tpu.memory_space<hbm>>
    tpu.wait_dma2 semaphore(%dma_wait3A_501 : memref<!tpu.dma_semaphore, #tpu.memory_space<semaphore_mem>>) src(%dma_wait3A_508 : memref<2x80xi32, #tpu.memory_space<hbm>>) dst(%dma_wait3A_505 : memref<2x80xi32, #tpu.memory_space<vmem>>)
    %add3A_509 = arith.constant 4 : i32
    %add3A_510 = arith.addi %select_n3A, %add3A_509 : i32
    %rem3A_511 = arith.constant 8 : i32
    %rem3A_512 = arith.remsi %add3A_510, %rem3A_511 : i32
    %dma_wait3A_513 = arith.constant 0 : i32
    %dma_wait3A_514 = arith.constant 0 : i32
    %dma_wait3A_515 = tpu.memref_slice %arg7[%rem3A_512, %dma_wait3A_513, %dma_wait3A_514] : memref<8x2x80xi32, #tpu.memory_space<vmem>> -> memref<1x2x80xi32, #tpu.memory_space<vmem>>
    %dma_wait3A_516 = tpu.memref_squeeze %dma_wait3A_515 : memref<1x2x80xi32, #tpu.memory_space<vmem>> -> memref<2x80xi32, #tpu.memory_space<vmem>>
    %dma_wait3A_517 = arith.constant 0 : i32
    %dma_wait3A_518 = arith.constant 0 : i32
    %dma_wait3A_519 = tpu.memref_slice %arg3[%dma_wait3A_517, %dma_wait3A_518] : memref<2x320000xi32, #tpu.memory_space<hbm>> -> memref<2x80xi32, #tpu.memory_space<hbm>>
    %dma_wait3A_520 = tpu.memref_slice %arg9[%rem3A_512] : memref<8x!tpu.dma_semaphore, #tpu.memory_space<semaphore_mem>> -> memref<1x!tpu.dma_semaphore, #tpu.memory_space<semaphore_mem>>
    %dma_wait3A_521 = tpu.memref_squeeze %dma_wait3A_520 : memref<1x!tpu.dma_semaphore, #tpu.memory_space<semaphore_mem>> -> memref<!tpu.dma_semaphore, #tpu.memory_space<semaphore_mem>>
    %dma_wait3A_522 = arith.constant 0 : i32
    %dma_wait3A_523 = arith.constant 0 : i32
    %dma_wait3A_524 = tpu.memref_slice %arg7[%rem3A_512, %dma_wait3A_522, %dma_wait3A_523] : memref<8x2x80xi32, #tpu.memory_space<vmem>> -> memref<1x2x80xi32, #tpu.memory_space<vmem>>
    %dma_wait3A_525 = tpu.memref_squeeze %dma_wait3A_524 : memref<1x2x80xi32, #tpu.memory_space<vmem>> -> memref<2x80xi32, #tpu.memory_space<vmem>>
    %dma_wait3A_526 = arith.constant 0 : i32
    %dma_wait3A_527 = arith.constant 0 : i32
    %dma_wait3A_528 = tpu.memref_slice %arg3[%dma_wait3A_526, %dma_wait3A_527] : memref<2x320000xi32, #tpu.memory_space<hbm>> -> memref<2x80xi32, #tpu.memory_space<hbm>>
    tpu.wait_dma2 semaphore(%dma_wait3A_521 : memref<!tpu.dma_semaphore, #tpu.memory_space<semaphore_mem>>) src(%dma_wait3A_528 : memref<2x80xi32, #tpu.memory_space<hbm>>) dst(%dma_wait3A_525 : memref<2x80xi32, #tpu.memory_space<vmem>>)
    %add3A_529 = arith.constant 5 : i32
    %add3A_530 = arith.addi %select_n3A, %add3A_529 : i32
    %rem3A_531 = arith.constant 8 : i32
    %rem3A_532 = arith.remsi %add3A_530, %rem3A_531 : i32
    %dma_wait3A_533 = arith.constant 0 : i32
    %dma_wait3A_534 = arith.constant 0 : i32
    %dma_wait3A_535 = tpu.memref_slice %arg7[%rem3A_532, %dma_wait3A_533, %dma_wait3A_534] : memref<8x2x80xi32, #tpu.memory_space<vmem>> -> memref<1x2x80xi32, #tpu.memory_space<vmem>>
    %dma_wait3A_536 = tpu.memref_squeeze %dma_wait3A_535 : memref<1x2x80xi32, #tpu.memory_space<vmem>> -> memref<2x80xi32, #tpu.memory_space<vmem>>
    %dma_wait3A_537 = arith.constant 0 : i32
    %dma_wait3A_538 = arith.constant 0 : i32
    %dma_wait3A_539 = tpu.memref_slice %arg3[%dma_wait3A_537, %dma_wait3A_538] : memref<2x320000xi32, #tpu.memory_space<hbm>> -> memref<2x80xi32, #tpu.memory_space<hbm>>
    %dma_wait3A_540 = tpu.memref_slice %arg9[%rem3A_532] : memref<8x!tpu.dma_semaphore, #tpu.memory_space<semaphore_mem>> -> memref<1x!tpu.dma_semaphore, #tpu.memory_space<semaphore_mem>>
    %dma_wait3A_541 = tpu.memref_squeeze %dma_wait3A_540 : memref<1x!tpu.dma_semaphore, #tpu.memory_space<semaphore_mem>> -> memref<!tpu.dma_semaphore, #tpu.memory_space<semaphore_mem>>
    %dma_wait3A_542 = arith.constant 0 : i32
    %dma_wait3A_543 = arith.constant 0 : i32
    %dma_wait3A_544 = tpu.memref_slice %arg7[%rem3A_532, %dma_wait3A_542, %dma_wait3A_543] : memref<8x2x80xi32, #tpu.memory_space<vmem>> -> memref<1x2x80xi32, #tpu.memory_space<vmem>>
    %dma_wait3A_545 = tpu.memref_squeeze %dma_wait3A_544 : memref<1x2x80xi32, #tpu.memory_space<vmem>> -> memref<2x80xi32, #tpu.memory_space<vmem>>
    %dma_wait3A_546 = arith.constant 0 : i32
    %dma_wait3A_547 = arith.constant 0 : i32
    %dma_wait3A_548 = tpu.memref_slice %arg3[%dma_wait3A_546, %dma_wait3A_547] : memref<2x320000xi32, #tpu.memory_space<hbm>> -> memref<2x80xi32, #tpu.memory_space<hbm>>
    tpu.wait_dma2 semaphore(%dma_wait3A_541 : memref<!tpu.dma_semaphore, #tpu.memory_space<semaphore_mem>>) src(%dma_wait3A_548 : memref<2x80xi32, #tpu.memory_space<hbm>>) dst(%dma_wait3A_545 : memref<2x80xi32, #tpu.memory_space<vmem>>)
    %barrier3A_549 = arith.constant 0 : index
    tpu.barrier barrier_id(%barrier3A_549)
    "tpu.region"() ({
      %run_scoped3A = tpu.sem_alloc : memref<!tpu.dma_semaphore, #tpu.memory_space<semaphore_mem>>
      %dma_start3A_550 = arith.constant 0 : i32
      %dma_start3A_551 = tpu.memref_slice %arg5[%arg0, %mul3A_0, %dma_start3A_550] : memref<2x10112x128xf32, #tpu.memory_space<hbm>> -> memref<1x632x128xf32, #tpu.memory_space<hbm>>
      %dma_start3A_552 = tpu.memref_squeeze %dma_start3A_551 : memref<1x632x128xf32, #tpu.memory_space<hbm>> -> memref<632x128xf32, #tpu.memory_space<hbm>>
      %dma_start3A_553 = arith.constant 0 : i32
      %dma_start3A_554 = tpu.memref_slice %arg6[%mul3A_0, %dma_start3A_553] : memref<10112x128xf32, #tpu.memory_space<vmem_shared>> -> memref<632x128xf32, #tpu.memory_space<vmem_shared>>
      tpu.enqueue_dma source(%dma_start3A_554 : memref<632x128xf32, #tpu.memory_space<vmem_shared>>) target(%dma_start3A_552 : memref<632x128xf32, #tpu.memory_space<hbm>>) target_semaphore(%run_scoped3A : memref<!tpu.dma_semaphore, #tpu.memory_space<semaphore_mem>>)
      %dma_wait3A_555 = arith.constant 0 : i32
      %dma_wait3A_556 = tpu.memref_slice %arg5[%arg0, %mul3A_0, %dma_wait3A_555] : memref<2x10112x128xf32, #tpu.memory_space<hbm>> -> memref<1x632x128xf32, #tpu.memory_space<hbm>>
      %dma_wait3A_557 = tpu.memref_squeeze %dma_wait3A_556 : memref<1x632x128xf32, #tpu.memory_space<hbm>> -> memref<632x128xf32, #tpu.memory_space<hbm>>
      %dma_wait3A_558 = arith.constant 0 : i32
      %dma_wait3A_559 = tpu.memref_slice %arg6[%mul3A_0, %dma_wait3A_558] : memref<10112x128xf32, #tpu.memory_space<vmem_shared>> -> memref<632x128xf32, #tpu.memory_space<vmem_shared>>
      tpu.wait_dma2 semaphore(%run_scoped3A : memref<!tpu.dma_semaphore, #tpu.memory_space<semaphore_mem>>) src(%dma_wait3A_559 : memref<632x128xf32, #tpu.memory_space<vmem_shared>>) dst(%dma_wait3A_557 : memref<632x128xf32, #tpu.memory_space<hbm>>)
      tpu.yield
    }) : () -> ()
    return
  }
}

module attributes {stable_mosaic.version = 14 : i64} {
  func.func @body(%arg0: i32, %arg1: memref<2x1000x128xf32, #tpu.memory_space<vmem>>, %arg2: memref<2x1000x32xf32, #tpu.memory_space<vmem>>, %arg3: memref<128x128xf32, #tpu.memory_space<vmem>>, %arg4: memref<1000x128xf32, #tpu.memory_space<vmem>>) attributes {dimension_semantics = [#tpu.dimension_semantics<arbitrary>], iteration_bounds = array<i64: 10>, scalar_prefetch = 0 : i64, scratch_operands = 0 : i64, tpu.core_type = #tpu.core_type<tc>, window_params = [{transform_indices = @transform_0, window_bounds = array<i64: 2, 1000, 128>}, {transform_indices = @transform_1, window_bounds = array<i64: 2, 1000, 32>}, {pipeline_mode = #tpu.pipeline_mode<synchronous>, transform_indices = @transform_2, window_bounds = array<i64: 128, 128>}, {transform_indices = @transform_3, window_bounds = array<i64: 1000, 128>}]} {
    %get3A = arith.constant 0 : index
    %get3A_0 = arith.constant 0 : index
    %get3A_1 = arith.constant 0 : index
    %get3A_2 = vector.load %arg1[%get3A, %get3A_0, %get3A_1] : memref<2x1000x128xf32, #tpu.memory_space<vmem>>, vector<1x1000x128xf32>
    %get3A_3 = vector.shape_cast %get3A_2 : vector<1x1000x128xf32> to vector<1000x128xf32>
    %get3A_4 = arith.constant 1 : index
    %get3A_5 = arith.constant 0 : index
    %get3A_6 = arith.constant 0 : index
    %get3A_7 = vector.load %arg1[%get3A_4, %get3A_5, %get3A_6] : memref<2x1000x128xf32, #tpu.memory_space<vmem>>, vector<1x1000x128xf32>
    %get3A_8 = vector.shape_cast %get3A_7 : vector<1x1000x128xf32> to vector<1000x128xf32>
    %add3A = arith.addf %get3A_3, %get3A_8 : vector<1000x128xf32>
    %get3A_9 = arith.constant 0 : index
    %get3A_10 = arith.constant 0 : index
    %get3A_11 = arith.constant 0 : index
    %get3A_12 = vector.load %arg2[%get3A_9, %get3A_10, %get3A_11] : memref<2x1000x32xf32, #tpu.memory_space<vmem>>, vector<1x1000x1xf32>
    %get3A_13 = vector.shape_cast %get3A_12 : vector<1x1000x1xf32> to vector<1000xf32>
    %get3A_14 = arith.constant 1 : index
    %get3A_15 = arith.constant 0 : index
    %get3A_16 = arith.constant 0 : index
    %get3A_17 = vector.load %arg2[%get3A_14, %get3A_15, %get3A_16] : memref<2x1000x32xf32, #tpu.memory_space<vmem>>, vector<1x1000x1xf32>
    %get3A_18 = vector.shape_cast %get3A_17 : vector<1x1000x1xf32> to vector<1000xf32>
    %add3A_19 = arith.addf %get3A_13, %get3A_18 : vector<1000xf32>
    %max3A = arith.constant 1.000000e+00 : f32
    %max3A_20 = vector.broadcast %max3A : f32 to vector<1000xf32>
    %max3A_21 = arith.maximumf %add3A_19, %max3A_20 : vector<1000xf32>
    %div3A = arith.constant 1.000000e+00 : f32
    %div3A_22 = vector.broadcast %div3A : f32 to vector<1000xf32>
    %div3A_23 = arith.divf %div3A_22, %max3A_21 : vector<1000xf32>
    %broadcast_in_dim3A = vector.shape_cast %div3A_23 : vector<1000xf32> to vector<1000x1xf32>
    %mul3A = vector.broadcast %broadcast_in_dim3A : vector<1000x1xf32> to vector<1000x128xf32>
    %mul3A_24 = arith.mulf %add3A, %mul3A : vector<1000x128xf32>
    %get3A_25 = arith.constant 0 : index
    %get3A_26 = arith.constant 0 : index
    %get3A_27 = vector.load %arg3[%get3A_25, %get3A_26] : memref<128x128xf32, #tpu.memory_space<vmem>>, vector<128x128xf32>
    %dot_general3A = arith.constant dense<0.000000e+00> : vector<1000x128xf32>
    %dot_general3A_28 = tpu.matmul %mul3A_24, %get3A_27, %dot_general3A {dimension_numbers = #tpu.dot_dimension_numbers<[1], [0], [0], [1], [0, 0, 1, 1], [], []>, transpose_lhs_hint = false} : vector<1000x128xf32>, vector<128x128xf32>, vector<1000x128xf32> -> vector<1000x128xf32>
    %max3A_29 = arith.constant 0.000000e+00 : f32
    %max3A_30 = vector.broadcast %max3A_29 : f32 to vector<1000x128xf32>
    %max3A_31 = arith.maximumf %dot_general3A_28, %max3A_30 : vector<1000x128xf32>
    %swap3A = arith.constant 0 : index
    %swap3A_32 = arith.constant 0 : index
    %swap3A_33 = vector.load %arg4[%swap3A, %swap3A_32] : memref<1000x128xf32, #tpu.memory_space<vmem>>, vector<1000x128xf32>
    tpu.vector_store %arg4[%swap3A, %swap3A_32], %max3A_31 {strides = array<i32>} : memref<1000x128xf32, #tpu.memory_space<vmem>>, vector<1000x128xf32>,
    return
  }
  func.func @transform_0(%arg0: i32) -> (i32, i32, i32) {
    %c0_i32 = arith.constant 0 : i32
    %c0_i32_0 = arith.constant 0 : i32
    %c0_i32_1 = arith.constant 0 : i32
    return %c0_i32, %arg0, %c0_i32_0 : i32, i32, i32
  }
  func.func @transform_1(%arg0: i32) -> (i32, i32, i32) {
    %c0_i32 = arith.constant 0 : i32
    %c0_i32_0 = arith.constant 0 : i32
    %c0_i32_1 = arith.constant 0 : i32
    return %c0_i32, %arg0, %c0_i32_0 : i32, i32, i32
  }
  func.func @transform_2(%arg0: i32) -> (i32, i32) {
    %c0_i32 = arith.constant 0 : i32
    %c0_i32_0 = arith.constant 0 : i32
    %c0_i32_1 = arith.constant 0 : i32
    return %c0_i32, %c0_i32_0 : i32, i32
  }
  func.func @transform_3(%arg0: i32) -> (i32, i32) {
    %c0_i32 = arith.constant 0 : i32
    %c0_i32_0 = arith.constant 0 : i32
    return %arg0, %c0_i32 : i32, i32
  }
}

module attributes {stable_mosaic.version = 14 : i64} {
  func.func @body(%arg0: i32, %arg1: memref<2x1000x128xf32, #tpu.memory_space<vmem>>, %arg2: memref<2x1000x32xf32, #tpu.memory_space<vmem>>, %arg3: memref<128x128xf32, #tpu.memory_space<vmem>>, %arg4: memref<128x40xf32, #tpu.memory_space<vmem>>, %arg5: memref<1000x40xf32, #tpu.memory_space<vmem>>) attributes {dimension_semantics = [#tpu.dimension_semantics<arbitrary>], iteration_bounds = array<i64: 10>, scalar_prefetch = 0 : i64, scratch_operands = 0 : i64, tpu.core_type = #tpu.core_type<tc>, window_params = [{transform_indices = @transform_0, window_bounds = array<i64: 2, 1000, 128>}, {transform_indices = @transform_1, window_bounds = array<i64: 2, 1000, 32>}, {pipeline_mode = #tpu.pipeline_mode<synchronous>, transform_indices = @transform_2, window_bounds = array<i64: 128, 128>}, {pipeline_mode = #tpu.pipeline_mode<synchronous>, transform_indices = @transform_3, window_bounds = array<i64: 128, 40>}, {transform_indices = @transform_4, window_bounds = array<i64: 1000, 40>}]} {
    %get3A = arith.constant 0 : index
    %get3A_0 = arith.constant 0 : index
    %get3A_1 = arith.constant 0 : index
    %get3A_2 = vector.load %arg1[%get3A, %get3A_0, %get3A_1] : memref<2x1000x128xf32, #tpu.memory_space<vmem>>, vector<1x1000x128xf32>
    %get3A_3 = vector.shape_cast %get3A_2 : vector<1x1000x128xf32> to vector<1000x128xf32>
    %get3A_4 = arith.constant 1 : index
    %get3A_5 = arith.constant 0 : index
    %get3A_6 = arith.constant 0 : index
    %get3A_7 = vector.load %arg1[%get3A_4, %get3A_5, %get3A_6] : memref<2x1000x128xf32, #tpu.memory_space<vmem>>, vector<1x1000x128xf32>
    %get3A_8 = vector.shape_cast %get3A_7 : vector<1x1000x128xf32> to vector<1000x128xf32>
    %add3A = arith.addf %get3A_3, %get3A_8 : vector<1000x128xf32>
    %get3A_9 = arith.constant 0 : index
    %get3A_10 = arith.constant 0 : index
    %get3A_11 = arith.constant 0 : index
    %get3A_12 = vector.load %arg2[%get3A_9, %get3A_10, %get3A_11] : memref<2x1000x32xf32, #tpu.memory_space<vmem>>, vector<1x1000x1xf32>
    %get3A_13 = vector.shape_cast %get3A_12 : vector<1x1000x1xf32> to vector<1000xf32>
    %get3A_14 = arith.constant 1 : index
    %get3A_15 = arith.constant 0 : index
    %get3A_16 = arith.constant 0 : index
    %get3A_17 = vector.load %arg2[%get3A_14, %get3A_15, %get3A_16] : memref<2x1000x32xf32, #tpu.memory_space<vmem>>, vector<1x1000x1xf32>
    %get3A_18 = vector.shape_cast %get3A_17 : vector<1x1000x1xf32> to vector<1000xf32>
    %add3A_19 = arith.addf %get3A_13, %get3A_18 : vector<1000xf32>
    %max3A = arith.constant 1.000000e+00 : f32
    %max3A_20 = vector.broadcast %max3A : f32 to vector<1000xf32>
    %max3A_21 = arith.maximumf %add3A_19, %max3A_20 : vector<1000xf32>
    %div3A = arith.constant 1.000000e+00 : f32
    %div3A_22 = vector.broadcast %div3A : f32 to vector<1000xf32>
    %div3A_23 = arith.divf %div3A_22, %max3A_21 : vector<1000xf32>
    %broadcast_in_dim3A = vector.shape_cast %div3A_23 : vector<1000xf32> to vector<1000x1xf32>
    %mul3A = vector.broadcast %broadcast_in_dim3A : vector<1000x1xf32> to vector<1000x128xf32>
    %mul3A_24 = arith.mulf %add3A, %mul3A : vector<1000x128xf32>
    %get3A_25 = arith.constant 0 : index
    %get3A_26 = arith.constant 0 : index
    %get3A_27 = vector.load %arg3[%get3A_25, %get3A_26] : memref<128x128xf32, #tpu.memory_space<vmem>>, vector<128x128xf32>
    %dot_general3A = arith.constant dense<0.000000e+00> : vector<1000x128xf32>
    %dot_general3A_28 = tpu.matmul %mul3A_24, %get3A_27, %dot_general3A {dimension_numbers = #tpu.dot_dimension_numbers<[1], [0], [0], [1], [0, 0, 1, 1], [], []>, transpose_lhs_hint = false} : vector<1000x128xf32>, vector<128x128xf32>, vector<1000x128xf32> -> vector<1000x128xf32>
    %max3A_29 = arith.constant 0.000000e+00 : f32
    %max3A_30 = vector.broadcast %max3A_29 : f32 to vector<1000x128xf32>
    %max3A_31 = arith.maximumf %dot_general3A_28, %max3A_30 : vector<1000x128xf32>
    %get3A_32 = arith.constant 0 : index
    %get3A_33 = arith.constant 0 : index
    %get3A_34 = vector.load %arg4[%get3A_32, %get3A_33] : memref<128x40xf32, #tpu.memory_space<vmem>>, vector<128x40xf32>
    %dot_general3A_35 = arith.constant dense<0.000000e+00> : vector<1000x40xf32>
    %dot_general3A_36 = tpu.matmul %max3A_31, %get3A_34, %dot_general3A_35 {dimension_numbers = #tpu.dot_dimension_numbers<[1], [0], [0], [1], [0, 0, 1, 1], [], []>, transpose_lhs_hint = false} : vector<1000x128xf32>, vector<128x40xf32>, vector<1000x40xf32> -> vector<1000x40xf32>
    %swap3A = arith.constant 0 : index
    %swap3A_37 = arith.constant 0 : index
    %swap3A_38 = vector.load %arg5[%swap3A, %swap3A_37] : memref<1000x40xf32, #tpu.memory_space<vmem>>, vector<1000x40xf32>
    tpu.vector_store %arg5[%swap3A, %swap3A_37], %dot_general3A_36 {strides = array<i32>} : memref<1000x40xf32, #tpu.memory_space<vmem>>, vector<1000x40xf32>,
    return
  }
  func.func @transform_0(%arg0: i32) -> (i32, i32, i32) {
    %c0_i32 = arith.constant 0 : i32
    %c0_i32_0 = arith.constant 0 : i32
    %c0_i32_1 = arith.constant 0 : i32
    return %c0_i32, %arg0, %c0_i32_0 : i32, i32, i32
  }
  func.func @transform_1(%arg0: i32) -> (i32, i32, i32) {
    %c0_i32 = arith.constant 0 : i32
    %c0_i32_0 = arith.constant 0 : i32
    %c0_i32_1 = arith.constant 0 : i32
    return %c0_i32, %arg0, %c0_i32_0 : i32, i32, i32
  }
  func.func @transform_2(%arg0: i32) -> (i32, i32) {
    %c0_i32 = arith.constant 0 : i32
    %c0_i32_0 = arith.constant 0 : i32
    %c0_i32_1 = arith.constant 0 : i32
    return %c0_i32, %c0_i32_0 : i32, i32
  }
  func.func @transform_3(%arg0: i32) -> (i32, i32) {
    %c0_i32 = arith.constant 0 : i32
    %c0_i32_0 = arith.constant 0 : i32
    %c0_i32_1 = arith.constant 0 : i32
    return %c0_i32, %c0_i32_0 : i32, i32
  }
  func.func @transform_4(%arg0: i32) -> (i32, i32) {
    %c0_i32 = arith.constant 0 : i32
    %c0_i32_0 = arith.constant 0 : i32
    return %arg0, %c0_i32 : i32, i32
  }
}

</mosaic_0001>

<sc_bundles>
// kernel: kernel.10.cloned.1.call-start
scs
__scs_entry_jumppad:
0x0: {  	(pc) =	sbr.rel $0x88, $3  }
0x1: {  	(tag) =	ssettag $0x0;
	lr =	simm.s32 $0x1  }
0x2: {  	[smem:$0x3F9C] =	sst lr;
	_ =	strace $0xD0000000  }
0x3: {  	_ = 	snop  }
0x4: {  	_ = 	snop  }
0x5: {  	_ = 	snop  }
0x6: {  	_ = 	snop  }
0x7: {  	_ = 	snop  }
__scs_overlays_trampoline_lowered:
0x8: {  	[smem:$0x3FAB] =	sst s0  }
0x9: {  	[smem:$0x3FAC] =	sst s1  }
0xa: {  	[smem:$0x3FAD] =	sst s2  }
0xb: {  	[smem:$0x3FAE] =	sst s3  }
0xc: {  	[smem:$0x3FAF] =	sst s4  }
0xd: {  	[smem:$0x3FB0] =	sst s5  }
0xe: {  	[smem:$0x3FB1] =	sst s6  }
0xf: {  	[smem:$0x3FB2] =	sst s7  }
0x10: {  	[smem:$0x3FB3] =	sst s8  }
0x11: {  	[smem:$0x3FB4] =	sst s9;
	s0 =	simm.s32 @!p0 $0x0  }
0x12: {  	s1 =	sld [smem:$0x3F9A];
	s0 =	simm.s32 @p0 $0x1  }
0x13: {  	[smem:$0x3FB5] =	sst s0;
	s0 =	simm.s32 @!p1 $0x0  }
0x14: {  	s2 =	sld [smem:$0x3F99];
	s0 =	simm.s32 @p1 $0x1  }
0x15: {  	[smem:$0x3FB6] =	sst s0;
	s0 =	simm.s32 @!p2 $0x0  }
0x16: {  	s3 =	sld [smem:$0x3FDB];
	s0 =	simm.s32 @p2 $0x1  }
0x17: {  	s4 =	simm.s32 $0x1BF5;
	[smem:$0x3FB8] =	sst s0  }
0x18: {  	s0 =	sld [smem:$0x3F9B];
	_ =	swait.ge [sflag:s4], $0x0  }
0x19: {  	s7 =	sld [smem:$0x3F9C]  }
0x1a: {  	s8 =	sadd.s32 $0xFFFFE003, lr  }
0x1b: {  	s9 =	sadd.s32 $0xFFFFFEF7, lr;
	s5 =	simm.s32 $0xFFFFFFFF;
	p2 =	slt.u32 s8, $0xFFFFF086  }
0x1c: {  	p1 =	slt.u32 s9, $0xF7A;
	s5 =	simm.s32 @!p2 $0x0  }
0x1d: {  	s5 =	simm.s32 @p1 $0x1;
	p0 =	seq.s32 s7, s2  }
0x1e: {  	s7 =	smul.u32 @!p0 $0xF7A, s2;
	p2 =	seq.s32 @!p0 s5, $0x0  }
0x1f: {  	s9 =	smul.u32 $0xF7A, s1;
	s8 =	simm.s32 @!p0 $0x1BF5;
	p2 =	por !p2, p0  }
0x20: {  	[sflag:s8] =	ssyncset.s32 @!p0 $0xFFFFF086;
	s6 =	sadd.s32 @!p0 s3, s7;
	s7 =	simm.s32 @!p0 $0x108  }
0x21: {  	s3 =	sadd.s32 s3, s9;
	s6 =	sadd.s32 @!p0 $0x88, s6;
	s7 =	simm.s32 @p2 $0x1082  }
0x22: {  	[simem:s7], [sflag:s8] =	dma.local @!p0 [hbm:s6], $0xF7A  }
0x23: {  	s9 =	sor.u32 $0xD0000000, s2;
	s6 =	simm.s32 $0x108;
	_ =	swait.ge @!p0 [sflag:s8], $0x0  }
0x24: {  	s3 =	sadd.s32 $0x88, s3;
	s6 =	simm.s32 @!p1 $0x1082;
	[sflag:s4] =	ssyncset.s32 $0xFFFFF086  }
0x25: {  	[simem:s6], [sflag:s4] =	dma.local [hbm:s3], $0xF7A  }
0x26: {  	[smem:$0x3F9C] =	sst s1;
	(tag) =	ssettag s2;
	_ =	strace s9  }
0x27: {  	s1 =	sld [smem:$0x3FAC]  }
0x28: {  	s2 =	sld [smem:$0x3FAD]  }
0x29: {  	s4 =	sld [smem:$0x3FAF]  }
0x2a: {  	p0 =	seq.s32 s5, $0x0;
	s5 =	sld [smem:$0x3FB0]  }
0x2b: {  	s6 =	sld [smem:$0x3FB1]  }
0x2c: {  	s7 =	sld [smem:$0x3FB2]  }
0x2d: {  	s3 =	simm.s32 $0x108;
	s8 =	sld [smem:$0x3FB3]  }
0x2e: {  	s3 =	simm.s32 @!p0 $0x1082;
	s9 =	sld [smem:$0x3FB4]  }
0x2f: {  	lr =	sadd.s32 s0, s3;
	s0 =	sld [smem:$0x3FAB]  }
0x30: {  	s3 =	sld [smem:$0x3FAE]  }
0x31: {  	[smem:$0x3FB7] =	sst s10  }
0x32: {  	s10 =	sld [smem:$0x3FB5];
	_ =	sdelay $0x3  }
0x33: {  	p0 =	seq.s32 s10, $0x1;
	s10 =	sld [smem:$0x3FB7];
	_ =	sdelay $0x3  }
0x34: {  	[smem:$0x3FB7] =	sst s10  }
0x35: {  	s10 =	sld [smem:$0x3FB6];
	_ =	sdelay $0x3  }
0x36: {  	p1 =	seq.s32 s10, $0x1;
	s10 =	sld [smem:$0x3FB7];
	_ =	sdelay $0x3  }
0x37: {  	[smem:$0x3FB7] =	sst s10  }
0x38: {  	s10 =	sld [smem:$0x3FB8]  }
0x39: {  	_ = 	snop;
	(pc) =	sbr.ind lr, $3  }
0x3a: {  	_ = 	snop  }
0x3b: {  	_ = 	snop  }
0x3c: {  	p2 =	seq.s32 s10, $0x1;
	s10 =	sld [smem:$0x3FB7]  }
0x3d: {  	_ =	shalt  }
0x3e: {  	_ =	shalt  }
0x3f: {  	_ =	shalt  }
0x40: {  	_ =	shalt  }
0x41: {  	_ =	shalt  }
0x42: {  	_ =	shalt  }
0x43: {  	_ =	shalt  }
0x44: {  	_ =	shalt  }
0x45: {  	_ =	shalt  }
0x46: {  	_ =	shalt  }
0x47: {  	_ =	shalt  }
0x48: {  	_ =	shalt  }
0x49: {  	_ =	shalt  }
0x4a: {  	_ =	shalt  }
0x4b: {  	_ =	shalt  }
0x4c: {  	_ =	shalt  }
0x4d: {  	_ =	shalt  }
0x4e: {  	_ =	shalt  }
0x4f: {  	_ =	shalt  }
0x50: {  	_ =	shalt  }
0x51: {  	_ =	shalt  }
0x52: {  	_ =	shalt  }
0x53: {  	_ =	shalt  }
0x54: {  	_ =	shalt  }
0x55: {  	_ =	shalt  }
0x56: {  	_ =	shalt  }
0x57: {  	_ =	shalt  }
0x58: {  	_ =	shalt  }
0x59: {  	_ =	shalt  }
0x5a: {  	_ =	shalt  }
0x5b: {  	_ =	shalt  }
0x5c: {  	_ =	shalt  }
0x5d: {  	_ =	shalt  }
0x5e: {  	_ =	shalt  }
0x5f: {  	_ =	shalt  }
0x60: {  	_ =	shalt  }
0x61: {  	_ =	shalt  }
0x62: {  	_ =	shalt  }
0x63: {  	_ =	shalt  }
0x64: {  	_ =	shalt  }
0x65: {  	_ =	shalt  }
0x66: {  	_ =	shalt  }
0x67: {  	_ =	shalt  }
0x68: {  	_ =	shalt  }
0x69: {  	_ =	shalt  }
0x6a: {  	_ =	shalt  }
0x6b: {  	_ =	shalt  }
0x6c: {  	_ =	shalt  }
0x6d: {  	_ =	shalt  }
0x6e: {  	_ =	shalt  }
0x6f: {  	_ =	shalt  }
0x70: {  	_ =	shalt  }
0x71: {  	_ =	shalt  }
0x72: {  	_ =	shalt  }
0x73: {  	_ =	shalt  }
0x74: {  	_ =	shalt  }
0x75: {  	_ =	shalt  }
0x76: {  	_ =	shalt  }
0x77: {  	_ =	shalt  }
0x78: {  	_ =	shalt  }
0x79: {  	_ =	shalt  }
0x7a: {  	_ =	shalt  }
0x7b: {  	_ =	shalt  }
0x7c: {  	_ =	shalt  }
0x7d: {  	_ =	shalt  }
0x7e: {  	_ =	shalt  }
0x7f: {  	_ =	shalt  }
0x80: {  	_ =	shalt  }
0x81: {  	_ =	shalt  }
0x82: {  	_ =	shalt  }
0x83: {  	_ =	shalt  }
0x84: {  	_ =	shalt  }
0x85: {  	_ =	shalt  }
0x86: {  	_ =	shalt  }
0x87: {  	_ =	shalt  }
.Lfunc_end0:
.L_simem_size_0:
called_computation.1_lowered:
.L_overlay_start_0:
0x88: {  	s2 =	sld [smem:$0x3FD9]  }
0x89: {  	s3 =	sld [smem:$0x3FFE];
	_ =	sdelay $0x1  }
0x8a: {  	s1 =	srdreg.scid  }
0x8b: {  	s0 =	sand.u32 $0x1, s1  }
0x8c: {  	s17 =	sshll.u32 s0, $0xA;
	s2 =	sadd.s32 s3, s2  }
0x8d: {  	s2 =	sadd.s32 s2, s17  }
0x8e: {  	[smem:$0x3FC3] =	sst s2  }
0x8f: {  	_ = 	snop  }
0x90: {  	s4 =	sld [smem:$0x3FC9]  }
0x91: {  	s18 =	sld [smem:$0x3FD0];
	(tm) =	ssettm $0x1  }
0x92: {  	s19 =	sld [smem:$0x3FFB];
	_ =	sdelay $0x3  }
0x93: {  	_ =	strace s19  }
0x94: {  	s2 =	sld [smem:$0x3FFC];
	_ =	sdelay $0x3  }
0x95: {  	_ =	strace s2  }
0x96: {  	s2 =	sld [smem:$0x3FFD];
	_ =	sdelay $0x3  }
0x97: {  	_ =	strace s2  }
0x98: {  	_ =	strace $0x8FFFFFFF  }
0x99: {  	s20 =	sld [smem:$0x3FDB];
	_ =	sdelay $0x1  }
0x9a: {  	s5 =	simm.s32 $_scs_section_size  }
0x9b: {  	s6 =	simm.s32 $_size__tile_overlayer_lowered;
	s7 =	simm.s32 $_tile_overlayer_lowered  }
0x9c: {  	s8 =	simm.s32 $0x1BFF;
	s21 =	sshll.u32 s7, $0x1;
	s5 =	sadd.s32 s5, s20  }
0x9d: {  	s22 =	simm.s32 $0x0;
	s6 =	sshll.u32 s6, $0x1;
	s7 =	sadd.s32 s21, s5  }
0x9e: {  	[timem:s22], [sflag:s8] =	dma.local [hbm:s7], s6  }
0x9f: {  	_ =	swait.ge [sflag:s8], s6  }
0xa0: {  	s6 =	ssub.s32 $0x0, s6;
	[sflag:s8] =	ssyncset.done $0x0  }
0xa1: {  	[sflag:s8] =	ssyncadd.s32 s6;
	_ =	sdelay $0x1  }
0xa2: {  	s23 =	simm.s32 $0x1B8B  }
0xa3: {  	_ =	swait.ge [sflag:s23], $0x1  }
0xa4: {  	[sflag:s23] =	ssyncset.done $0x0  }
0xa5: {  	[sflag:s23] =	ssyncadd.s32 $0xFFFFFFFF  }
0xa6: {  	s6 =	sld [smem:$0x0]  }
0xa7: {  	s7 =	sand.u32 $0xFFFFFFFE, s1  }
0xa8: {  	p0 =	sne.s32 s1, s7  }
0xa9: {  	s7 =	sshll.u32 @p0 s7, $0xE  }
0xaa: {  	s7 =	sadd.s32 @p0 $0x11B8D, s7;
	s8 =	sshll.u32 @p0 s6, $0x11  }
0xab: {  	s7 =	sor.u32 @p0 s8, s7  }
0xac: {  	[sflag:s7] =	ssyncadd.remote.s32 @p0 $0x1;
	_ =	sdelay $0x1  }
0xad: {  	s7 =	simm.s32 @p0 $0x1B8D  }
0xae: {  	_ =	swait.eq @p0 [sflag:s7], $0x1  }
0xaf: {  	[sflag:s7] =	ssyncadd.s32 @p0 $0xFFFFFFFF  }
0xb0: {  	s8 =	sshll.u32 @!p0 s1, $0xE  }
0xb1: {  	s8 =	sor.u32 @!p0 $0x4000, s8;
	s7 =	simm.s32 @!p0 $0x1B8D  }
0xb2: {  	s6 =	sshll.u32 @!p0 s6, $0x11;
	s8 =	sadd.s32 @!p0 $0x11B8D, s8;
	_ =	swait.eq @!p0 [sflag:s7], $0x1  }
0xb3: {  	s6 =	sor.u32 @!p0 s6, s8;
	[sflag:s7] =	ssyncadd.s32 @!p0 $0xFFFFFFFF  }
0xb4: {  	s25 =	simm.s32 $0x1B8E;
	s24 =	sld [smem:$0x3FFE];
	[sflag:s6] =	ssyncadd.remote.s32 @!p0 $0x1  }
0xb5: {  	s26 =	simm.s32 $execute0_lowered;
	[smem:$0x3FD2] =	sst s25  }
0xb6: {  	s7 =	sshll.u32 s26, $0x1;
	_ =	strace $0x80000049;
	[dreg:$0x1] =	wrdreg $0xFFFFFFFF  }
0xb7: {  	s28 =	simm.s32 $_size_execute0_lowered;
	s5 =	sadd.s32 s5, s7;
	[dreg:$0x0] =	wrdreg $0x0  }
0xb8: {  	s7 =	sshll.u32 s28, $0x1;
	[dreg:$0x2] =	wrdreg s5  }
0xb9: {  	[dreg:$0x3] =	wrdreg s7  }
0xba: {  	[dreg:$0x4] =	wrdreg $0xC0  }
0xbb: {  	_ =	task [dreg:s22], $0x5FFFF  }
0xbc: {  	[dreg:$0x1] =	wrdreg $0xFFFFFFFF  }
0xbd: {  	[dreg:$0x0] =	wrdreg $0x60  }
0xbe: {  	[dreg:$0x2] =	wrdreg s4  }
0xbf: {  	[dreg:$0x3] =	wrdreg s24  }
0xc0: {  	[dreg:$0x4] =	wrdreg s18  }
0xc1: {  	[dreg:$0x5] =	wrdreg $0x0  }
0xc2: {  	[dreg:$0x6] =	wrdreg $0xA  }
0xc3: {  	_ =	task.clear_ibuf [dreg:s22], $0x7FFFF;
	_ =	strace $0x90000049  }
0xc4: {  	s29 =	simm.s32 $0xA;
	_ =	strace $0x8000004B  }
0xc5: {  	_ =	swait.ge [sflag:s29], $0x1  }
0xc6: {  	[sflag:s29] =	ssyncadd.s32 $0xFFFFFFFF  }
0xc7: {  	_ =	strace $0x9000004B  }
0xc8: {  	_ =	sfence  }
0xc9: {  	s30 =	sld [smem:$0x0];
	_ =	sdelay $0x2  }
0xca: {  	s31 =	sshll.u32 s1, $0xD;
	s1 =	sshrl.u32 s1, $0x2  }
0xcb: {  	s4 =	sand.u32 $0x4000, s31;
	s1 =	sadd.s32 s1, s30  }
0xcc: {  	s0 =	sor.u32 s4, s0;
	s1 =	sshll.u32 s1, $0x11  }
0xcd: {  	s0 =	sor.u32 s1, s0  }
0xce: {  	s0 =	sadd.s32 $0x8F2B, s0  }
0xcf: {  	[sflag:s0] =	ssyncadd.remote.s32 $0x1  }
0xd0: {  	_ =	sfence.sel $0xFFFF  }
0xd1: {  	[dreg:$0x0] =	wrdreg $0xFFFFFFFF;
	(pc) =	sbr.abs _section_cstart, $3  }
0xd2: {  	[dreg:$0x1] =	wrdreg $0xFFFFFFFF  }
0xd3: {  	_ =	task.clear_ibuf [dreg:s22], $0x2FFFF;
	_ =	strace $0x9FFFFFFF  }
0xd4: {  	(tm) =	ssettm $0x7FFFFFFF  }
0xd5: {  	_ =	shalt  }
tec
execute0_lowered:
.L_overlay_start_1:
0x0: {  	(tag) =	ssettag $0x1  }
0x1: {  	s1 =	rddreg [dreg:$0x0]  }
0x2: {  	s0 =	rddreg [dreg:$0x1];
	s11 =	stileid.u32  }
0x3: {  	s2 =	srdreg.scid;
	s4 =	rddreg [dreg:$0x3]  }
0x4: {  	s5 =	simm.s32 $0x0;
	s30 =	simm.s32 $0x1;
	s28 =	simm.s32 $0x3  }
0x5: {  	s29 =	simm.s32 $0xA;
	s12 =	simm.s32 $0xB;
	s7 =	smul.u32 $0x7D, s11  }
0x6: {  	s3 =	smul.u32 $0x13C00, s11;
	s2 =	sand.u32 $0x1, s2;
	[smem:$0x7FF] =	sst s5  }
0x7: {  	s8 =	smul.u32 $0x13C000, s2;
	p0 =	seq.s32 s2, $0x0;
	s6 =	sadd.s32 $0x7D0, s7  }
0x8: {  	_ =	strace $0x8000004A;
	s2 =	ssub.s32 $0x2, s2;
	s6 =	smov.u32 @p0 s7  }
0x9: {  	s15 =	sshrl.u32 s2, $0x1;
	s8 =	sadd.s32 s3, s8;
	s9 =	smul.u32 $0x50, s6  }
0xa: {  	s2 =	ssub.s32 s2, s15;
	s8 =	sshrl.u32 s8, $0x3;
	s10 =	smul.u32 $0xA, s6  }
0xb: {  	s7 =	sadd.s32 $0x1800, s0;
	s31 =	smax.u32 s2, $0x1;
	s0 =	sadd.s32 s8, s0  }
0xc: {  	[dreg:$0xe] =	wrdreg s31;
	s16 =	sshrl.u32 s9, $0x3;
	s19 =	sadd.s32 s7, s10  }
0xd: {  	s0 =	sadd.s32 $0x29A00, s0;
	s18 =	sadd.s32 s7, s16;
	[dreg:$0x5] =	wrdreg s19  }
0xe: {  	s13 =	simm.s32 $0x8;
	[dreg:$0xd] =	wrdreg s0;
	s20 =	sadd.s32 $0xA, s18  }
0xf: {  	s17 =	sshll.u32 s11, $0x6;
	s21 =	sadd.s32 $0x14, s18;
	[dreg:$0x6] =	wrdreg s20  }
0x10: {  	s11 =	simm.s32 $0xD;
	s22 =	sadd.s32 $0x1E, s18;
	[dreg:$0x7] =	wrdreg s21  }
0x11: {  	s3 =	sadd.s32 s3, s4;
	s23 =	sadd.s32 $0x28, s18;
	[dreg:$0x8] =	wrdreg s22  }
0x12: {  	s8 =	sor.u32 $0x1C11, s17;
	s24 =	sadd.s32 $0x32, s18;
	[dreg:$0x9] =	wrdreg s23  }
0x13: {  	s9 =	simm.s32 $0x4;
	s25 =	sadd.s32 $0x3C, s18;
	[dreg:$0xa] =	wrdreg s24  }
0x14: {  	s10 =	simm.s32 $0x10;
	s26 =	sadd.s32 $0x46, s18;
	[dreg:$0xb] =	wrdreg s25  }
0x15: {  	s19 =	sshrl.u32 s3, $0x3;
	s3 =	simm.s32 $0x2;
	[dreg:$0xc] =	wrdreg s26  }
0x16: {  	s20 =	simm.s32 $0x11;
	s21 =	simm.s32 $0x50;
	s22 =	simm.s32 $0x4E200  }
.LBB2_1:
0x17: {  	s0 =	rddreg [dreg:$0x2]  }
0x18: {  	[spmem:s19], [sflag:s8] =	dma.local [hbm:s0], $0x2780  }
0x19: {  	_ =	swait.ge [sflag:s20], $0x2780  }
0x1a: {  	[sflag:s20] =	ssyncset.done $0x0  }
0x1b: {  	[sflag:s20] =	ssyncadd.s32 $0xFFFFD880  }
0x1c: {  	[bflag:$0x0] =	sbarrier.arrive $0xFFFF  }
0x1d: {  	s2 =	simm.s32 $0x13C00;
	s17 =	rddreg [dreg:$0x5]  }
0x1e: {  	[tilespmem:s2], [sflag:$0x1] =	stream.strided.gather [hbm4b:s17+s21], $0xA0, s22, s21, $0x38;
	[tilespmem:$0x1E100] =	vst v63  }
0x1f: {  	s14 =	simm.s32 $0x13CA0;
	s18 =	rddreg [dreg:$0x6]  }
0x20: {  	[tilespmem:s14], [sflag:$0x2] =	stream.strided.gather [hbm4b:s18+s21], $0xA0, s22, s21, $0x38;
	[tilespmem:$0x1E100] =	vst v63  }
0x21: {  	s15 =	simm.s32 $0x13D40;
	s23 =	rddreg [dreg:$0x7]  }
0x22: {  	[tilespmem:s15], [sflag:$0x3] =	stream.strided.gather [hbm4b:s23+s21], $0xA0, s22, s21, $0x38;
	[tilespmem:$0x1E100] =	vst v63  }
0x23: {  	s16 =	simm.s32 $0x13DE0;
	s24 =	rddreg [dreg:$0x8]  }
0x24: {  	[tilespmem:s16], [sflag:$0x4] =	stream.strided.gather [hbm4b:s24+s21], $0xA0, s22, s21, $0x38;
	[tilespmem:$0x1E100] =	vst v63  }
0x25: {  	s25 =	rddreg [dreg:$0x9];
	s17 =	simm.s32 $0x13E80  }
0x26: {  	[tilespmem:s17], [sflag:$0x5] =	stream.strided.gather [hbm4b:s25+s21], $0xA0, s22, s21, $0x38;
	[tilespmem:$0x1E100] =	vst v63  }
0x27: {  	s31 =	simm.s32 $0x13F20;
	s26 =	rddreg [dreg:$0xa]  }
0x28: {  	[tilespmem:s31], [sflag:$0x6] =	stream.strided.gather [hbm4b:s26+s21], $0xA0, s22, s21, $0x38;
	[tilespmem:$0x1E100] =	vst v63  }
0x29: {  	_ =	swait.ge [sflag:s30], $0xA0  }
0x2a: {  	[sflag:s30] =	ssyncset.done $0x0  }
0x2b: {  	s18 =	simm.s32 $0x14100;
	[sflag:s30] =	ssyncadd.s32 $0xFFFFFF60  }
0x2c: {  	[tilespmem:s18], [sflag:$0x9] =	stream.indirect.gather [hbm4b:s1+s21], $0x80, s2, s21, $0xb8;
	[tilespmem:$0x1E100] =	vst v63  }
0x2d: {  	_ =	swait.ge [sflag:s3], $0xA0  }
0x2e: {  	[sflag:s3] =	ssyncset.done $0x0  }
0x2f: {  	s23 =	simm.s32 $0x16900;
	s24 =	simm.s32 $0x9;
	[sflag:s3] =	ssyncadd.s32 $0xFFFFFF60  }
0x30: {  	[tilespmem:s23], [sflag:$0xA] =	stream.indirect.gather [hbm4b:s1+s21], $0x80, s14, s21, $0xb8;
	[tilespmem:$0x1E100] =	vst v63  }
0x31: {  	_ =	swait.ge [sflag:s24], $0x2800  }
0x32: {  	[sflag:s24] =	ssyncset.done $0x0  }
0x33: {  	s25 =	simm.s32 $0x13C50;
	[sflag:s24] =	ssyncadd.s32 $0xFFFFD800  }
0x34: {  	[spmem:s4] =	stream.indirect.scatter.add.f32 [tilespmem:s18], [sflag:$0xD], $0x80, s25, s21, $0xb8;
	[tilespmem:$0x1E100] =	vst v63  }
0x35: {  	s31 =	simm.s32 $0x13FC0;
	s26 =	rddreg [dreg:$0xb]  }
0x36: {  	[tilespmem:s31], [sflag:$0x7] =	stream.strided.gather [hbm4b:s26+s21], $0xA0, s22, s21, $0x38;
	[tilespmem:$0x1E100] =	vst v63  }
0x37: {  	_ =	swait.ge [sflag:s28], $0xA0  }
0x38: {  	[sflag:s28] =	ssyncset.done $0x0  }
0x39: {  	s0 =	smin.u32 s13, $0x7C;
	s17 =	simm.s32 $0x19100;
	[sflag:s28] =	ssyncadd.s32 $0xFFFFFF60  }
0x3a: {  	[tilespmem:s17], [sflag:$0xB] =	stream.indirect.gather [hbm4b:s1+s21], $0x80, s15, s21, $0xb8;
	[tilespmem:$0x1E100] =	vst v63  }
0x3b: {  	s24 =	simm.s32 $0x14060;
	s26 =	simm.s32 $0x2;
	_ =	swait.ge [sflag:s29], $0x2800  }
0x3c: {  	s18 =	simm.s32 $0x13CF0;
	s31 =	sand.u32 $0x3, s26;
	[sflag:s29] =	ssyncset.done $0x0  }
0x3d: {  	s14 =	sand.u32 $0x7, s26;
	s2 =	smul.u32 $0xA000, s31;
	[sflag:s29] =	ssyncadd.s32 $0xFFFFD800  }
0x3e: {  	[spmem:s4] =	stream.indirect.scatter.add.f32 [tilespmem:s23], [sflag:$0xE], $0x80, s18, s21, $0xb8;
	[tilespmem:$0x1E100] =	vst v63  }
0x3f: {  	s25 =	simm.s32 $0x1B900;
	s14 =	smul.u32 $0x280, s14;
	s23 =	rddreg [dreg:$0xc]  }
0x40: {  	[tilespmem:s24], [sflag:$0x8] =	stream.strided.gather [hbm4b:s23+s21], $0xA0, s22, s21, $0x38;
	[tilespmem:$0x1E100] =	vst v63  }
0x41: {  	s15 =	sshrl.u32 s2, $0x2;
	s14 =	sshrl.u32 s14, $0x2;
	_ =	swait.ge [sflag:s9], $0xA0  }
0x42: {  	s26 =	sadd.s32 $0x14100, s15;
	s14 =	sadd.s32 $0x13C50, s14;
	[sflag:s9] =	ssyncset.done $0x0  }
0x43: {  	s18 =	sadd.s32 $0x9, s31;
	s23 =	simm.s32 $0x4;
	[sflag:s9] =	ssyncadd.s32 $0xFFFFFF60  }
0x44: {  	[tilespmem:s25], [sflag:$0xC] =	stream.indirect.gather [hbm4b:s1+s21], $0x80, s16, s21, $0xb8;
	[tilespmem:$0x1E100] =	vst v63  }
0x45: {  	s15 =	sand.u32 $0x3, s23;
	s2 =	sand.u32 $0x7, s23;
	s25 =	sand.u32 $0x7, s13  }
0x46: {  	s16 =	sadd.s32 $0xD, s31;
	s31 =	smul.u32 $0x280, s2;
	_ =	swait.ge [sflag:s18], $0x2800  }
0x47: {  	s24 =	smul.u32 $0x280, s25;
	s25 =	sadd.s32 $0x1, s25;
	[sflag:s18] =	ssyncset.done $0x0  }
0x48: {  	s17 =	sshrl.u32 s31, $0x2;
	[sflag:s18] =	ssyncadd.s32 $0xFFFFD800;
	s18 =	sadd.s32 s6, s0  }
0x49: {  	[spmem:s4] =	stream.indirect.scatter.add.f32 [tilespmem:s26], [sflag:s16], $0x80, s14, s21, $0xb8;
	[tilespmem:$0x1E100] =	vst v63  }
0x4a: {  	s24 =	sshrl.u32 s24, $0x2;
	s14 =	sadd.s32 $0xD, s15;
	s26 =	smul.u32 $0xA000, s15  }
0x4b: {  	s0 =	smul.u32 $0xA, s18;
	s24 =	sadd.s32 $0x13C00, s24;
	_ =	swait.ge [sflag:s14], $0x2800  }
0x4c: {  	s18 =	sadd.s32 $0x1, s2;
	[sflag:s14] =	ssyncset.done $0x0;
	s16 =	sshrl.u32 s26, $0x2  }
0x4d: {  	s23 =	sadd.s32 s7, s0;
	[sflag:s14] =	ssyncadd.s32 $0xFFFFD800;
	s14 =	simm.s32 $0x9  }
.LBB2_2:
0x4e: {  	[tilespmem:s24], [sflag:s25] =	stream.strided.gather [hbm4b:s23+s21], $0xA0, s22, s21, $0x38;
	[tilespmem:$0x1E100] =	vst v63  }
0x4f: {  	p0 =	sne.s32 s14, $0x82;
	s15 =	sadd.s32 $0x9, s15;
	_ =	swait.ge [sflag:s18], $0xA0  }
0x50: {  	s16 =	sadd.s32 $0x14100, s16;
	s17 =	sadd.s32 $0x13C00, s17;
	[sflag:s18] =	ssyncset.done $0x0  }
0x51: {  	[sflag:s18] =	ssyncadd.s32 $0xFFFFFF60;
	s18 =	smov.u32 s14;
	s14 =	sadd.s32 $0x1, s14  }
0x52: {  	[tilespmem:s16], [sflag:s15] =	stream.indirect.gather [hbm4b:s1+s21], $0x80, s17, s21, $0xb8;
	[tilespmem:$0x1E100] =	vst v63  }
0x53: {  	s15 =	sadd.s32 $0xFFFFFFFA, s18;
	s17 =	smin.u32 s18, $0x7C;
	s25 =	sand.u32 $0x7, s18  }
0x54: {  	s16 =	sand.u32 $0x3, s15;
	s15 =	sand.u32 $0x7, s15;
	s26 =	smul.u32 $0x280, s25  }
0x55: {  	s18 =	sadd.s32 $0xFFFFFFFC, s18;
	s23 =	smul.u32 $0xA000, s16;
	s24 =	sadd.s32 $0x9, s16  }
0x56: {  	s31 =	smul.u32 $0x280, s15;
	s15 =	sand.u32 $0x3, s18;
	_ =	swait.ge [sflag:s24], $0x2800  }
0x57: {  	s0 =	sadd.s32 $0xD, s15;
	s23 =	sshrl.u32 s23, $0x2;
	[sflag:s24] =	ssyncset.done $0x0  }
0x58: {  	s23 =	sadd.s32 $0x14100, s23;
	[sflag:s24] =	ssyncadd.s32 $0xFFFFD800;
	s24 =	sshrl.u32 s31, $0x2  }
0x59: {  	s31 =	sadd.s32 $0xD, s16;
	s16 =	sadd.s32 s6, s17;
	s17 =	smul.u32 $0xA000, s15  }
0x5a: {  	s18 =	sand.u32 $0x7, s18;
	s24 =	sadd.s32 $0x13C50, s24;
	s2 =	smul.u32 $0xA, s16  }
0x5b: {  	s26 =	sshrl.u32 s26, $0x2;
	s16 =	sshrl.u32 s17, $0x2;
	s17 =	smul.u32 $0x280, s18  }
.Ltmp0:
0x5c: {  	(pc) =	sbr.rel @p0 .LBB2_2-.Ltmp0, $4  }
0x5d: {  	[spmem:s4] =	stream.indirect.scatter.add.f32 [tilespmem:s23], [sflag:s31], $0x80, s24, s21, $0xb8;
	[tilespmem:$0x1E100] =	vst v63  }
0x5e: {  	s17 =	sshrl.u32 s17, $0x2;
	s23 =	sadd.s32 s7, s2;
	_ =	swait.ge [sflag:s0], $0x2800  }
0x5f: {  	s25 =	sadd.s32 $0x1, s25;
	s24 =	sadd.s32 $0x13C00, s26;
	[sflag:s0] =	ssyncset.done $0x0  }
0x60: {  	s18 =	sadd.s32 $0x1, s18;
	[sflag:s0] =	ssyncadd.s32 $0xFFFFD800  }
0x61: {  	[tilespmem:s24], [sflag:s25] =	stream.strided.gather [hbm4b:s23+s21], $0xA0, s22, s21, $0x38;
	[tilespmem:$0x1E100] =	vst v63  }
0x62: {  	_ =	swait.ge [sflag:s18], $0xA0  }
0x63: {  	s0 =	sadd.s32 $0x9, s15;
	[sflag:s18] =	ssyncset.done $0x0  }
0x64: {  	s2 =	sadd.s32 $0x14100, s16;
	s14 =	sadd.s32 $0x13C00, s17;
	[sflag:s18] =	ssyncadd.s32 $0xFFFFFF60  }
0x65: {  	[tilespmem:s2], [sflag:s0] =	stream.indirect.gather [hbm4b:s1+s21], $0x80, s14, s21, $0xb8;
	[tilespmem:$0x1E100] =	vst v63  }
0x66: {  	_ =	swait.ge [sflag:s10], $0x2800  }
0x67: {  	[sflag:s10] =	ssyncset.done $0x0  }
0x68: {  	[sflag:s10] =	ssyncadd.s32 $0xFFFFD800  }
0x69: {  	_ =	swait.ge [sflag:s11], $0x2800  }
0x6a: {  	[sflag:s11] =	ssyncset.done $0x0  }
0x6b: {  	[sflag:s11] =	ssyncadd.s32 $0xFFFFD800  }
0x6c: {  	_ =	swait.ge [sflag:s29], $0x2800  }
0x6d: {  	[sflag:s29] =	ssyncset.done $0x0  }
0x6e: {  	[sflag:s29] =	ssyncadd.s32 $0xFFFFD800  }
0x6f: {  	_ =	swait.ge [sflag:s12], $0x2800  }
0x70: {  	[sflag:s12] =	ssyncset.done $0x0  }
0x71: {  	[sflag:s12] =	ssyncadd.s32 $0xFFFFD800  }
0x72: {  	_ =	swait.ge [sflag:s13], $0xA0  }
0x73: {  	[sflag:s13] =	ssyncset.done $0x0  }
0x74: {  	[sflag:s13] =	ssyncadd.s32 $0xFFFFFF60  }
0x75: {  	_ =	swait.ge [sflag:s30], $0xA0  }
0x76: {  	[sflag:s30] =	ssyncset.done $0x0  }
0x77: {  	[sflag:s30] =	ssyncadd.s32 $0xFFFFFF60  }
0x78: {  	_ =	swait.ge [sflag:s3], $0xA0  }
0x79: {  	[sflag:s3] =	ssyncset.done $0x0  }
0x7a: {  	[sflag:s3] =	ssyncadd.s32 $0xFFFFFF60  }
0x7b: {  	_ =	swait.ge [sflag:s28], $0xA0  }
0x7c: {  	[sflag:s28] =	ssyncset.done $0x0  }
0x7d: {  	[sflag:s28] =	ssyncadd.s32 $0xFFFFFF60  }
0x7e: {  	[bflag:$0x0] =	sbarrier.arrive $0xFFFF  }
0x7f: {  	s26 =	rddreg [dreg:$0xd]  }
0x80: {  	[hbm:s26], [sflag:s8] =	dma.local [spmem:s19], $0x2780  }
0x81: {  	_ =	swait.ge [sflag:s20], $0x2780  }
0x82: {  	s5 =	sadd.s32 $0x1, s5;
	s31 =	rddreg [dreg:$0xe]  }
0x83: {  	p0 =	sne.s32 s5, s31  }
.Ltmp1:
0x84: {  	_ = 	snop;
	(pc) =	sbr.rel @p0 .LBB2_1-.Ltmp1, $3  }
0x85: {  	_ =	sdelay $0x1  }
0x86: {  	[sflag:s20] =	ssyncset.done $0x0  }
0x87: {  	[sflag:s20] =	ssyncadd.s32 $0xFFFFD880  }
0x88: {  	_ =	sfence.sel $0x180000  }
0x89: {  	[bflag:$0x0] =	sbarrier.arrive $0xFFFF  }
0x8a: {  	_ =	strace $0x9000004A  }
0x8b: {  	s0 =	stileid.u32;
	[bflag:$0x2] =	sbarrier.arrive $0xFFFF  }
0x8c: {  	p0 =	sne.s32 s0, $0x0;
	s0 =	rddreg [dreg:$0x4]  }
0x8d: {  	s0 =	sadd.s32 @!p0 $0x100000, s0  }
0x8e: {  	[sflag:s0] =	ssyncadd.tile.s32 @!p0 $0x1;
	_ =	shalt  }
.Lfunc_end2:
_tile_overlayer_lowered:
.L_overlay_start_2:
0x8f: {  	(tag) =	ssettag $0x2  }
0x90: {  	s0 =	rddreg [dreg:$0x0];
	s2 =	stileid.u32  }
0x91: {  	s1 =	rddreg [dreg:$0x1];
	p0 =	sne.s32 s2, $0x0  }
0x92: {  	s3 =	rddreg [dreg:$0x2];
	[bflag:$0x3] =	sbarrier.arrive $0xFFFF;
	s2 =	simm.s32 @!p0 $0x1C11  }
0x93: {  	[timem:s3], [sflag:s2] =	dma.local @!p0 [hbm:s0], s1  }
0x94: {  	s0 =	simm.s32 @!p0 $0x11  }
0x95: {  	_ =	swait.ge @!p0 [sflag:s0], s1  }
0x96: {  	s1 =	ssub.s32 @!p0 $0x0, s1;
	[sflag:s0] =	ssyncset.done @!p0 $0x0  }
0x97: {  	[sflag:s0] =	ssyncadd.s32 @!p0 s1  }
0x98: {  	[bflag:$0x3] =	sbarrier.arrive $0xFFFF  }
0x99: {  	_ =	shalt  }

// kernel: kernel.13.cloned.1.call-start
scs
__scs_entry_jumppad:
0x0: {  	(pc) =	sbr.rel $0x88, $3  }
0x1: {  	(tag) =	ssettag $0x0;
	lr =	simm.s32 $0x1  }
0x2: {  	[smem:$0x3F9C] =	sst lr;
	_ =	strace $0xD0000000  }
0x3: {  	_ = 	snop  }
0x4: {  	_ = 	snop  }
0x5: {  	_ = 	snop  }
0x6: {  	_ = 	snop  }
0x7: {  	_ = 	snop  }
__scs_overlays_trampoline_lowered:
0x8: {  	[smem:$0x3FAB] =	sst s0  }
0x9: {  	[smem:$0x3FAC] =	sst s1  }
0xa: {  	[smem:$0x3FAD] =	sst s2  }
0xb: {  	[smem:$0x3FAE] =	sst s3  }
0xc: {  	[smem:$0x3FAF] =	sst s4  }
0xd: {  	[smem:$0x3FB0] =	sst s5  }
0xe: {  	[smem:$0x3FB1] =	sst s6  }
0xf: {  	[smem:$0x3FB2] =	sst s7  }
0x10: {  	[smem:$0x3FB3] =	sst s8  }
0x11: {  	[smem:$0x3FB4] =	sst s9;
	s0 =	simm.s32 @!p0 $0x0  }
0x12: {  	s1 =	sld [smem:$0x3F9A];
	s0 =	simm.s32 @p0 $0x1  }
0x13: {  	[smem:$0x3FB5] =	sst s0;
	s0 =	simm.s32 @!p1 $0x0  }
0x14: {  	s2 =	sld [smem:$0x3F99];
	s0 =	simm.s32 @p1 $0x1  }
0x15: {  	[smem:$0x3FB6] =	sst s0;
	s0 =	simm.s32 @!p2 $0x0  }
0x16: {  	s3 =	sld [smem:$0x3FDB];
	s0 =	simm.s32 @p2 $0x1  }
0x17: {  	s4 =	simm.s32 $0x1BF5;
	[smem:$0x3FB8] =	sst s0  }
0x18: {  	s0 =	sld [smem:$0x3F9B];
	_ =	swait.ge [sflag:s4], $0x0  }
0x19: {  	s7 =	sld [smem:$0x3F9C]  }
0x1a: {  	s8 =	sadd.s32 $0xFFFFE003, lr  }
0x1b: {  	s9 =	sadd.s32 $0xFFFFFEF7, lr;
	s5 =	simm.s32 $0xFFFFFFFF;
	p2 =	slt.u32 s8, $0xFFFFF086  }
0x1c: {  	p1 =	slt.u32 s9, $0xF7A;
	s5 =	simm.s32 @!p2 $0x0  }
0x1d: {  	s5 =	simm.s32 @p1 $0x1;
	p0 =	seq.s32 s7, s2  }
0x1e: {  	s7 =	smul.u32 @!p0 $0xF7A, s2;
	p2 =	seq.s32 @!p0 s5, $0x0  }
0x1f: {  	s9 =	smul.u32 $0xF7A, s1;
	s8 =	simm.s32 @!p0 $0x1BF5;
	p2 =	por !p2, p0  }
0x20: {  	[sflag:s8] =	ssyncset.s32 @!p0 $0xFFFFF086;
	s6 =	sadd.s32 @!p0 s3, s7;
	s7 =	simm.s32 @!p0 $0x108  }
0x21: {  	s3 =	sadd.s32 s3, s9;
	s6 =	sadd.s32 @!p0 $0x88, s6;
	s7 =	simm.s32 @p2 $0x1082  }
0x22: {  	[simem:s7], [sflag:s8] =	dma.local @!p0 [hbm:s6], $0xF7A  }
0x23: {  	s9 =	sor.u32 $0xD0000000, s2;
	s6 =	simm.s32 $0x108;
	_ =	swait.ge @!p0 [sflag:s8], $0x0  }
0x24: {  	s3 =	sadd.s32 $0x88, s3;
	s6 =	simm.s32 @!p1 $0x1082;
	[sflag:s4] =	ssyncset.s32 $0xFFFFF086  }
0x25: {  	[simem:s6], [sflag:s4] =	dma.local [hbm:s3], $0xF7A  }
0x26: {  	[smem:$0x3F9C] =	sst s1;
	(tag) =	ssettag s2;
	_ =	strace s9  }
0x27: {  	s1 =	sld [smem:$0x3FAC]  }
0x28: {  	s2 =	sld [smem:$0x3FAD]  }
0x29: {  	s4 =	sld [smem:$0x3FAF]  }
0x2a: {  	p0 =	seq.s32 s5, $0x0;
	s5 =	sld [smem:$0x3FB0]  }
0x2b: {  	s6 =	sld [smem:$0x3FB1]  }
0x2c: {  	s7 =	sld [smem:$0x3FB2]  }
0x2d: {  	s3 =	simm.s32 $0x108;
	s8 =	sld [smem:$0x3FB3]  }
0x2e: {  	s3 =	simm.s32 @!p0 $0x1082;
	s9 =	sld [smem:$0x3FB4]  }
0x2f: {  	lr =	sadd.s32 s0, s3;
	s0 =	sld [smem:$0x3FAB]  }
0x30: {  	s3 =	sld [smem:$0x3FAE]  }
0x31: {  	[smem:$0x3FB7] =	sst s10  }
0x32: {  	s10 =	sld [smem:$0x3FB5];
	_ =	sdelay $0x3  }
0x33: {  	p0 =	seq.s32 s10, $0x1;
	s10 =	sld [smem:$0x3FB7];
	_ =	sdelay $0x3  }
0x34: {  	[smem:$0x3FB7] =	sst s10  }
0x35: {  	s10 =	sld [smem:$0x3FB6];
	_ =	sdelay $0x3  }
0x36: {  	p1 =	seq.s32 s10, $0x1;
	s10 =	sld [smem:$0x3FB7];
	_ =	sdelay $0x3  }
0x37: {  	[smem:$0x3FB7] =	sst s10  }
0x38: {  	s10 =	sld [smem:$0x3FB8]  }
0x39: {  	_ = 	snop;
	(pc) =	sbr.ind lr, $3  }
0x3a: {  	_ = 	snop  }
0x3b: {  	_ = 	snop  }
0x3c: {  	p2 =	seq.s32 s10, $0x1;
	s10 =	sld [smem:$0x3FB7]  }
0x3d: {  	_ =	shalt  }
0x3e: {  	_ =	shalt  }
0x3f: {  	_ =	shalt  }
0x40: {  	_ =	shalt  }
0x41: {  	_ =	shalt  }
0x42: {  	_ =	shalt  }
0x43: {  	_ =	shalt  }
0x44: {  	_ =	shalt  }
0x45: {  	_ =	shalt  }
0x46: {  	_ =	shalt  }
0x47: {  	_ =	shalt  }
0x48: {  	_ =	shalt  }
0x49: {  	_ =	shalt  }
0x4a: {  	_ =	shalt  }
0x4b: {  	_ =	shalt  }
0x4c: {  	_ =	shalt  }
0x4d: {  	_ =	shalt  }
0x4e: {  	_ =	shalt  }
0x4f: {  	_ =	shalt  }
0x50: {  	_ =	shalt  }
0x51: {  	_ =	shalt  }
0x52: {  	_ =	shalt  }
0x53: {  	_ =	shalt  }
0x54: {  	_ =	shalt  }
0x55: {  	_ =	shalt  }
0x56: {  	_ =	shalt  }
0x57: {  	_ =	shalt  }
0x58: {  	_ =	shalt  }
0x59: {  	_ =	shalt  }
0x5a: {  	_ =	shalt  }
0x5b: {  	_ =	shalt  }
0x5c: {  	_ =	shalt  }
0x5d: {  	_ =	shalt  }
0x5e: {  	_ =	shalt  }
0x5f: {  	_ =	shalt  }
0x60: {  	_ =	shalt  }
0x61: {  	_ =	shalt  }
0x62: {  	_ =	shalt  }
0x63: {  	_ =	shalt  }
0x64: {  	_ =	shalt  }
0x65: {  	_ =	shalt  }
0x66: {  	_ =	shalt  }
0x67: {  	_ =	shalt  }
0x68: {  	_ =	shalt  }
0x69: {  	_ =	shalt  }
0x6a: {  	_ =	shalt  }
0x6b: {  	_ =	shalt  }
0x6c: {  	_ =	shalt  }
0x6d: {  	_ =	shalt  }
0x6e: {  	_ =	shalt  }
0x6f: {  	_ =	shalt  }
0x70: {  	_ =	shalt  }
0x71: {  	_ =	shalt  }
0x72: {  	_ =	shalt  }
0x73: {  	_ =	shalt  }
0x74: {  	_ =	shalt  }
0x75: {  	_ =	shalt  }
0x76: {  	_ =	shalt  }
0x77: {  	_ =	shalt  }
0x78: {  	_ =	shalt  }
0x79: {  	_ =	shalt  }
0x7a: {  	_ =	shalt  }
0x7b: {  	_ =	shalt  }
0x7c: {  	_ =	shalt  }
0x7d: {  	_ =	shalt  }
0x7e: {  	_ =	shalt  }
0x7f: {  	_ =	shalt  }
0x80: {  	_ =	shalt  }
0x81: {  	_ =	shalt  }
0x82: {  	_ =	shalt  }
0x83: {  	_ =	shalt  }
0x84: {  	_ =	shalt  }
0x85: {  	_ =	shalt  }
0x86: {  	_ =	shalt  }
0x87: {  	_ =	shalt  }
.Lfunc_end0:
.L_simem_size_0:
called_computation.2_lowered:
.L_overlay_start_0:
0x88: {  	s2 =	sld [smem:$0x3FD9]  }
0x89: {  	s3 =	sld [smem:$0x3FFE];
	_ =	sdelay $0x1  }
0x8a: {  	s1 =	srdreg.scid  }
0x8b: {  	s0 =	sand.u32 $0x1, s1  }
0x8c: {  	s17 =	sshll.u32 s0, $0xA;
	s2 =	sadd.s32 s3, s2  }
0x8d: {  	s2 =	sadd.s32 s2, s17  }
0x8e: {  	[smem:$0x3FC3] =	sst s2  }
0x8f: {  	_ = 	snop  }
0x90: {  	s2 =	sld [smem:$0x3FD0];
	(tm) =	ssettm $0x1  }
0x91: {  	s18 =	sld [smem:$0x3FFB];
	_ =	sdelay $0x3  }
0x92: {  	_ =	strace s18  }
0x93: {  	s3 =	sld [smem:$0x3FFC];
	_ =	sdelay $0x3  }
0x94: {  	_ =	strace s3  }
0x95: {  	s3 =	sld [smem:$0x3FFD];
	_ =	sdelay $0x3  }
0x96: {  	_ =	strace s3  }
0x97: {  	_ =	strace $0x8FFFFFFF  }
0x98: {  	s19 =	sld [smem:$0x3FDB];
	_ =	sdelay $0x1  }
0x99: {  	s4 =	simm.s32 $_scs_section_size  }
0x9a: {  	s5 =	simm.s32 $_size__tile_overlayer_lowered;
	s6 =	simm.s32 $_tile_overlayer_lowered  }
0x9b: {  	s22 =	simm.s32 $0x1BFF;
	s21 =	sshll.u32 s6, $0x1;
	s3 =	sadd.s32 s4, s19  }
0x9c: {  	s7 =	simm.s32 $0x0;
	s20 =	sshll.u32 s5, $0x1;
	s5 =	sadd.s32 s21, s3  }
0x9d: {  	[timem:s7], [sflag:s22] =	dma.local [hbm:s5], s20  }
0x9e: {  	_ =	swait.ge [sflag:s22], s20  }
0x9f: {  	s4 =	ssub.s32 $0x0, s20;
	[sflag:s22] =	ssyncset.done $0x0  }
0xa0: {  	[sflag:s22] =	ssyncadd.s32 s4;
	_ =	sdelay $0x1  }
0xa1: {  	s23 =	simm.s32 $0x1B8B  }
0xa2: {  	_ =	swait.ge [sflag:s23], $0x1  }
0xa3: {  	[sflag:s23] =	ssyncset.done $0x0  }
0xa4: {  	s25 =	simm.s32 $0x1B8E;
	s24 =	sld [smem:$0x3FFE];
	[sflag:s23] =	ssyncadd.s32 $0xFFFFFFFF  }
0xa5: {  	s26 =	simm.s32 $execute0_lowered;
	[smem:$0x3FD2] =	sst s25  }
0xa6: {  	s5 =	sshll.u32 s26, $0x1;
	_ =	strace $0x8000004C;
	[dreg:$0x1] =	wrdreg $0xFFFFFFFF  }
0xa7: {  	s28 =	simm.s32 $_size_execute0_lowered;
	s3 =	sadd.s32 s3, s5;
	[dreg:$0x0] =	wrdreg $0x0  }
0xa8: {  	s5 =	sshll.u32 s28, $0x1;
	[dreg:$0x2] =	wrdreg s3  }
0xa9: {  	[dreg:$0x3] =	wrdreg s5  }
0xaa: {  	[dreg:$0x4] =	wrdreg $0xC0  }
0xab: {  	_ =	task [dreg:s7], $0x5FFFF  }
0xac: {  	[dreg:$0x1] =	wrdreg $0xFFFFFFFF  }
0xad: {  	[dreg:$0x0] =	wrdreg $0x60  }
0xae: {  	[dreg:$0x2] =	wrdreg s24  }
0xaf: {  	[dreg:$0x3] =	wrdreg s2  }
0xb0: {  	[dreg:$0x4] =	wrdreg $0x0  }
0xb1: {  	[dreg:$0x5] =	wrdreg $0x9  }
0xb2: {  	_ =	task.clear_ibuf [dreg:s7], $0x6FFFF;
	_ =	strace $0x9000004C  }
0xb3: {  	s29 =	simm.s32 $0x9;
	_ =	strace $0x8000004E  }
0xb4: {  	_ =	swait.ge [sflag:s29], $0x1  }
0xb5: {  	[sflag:s29] =	ssyncadd.s32 $0xFFFFFFFF  }
0xb6: {  	_ =	strace $0x9000004E  }
0xb7: {  	_ =	sfence  }
0xb8: {  	s30 =	sld [smem:$0x0];
	_ =	sdelay $0x2  }
0xb9: {  	s31 =	sshll.u32 s1, $0xD;
	s1 =	sshrl.u32 s1, $0x2  }
0xba: {  	s3 =	sand.u32 $0x4000, s31;
	s1 =	sadd.s32 s1, s30  }
0xbb: {  	s0 =	sor.u32 s3, s0;
	s1 =	sshll.u32 s1, $0x11  }
0xbc: {  	s0 =	sor.u32 s1, s0  }
0xbd: {  	s0 =	sadd.s32 $0x8F2B, s0  }
0xbe: {  	[sflag:s0] =	ssyncadd.remote.s32 $0x1  }
0xbf: {  	_ =	sfence.sel $0xFFFF  }
0xc0: {  	[dreg:$0x0] =	wrdreg $0xFFFFFFFF;
	(pc) =	sbr.abs _section_cstart, $3  }
0xc1: {  	[dreg:$0x1] =	wrdreg $0xFFFFFFFF  }
0xc2: {  	_ =	task.clear_ibuf [dreg:s7], $0x2FFFF;
	_ =	strace $0x9FFFFFFF  }
0xc3: {  	(tm) =	ssettm $0x7FFFFFFF  }
tec
execute0_lowered:
.L_overlay_start_1:
0x0: {  	(tag) =	ssettag $0x1  }
0x1: {  	s0 =	rddreg [dreg:$0x0]  }
0x2: {  	s3 =	rddreg [dreg:$0x2]  }
0x3: {  	s11 =	stileid.u32;
	s1 =	srdreg.scid;
	s4 =	simm.s32 $0x0  }
0x4: {  	s30 =	simm.s32 $0x1;
	s28 =	simm.s32 $0x3;
	s2 =	smul.u32 $0x13C00, s11  }
0x5: {  	s29 =	simm.s32 $0xA;
	s12 =	simm.s32 $0xB;
	s7 =	smul.u32 $0x7D, s11  }
0x6: {  	s1 =	sand.u32 $0x1, s1;
	[smem:$0x7FF] =	sst s4;
	s6 =	sadd.s32 $0x15200, s0  }
0x7: {  	s8 =	smul.u32 $0x13C000, s1;
	p0 =	seq.s32 s1, $0x0;
	s5 =	sadd.s32 $0x7D0, s7  }
0x8: {  	_ =	strace $0x8000004D;
	s1 =	ssub.s32 $0x2, s1;
	s5 =	smov.u32 @p0 s7  }
0x9: {  	s15 =	sshrl.u32 s1, $0x1;
	s8 =	sadd.s32 s2, s8;
	s9 =	smul.u32 $0x50, s5  }
0xa: {  	s1 =	ssub.s32 s1, s15;
	s8 =	sshrl.u32 s8, $0x3;
	s10 =	smul.u32 $0xA, s5  }
0xb: {  	s7 =	sadd.s32 $0x1800, s0;
	s31 =	smax.u32 s1, $0x1;
	s0 =	sadd.s32 s8, s0  }
0xc: {  	[dreg:$0xd] =	wrdreg s31;
	s16 =	sshrl.u32 s9, $0x3;
	s19 =	sadd.s32 s7, s10  }
0xd: {  	s0 =	sadd.s32 $0xC7A00, s0;
	s18 =	sadd.s32 s7, s16;
	[dreg:$0x4] =	wrdreg s19  }
0xe: {  	s13 =	simm.s32 $0x8;
	[dreg:$0xc] =	wrdreg s0;
	s20 =	sadd.s32 $0xA, s18  }
0xf: {  	s17 =	sshll.u32 s11, $0x6;
	s21 =	sadd.s32 $0x14, s18;
	[dreg:$0x5] =	wrdreg s20  }
0x10: {  	s11 =	simm.s32 $0xD;
	s22 =	sadd.s32 $0x1E, s18;
	[dreg:$0x6] =	wrdreg s21  }
0x11: {  	s2 =	sadd.s32 s2, s3;
	s23 =	sadd.s32 $0x28, s18;
	[dreg:$0x7] =	wrdreg s22  }
0x12: {  	s8 =	sor.u32 $0x1C11, s17;
	s24 =	sadd.s32 $0x32, s18;
	[dreg:$0x8] =	wrdreg s23  }
0x13: {  	s9 =	simm.s32 $0x4;
	s25 =	sadd.s32 $0x3C, s18;
	[dreg:$0x9] =	wrdreg s24  }
0x14: {  	s10 =	simm.s32 $0x10;
	s26 =	sadd.s32 $0x46, s18;
	[dreg:$0xa] =	wrdreg s25  }
0x15: {  	s19 =	sshrl.u32 s2, $0x3;
	s0 =	simm.s32 $0x2;
	[dreg:$0xb] =	wrdreg s26  }
0x16: {  	s20 =	simm.s32 $0x11;
	s21 =	simm.s32 $0x50;
	s22 =	simm.s32 $0x4E200  }
.LBB2_1:
0x17: {  	s1 =	rddreg [dreg:$0x1]  }
0x18: {  	[spmem:s19], [sflag:s8] =	dma.local [hbm:s1], $0x2780  }
0x19: {  	_ =	swait.ge [sflag:s20], $0x2780  }
0x1a: {  	[sflag:s20] =	ssyncset.done $0x0  }
0x1b: {  	[sflag:s20] =	ssyncadd.s32 $0xFFFFD880  }
0x1c: {  	[bflag:$0x0] =	sbarrier.arrive $0xFFFF  }
0x1d: {  	s2 =	simm.s32 $0x13C00;
	s17 =	rddreg [dreg:$0x4]  }
0x1e: {  	[tilespmem:s2], [sflag:$0x1] =	stream.strided.gather [hbm4b:s17+s21], $0xA0, s22, s21, $0x38;
	[tilespmem:$0x1E100] =	vst v63  }
0x1f: {  	s14 =	simm.s32 $0x13CA0;
	s18 =	rddreg [dreg:$0x5]  }
0x20: {  	[tilespmem:s14], [sflag:$0x2] =	stream.strided.gather [hbm4b:s18+s21], $0xA0, s22, s21, $0x38;
	[tilespmem:$0x1E100] =	vst v63  }
0x21: {  	s15 =	simm.s32 $0x13D40;
	s23 =	rddreg [dreg:$0x6]  }
0x22: {  	[tilespmem:s15], [sflag:$0x3] =	stream.strided.gather [hbm4b:s23+s21], $0xA0, s22, s21, $0x38;
	[tilespmem:$0x1E100] =	vst v63  }
0x23: {  	s16 =	simm.s32 $0x13DE0;
	s24 =	rddreg [dreg:$0x7]  }
0x24: {  	[tilespmem:s16], [sflag:$0x4] =	stream.strided.gather [hbm4b:s24+s21], $0xA0, s22, s21, $0x38;
	[tilespmem:$0x1E100] =	vst v63  }
0x25: {  	s25 =	rddreg [dreg:$0x8];
	s17 =	simm.s32 $0x13E80  }
0x26: {  	[tilespmem:s17], [sflag:$0x5] =	stream.strided.gather [hbm4b:s25+s21], $0xA0, s22, s21, $0x38;
	[tilespmem:$0x1E100] =	vst v63  }
0x27: {  	s31 =	simm.s32 $0x13F20;
	s26 =	rddreg [dreg:$0x9]  }
0x28: {  	[tilespmem:s31], [sflag:$0x6] =	stream.strided.gather [hbm4b:s26+s21], $0xA0, s22, s21, $0x38;
	[tilespmem:$0x1E100] =	vst v63  }
0x29: {  	_ =	swait.ge [sflag:s30], $0xA0  }
0x2a: {  	[sflag:s30] =	ssyncset.done $0x0  }
0x2b: {  	s18 =	simm.s32 $0x14100;
	[sflag:s30] =	ssyncadd.s32 $0xFFFFFF60  }
0x2c: {  	[tilespmem:s18], [sflag:$0x9] =	stream.indirect.gather [hbm4b:s6+s21], $0x80, s2, s21, $0xb8;
	[tilespmem:$0x1E100] =	vst v63  }
0x2d: {  	_ =	swait.ge [sflag:s0], $0xA0  }
0x2e: {  	[sflag:s0] =	ssyncset.done $0x0  }
0x2f: {  	s23 =	simm.s32 $0x16900;
	s24 =	simm.s32 $0x9;
	[sflag:s0] =	ssyncadd.s32 $0xFFFFFF60  }
0x30: {  	[tilespmem:s23], [sflag:$0xA] =	stream.indirect.gather [hbm4b:s6+s21], $0x80, s14, s21, $0xb8;
	[tilespmem:$0x1E100] =	vst v63  }
0x31: {  	_ =	swait.ge [sflag:s24], $0x2800  }
0x32: {  	[sflag:s24] =	ssyncset.done $0x0  }
0x33: {  	s25 =	simm.s32 $0x13C50;
	[sflag:s24] =	ssyncadd.s32 $0xFFFFD800  }
0x34: {  	[spmem:s3] =	stream.indirect.scatter.add.f32 [tilespmem:s18], [sflag:$0xD], $0x80, s25, s21, $0xb8;
	[tilespmem:$0x1E100] =	vst v63  }
0x35: {  	s31 =	simm.s32 $0x13FC0;
	s26 =	rddreg [dreg:$0xa]  }
0x36: {  	[tilespmem:s31], [sflag:$0x7] =	stream.strided.gather [hbm4b:s26+s21], $0xA0, s22, s21, $0x38;
	[tilespmem:$0x1E100] =	vst v63  }
0x37: {  	_ =	swait.ge [sflag:s28], $0xA0  }
0x38: {  	[sflag:s28] =	ssyncset.done $0x0  }
0x39: {  	s1 =	smin.u32 s13, $0x7C;
	s17 =	simm.s32 $0x19100;
	[sflag:s28] =	ssyncadd.s32 $0xFFFFFF60  }
0x3a: {  	[tilespmem:s17], [sflag:$0xB] =	stream.indirect.gather [hbm4b:s6+s21], $0x80, s15, s21, $0xb8;
	[tilespmem:$0x1E100] =	vst v63  }
0x3b: {  	s24 =	simm.s32 $0x14060;
	s26 =	simm.s32 $0x2;
	_ =	swait.ge [sflag:s29], $0x2800  }
0x3c: {  	s18 =	simm.s32 $0x13CF0;
	s31 =	sand.u32 $0x3, s26;
	[sflag:s29] =	ssyncset.done $0x0  }
0x3d: {  	s14 =	sand.u32 $0x7, s26;
	s2 =	smul.u32 $0xA000, s31;
	[sflag:s29] =	ssyncadd.s32 $0xFFFFD800  }
0x3e: {  	[spmem:s3] =	stream.indirect.scatter.add.f32 [tilespmem:s23], [sflag:$0xE], $0x80, s18, s21, $0xb8;
	[tilespmem:$0x1E100] =	vst v63  }
0x3f: {  	s25 =	simm.s32 $0x1B900;
	s14 =	smul.u32 $0x280, s14;
	s23 =	rddreg [dreg:$0xb]  }
0x40: {  	[tilespmem:s24], [sflag:$0x8] =	stream.strided.gather [hbm4b:s23+s21], $0xA0, s22, s21, $0x38;
	[tilespmem:$0x1E100] =	vst v63  }
0x41: {  	s15 =	sshrl.u32 s2, $0x2;
	s14 =	sshrl.u32 s14, $0x2;
	_ =	swait.ge [sflag:s9], $0xA0  }
0x42: {  	s26 =	sadd.s32 $0x14100, s15;
	s14 =	sadd.s32 $0x13C50, s14;
	[sflag:s9] =	ssyncset.done $0x0  }
0x43: {  	s18 =	sadd.s32 $0x9, s31;
	s23 =	simm.s32 $0x4;
	[sflag:s9] =	ssyncadd.s32 $0xFFFFFF60  }
0x44: {  	[tilespmem:s25], [sflag:$0xC] =	stream.indirect.gather [hbm4b:s6+s21], $0x80, s16, s21, $0xb8;
	[tilespmem:$0x1E100] =	vst v63  }
0x45: {  	s15 =	sand.u32 $0x3, s23;
	s2 =	sand.u32 $0x7, s23;
	s25 =	sand.u32 $0x7, s13  }
0x46: {  	s16 =	sadd.s32 $0xD, s31;
	s31 =	smul.u32 $0x280, s2;
	_ =	swait.ge [sflag:s18], $0x2800  }
0x47: {  	s24 =	smul.u32 $0x280, s25;
	s25 =	sadd.s32 $0x1, s25;
	[sflag:s18] =	ssyncset.done $0x0  }
0x48: {  	s17 =	sshrl.u32 s31, $0x2;
	[sflag:s18] =	ssyncadd.s32 $0xFFFFD800;
	s18 =	sadd.s32 s5, s1  }
0x49: {  	[spmem:s3] =	stream.indirect.scatter.add.f32 [tilespmem:s26], [sflag:s16], $0x80, s14, s21, $0xb8;
	[tilespmem:$0x1E100] =	vst v63  }
0x4a: {  	s24 =	sshrl.u32 s24, $0x2;
	s14 =	sadd.s32 $0xD, s15;
	s26 =	smul.u32 $0xA000, s15  }
0x4b: {  	s1 =	smul.u32 $0xA, s18;
	s24 =	sadd.s32 $0x13C00, s24;
	_ =	swait.ge [sflag:s14], $0x2800  }
0x4c: {  	s18 =	sadd.s32 $0x1, s2;
	[sflag:s14] =	ssyncset.done $0x0;
	s16 =	sshrl.u32 s26, $0x2  }
0x4d: {  	s23 =	sadd.s32 s7, s1;
	[sflag:s14] =	ssyncadd.s32 $0xFFFFD800;
	s14 =	simm.s32 $0x9  }
.LBB2_2:
0x4e: {  	[tilespmem:s24], [sflag:s25] =	stream.strided.gather [hbm4b:s23+s21], $0xA0, s22, s21, $0x38;
	[tilespmem:$0x1E100] =	vst v63  }
0x4f: {  	p0 =	sne.s32 s14, $0x82;
	s15 =	sadd.s32 $0x9, s15;
	_ =	swait.ge [sflag:s18], $0xA0  }
0x50: {  	s16 =	sadd.s32 $0x14100, s16;
	s17 =	sadd.s32 $0x13C00, s17;
	[sflag:s18] =	ssyncset.done $0x0  }
0x51: {  	[sflag:s18] =	ssyncadd.s32 $0xFFFFFF60;
	s18 =	smov.u32 s14;
	s14 =	sadd.s32 $0x1, s14  }
0x52: {  	[tilespmem:s16], [sflag:s15] =	stream.indirect.gather [hbm4b:s6+s21], $0x80, s17, s21, $0xb8;
	[tilespmem:$0x1E100] =	vst v63  }
0x53: {  	s15 =	sadd.s32 $0xFFFFFFFA, s18;
	s17 =	smin.u32 s18, $0x7C;
	s25 =	sand.u32 $0x7, s18  }
0x54: {  	s16 =	sand.u32 $0x3, s15;
	s15 =	sand.u32 $0x7, s15;
	s26 =	smul.u32 $0x280, s25  }
0x55: {  	s18 =	sadd.s32 $0xFFFFFFFC, s18;
	s23 =	smul.u32 $0xA000, s16;
	s24 =	sadd.s32 $0x9, s16  }
0x56: {  	s31 =	smul.u32 $0x280, s15;
	s15 =	sand.u32 $0x3, s18;
	_ =	swait.ge [sflag:s24], $0x2800  }
0x57: {  	s1 =	sadd.s32 $0xD, s15;
	s23 =	sshrl.u32 s23, $0x2;
	[sflag:s24] =	ssyncset.done $0x0  }
0x58: {  	s23 =	sadd.s32 $0x14100, s23;
	[sflag:s24] =	ssyncadd.s32 $0xFFFFD800;
	s24 =	sshrl.u32 s31, $0x2  }
0x59: {  	s31 =	sadd.s32 $0xD, s16;
	s16 =	sadd.s32 s5, s17;
	s17 =	smul.u32 $0xA000, s15  }
0x5a: {  	s18 =	sand.u32 $0x7, s18;
	s24 =	sadd.s32 $0x13C50, s24;
	s2 =	smul.u32 $0xA, s16  }
0x5b: {  	s26 =	sshrl.u32 s26, $0x2;
	s16 =	sshrl.u32 s17, $0x2;
	s17 =	smul.u32 $0x280, s18  }
.Ltmp0:
0x5c: {  	(pc) =	sbr.rel @p0 .LBB2_2-.Ltmp0, $4  }
0x5d: {  	[spmem:s3] =	stream.indirect.scatter.add.f32 [tilespmem:s23], [sflag:s31], $0x80, s24, s21, $0xb8;
	[tilespmem:$0x1E100] =	vst v63  }
0x5e: {  	s17 =	sshrl.u32 s17, $0x2;
	s23 =	sadd.s32 s7, s2;
	_ =	swait.ge [sflag:s1], $0x2800  }
0x5f: {  	s25 =	sadd.s32 $0x1, s25;
	s24 =	sadd.s32 $0x13C00, s26;
	[sflag:s1] =	ssyncset.done $0x0  }
0x60: {  	s18 =	sadd.s32 $0x1, s18;
	[sflag:s1] =	ssyncadd.s32 $0xFFFFD800  }
0x61: {  	[tilespmem:s24], [sflag:s25] =	stream.strided.gather [hbm4b:s23+s21], $0xA0, s22, s21, $0x38;
	[tilespmem:$0x1E100] =	vst v63  }
0x62: {  	_ =	swait.ge [sflag:s18], $0xA0  }
0x63: {  	s1 =	sadd.s32 $0x9, s15;
	[sflag:s18] =	ssyncset.done $0x0  }
0x64: {  	s2 =	sadd.s32 $0x14100, s16;
	s14 =	sadd.s32 $0x13C00, s17;
	[sflag:s18] =	ssyncadd.s32 $0xFFFFFF60  }
0x65: {  	[tilespmem:s2], [sflag:s1] =	stream.indirect.gather [hbm4b:s6+s21], $0x80, s14, s21, $0xb8;
	[tilespmem:$0x1E100] =	vst v63  }
0x66: {  	_ =	swait.ge [sflag:s10], $0x2800  }
0x67: {  	[sflag:s10] =	ssyncset.done $0x0  }
0x68: {  	[sflag:s10] =	ssyncadd.s32 $0xFFFFD800  }
0x69: {  	_ =	swait.ge [sflag:s11], $0x2800  }
0x6a: {  	[sflag:s11] =	ssyncset.done $0x0  }
0x6b: {  	[sflag:s11] =	ssyncadd.s32 $0xFFFFD800  }
0x6c: {  	_ =	swait.ge [sflag:s29], $0x2800  }
0x6d: {  	[sflag:s29] =	ssyncset.done $0x0  }
0x6e: {  	[sflag:s29] =	ssyncadd.s32 $0xFFFFD800  }
0x6f: {  	_ =	swait.ge [sflag:s12], $0x2800  }
0x70: {  	[sflag:s12] =	ssyncset.done $0x0  }
0x71: {  	[sflag:s12] =	ssyncadd.s32 $0xFFFFD800  }
0x72: {  	_ =	swait.ge [sflag:s13], $0xA0  }
0x73: {  	[sflag:s13] =	ssyncset.done $0x0  }
0x74: {  	[sflag:s13] =	ssyncadd.s32 $0xFFFFFF60  }
0x75: {  	_ =	swait.ge [sflag:s30], $0xA0  }
0x76: {  	[sflag:s30] =	ssyncset.done $0x0  }
0x77: {  	[sflag:s30] =	ssyncadd.s32 $0xFFFFFF60  }
0x78: {  	_ =	swait.ge [sflag:s0], $0xA0  }
0x79: {  	[sflag:s0] =	ssyncset.done $0x0  }
0x7a: {  	[sflag:s0] =	ssyncadd.s32 $0xFFFFFF60  }
0x7b: {  	_ =	swait.ge [sflag:s28], $0xA0  }
0x7c: {  	[sflag:s28] =	ssyncset.done $0x0  }
0x7d: {  	[sflag:s28] =	ssyncadd.s32 $0xFFFFFF60  }
0x7e: {  	[bflag:$0x0] =	sbarrier.arrive $0xFFFF  }
0x7f: {  	s26 =	rddreg [dreg:$0xc]  }
0x80: {  	[hbm:s26], [sflag:s8] =	dma.local [spmem:s19], $0x2780  }
0x81: {  	_ =	swait.ge [sflag:s20], $0x2780  }
0x82: {  	s4 =	sadd.s32 $0x1, s4;
	s31 =	rddreg [dreg:$0xd]  }
0x83: {  	p0 =	sne.s32 s4, s31  }
.Ltmp1:
0x84: {  	_ = 	snop;
	(pc) =	sbr.rel @p0 .LBB2_1-.Ltmp1, $3  }
0x85: {  	_ =	sdelay $0x1  }
0x86: {  	[sflag:s20] =	ssyncset.done $0x0  }
0x87: {  	[sflag:s20] =	ssyncadd.s32 $0xFFFFD880  }
0x88: {  	_ =	sfence.sel $0x180000  }
0x89: {  	[bflag:$0x0] =	sbarrier.arrive $0xFFFF  }
0x8a: {  	_ =	strace $0x9000004D  }
0x8b: {  	s0 =	stileid.u32;
	[bflag:$0x2] =	sbarrier.arrive $0xFFFF  }
0x8c: {  	p0 =	sne.s32 s0, $0x0;
	s0 =	rddreg [dreg:$0x3]  }
0x8d: {  	s0 =	sadd.s32 @!p0 $0x100000, s0  }
0x8e: {  	[sflag:s0] =	ssyncadd.tile.s32 @!p0 $0x1;
	_ =	shalt  }
.Lfunc_end2:
_tile_overlayer_lowered:
.L_overlay_start_2:
0x8f: {  	(tag) =	ssettag $0x2  }
0x90: {  	s0 =	rddreg [dreg:$0x0];
	s2 =	stileid.u32  }
0x91: {  	s1 =	rddreg [dreg:$0x1];
	p0 =	sne.s32 s2, $0x0  }
0x92: {  	s3 =	rddreg [dreg:$0x2];
	[bflag:$0x3] =	sbarrier.arrive $0xFFFF;
	s2 =	simm.s32 @!p0 $0x1C11  }
0x93: {  	[timem:s3], [sflag:s2] =	dma.local @!p0 [hbm:s0], s1  }
0x94: {  	s0 =	simm.s32 @!p0 $0x11  }
0x95: {  	_ =	swait.ge @!p0 [sflag:s0], s1  }
0x96: {  	s1 =	ssub.s32 @!p0 $0x0, s1;
	[sflag:s0] =	ssyncset.done @!p0 $0x0  }
0x97: {  	[sflag:s0] =	ssyncadd.s32 @!p0 s1  }
0x98: {  	[bflag:$0x3] =	sbarrier.arrive $0xFFFF  }
0x99: {  	_ =	shalt  }

// kernel: kernel.7.cloned.1.call-start
scs
__scs_entry_jumppad:
0x0: {  	(pc) =	sbr.rel $0x88, $3  }
0x1: {  	(tag) =	ssettag $0x0;
	lr =	simm.s32 $0x1  }
0x2: {  	[smem:$0x3F9C] =	sst lr;
	_ =	strace $0xD0000000  }
0x3: {  	_ = 	snop  }
0x4: {  	_ = 	snop  }
0x5: {  	_ = 	snop  }
0x6: {  	_ = 	snop  }
0x7: {  	_ = 	snop  }
__scs_overlays_trampoline_lowered:
0x8: {  	[smem:$0x3FAB] =	sst s0  }
0x9: {  	[smem:$0x3FAC] =	sst s1  }
0xa: {  	[smem:$0x3FAD] =	sst s2  }
0xb: {  	[smem:$0x3FAE] =	sst s3  }
0xc: {  	[smem:$0x3FAF] =	sst s4  }
0xd: {  	[smem:$0x3FB0] =	sst s5  }
0xe: {  	[smem:$0x3FB1] =	sst s6  }
0xf: {  	[smem:$0x3FB2] =	sst s7  }
0x10: {  	[smem:$0x3FB3] =	sst s8  }
0x11: {  	[smem:$0x3FB4] =	sst s9;
	s0 =	simm.s32 @!p0 $0x0  }
0x12: {  	s1 =	sld [smem:$0x3F9A];
	s0 =	simm.s32 @p0 $0x1  }
0x13: {  	[smem:$0x3FB5] =	sst s0;
	s0 =	simm.s32 @!p1 $0x0  }
0x14: {  	s2 =	sld [smem:$0x3F99];
	s0 =	simm.s32 @p1 $0x1  }
0x15: {  	[smem:$0x3FB6] =	sst s0;
	s0 =	simm.s32 @!p2 $0x0  }
0x16: {  	s3 =	sld [smem:$0x3FDB];
	s0 =	simm.s32 @p2 $0x1  }
0x17: {  	s4 =	simm.s32 $0x1BF5;
	[smem:$0x3FB8] =	sst s0  }
0x18: {  	s0 =	sld [smem:$0x3F9B];
	_ =	swait.ge [sflag:s4], $0x0  }
0x19: {  	s7 =	sld [smem:$0x3F9C]  }
0x1a: {  	s8 =	sadd.s32 $0xFFFFE003, lr  }
0x1b: {  	s9 =	sadd.s32 $0xFFFFFEF7, lr;
	s5 =	simm.s32 $0xFFFFFFFF;
	p2 =	slt.u32 s8, $0xFFFFF086  }
0x1c: {  	p1 =	slt.u32 s9, $0xF7A;
	s5 =	simm.s32 @!p2 $0x0  }
0x1d: {  	s5 =	simm.s32 @p1 $0x1;
	p0 =	seq.s32 s7, s2  }
0x1e: {  	s7 =	smul.u32 @!p0 $0xF7A, s2;
	p2 =	seq.s32 @!p0 s5, $0x0  }
0x1f: {  	s9 =	smul.u32 $0xF7A, s1;
	s8 =	simm.s32 @!p0 $0x1BF5;
	p2 =	por !p2, p0  }
0x20: {  	[sflag:s8] =	ssyncset.s32 @!p0 $0xFFFFF086;
	s6 =	sadd.s32 @!p0 s3, s7;
	s7 =	simm.s32 @!p0 $0x108  }
0x21: {  	s3 =	sadd.s32 s3, s9;
	s6 =	sadd.s32 @!p0 $0x88, s6;
	s7 =	simm.s32 @p2 $0x1082  }
0x22: {  	[simem:s7], [sflag:s8] =	dma.local @!p0 [hbm:s6], $0xF7A  }
0x23: {  	s9 =	sor.u32 $0xD0000000, s2;
	s6 =	simm.s32 $0x108;
	_ =	swait.ge @!p0 [sflag:s8], $0x0  }
0x24: {  	s3 =	sadd.s32 $0x88, s3;
	s6 =	simm.s32 @!p1 $0x1082;
	[sflag:s4] =	ssyncset.s32 $0xFFFFF086  }
0x25: {  	[simem:s6], [sflag:s4] =	dma.local [hbm:s3], $0xF7A  }
0x26: {  	[smem:$0x3F9C] =	sst s1;
	(tag) =	ssettag s2;
	_ =	strace s9  }
0x27: {  	s1 =	sld [smem:$0x3FAC]  }
0x28: {  	s2 =	sld [smem:$0x3FAD]  }
0x29: {  	s4 =	sld [smem:$0x3FAF]  }
0x2a: {  	p0 =	seq.s32 s5, $0x0;
	s5 =	sld [smem:$0x3FB0]  }
0x2b: {  	s6 =	sld [smem:$0x3FB1]  }
0x2c: {  	s7 =	sld [smem:$0x3FB2]  }
0x2d: {  	s3 =	simm.s32 $0x108;
	s8 =	sld [smem:$0x3FB3]  }
0x2e: {  	s3 =	simm.s32 @!p0 $0x1082;
	s9 =	sld [smem:$0x3FB4]  }
0x2f: {  	lr =	sadd.s32 s0, s3;
	s0 =	sld [smem:$0x3FAB]  }
0x30: {  	s3 =	sld [smem:$0x3FAE]  }
0x31: {  	[smem:$0x3FB7] =	sst s10  }
0x32: {  	s10 =	sld [smem:$0x3FB5];
	_ =	sdelay $0x3  }
0x33: {  	p0 =	seq.s32 s10, $0x1;
	s10 =	sld [smem:$0x3FB7];
	_ =	sdelay $0x3  }
0x34: {  	[smem:$0x3FB7] =	sst s10  }
0x35: {  	s10 =	sld [smem:$0x3FB6];
	_ =	sdelay $0x3  }
0x36: {  	p1 =	seq.s32 s10, $0x1;
	s10 =	sld [smem:$0x3FB7];
	_ =	sdelay $0x3  }
0x37: {  	[smem:$0x3FB7] =	sst s10  }
0x38: {  	s10 =	sld [smem:$0x3FB8]  }
0x39: {  	_ = 	snop;
	(pc) =	sbr.ind lr, $3  }
0x3a: {  	_ = 	snop  }
0x3b: {  	_ = 	snop  }
0x3c: {  	p2 =	seq.s32 s10, $0x1;
	s10 =	sld [smem:$0x3FB7]  }
0x3d: {  	_ =	shalt  }
0x3e: {  	_ =	shalt  }
0x3f: {  	_ =	shalt  }
0x40: {  	_ =	shalt  }
0x41: {  	_ =	shalt  }
0x42: {  	_ =	shalt  }
0x43: {  	_ =	shalt  }
0x44: {  	_ =	shalt  }
0x45: {  	_ =	shalt  }
0x46: {  	_ =	shalt  }
0x47: {  	_ =	shalt  }
0x48: {  	_ =	shalt  }
0x49: {  	_ =	shalt  }
0x4a: {  	_ =	shalt  }
0x4b: {  	_ =	shalt  }
0x4c: {  	_ =	shalt  }
0x4d: {  	_ =	shalt  }
0x4e: {  	_ =	shalt  }
0x4f: {  	_ =	shalt  }
0x50: {  	_ =	shalt  }
0x51: {  	_ =	shalt  }
0x52: {  	_ =	shalt  }
0x53: {  	_ =	shalt  }
0x54: {  	_ =	shalt  }
0x55: {  	_ =	shalt  }
0x56: {  	_ =	shalt  }
0x57: {  	_ =	shalt  }
0x58: {  	_ =	shalt  }
0x59: {  	_ =	shalt  }
0x5a: {  	_ =	shalt  }
0x5b: {  	_ =	shalt  }
0x5c: {  	_ =	shalt  }
0x5d: {  	_ =	shalt  }
0x5e: {  	_ =	shalt  }
0x5f: {  	_ =	shalt  }
0x60: {  	_ =	shalt  }
0x61: {  	_ =	shalt  }
0x62: {  	_ =	shalt  }
0x63: {  	_ =	shalt  }
0x64: {  	_ =	shalt  }
0x65: {  	_ =	shalt  }
0x66: {  	_ =	shalt  }
0x67: {  	_ =	shalt  }
0x68: {  	_ =	shalt  }
0x69: {  	_ =	shalt  }
0x6a: {  	_ =	shalt  }
0x6b: {  	_ =	shalt  }
0x6c: {  	_ =	shalt  }
0x6d: {  	_ =	shalt  }
0x6e: {  	_ =	shalt  }
0x6f: {  	_ =	shalt  }
0x70: {  	_ =	shalt  }
0x71: {  	_ =	shalt  }
0x72: {  	_ =	shalt  }
0x73: {  	_ =	shalt  }
0x74: {  	_ =	shalt  }
0x75: {  	_ =	shalt  }
0x76: {  	_ =	shalt  }
0x77: {  	_ =	shalt  }
0x78: {  	_ =	shalt  }
0x79: {  	_ =	shalt  }
0x7a: {  	_ =	shalt  }
0x7b: {  	_ =	shalt  }
0x7c: {  	_ =	shalt  }
0x7d: {  	_ =	shalt  }
0x7e: {  	_ =	shalt  }
0x7f: {  	_ =	shalt  }
0x80: {  	_ =	shalt  }
0x81: {  	_ =	shalt  }
0x82: {  	_ =	shalt  }
0x83: {  	_ =	shalt  }
0x84: {  	_ =	shalt  }
0x85: {  	_ =	shalt  }
0x86: {  	_ =	shalt  }
0x87: {  	_ =	shalt  }
.Lfunc_end0:
.L_simem_size_0:
called_computation_lowered:
.L_overlay_start_0:
0x88: {  	s2 =	sld [smem:$0x3FD9]  }
0x89: {  	s3 =	sld [smem:$0x3FFE];
	_ =	sdelay $0x1  }
0x8a: {  	s1 =	srdreg.scid  }
0x8b: {  	s0 =	sand.u32 $0x1, s1  }
0x8c: {  	s16 =	sshll.u32 s0, $0xA;
	s2 =	sadd.s32 s3, s2  }
0x8d: {  	s2 =	sadd.s32 s2, s16  }
0x8e: {  	[smem:$0x3FC3] =	sst s2  }
0x8f: {  	_ = 	snop  }
0x90: {  	(tm) =	ssettm $0x1  }
0x91: {  	s17 =	sld [smem:$0x3FFB];
	_ =	sdelay $0x3  }
0x92: {  	_ =	strace s17  }
0x93: {  	s2 =	sld [smem:$0x3FFC];
	_ =	sdelay $0x3  }
0x94: {  	_ =	strace s2  }
0x95: {  	s2 =	sld [smem:$0x3FFD];
	_ =	sdelay $0x3  }
0x96: {  	_ =	strace s2  }
0x97: {  	_ =	strace $0x8FFFFFFF  }
0x98: {  	s18 =	sld [smem:$0x3FDB];
	_ =	sdelay $0x1  }
0x99: {  	s19 =	simm.s32 $_scs_section_size  }
0x9a: {  	s4 =	simm.s32 $_size__tile_overlayer_lowered;
	s5 =	simm.s32 $_tile_overlayer_lowered  }
0x9b: {  	s22 =	simm.s32 $0x1BFF;
	s21 =	sshll.u32 s5, $0x1;
	s2 =	sadd.s32 s19, s18  }
0x9c: {  	s6 =	simm.s32 $0x0;
	s20 =	sshll.u32 s4, $0x1;
	s4 =	sadd.s32 s21, s2  }
0x9d: {  	[timem:s6], [sflag:s22] =	dma.local [hbm:s4], s20  }
0x9e: {  	_ =	swait.ge [sflag:s22], s20  }
0x9f: {  	s3 =	ssub.s32 $0x0, s20;
	[sflag:s22] =	ssyncset.done $0x0  }
0xa0: {  	[sflag:s22] =	ssyncadd.s32 s3;
	_ =	sdelay $0x1  }
0xa1: {  	s23 =	simm.s32 $0x1B8B  }
0xa2: {  	_ =	swait.ge [sflag:s23], $0x1  }
0xa3: {  	[sflag:s23] =	ssyncset.done $0x0  }
0xa4: {  	s25 =	simm.s32 $0x1B8E;
	s24 =	sld [smem:$0x3FFE];
	[sflag:s23] =	ssyncadd.s32 $0xFFFFFFFF  }
0xa5: {  	s26 =	simm.s32 $execute0_lowered;
	[smem:$0x3FD2] =	sst s25  }
0xa6: {  	s4 =	sshll.u32 s26, $0x1;
	_ =	strace $0x80000046;
	[dreg:$0x1] =	wrdreg $0xFFFFFFFF  }
0xa7: {  	s28 =	simm.s32 $_size_execute0_lowered;
	s2 =	sadd.s32 s2, s4;
	[dreg:$0x0] =	wrdreg $0x0  }
0xa8: {  	s4 =	sshll.u32 s28, $0x1;
	[dreg:$0x2] =	wrdreg s2  }
0xa9: {  	[dreg:$0x3] =	wrdreg s4  }
0xaa: {  	[dreg:$0x4] =	wrdreg $0xC0  }
0xab: {  	_ =	task [dreg:s6], $0x5FFFF  }
0xac: {  	[dreg:$0x1] =	wrdreg $0xFFFFFFFF  }
0xad: {  	[dreg:$0x0] =	wrdreg $0x60  }
0xae: {  	[dreg:$0x2] =	wrdreg s24  }
0xaf: {  	[dreg:$0x3] =	wrdreg $0x0  }
0xb0: {  	[dreg:$0x4] =	wrdreg $0x9  }
0xb1: {  	_ =	task.clear_ibuf [dreg:s6], $0x5FFFF;
	_ =	strace $0x90000046  }
0xb2: {  	s29 =	simm.s32 $0x9;
	_ =	strace $0x80000048  }
0xb3: {  	_ =	swait.ge [sflag:s29], $0x1  }
0xb4: {  	[sflag:s29] =	ssyncadd.s32 $0xFFFFFFFF  }
0xb5: {  	_ =	strace $0x90000048  }
0xb6: {  	_ =	sfence  }
0xb7: {  	s30 =	sld [smem:$0x0];
	_ =	sdelay $0x2  }
0xb8: {  	s31 =	sshll.u32 s1, $0xD;
	s1 =	sshrl.u32 s1, $0x2  }
0xb9: {  	s3 =	sand.u32 $0x4000, s31;
	s1 =	sadd.s32 s1, s30  }
0xba: {  	s0 =	sor.u32 s3, s0;
	s1 =	sshll.u32 s1, $0x11  }
0xbb: {  	s0 =	sor.u32 s1, s0  }
0xbc: {  	s0 =	sadd.s32 $0x8F2B, s0  }
0xbd: {  	[sflag:s0] =	ssyncadd.remote.s32 $0x1  }
0xbe: {  	_ =	sfence.sel $0xFFFF  }
0xbf: {  	[dreg:$0x0] =	wrdreg $0xFFFFFFFF;
	(pc) =	sbr.abs _section_cstart, $3  }
0xc0: {  	[dreg:$0x1] =	wrdreg $0xFFFFFFFF  }
0xc1: {  	_ =	task.clear_ibuf [dreg:s6], $0x2FFFF;
	_ =	strace $0x9FFFFFFF  }
0xc2: {  	(tm) =	ssettm $0x7FFFFFFF  }
0xc3: {  	_ =	shalt  }
tec
execute0_lowered:
.L_overlay_start_1:
0x0: {  	(tag) =	ssettag $0x1  }
0x1: {  	s0 =	rddreg [dreg:$0x0]  }
0x2: {  	s1 =	rddreg [dreg:$0x1];
	s2 =	simm.s32 $0x0  }
0x3: {  	s18 =	srdreg.scid;
	s10 =	stileid.u32;
	s31 =	simm.s32 $0x1  }
0x4: {  	s28 =	simm.s32 $0x9;
	s29 =	simm.s32 $0x6;
	s30 =	simm.s32 $0x7  }
0x5: {  	[smem:$0x7FF] =	sst s2;
	s2 =	sand.u32 $0x1, s18;
	s3 =	smul.u32 $0x4F00, s10  }
0x6: {  	s4 =	sadd.s32 $0x1800, s0;
	s6 =	sshll.u32 s10, $0x1;
	s7 =	sadd.s32 $0x15200, s0  }
0x7: {  	s19 =	sadd.s32 $0x15C00, s0;
	s5 =	smul.u32 $0x4F000, s2;
	s6 =	sor.u32 s2, s6  }
0x8: {  	_ =	strace $0x80000047;
	[dreg:$0x3] =	wrdreg s7;
	s7 =	smul.u32 $0x7D, s6  }
0x9: {  	s21 =	sshll.u32 s10, $0x6;
	s2 =	ssub.s32 $0x2, s2;
	s9 =	smul.u32 $0x2710, s6  }
0xa: {  	[dreg:$0x4] =	wrdreg s19;
	s8 =	sshrl.u32 s2, $0x1;
	s20 =	smul.u32 $0x4E2, s6  }
0xb: {  	s5 =	sadd.s32 s3, s5;
	s2 =	ssub.s32 s2, s8;
	s3 =	sadd.s32 s3, s1  }
0xc: {  	s8 =	sor.u32 $0x1C0D, s21;
	s21 =	simm.s32 $0x5400;
	s5 =	sshrl.u32 s5, $0x3  }
0xd: {  	s9 =	sshrl.u32 s9, $0x3;
	s18 =	smax.u32 s2, $0x1;
	s19 =	sshrl.u32 s3, $0x3  }
0xe: {  	s3 =	simm.s32 $0x2;
	s2 =	simm.s32 $0x3;
	s0 =	sadd.s32 s5, s0  }
0xf: {  	s5 =	sadd.s32 s4, s20;
	s22 =	sadd.s32 s4, s9;
	s20 =	simm.s32 $0xD  }
0x10: {  	[dreg:$0x5] =	wrdreg s5;
	s23 =	sadd.s32 $0xA, s22;
	s24 =	sadd.s32 $0x14, s22  }
0x11: {  	s25 =	sadd.s32 $0x1E, s22;
	s26 =	sadd.s32 $0x28, s22;
	[dreg:$0x6] =	wrdreg s23  }
0x12: {  	s14 =	sadd.s32 $0x32, s22;
	s15 =	sadd.s32 $0x3C, s22;
	[dreg:$0x7] =	wrdreg s24  }
0x13: {  	s16 =	sadd.s32 $0x46, s22;
	s17 =	sadd.s32 $0x15E00, s0;
	[dreg:$0x8] =	wrdreg s25  }
0x14: {  	s22 =	simm.s32 $0x50;
	s0 =	simm.s32 $0x8;
	[dreg:$0x9] =	wrdreg s26  }
0x15: {  	s23 =	simm.s32 $0x4E200;
	s26 =	simm.s32 $0xC;
	s24 =	simm.s32 $0x0  }
.LBB2_1:
0x16: {  	s5 =	rddreg [dreg:$0x3]  }
0x17: {  	[spmem:s19], [sflag:s8] =	dma.local [hbm:s5], $0x9E0  }
0x18: {  	_ =	swait.ge [sflag:s20], $0x9E0  }
0x19: {  	[sflag:s20] =	ssyncset.done $0x0  }
0x1a: {  	s25 =	simm.s32 $0x0;
	s6 =	rddreg [dreg:$0x4];
	[sflag:s20] =	ssyncadd.s32 $0xFFFFF620  }
0x1b: {  	[tilespmem:s21], [sflag:$0xD] =	stream.linear.gather [hbm4b:s6+s25], $0xA00, $0x38;
	[tilespmem:$0x5E00] =	vst v63  }
0x1c: {  	_ =	swait.ge [sflag:s20], $0xA00  }
0x1d: {  	[sflag:s20] =	ssyncset.done $0x0  }
0x1e: {  	[sflag:s20] =	ssyncadd.s32 $0xFFFFF600  }
0x1f: {  	[bflag:$0x0] =	sbarrier.arrive $0xFFFF  }
0x20: {  	s10 =	simm.s32 $0x4F00;
	s9 =	rddreg [dreg:$0x5]  }
0x21: {  	[tilespmem:s10], [sflag:$0x1] =	stream.strided.gather [hbm4b:s9+s22], $0xA0, s23, s22, $0x38;
	[tilespmem:$0x5E00] =	vst v63  }
0x22: {  	s12 =	simm.s32 $0x4FA0;
	s11 =	rddreg [dreg:$0x6]  }
0x23: {  	[tilespmem:s12], [sflag:$0x2] =	stream.strided.gather [hbm4b:s11+s22], $0xA0, s23, s22, $0x38;
	[tilespmem:$0x5E00] =	vst v63  }
0x24: {  	s25 =	simm.s32 $0x5040;
	s13 =	rddreg [dreg:$0x7]  }
0x25: {  	[tilespmem:s25], [sflag:$0x3] =	stream.strided.gather [hbm4b:s13+s22], $0xA0, s23, s22, $0x38;
	[tilespmem:$0x5E00] =	vst v63  }
0x26: {  	s9 =	rddreg [dreg:$0x8];
	s10 =	simm.s32 $0x50E0  }
0x27: {  	[tilespmem:s10], [sflag:$0x4] =	stream.strided.gather [hbm4b:s9+s22], $0xA0, s23, s22, $0x38;
	[tilespmem:$0x5E00] =	vst v63  }
0x28: {  	s11 =	rddreg [dreg:$0x9];
	s12 =	simm.s32 $0x5180  }
0x29: {  	[tilespmem:s12], [sflag:$0x5] =	stream.strided.gather [hbm4b:s11+s22], $0xA0, s23, s22, $0x38;
	[tilespmem:$0x5E00] =	vst v63  }
0x2a: {  	s13 =	simm.s32 $0x5220  }
0x2b: {  	[tilespmem:s13], [sflag:$0x6] =	stream.strided.gather [hbm4b:s14+s22], $0xA0, s23, s22, $0x38;
	[tilespmem:$0x5E00] =	vst v63  }
0x2c: {  	_ =	swait.ge [sflag:s31], $0xA0  }
0x2d: {  	[sflag:s31] =	ssyncset.done $0x0  }
0x2e: {  	s25 =	simm.s32 $0x4F50;
	[sflag:s31] =	ssyncadd.s32 $0xFFFFFF60  }
0x2f: {  	[spmem:s1] =	stream.indirect.scatter.add.f32 [tilespmem:s21], [sflag:$0x9], $0x20, s25, s22, $0xb8;
	[tilespmem:$0x5E00] =	vst v63  }
0x30: {  	s6 =	simm.s32 $0x52C0;
	s9 =	simm.s32 $0x4FF0;
	s11 =	simm.s32 $0x2  }
0x31: {  	[tilespmem:s6], [sflag:$0x7] =	stream.strided.gather [hbm4b:s15+s22], $0xA0, s23, s22, $0x38;
	[tilespmem:$0x5E00] =	vst v63  }
0x32: {  	s10 =	simm.s32 $0x5360;
	s12 =	sand.u32 $0x7, s11;
	_ =	swait.ge [sflag:s3], $0xA0  }
0x33: {  	s5 =	sand.u32 $0x3, s11;
	s13 =	sand.u32 $0x7, s0;
	[sflag:s3] =	ssyncset.done $0x0  }
0x34: {  	s11 =	smul.u32 $0x280, s13;
	s25 =	sadd.s32 $0x9, s5;
	[sflag:s3] =	ssyncadd.s32 $0xFFFFFF60  }
0x35: {  	[spmem:s1] =	stream.indirect.scatter.add.f32 [tilespmem:s21], [sflag:$0xA], $0x20, s9, s22, $0xb8;
	[tilespmem:$0x5E00] =	vst v63  }
0x36: {  	s5 =	sxor.u32 $0x2, s5;
	s6 =	smul.u32 $0x280, s12;
	s9 =	sadd.s32 $0x1, s12  }
0x37: {  	[tilespmem:s10], [sflag:$0x8] =	stream.strided.gather [hbm4b:s16+s22], $0xA0, s23, s22, $0x38;
	[tilespmem:$0x5E00] =	vst v63  }
0x38: {  	s5 =	sadd.s32 $0x9, s5;
	s10 =	smin.u32 s0, $0x7C;
	_ =	swait.ge [sflag:s9], $0xA0  }
0x39: {  	s6 =	sshrl.u32 s6, $0x2;
	s10 =	sadd.s32 s7, s10;
	[sflag:s9] =	ssyncset.done $0x0  }
0x3a: {  	s6 =	sadd.s32 $0x4F50, s6;
	s10 =	smul.u32 $0xA, s10;
	[sflag:s9] =	ssyncadd.s32 $0xFFFFFF60  }
0x3b: {  	[spmem:s1] =	stream.indirect.scatter.add.f32 [tilespmem:s21], [sflag:s25], $0x20, s6, s22, $0xb8;
	[tilespmem:$0x5E00] =	vst v63  }
0x3c: {  	s9 =	sadd.s32 $0x1, s13;
	s25 =	simm.s32 $0x9;
	_ =	swait.ge [sflag:s5], $0xA00  }
0x3d: {  	s6 =	sadd.s32 s4, s10;
	s10 =	sshrl.u32 s11, $0x2;
	[sflag:s5] =	ssyncset.done $0x0  }
.LBB2_2:
0x3e: {  	p0 =	sne.s32 s25, $0x82;
	[sflag:s5] =	ssyncadd.s32 $0xFFFFF600;
	s5 =	sadd.s32 $0x4F00, s10  }
0x3f: {  	[tilespmem:s5], [sflag:s9] =	stream.strided.gather [hbm4b:s6+s22], $0xA0, s23, s22, $0x38;
	[tilespmem:$0x5E00] =	vst v63  }
0x40: {  	s5 =	smov.u32 s25  }
0x41: {  	s25 =	sadd.s32 $0x1, s25;
	s6 =	sadd.s32 $0xFFFFFFFA, s5  }
0x42: {  	s10 =	smin.u32 s5, $0x7C;
	s9 =	sand.u32 $0x7, s6  }
0x43: {  	s6 =	sand.u32 $0x3, s6;
	s11 =	sadd.s32 $0x1, s9;
	s9 =	smul.u32 $0x280, s9  }
0x44: {  	s13 =	sand.u32 $0x7, s5;
	s12 =	sadd.s32 $0x9, s6;
	s6 =	sxor.u32 $0x2, s6  }
0x45: {  	_ =	swait.ge [sflag:s11], $0xA0;
	s5 =	sshrl.u32 s9, $0x2;
	s9 =	sadd.s32 s7, s10  }
0x46: {  	[sflag:s11] =	ssyncset.done $0x0;
	s9 =	smul.u32 $0xA, s9  }
.Ltmp0:
0x47: {  	s10 =	sadd.s32 $0x4F50, s5;
	[sflag:s11] =	ssyncadd.s32 $0xFFFFFF60;
	(pc) =	sbr.rel @p0 .LBB2_2-.Ltmp0, $4  }
0x48: {  	s5 =	sadd.s32 $0x9, s6;
	s11 =	smul.u32 $0x280, s13  }
0x49: {  	[spmem:s1] =	stream.indirect.scatter.add.f32 [tilespmem:s21], [sflag:s12], $0x20, s10, s22, $0xb8;
	[tilespmem:$0x5E00] =	vst v63  }
0x4a: {  	s6 =	sadd.s32 s4, s9;
	_ =	swait.ge [sflag:s5], $0xA00  }
0x4b: {  	s9 =	sadd.s32 $0x1, s13;
	s10 =	sshrl.u32 s11, $0x2;
	[sflag:s5] =	ssyncset.done $0x0  }
0x4c: {  	[sflag:s5] =	ssyncadd.s32 $0xFFFFF600;
	s25 =	sadd.s32 $0x4F00, s10  }
0x4d: {  	[tilespmem:s25], [sflag:s9] =	stream.strided.gather [hbm4b:s6+s22], $0xA0, s23, s22, $0x38;
	[tilespmem:$0x5E00] =	vst v63  }
0x4e: {  	_ =	swait.ge [sflag:s26], $0xA00  }
0x4f: {  	[sflag:s26] =	ssyncset.done $0x0  }
0x50: {  	[sflag:s26] =	ssyncadd.s32 $0xFFFFF600  }
0x51: {  	_ =	swait.ge [sflag:s28], $0xA00  }
0x52: {  	[sflag:s28] =	ssyncset.done $0x0  }
0x53: {  	[sflag:s28] =	ssyncadd.s32 $0xFFFFF600  }
0x54: {  	_ =	swait.ge [sflag:s29], $0xA0  }
0x55: {  	[sflag:s29] =	ssyncset.done $0x0  }
0x56: {  	[sflag:s29] =	ssyncadd.s32 $0xFFFFFF60  }
0x57: {  	_ =	swait.ge [sflag:s30], $0xA0  }
0x58: {  	[sflag:s30] =	ssyncset.done $0x0  }
0x59: {  	[sflag:s30] =	ssyncadd.s32 $0xFFFFFF60  }
0x5a: {  	_ =	swait.ge [sflag:s0], $0xA0  }
0x5b: {  	[sflag:s0] =	ssyncset.done $0x0  }
0x5c: {  	[sflag:s0] =	ssyncadd.s32 $0xFFFFFF60  }
0x5d: {  	_ =	swait.ge [sflag:s31], $0xA0  }
0x5e: {  	[sflag:s31] =	ssyncset.done $0x0  }
0x5f: {  	[sflag:s31] =	ssyncadd.s32 $0xFFFFFF60  }
0x60: {  	_ =	swait.ge [sflag:s3], $0xA0  }
0x61: {  	[sflag:s3] =	ssyncset.done $0x0  }
0x62: {  	[sflag:s3] =	ssyncadd.s32 $0xFFFFFF60  }
0x63: {  	_ =	swait.ge [sflag:s2], $0xA0  }
0x64: {  	s24 =	sadd.s32 $0x1, s24;
	[sflag:s2] =	ssyncset.done $0x0  }
0x65: {  	p0 =	sne.s32 s24, s18;
	[sflag:s2] =	ssyncadd.s32 $0xFFFFFF60  }
.Ltmp1:
0x66: {  	[bflag:$0x0] =	sbarrier.arrive $0xFFFF;
	(pc) =	sbr.rel @p0 .LBB2_1-.Ltmp1, $4  }
0x67: {  	[hbm:s17], [sflag:s8] =	dma.local [spmem:s19], $0x9E0  }
0x68: {  	_ =	swait.ge [sflag:s20], $0x9E0  }
0x69: {  	[sflag:s20] =	ssyncset.done $0x0  }
0x6a: {  	[sflag:s20] =	ssyncadd.s32 $0xFFFFF620  }
0x6b: {  	_ =	sfence.sel $0x180000  }
0x6c: {  	[bflag:$0x0] =	sbarrier.arrive $0xFFFF  }
0x6d: {  	_ =	strace $0x90000047  }
0x6e: {  	s0 =	stileid.u32;
	[bflag:$0x2] =	sbarrier.arrive $0xFFFF  }
0x6f: {  	p0 =	sne.s32 s0, $0x0;
	s0 =	rddreg [dreg:$0x2]  }
0x70: {  	s0 =	sadd.s32 @!p0 $0x100000, s0  }
0x71: {  	[sflag:s0] =	ssyncadd.tile.s32 @!p0 $0x1;
	_ =	shalt  }
.Lfunc_end2:
_tile_overlayer_lowered:
.L_overlay_start_2:
0x72: {  	(tag) =	ssettag $0x2  }
0x73: {  	s0 =	rddreg [dreg:$0x0];
	s2 =	stileid.u32  }
0x74: {  	s1 =	rddreg [dreg:$0x1];
	p0 =	sne.s32 s2, $0x0  }
0x75: {  	s3 =	rddreg [dreg:$0x2];
	[bflag:$0x3] =	sbarrier.arrive $0xFFFF;
	s2 =	simm.s32 @!p0 $0x1C0D  }
0x76: {  	[timem:s3], [sflag:s2] =	dma.local @!p0 [hbm:s0], s1  }
0x77: {  	s0 =	simm.s32 @!p0 $0xD  }
0x78: {  	_ =	swait.ge @!p0 [sflag:s0], s1  }
0x79: {  	s1 =	ssub.s32 @!p0 $0x0, s1;
	[sflag:s0] =	ssyncset.done @!p0 $0x0  }
0x7a: {  	[sflag:s0] =	ssyncadd.s32 @!p0 s1  }
0x7b: {  	[bflag:$0x3] =	sbarrier.arrive $0xFFFF  }
0x7c: {  	_ =	shalt  }

</sc_bundles>
